<compile_context>
chip_gen: v7x
topology: tpu7x:2x2x1
jax: 0.10.2.dev20260603
libtpu: 0.0.44.dev20260713+nightly
codegen_flags: <defaults>
</compile_context>

<pallas_src>
import functools

import jax
import jax.numpy as jnp
from jax import lax
from jax.experimental import pallas as pl
from jax.experimental.pallas import tpu as pltpu
from jax.experimental.pallas import tpu_sc as plsc

N_NODES = 10000
D = 64
NC = 2
NS = 16
NW = NC * NS
LANE = 128
ROWS_PER_TILE = 80
E_PAD = NW * ROWS_PER_TILE * LANE
R2D = E_PAD // LANE
NPAD = 10240
SLICE = NPAD // NS

_sc_mesh = plsc.VectorSubcoreMesh(core_axis_name="c", subcore_axis_name="s")


@functools.partial(
    pl.kernel,
    out_type=jax.ShapeDtypeStruct((NC, NPAD), jnp.float32),
    mesh=_sc_mesh,
    scratch_types=[
        pltpu.VMEM((ROWS_PER_TILE, LANE), jnp.int32),
        pltpu.VMEM((LANE,), jnp.float32),
        pltpu.VMEM_SHARED((NPAD,), jnp.float32),
        pltpu.SemaphoreType.DMA,
    ],
)
def _sc_degree(dst2d, ones_hbm, zeros1d, out, idx_v, ones_v, acc, semd):
    c = lax.axis_index("c")
    s = lax.axis_index("s")
    wid = c * NS + s
    pltpu.sync_copy(zeros1d.at[pl.ds(s * SLICE, SLICE)],
                    acc.at[pl.ds(s * SLICE, SLICE)])
    pltpu.sync_copy(ones_hbm, ones_v)
    pltpu.sync_copy(dst2d.at[pl.ds(wid * ROWS_PER_TILE, ROWS_PER_TILE)], idx_v)
    plsc.subcore_barrier()

    def body(j, _):
        pltpu.async_copy(ones_v, acc.at[idx_v.at[j]], semd, add=True)
        return ()

    lax.fori_loop(0, ROWS_PER_TILE, body, ())

    def drain(j, _):
        pltpu.make_async_copy(ones_v, acc.at[idx_v.at[0]], semd).wait()
        return ()

    lax.fori_loop(0, ROWS_PER_TILE, drain, ())
    plsc.subcore_barrier()
    pltpu.sync_copy(acc.at[pl.ds(s * SLICE, SLICE)],
                    out.at[c, pl.ds(s * SLICE, SLICE)])


NBUF = 8
N_ITERS = ROWS_PER_TILE // NBUF


@functools.partial(
    pl.kernel,
    out_type=jax.ShapeDtypeStruct((NC, NPAD, D), jnp.float32),
    mesh=_sc_mesh,
    scratch_types=(
        [pltpu.VMEM((ROWS_PER_TILE, LANE), jnp.int32),
         pltpu.VMEM((ROWS_PER_TILE, LANE), jnp.int32)]
        + [pltpu.VMEM((LANE, D), jnp.float32) for _ in range(NBUF)]
        + [pltpu.VMEM_SHARED((NPAD, D), jnp.float32)]
        + [pltpu.SemaphoreType.DMA for _ in range(2 * NBUF + 2)]
    ),
    compiler_params=pltpu.CompilerParams(use_tc_tiling_on_sc=False),
)
def _sc_propagate(h_hbm, src2d, dst2d, zeros2d, out, src_v, dst_v, *rest):
    bufs = rest[:NBUF]
    acc = rest[NBUF]
    semg = rest[NBUF + 1:NBUF + 1 + NBUF]
    sems = rest[NBUF + 1 + NBUF:NBUF + 1 + 2 * NBUF]
    semz, semi = rest[NBUF + 1 + 2 * NBUF:]
    c = lax.axis_index("c")
    s = lax.axis_index("s")
    wid = c * NS + s
    base = wid * ROWS_PER_TILE
    pltpu.async_copy(zeros2d.at[pl.ds(s * SLICE, SLICE)],
                     acc.at[pl.ds(s * SLICE, SLICE)], semz)
    pltpu.async_copy(src2d.at[pl.ds(base, ROWS_PER_TILE)], src_v, semi)
    pltpu.async_copy(dst2d.at[pl.ds(base, ROWS_PER_TILE)], dst_v, semi)
    pltpu.make_async_copy(src2d.at[pl.ds(base, ROWS_PER_TILE)], src_v,
                          semi).wait()
    pltpu.make_async_copy(dst2d.at[pl.ds(base, ROWS_PER_TILE)], dst_v,
                          semi).wait()

    for k in range(NBUF):
        pltpu.async_copy(h_hbm.at[src_v.at[k]], bufs[k], semg[k])

    pltpu.make_async_copy(zeros2d.at[pl.ds(s * SLICE, SLICE)],
                          acc.at[pl.ds(s * SLICE, SLICE)], semz).wait()
    plsc.subcore_barrier()

    def body(i, _):
        for k in range(NBUF):
            w = i * NBUF + k
            pltpu.make_async_copy(h_hbm.at[src_v.at[w]], bufs[k],
                                  semg[k]).wait()
            pltpu.async_copy(bufs[k], acc.at[dst_v.at[w]], sems[k], add=True)

        @pl.when(i < N_ITERS - 1)
        def _():
            for k in range(NBUF):
                w = i * NBUF + k
                pltpu.make_async_copy(bufs[k], acc.at[dst_v.at[w]],
                                      sems[k]).wait()
                pltpu.async_copy(h_hbm.at[src_v.at[w + NBUF]], bufs[k],
                                 semg[k])
        return ()

    lax.fori_loop(0, N_ITERS, body, ())
    for k in range(NBUF):
        pltpu.make_async_copy(bufs[k], acc.at[dst_v.at[0]], sems[k]).wait()
    plsc.subcore_barrier()
    pltpu.sync_copy(acc.at[pl.ds(s * SLICE, SLICE)],
                    out.at[c, pl.ds(s * SLICE, SLICE)])


def _tc_matmul1_body(x_ref, w_ref, h_ref):
    h_ref[...] = jnp.dot(x_ref[...], w_ref[...],
                         preferred_element_type=jnp.float32)


_tc_matmul1 = pl.pallas_call(
    _tc_matmul1_body,
    out_shape=jax.ShapeDtypeStruct((N_NODES, D), jnp.float32),
)


def _tc_head_body(xw_ref, dp_ref, h_ref, dinv_ref):
    deg = dp_ref[0, :N_NODES] + dp_ref[1, :N_NODES] + 1.0
    dinv = lax.rsqrt(deg)[:, None]
    dinv_ref[...] = dinv
    h_ref[...] = xw_ref[...] * dinv


_tc_head = pl.pallas_call(
    _tc_head_body,
    out_shape=(jax.ShapeDtypeStruct((N_NODES, D), jnp.float32),
               jax.ShapeDtypeStruct((N_NODES, 1), jnp.float32)),
)

_BN_S = float(1.0 / (1.0 + 1e-5) ** 0.5)


def _tc_mid_body(p_ref, hp_ref, dinv_ref, b_ref, g_ref, be_ref, w_ref, o_ref):
    dinv = dinv_ref[...]
    t = p_ref[0, :N_NODES, :] + p_ref[1, :N_NODES, :] + hp_ref[...]
    out1 = dinv * t + b_ref[...]
    a = jnp.maximum(out1 * (g_ref[...] * _BN_S) + be_ref[...], 0.0)
    o_ref[...] = jnp.dot(a, w_ref[...],
                         preferred_element_type=jnp.float32) * dinv


_tc_mid = pl.pallas_call(
    _tc_mid_body,
    out_shape=jax.ShapeDtypeStruct((N_NODES, D), jnp.float32),
)


def _tc_tail_body(p_ref, hp_ref, dinv_ref, b_ref, g_ref, be_ref, wc_ref,
                  bc_ref, o_ref):
    dinv = dinv_ref[...]
    t = p_ref[0, :N_NODES, :] + p_ref[1, :N_NODES, :] + hp_ref[...]
    out1 = dinv * t + b_ref[...]
    a = jnp.maximum(out1 * (g_ref[...] * _BN_S) + be_ref[...], 0.0)
    logits = jnp.dot(a, wc_ref[...],
                     preferred_element_type=jnp.float32) + bc_ref[...]
    m = jnp.max(logits, axis=1, keepdims=True)
    lse = jnp.log(jnp.sum(jnp.exp(logits - m), axis=1, keepdims=True)) + m
    o_ref[...] = logits - lse


_tc_tail = pl.pallas_call(
    _tc_tail_body,
    out_shape=jax.ShapeDtypeStruct((N_NODES, 2), jnp.float32),
)


def kernel(x, edge_index, W1, b1, g1, be1, W2, b2, g2, be2, W3, b3, g3, be3,
           Wc, bc):
    src = edge_index[0].astype(jnp.int32)
    dst = edge_index[1].astype(jnp.int32)
    pad_n = E_PAD - src.shape[0]
    pad_i = jnp.arange(pad_n, dtype=jnp.int32)
    pad_src = (pad_i * 97) % N_NODES
    pad_dst = N_NODES + pad_i % (NPAD - N_NODES)
    src2d = jnp.concatenate([src, pad_src]).reshape(R2D, LANE)
    dst2d = jnp.concatenate([dst, pad_dst]).reshape(R2D, LANE)

    ones_lane = jnp.ones((LANE,), jnp.float32)
    zeros1d = jnp.zeros((NPAD,), jnp.float32)
    zeros2d = jnp.zeros((NPAD, D), jnp.float32)

    xw1 = _tc_matmul1(x, W1)
    deg_parts = _sc_degree(dst2d, ones_lane, zeros1d)
    h1p, dinv = _tc_head(xw1, deg_parts)

    p1 = _sc_propagate(h1p, src2d, dst2d, zeros2d)
    h2p = _tc_mid(p1, h1p, dinv, b1.reshape(1, D), g1.reshape(1, D),
                  be1.reshape(1, D), W2)
    p2 = _sc_propagate(h2p, src2d, dst2d, zeros2d)
    h3p = _tc_mid(p2, h2p, dinv, b2.reshape(1, D), g2.reshape(1, D),
                  be2.reshape(1, D), W3)
    p3 = _sc_propagate(h3p, src2d, dst2d, zeros2d)
    return _tc_tail(p3, h3p, dinv, b3.reshape(1, D), g3.reshape(1, D),
                    be3.reshape(1, D), Wc, bc.reshape(1, 2))

# --- scband reference (transcript-rebuilt; emitter-appended) ---
"""Pipeline reference for scband-gcn-aml-32246614458736 (READ-ONLY COPY).

The authoritative reference and input builder live on the scoring server;
editing this copy changes nothing except your own understanding.
"""

import jax, jax.numpy as jnp
import numpy as np

N_NODES = 10000


def setup_inputs(seed: int = 0) -> dict:
    key = jax.random.key(seed)
    ks = jax.random.split(key, 16)
    x = jax.random.normal(ks[0], (N_NODES, 128), dtype=jnp.float32)
    edge_index = jax.random.randint(ks[1], (2, 320000), 0, N_NODES, dtype=jnp.int64)
    # GCNConv weights (in_dim -> out_dim)
    W1 = jax.random.normal(ks[2], (128, 64), dtype=jnp.float32) * (1.0 / np.sqrt(128))
    b1 = jnp.zeros((64,), dtype=jnp.float32)
    W2 = jax.random.normal(ks[3], (64, 64), dtype=jnp.float32) * (1.0 / np.sqrt(64))
    b2 = jnp.zeros((64,), dtype=jnp.float32)
    W3 = jax.random.normal(ks[4], (64, 64), dtype=jnp.float32) * (1.0 / np.sqrt(64))
    b3 = jnp.zeros((64,), dtype=jnp.float32)
    # BatchNorm affine params (eval mode: running_mean=0, running_var=1)
    g1 = jnp.ones((64,), dtype=jnp.float32); be1 = jnp.zeros((64,), dtype=jnp.float32)
    g2 = jnp.ones((64,), dtype=jnp.float32); be2 = jnp.zeros((64,), dtype=jnp.float32)
    g3 = jnp.ones((64,), dtype=jnp.float32); be3 = jnp.zeros((64,), dtype=jnp.float32)
    # classifier
    Wc = jax.random.normal(ks[5], (64, 2), dtype=jnp.float32) * (1.0 / np.sqrt(64))
    bc = jnp.zeros((2,), dtype=jnp.float32)
    return {"x": x, "edge_index": edge_index,
            "W1": W1, "b1": b1, "g1": g1, "be1": be1,
            "W2": W2, "b2": b2, "g2": g2, "be2": be2,
            "W3": W3, "b3": b3, "g3": g3, "be3": be3,
            "Wc": Wc, "bc": bc}


def _gcn_conv(x, src, dst, norm, W, b, num_nodes):
    h = x @ W
    msg = h[src] * norm[:, None]
    out = jnp.zeros((num_nodes, h.shape[1]), dtype=h.dtype).at[dst].add(msg)
    return out + b


def _bn_eval(x, gamma, beta, eps=1e-5):
    # running_mean = 0, running_var = 1
    return x * (gamma / jnp.sqrt(1.0 + eps)) + beta


def reference(x, edge_index, W1, b1, g1, be1, W2, b2, g2, be2, W3, b3, g3, be3, Wc, bc):
    num_nodes = x.shape[0]
    loop = jnp.arange(num_nodes, dtype=edge_index.dtype)
    src = jnp.concatenate([edge_index[0], loop])
    dst = jnp.concatenate([edge_index[1], loop])
    deg = jnp.zeros((num_nodes,), dtype=jnp.float32).at[dst].add(1.0)
    dinv = jnp.where(deg > 0, deg ** -0.5, 0.0)
    norm = dinv[src] * dinv[dst]

    h = _gcn_conv(x, src, dst, norm, W1, b1, num_nodes)
    h = jax.nn.relu(_bn_eval(h, g1, be1))
    h = _gcn_conv(h, src, dst, norm, W2, b2, num_nodes)
    h = jax.nn.relu(_bn_eval(h, g2, be2))
    h = _gcn_conv(h, src, dst, norm, W3, b3, num_nodes)
    h = jax.nn.relu(_bn_eval(h, g3, be3))
    logits = h @ Wc + bc
    return jax.nn.log_softmax(logits, axis=1)

if __name__ == "__main__":
    import jax
    _d = setup_inputs()
    print(jax.jit(kernel)(*tuple(_d.values())))

</pallas_src>

<mosaic_0001>
#map = affine_map<(d0, d1) -> (0, 0)>
#map1 = affine_map<(d0, d1) -> (0, 0, 0)>
module attributes {stable_mosaic.version = 14 : i64} {
  func.func @_sc_propagate(%arg0: i32, %arg1: i32, %arg2: memref<10000x64xf32, #tpu.memory_space<hbm>>, %arg3: memref<2560x128xi32, #tpu.memory_space<hbm>>, %arg4: memref<2560x128xi32, #tpu.memory_space<hbm>>, %arg5: memref<10240x64xf32, #tpu.memory_space<hbm>>, %arg6: memref<2x10240x64xf32, #tpu.memory_space<hbm>>, %arg7: memref<80x128xi32, #tpu.memory_space<vmem>>, %arg8: memref<80x128xi32, #tpu.memory_space<vmem>>, %arg9: memref<128x64xf32, #tpu.memory_space<vmem>>, %arg10: memref<128x64xf32, #tpu.memory_space<vmem>>, %arg11: memref<128x64xf32, #tpu.memory_space<vmem>>, %arg12: memref<128x64xf32, #tpu.memory_space<vmem>>, %arg13: memref<128x64xf32, #tpu.memory_space<vmem>>, %arg14: memref<128x64xf32, #tpu.memory_space<vmem>>, %arg15: memref<128x64xf32, #tpu.memory_space<vmem>>, %arg16: memref<128x64xf32, #tpu.memory_space<vmem>>, %arg17: memref<10240x64xf32, #tpu.memory_space<vmem_shared>>, %arg18: memref<!tpu.dma_semaphore, #tpu.memory_space<semaphore_mem>>, %arg19: memref<!tpu.dma_semaphore, #tpu.memory_space<semaphore_mem>>, %arg20: memref<!tpu.dma_semaphore, #tpu.memory_space<semaphore_mem>>, %arg21: memref<!tpu.dma_semaphore, #tpu.memory_space<semaphore_mem>>, %arg22: memref<!tpu.dma_semaphore, #tpu.memory_space<semaphore_mem>>, %arg23: memref<!tpu.dma_semaphore, #tpu.memory_space<semaphore_mem>>, %arg24: memref<!tpu.dma_semaphore, #tpu.memory_space<semaphore_mem>>, %arg25: memref<!tpu.dma_semaphore, #tpu.memory_space<semaphore_mem>>, %arg26: memref<!tpu.dma_semaphore, #tpu.memory_space<semaphore_mem>>, %arg27: memref<!tpu.dma_semaphore, #tpu.memory_space<semaphore_mem>>, %arg28: memref<!tpu.dma_semaphore, #tpu.memory_space<semaphore_mem>>, %arg29: memref<!tpu.dma_semaphore, #tpu.memory_space<semaphore_mem>>, %arg30: memref<!tpu.dma_semaphore, #tpu.memory_space<semaphore_mem>>, %arg31: memref<!tpu.dma_semaphore, #tpu.memory_space<semaphore_mem>>, %arg32: memref<!tpu.dma_semaphore, #tpu.memory_space<semaphore_mem>>, %arg33: memref<!tpu.dma_semaphore, #tpu.memory_space<semaphore_mem>>, %arg34: memref<!tpu.dma_semaphore, #tpu.memory_space<semaphore_mem>>, %arg35: memref<!tpu.dma_semaphore, #tpu.memory_space<semaphore_mem>>) attributes {dimension_semantics = [#tpu.dimension_semantics<core_parallel>, #tpu.dimension_semantics<subcore_parallel>], iteration_bounds = array<i64: 2, 16>, scalar_prefetch = 0 : i64, scratch_operands = 29 : i64, tpu.core_type = #tpu.core_type<sc_vector_subcore>, window_params = [{transform_indices = #map}, {transform_indices = #map}, {transform_indices = #map}, {transform_indices = #map}, {transform_indices = #map1}]} {
    %mul3A = arith.constant 16 : i32
    %mul3A_0 = arith.muli %arg0, %mul3A : i32
    %add3A = arith.addi %mul3A_0, %arg1 : i32
    %mul3A_1 = arith.constant 80 : i32
    %mul3A_2 = arith.muli %add3A, %mul3A_1 : i32
    %mul3A_3 = arith.constant 640 : i32
    %mul3A_4 = arith.muli %arg1, %mul3A_3 : i32
    %mul3A_5 = arith.constant 640 : i32
    %mul3A_6 = arith.muli %arg1, %mul3A_5 : i32
    %dma_start3A = arith.constant 0 : i32
    %dma_start3A_7 = tpu.memref_slice %arg17[%mul3A_6, %dma_start3A] : memref<10240x64xf32, #tpu.memory_space<vmem_shared>> -> memref<640x64xf32, #tpu.memory_space<vmem_shared>>
    %dma_start3A_8 = arith.constant 0 : i32
    %dma_start3A_9 = tpu.memref_slice %arg5[%mul3A_4, %dma_start3A_8] : memref<10240x64xf32, #tpu.memory_space<hbm>> -> memref<640x64xf32, #tpu.memory_space<hbm>>
    tpu.enqueue_dma source(%dma_start3A_9 : memref<640x64xf32, #tpu.memory_space<hbm>>) target(%dma_start3A_7 : memref<640x64xf32, #tpu.memory_space<vmem_shared>>) target_semaphore(%arg34 : memref<!tpu.dma_semaphore, #tpu.memory_space<semaphore_mem>>)
    %dma_start3A_10 = arith.constant 0 : i32
    %dma_start3A_11 = tpu.memref_slice %arg3[%mul3A_2, %dma_start3A_10] : memref<2560x128xi32, #tpu.memory_space<hbm>> -> memref<80x128xi32, #tpu.memory_space<hbm>>
    %dma_start3A_12 = arith.constant 0 : i32
    %dma_start3A_13 = tpu.memref_slice %arg3[%mul3A_2, %dma_start3A_12] : memref<2560x128xi32, #tpu.memory_space<hbm>> -> memref<80x128xi32, #tpu.memory_space<hbm>>
    tpu.enqueue_dma source(%dma_start3A_13 : memref<80x128xi32, #tpu.memory_space<hbm>>) target(%arg7 : memref<80x128xi32, #tpu.memory_space<vmem>>) target_semaphore(%arg35 : memref<!tpu.dma_semaphore, #tpu.memory_space<semaphore_mem>>)
    %dma_start3A_14 = arith.constant 0 : i32
    %dma_start3A_15 = tpu.memref_slice %arg4[%mul3A_2, %dma_start3A_14] : memref<2560x128xi32, #tpu.memory_space<hbm>> -> memref<80x128xi32, #tpu.memory_space<hbm>>
    %dma_start3A_16 = arith.constant 0 : i32
    %dma_start3A_17 = tpu.memref_slice %arg4[%mul3A_2, %dma_start3A_16] : memref<2560x128xi32, #tpu.memory_space<hbm>> -> memref<80x128xi32, #tpu.memory_space<hbm>>
    tpu.enqueue_dma source(%dma_start3A_17 : memref<80x128xi32, #tpu.memory_space<hbm>>) target(%arg8 : memref<80x128xi32, #tpu.memory_space<vmem>>) target_semaphore(%arg35 : memref<!tpu.dma_semaphore, #tpu.memory_space<semaphore_mem>>)
    %dma_wait3A = arith.constant 0 : i32
    %dma_wait3A_18 = tpu.memref_slice %arg3[%mul3A_2, %dma_wait3A] : memref<2560x128xi32, #tpu.memory_space<hbm>> -> memref<80x128xi32, #tpu.memory_space<hbm>>
    %dma_wait3A_19 = arith.constant 0 : i32
    %dma_wait3A_20 = tpu.memref_slice %arg3[%mul3A_2, %dma_wait3A_19] : memref<2560x128xi32, #tpu.memory_space<hbm>> -> memref<80x128xi32, #tpu.memory_space<hbm>>
    tpu.wait_dma2 semaphore(%arg35 : memref<!tpu.dma_semaphore, #tpu.memory_space<semaphore_mem>>) src(%dma_wait3A_20 : memref<80x128xi32, #tpu.memory_space<hbm>>) dst(%arg7 : memref<80x128xi32, #tpu.memory_space<vmem>>)
    %dma_wait3A_21 = arith.constant 0 : i32
    %dma_wait3A_22 = tpu.memref_slice %arg4[%mul3A_2, %dma_wait3A_21] : memref<2560x128xi32, #tpu.memory_space<hbm>> -> memref<80x128xi32, #tpu.memory_space<hbm>>
    %dma_wait3A_23 = arith.constant 0 : i32
    %dma_wait3A_24 = tpu.memref_slice %arg4[%mul3A_2, %dma_wait3A_23] : memref<2560x128xi32, #tpu.memory_space<hbm>> -> memref<80x128xi32, #tpu.memory_space<hbm>>
    tpu.wait_dma2 semaphore(%arg35 : memref<!tpu.dma_semaphore, #tpu.memory_space<semaphore_mem>>) src(%dma_wait3A_24 : memref<80x128xi32, #tpu.memory_space<hbm>>) dst(%arg8 : memref<80x128xi32, #tpu.memory_space<vmem>>)
    %dma_start3A_25 = arith.constant 0 : i32
    %dma_start3A_26 = arith.constant 0 : i32
    %dma_start3A_27 = tpu.memref_slice %arg7[%dma_start3A_25, %dma_start3A_26] : memref<80x128xi32, #tpu.memory_space<vmem>> -> memref<1x128xi32, #tpu.memory_space<vmem>>
    %dma_start3A_28 = tpu.memref_squeeze %dma_start3A_27 : memref<1x128xi32, #tpu.memory_space<vmem>> -> memref<128xi32, #tpu.memory_space<vmem>>
    %dma_start3A_29 = arith.constant 0 : i32
    %dma_start3A_30 = arith.constant 0 : i32
    %dma_start3A_31 = tpu.memref_slice %arg2[%dma_start3A_29, %dma_start3A_30] : memref<10000x64xf32, #tpu.memory_space<hbm>> -> memref<10000x64xf32, #tpu.memory_space<hbm>>
    tpu.enqueue_indirect_dma source(%dma_start3A_31 : memref<10000x64xf32, #tpu.memory_space<hbm>>) target(%arg9 : memref<128x64xf32, #tpu.memory_space<vmem>>) offsets(%dma_start3A_28 : memref<128xi32, #tpu.memory_space<vmem>>) semaphore(%arg18 : memref<!tpu.dma_semaphore, #tpu.memory_space<semaphore_mem>>)
    %dma_start3A_32 = arith.constant 1 : i32
    %dma_start3A_33 = arith.constant 0 : i32
    %dma_start3A_34 = tpu.memref_slice %arg7[%dma_start3A_32, %dma_start3A_33] : memref<80x128xi32, #tpu.memory_space<vmem>> -> memref<1x128xi32, #tpu.memory_space<vmem>>
    %dma_start3A_35 = tpu.memref_squeeze %dma_start3A_34 : memref<1x128xi32, #tpu.memory_space<vmem>> -> memref<128xi32, #tpu.memory_space<vmem>>
    %dma_start3A_36 = arith.constant 0 : i32
    %dma_start3A_37 = arith.constant 0 : i32
    %dma_start3A_38 = tpu.memref_slice %arg2[%dma_start3A_36, %dma_start3A_37] : memref<10000x64xf32, #tpu.memory_space<hbm>> -> memref<10000x64xf32, #tpu.memory_space<hbm>>
    tpu.enqueue_indirect_dma source(%dma_start3A_38 : memref<10000x64xf32, #tpu.memory_space<hbm>>) target(%arg10 : memref<128x64xf32, #tpu.memory_space<vmem>>) offsets(%dma_start3A_35 : memref<128xi32, #tpu.memory_space<vmem>>) semaphore(%arg19 : memref<!tpu.dma_semaphore, #tpu.memory_space<semaphore_mem>>)
    %dma_start3A_39 = arith.constant 2 : i32
    %dma_start3A_40 = arith.constant 0 : i32
    %dma_start3A_41 = tpu.memref_slice %arg7[%dma_start3A_39, %dma_start3A_40] : memref<80x128xi32, #tpu.memory_space<vmem>> -> memref<1x128xi32, #tpu.memory_space<vmem>>
    %dma_start3A_42 = tpu.memref_squeeze %dma_start3A_41 : memref<1x128xi32, #tpu.memory_space<vmem>> -> memref<128xi32, #tpu.memory_space<vmem>>
    %dma_start3A_43 = arith.constant 0 : i32
    %dma_start3A_44 = arith.constant 0 : i32
    %dma_start3A_45 = tpu.memref_slice %arg2[%dma_start3A_43, %dma_start3A_44] : memref<10000x64xf32, #tpu.memory_space<hbm>> -> memref<10000x64xf32, #tpu.memory_space<hbm>>
    tpu.enqueue_indirect_dma source(%dma_start3A_45 : memref<10000x64xf32, #tpu.memory_space<hbm>>) target(%arg11 : memref<128x64xf32, #tpu.memory_space<vmem>>) offsets(%dma_start3A_42 : memref<128xi32, #tpu.memory_space<vmem>>) semaphore(%arg20 : memref<!tpu.dma_semaphore, #tpu.memory_space<semaphore_mem>>)
    %dma_start3A_46 = arith.constant 3 : i32
    %dma_start3A_47 = arith.constant 0 : i32
    %dma_start3A_48 = tpu.memref_slice %arg7[%dma_start3A_46, %dma_start3A_47] : memref<80x128xi32, #tpu.memory_space<vmem>> -> memref<1x128xi32, #tpu.memory_space<vmem>>
    %dma_start3A_49 = tpu.memref_squeeze %dma_start3A_48 : memref<1x128xi32, #tpu.memory_space<vmem>> -> memref<128xi32, #tpu.memory_space<vmem>>
    %dma_start3A_50 = arith.constant 0 : i32
    %dma_start3A_51 = arith.constant 0 : i32
    %dma_start3A_52 = tpu.memref_slice %arg2[%dma_start3A_50, %dma_start3A_51] : memref<10000x64xf32, #tpu.memory_space<hbm>> -> memref<10000x64xf32, #tpu.memory_space<hbm>>
    tpu.enqueue_indirect_dma source(%dma_start3A_52 : memref<10000x64xf32, #tpu.memory_space<hbm>>) target(%arg12 : memref<128x64xf32, #tpu.memory_space<vmem>>) offsets(%dma_start3A_49 : memref<128xi32, #tpu.memory_space<vmem>>) semaphore(%arg21 : memref<!tpu.dma_semaphore, #tpu.memory_space<semaphore_mem>>)
    %dma_start3A_53 = arith.constant 4 : i32
    %dma_start3A_54 = arith.constant 0 : i32
    %dma_start3A_55 = tpu.memref_slice %arg7[%dma_start3A_53, %dma_start3A_54] : memref<80x128xi32, #tpu.memory_space<vmem>> -> memref<1x128xi32, #tpu.memory_space<vmem>>
    %dma_start3A_56 = tpu.memref_squeeze %dma_start3A_55 : memref<1x128xi32, #tpu.memory_space<vmem>> -> memref<128xi32, #tpu.memory_space<vmem>>
    %dma_start3A_57 = arith.constant 0 : i32
    %dma_start3A_58 = arith.constant 0 : i32
    %dma_start3A_59 = tpu.memref_slice %arg2[%dma_start3A_57, %dma_start3A_58] : memref<10000x64xf32, #tpu.memory_space<hbm>> -> memref<10000x64xf32, #tpu.memory_space<hbm>>
    tpu.enqueue_indirect_dma source(%dma_start3A_59 : memref<10000x64xf32, #tpu.memory_space<hbm>>) target(%arg13 : memref<128x64xf32, #tpu.memory_space<vmem>>) offsets(%dma_start3A_56 : memref<128xi32, #tpu.memory_space<vmem>>) semaphore(%arg22 : memref<!tpu.dma_semaphore, #tpu.memory_space<semaphore_mem>>)
    %dma_start3A_60 = arith.constant 5 : i32
    %dma_start3A_61 = arith.constant 0 : i32
    %dma_start3A_62 = tpu.memref_slice %arg7[%dma_start3A_60, %dma_start3A_61] : memref<80x128xi32, #tpu.memory_space<vmem>> -> memref<1x128xi32, #tpu.memory_space<vmem>>
    %dma_start3A_63 = tpu.memref_squeeze %dma_start3A_62 : memref<1x128xi32, #tpu.memory_space<vmem>> -> memref<128xi32, #tpu.memory_space<vmem>>
    %dma_start3A_64 = arith.constant 0 : i32
    %dma_start3A_65 = arith.constant 0 : i32
    %dma_start3A_66 = tpu.memref_slice %arg2[%dma_start3A_64, %dma_start3A_65] : memref<10000x64xf32, #tpu.memory_space<hbm>> -> memref<10000x64xf32, #tpu.memory_space<hbm>>
    tpu.enqueue_indirect_dma source(%dma_start3A_66 : memref<10000x64xf32, #tpu.memory_space<hbm>>) target(%arg14 : memref<128x64xf32, #tpu.memory_space<vmem>>) offsets(%dma_start3A_63 : memref<128xi32, #tpu.memory_space<vmem>>) semaphore(%arg23 : memref<!tpu.dma_semaphore, #tpu.memory_space<semaphore_mem>>)
    %dma_start3A_67 = arith.constant 6 : i32
    %dma_start3A_68 = arith.constant 0 : i32
    %dma_start3A_69 = tpu.memref_slice %arg7[%dma_start3A_67, %dma_start3A_68] : memref<80x128xi32, #tpu.memory_space<vmem>> -> memref<1x128xi32, #tpu.memory_space<vmem>>
    %dma_start3A_70 = tpu.memref_squeeze %dma_start3A_69 : memref<1x128xi32, #tpu.memory_space<vmem>> -> memref<128xi32, #tpu.memory_space<vmem>>
    %dma_start3A_71 = arith.constant 0 : i32
    %dma_start3A_72 = arith.constant 0 : i32
    %dma_start3A_73 = tpu.memref_slice %arg2[%dma_start3A_71, %dma_start3A_72] : memref<10000x64xf32, #tpu.memory_space<hbm>> -> memref<10000x64xf32, #tpu.memory_space<hbm>>
    tpu.enqueue_indirect_dma source(%dma_start3A_73 : memref<10000x64xf32, #tpu.memory_space<hbm>>) target(%arg15 : memref<128x64xf32, #tpu.memory_space<vmem>>) offsets(%dma_start3A_70 : memref<128xi32, #tpu.memory_space<vmem>>) semaphore(%arg24 : memref<!tpu.dma_semaphore, #tpu.memory_space<semaphore_mem>>)
    %dma_start3A_74 = arith.constant 7 : i32
    %dma_start3A_75 = arith.constant 0 : i32
    %dma_start3A_76 = tpu.memref_slice %arg7[%dma_start3A_74, %dma_start3A_75] : memref<80x128xi32, #tpu.memory_space<vmem>> -> memref<1x128xi32, #tpu.memory_space<vmem>>
    %dma_start3A_77 = tpu.memref_squeeze %dma_start3A_76 : memref<1x128xi32, #tpu.memory_space<vmem>> -> memref<128xi32, #tpu.memory_space<vmem>>
    %dma_start3A_78 = arith.constant 0 : i32
    %dma_start3A_79 = arith.constant 0 : i32
    %dma_start3A_80 = tpu.memref_slice %arg2[%dma_start3A_78, %dma_start3A_79] : memref<10000x64xf32, #tpu.memory_space<hbm>> -> memref<10000x64xf32, #tpu.memory_space<hbm>>
    tpu.enqueue_indirect_dma source(%dma_start3A_80 : memref<10000x64xf32, #tpu.memory_space<hbm>>) target(%arg16 : memref<128x64xf32, #tpu.memory_space<vmem>>) offsets(%dma_start3A_77 : memref<128xi32, #tpu.memory_space<vmem>>) semaphore(%arg25 : memref<!tpu.dma_semaphore, #tpu.memory_space<semaphore_mem>>)
    %mul3A_81 = arith.constant 640 : i32
    %mul3A_82 = arith.muli %arg1, %mul3A_81 : i32
    %mul3A_83 = arith.constant 640 : i32
    %mul3A_84 = arith.muli %arg1, %mul3A_83 : i32
    %dma_wait3A_85 = arith.constant 0 : i32
    %dma_wait3A_86 = tpu.memref_slice %arg17[%mul3A_84, %dma_wait3A_85] : memref<10240x64xf32, #tpu.memory_space<vmem_shared>> -> memref<640x64xf32, #tpu.memory_space<vmem_shared>>
    %dma_wait3A_87 = arith.constant 0 : i32
    %dma_wait3A_88 = tpu.memref_slice %arg5[%mul3A_82, %dma_wait3A_87] : memref<10240x64xf32, #tpu.memory_space<hbm>> -> memref<640x64xf32, #tpu.memory_space<hbm>>
    tpu.wait_dma2 semaphore(%arg34 : memref<!tpu.dma_semaphore, #tpu.memory_space<semaphore_mem>>) src(%dma_wait3A_88 : memref<640x64xf32, #tpu.memory_space<hbm>>) dst(%dma_wait3A_86 : memref<640x64xf32, #tpu.memory_space<vmem_shared>>)
    %barrier3A = arith.constant 0 : index
    tpu.barrier barrier_id(%barrier3A)
    %scan3A = arith.constant 0 : i32
    %scan3A_89 = arith.constant 10 : i32
    %scan3A_90 = arith.addi %scan3A, %scan3A_89 : i32
    %scan3A_91 = arith.constant 1 : i32
    scf.for %scan3A_154 = %scan3A to %scan3A_90 step %scan3A_91  : i32 {
      %mul3A_155 = arith.constant 8 : i32
      %mul3A_156 = arith.muli %scan3A_154, %mul3A_155 : i32
      %add3A_157 = arith.constant 0 : i32
      %add3A_158 = arith.addi %mul3A_156, %add3A_157 : i32
      %dma_wait3A_159 = arith.constant 0 : i32
      %dma_wait3A_160 = tpu.memref_slice %arg7[%add3A_158, %dma_wait3A_159] : memref<80x128xi32, #tpu.memory_space<vmem>> -> memref<1x128xi32, #tpu.memory_space<vmem>>
      %dma_wait3A_161 = tpu.memref_squeeze %dma_wait3A_160 : memref<1x128xi32, #tpu.memory_space<vmem>> -> memref<128xi32, #tpu.memory_space<vmem>>
      %dma_wait3A_162 = arith.constant 0 : i32
      %dma_wait3A_163 = arith.constant 0 : i32
      %dma_wait3A_164 = tpu.memref_slice %arg2[%dma_wait3A_162, %dma_wait3A_163] : memref<10000x64xf32, #tpu.memory_space<hbm>> -> memref<10000x64xf32, #tpu.memory_space<hbm>>
      tpu.wait_indirect_dma semaphore(%arg18 : memref<!tpu.dma_semaphore, #tpu.memory_space<semaphore_mem>>) src(%dma_wait3A_164 : memref<10000x64xf32, #tpu.memory_space<hbm>>) dst(%arg9 : memref<128x64xf32, #tpu.memory_space<vmem>>)
      %dma_start3A_165 = arith.constant 0 : i32
      %dma_start3A_166 = tpu.memref_slice %arg8[%add3A_158, %dma_start3A_165] : memref<80x128xi32, #tpu.memory_space<vmem>> -> memref<1x128xi32, #tpu.memory_space<vmem>>
      %dma_start3A_167 = tpu.memref_squeeze %dma_start3A_166 : memref<1x128xi32, #tpu.memory_space<vmem>> -> memref<128xi32, #tpu.memory_space<vmem>>
      %dma_start3A_168 = arith.constant 0 : i32
      %dma_start3A_169 = arith.constant 0 : i32
      %dma_start3A_170 = tpu.memref_slice %arg17[%dma_start3A_168, %dma_start3A_169] : memref<10240x64xf32, #tpu.memory_space<vmem_shared>> -> memref<10240x64xf32, #tpu.memory_space<vmem_shared>>
      tpu.enqueue_indirect_dma source(%arg9 : memref<128x64xf32, #tpu.memory_space<vmem>>) target(%dma_start3A_170 : memref<10240x64xf32, #tpu.memory_space<vmem_shared>>) offsets(%dma_start3A_167 : memref<128xi32, #tpu.memory_space<vmem>>) semaphore(%arg26 : memref<!tpu.dma_semaphore, #tpu.memory_space<semaphore_mem>>) {add = true}
      %mul3A_171 = arith.constant 8 : i32
      %mul3A_172 = arith.muli %scan3A_154, %mul3A_171 : i32
      %add3A_173 = arith.constant 1 : i32
      %add3A_174 = arith.addi %mul3A_172, %add3A_173 : i32
      %dma_wait3A_175 = arith.constant 0 : i32
      %dma_wait3A_176 = tpu.memref_slice %arg7[%add3A_174, %dma_wait3A_175] : memref<80x128xi32, #tpu.memory_space<vmem>> -> memref<1x128xi32, #tpu.memory_space<vmem>>
      %dma_wait3A_177 = tpu.memref_squeeze %dma_wait3A_176 : memref<1x128xi32, #tpu.memory_space<vmem>> -> memref<128xi32, #tpu.memory_space<vmem>>
      %dma_wait3A_178 = arith.constant 0 : i32
      %dma_wait3A_179 = arith.constant 0 : i32
      %dma_wait3A_180 = tpu.memref_slice %arg2[%dma_wait3A_178, %dma_wait3A_179] : memref<10000x64xf32, #tpu.memory_space<hbm>> -> memref<10000x64xf32, #tpu.memory_space<hbm>>
      tpu.wait_indirect_dma semaphore(%arg19 : memref<!tpu.dma_semaphore, #tpu.memory_space<semaphore_mem>>) src(%dma_wait3A_180 : memref<10000x64xf32, #tpu.memory_space<hbm>>) dst(%arg10 : memref<128x64xf32, #tpu.memory_space<vmem>>)
      %dma_start3A_181 = arith.constant 0 : i32
      %dma_start3A_182 = tpu.memref_slice %arg8[%add3A_174, %dma_start3A_181] : memref<80x128xi32, #tpu.memory_space<vmem>> -> memref<1x128xi32, #tpu.memory_space<vmem>>
      %dma_start3A_183 = tpu.memref_squeeze %dma_start3A_182 : memref<1x128xi32, #tpu.memory_space<vmem>> -> memref<128xi32, #tpu.memory_space<vmem>>
      %dma_start3A_184 = arith.constant 0 : i32
      %dma_start3A_185 = arith.constant 0 : i32
      %dma_start3A_186 = tpu.memref_slice %arg17[%dma_start3A_184, %dma_start3A_185] : memref<10240x64xf32, #tpu.memory_space<vmem_shared>> -> memref<10240x64xf32, #tpu.memory_space<vmem_shared>>
      tpu.enqueue_indirect_dma source(%arg10 : memref<128x64xf32, #tpu.memory_space<vmem>>) target(%dma_start3A_186 : memref<10240x64xf32, #tpu.memory_space<vmem_shared>>) offsets(%dma_start3A_183 : memref<128xi32, #tpu.memory_space<vmem>>) semaphore(%arg27 : memref<!tpu.dma_semaphore, #tpu.memory_space<semaphore_mem>>) {add = true}
      %mul3A_187 = arith.constant 8 : i32
      %mul3A_188 = arith.muli %scan3A_154, %mul3A_187 : i32
      %add3A_189 = arith.constant 2 : i32
      %add3A_190 = arith.addi %mul3A_188, %add3A_189 : i32
      %dma_wait3A_191 = arith.constant 0 : i32
      %dma_wait3A_192 = tpu.memref_slice %arg7[%add3A_190, %dma_wait3A_191] : memref<80x128xi32, #tpu.memory_space<vmem>> -> memref<1x128xi32, #tpu.memory_space<vmem>>
      %dma_wait3A_193 = tpu.memref_squeeze %dma_wait3A_192 : memref<1x128xi32, #tpu.memory_space<vmem>> -> memref<128xi32, #tpu.memory_space<vmem>>
      %dma_wait3A_194 = arith.constant 0 : i32
      %dma_wait3A_195 = arith.constant 0 : i32
      %dma_wait3A_196 = tpu.memref_slice %arg2[%dma_wait3A_194, %dma_wait3A_195] : memref<10000x64xf32, #tpu.memory_space<hbm>> -> memref<10000x64xf32, #tpu.memory_space<hbm>>
      tpu.wait_indirect_dma semaphore(%arg20 : memref<!tpu.dma_semaphore, #tpu.memory_space<semaphore_mem>>) src(%dma_wait3A_196 : memref<10000x64xf32, #tpu.memory_space<hbm>>) dst(%arg11 : memref<128x64xf32, #tpu.memory_space<vmem>>)
      %dma_start3A_197 = arith.constant 0 : i32
      %dma_start3A_198 = tpu.memref_slice %arg8[%add3A_190, %dma_start3A_197] : memref<80x128xi32, #tpu.memory_space<vmem>> -> memref<1x128xi32, #tpu.memory_space<vmem>>
      %dma_start3A_199 = tpu.memref_squeeze %dma_start3A_198 : memref<1x128xi32, #tpu.memory_space<vmem>> -> memref<128xi32, #tpu.memory_space<vmem>>
      %dma_start3A_200 = arith.constant 0 : i32
      %dma_start3A_201 = arith.constant 0 : i32
      %dma_start3A_202 = tpu.memref_slice %arg17[%dma_start3A_200, %dma_start3A_201] : memref<10240x64xf32, #tpu.memory_space<vmem_shared>> -> memref<10240x64xf32, #tpu.memory_space<vmem_shared>>
      tpu.enqueue_indirect_dma source(%arg11 : memref<128x64xf32, #tpu.memory_space<vmem>>) target(%dma_start3A_202 : memref<10240x64xf32, #tpu.memory_space<vmem_shared>>) offsets(%dma_start3A_199 : memref<128xi32, #tpu.memory_space<vmem>>) semaphore(%arg28 : memref<!tpu.dma_semaphore, #tpu.memory_space<semaphore_mem>>) {add = true}
      %mul3A_203 = arith.constant 8 : i32
      %mul3A_204 = arith.muli %scan3A_154, %mul3A_203 : i32
      %add3A_205 = arith.constant 3 : i32
      %add3A_206 = arith.addi %mul3A_204, %add3A_205 : i32
      %dma_wait3A_207 = arith.constant 0 : i32
      %dma_wait3A_208 = tpu.memref_slice %arg7[%add3A_206, %dma_wait3A_207] : memref<80x128xi32, #tpu.memory_space<vmem>> -> memref<1x128xi32, #tpu.memory_space<vmem>>
      %dma_wait3A_209 = tpu.memref_squeeze %dma_wait3A_208 : memref<1x128xi32, #tpu.memory_space<vmem>> -> memref<128xi32, #tpu.memory_space<vmem>>
      %dma_wait3A_210 = arith.constant 0 : i32
      %dma_wait3A_211 = arith.constant 0 : i32
      %dma_wait3A_212 = tpu.memref_slice %arg2[%dma_wait3A_210, %dma_wait3A_211] : memref<10000x64xf32, #tpu.memory_space<hbm>> -> memref<10000x64xf32, #tpu.memory_space<hbm>>
      tpu.wait_indirect_dma semaphore(%arg21 : memref<!tpu.dma_semaphore, #tpu.memory_space<semaphore_mem>>) src(%dma_wait3A_212 : memref<10000x64xf32, #tpu.memory_space<hbm>>) dst(%arg12 : memref<128x64xf32, #tpu.memory_space<vmem>>)
      %dma_start3A_213 = arith.constant 0 : i32
      %dma_start3A_214 = tpu.memref_slice %arg8[%add3A_206, %dma_start3A_213] : memref<80x128xi32, #tpu.memory_space<vmem>> -> memref<1x128xi32, #tpu.memory_space<vmem>>
      %dma_start3A_215 = tpu.memref_squeeze %dma_start3A_214 : memref<1x128xi32, #tpu.memory_space<vmem>> -> memref<128xi32, #tpu.memory_space<vmem>>
      %dma_start3A_216 = arith.constant 0 : i32
      %dma_start3A_217 = arith.constant 0 : i32
      %dma_start3A_218 = tpu.memref_slice %arg17[%dma_start3A_216, %dma_start3A_217] : memref<10240x64xf32, #tpu.memory_space<vmem_shared>> -> memref<10240x64xf32, #tpu.memory_space<vmem_shared>>
      tpu.enqueue_indirect_dma source(%arg12 : memref<128x64xf32, #tpu.memory_space<vmem>>) target(%dma_start3A_218 : memref<10240x64xf32, #tpu.memory_space<vmem_shared>>) offsets(%dma_start3A_215 : memref<128xi32, #tpu.memory_space<vmem>>) semaphore(%arg29 : memref<!tpu.dma_semaphore, #tpu.memory_space<semaphore_mem>>) {add = true}
      %mul3A_219 = arith.constant 8 : i32
      %mul3A_220 = arith.muli %scan3A_154, %mul3A_219 : i32
      %add3A_221 = arith.constant 4 : i32
      %add3A_222 = arith.addi %mul3A_220, %add3A_221 : i32
      %dma_wait3A_223 = arith.constant 0 : i32
      %dma_wait3A_224 = tpu.memref_slice %arg7[%add3A_222, %dma_wait3A_223] : memref<80x128xi32, #tpu.memory_space<vmem>> -> memref<1x128xi32, #tpu.memory_space<vmem>>
      %dma_wait3A_225 = tpu.memref_squeeze %dma_wait3A_224 : memref<1x128xi32, #tpu.memory_space<vmem>> -> memref<128xi32, #tpu.memory_space<vmem>>
      %dma_wait3A_226 = arith.constant 0 : i32
      %dma_wait3A_227 = arith.constant 0 : i32
      %dma_wait3A_228 = tpu.memref_slice %arg2[%dma_wait3A_226, %dma_wait3A_227] : memref<10000x64xf32, #tpu.memory_space<hbm>> -> memref<10000x64xf32, #tpu.memory_space<hbm>>
      tpu.wait_indirect_dma semaphore(%arg22 : memref<!tpu.dma_semaphore, #tpu.memory_space<semaphore_mem>>) src(%dma_wait3A_228 : memref<10000x64xf32, #tpu.memory_space<hbm>>) dst(%arg13 : memref<128x64xf32, #tpu.memory_space<vmem>>)
      %dma_start3A_229 = arith.constant 0 : i32
      %dma_start3A_230 = tpu.memref_slice %arg8[%add3A_222, %dma_start3A_229] : memref<80x128xi32, #tpu.memory_space<vmem>> -> memref<1x128xi32, #tpu.memory_space<vmem>>
      %dma_start3A_231 = tpu.memref_squeeze %dma_start3A_230 : memref<1x128xi32, #tpu.memory_space<vmem>> -> memref<128xi32, #tpu.memory_space<vmem>>
      %dma_start3A_232 = arith.constant 0 : i32
      %dma_start3A_233 = arith.constant 0 : i32
      %dma_start3A_234 = tpu.memref_slice %arg17[%dma_start3A_232, %dma_start3A_233] : memref<10240x64xf32, #tpu.memory_space<vmem_shared>> -> memref<10240x64xf32, #tpu.memory_space<vmem_shared>>
      tpu.enqueue_indirect_dma source(%arg13 : memref<128x64xf32, #tpu.memory_space<vmem>>) target(%dma_start3A_234 : memref<10240x64xf32, #tpu.memory_space<vmem_shared>>) offsets(%dma_start3A_231 : memref<128xi32, #tpu.memory_space<vmem>>) semaphore(%arg30 : memref<!tpu.dma_semaphore, #tpu.memory_space<semaphore_mem>>) {add = true}
      %mul3A_235 = arith.constant 8 : i32
      %mul3A_236 = arith.muli %scan3A_154, %mul3A_235 : i32
      %add3A_237 = arith.constant 5 : i32
      %add3A_238 = arith.addi %mul3A_236, %add3A_237 : i32
      %dma_wait3A_239 = arith.constant 0 : i32
      %dma_wait3A_240 = tpu.memref_slice %arg7[%add3A_238, %dma_wait3A_239] : memref<80x128xi32, #tpu.memory_space<vmem>> -> memref<1x128xi32, #tpu.memory_space<vmem>>
      %dma_wait3A_241 = tpu.memref_squeeze %dma_wait3A_240 : memref<1x128xi32, #tpu.memory_space<vmem>> -> memref<128xi32, #tpu.memory_space<vmem>>
      %dma_wait3A_242 = arith.constant 0 : i32
      %dma_wait3A_243 = arith.constant 0 : i32
      %dma_wait3A_244 = tpu.memref_slice %arg2[%dma_wait3A_242, %dma_wait3A_243] : memref<10000x64xf32, #tpu.memory_space<hbm>> -> memref<10000x64xf32, #tpu.memory_space<hbm>>
      tpu.wait_indirect_dma semaphore(%arg23 : memref<!tpu.dma_semaphore, #tpu.memory_space<semaphore_mem>>) src(%dma_wait3A_244 : memref<10000x64xf32, #tpu.memory_space<hbm>>) dst(%arg14 : memref<128x64xf32, #tpu.memory_space<vmem>>)
      %dma_start3A_245 = arith.constant 0 : i32
      %dma_start3A_246 = tpu.memref_slice %arg8[%add3A_238, %dma_start3A_245] : memref<80x128xi32, #tpu.memory_space<vmem>> -> memref<1x128xi32, #tpu.memory_space<vmem>>
      %dma_start3A_247 = tpu.memref_squeeze %dma_start3A_246 : memref<1x128xi32, #tpu.memory_space<vmem>> -> memref<128xi32, #tpu.memory_space<vmem>>
      %dma_start3A_248 = arith.constant 0 : i32
      %dma_start3A_249 = arith.constant 0 : i32
      %dma_start3A_250 = tpu.memref_slice %arg17[%dma_start3A_248, %dma_start3A_249] : memref<10240x64xf32, #tpu.memory_space<vmem_shared>> -> memref<10240x64xf32, #tpu.memory_space<vmem_shared>>
      tpu.enqueue_indirect_dma source(%arg14 : memref<128x64xf32, #tpu.memory_space<vmem>>) target(%dma_start3A_250 : memref<10240x64xf32, #tpu.memory_space<vmem_shared>>) offsets(%dma_start3A_247 : memref<128xi32, #tpu.memory_space<vmem>>) semaphore(%arg31 : memref<!tpu.dma_semaphore, #tpu.memory_space<semaphore_mem>>) {add = true}
      %mul3A_251 = arith.constant 8 : i32
      %mul3A_252 = arith.muli %scan3A_154, %mul3A_251 : i32
      %add3A_253 = arith.constant 6 : i32
      %add3A_254 = arith.addi %mul3A_252, %add3A_253 : i32
      %dma_wait3A_255 = arith.constant 0 : i32
      %dma_wait3A_256 = tpu.memref_slice %arg7[%add3A_254, %dma_wait3A_255] : memref<80x128xi32, #tpu.memory_space<vmem>> -> memref<1x128xi32, #tpu.memory_space<vmem>>
      %dma_wait3A_257 = tpu.memref_squeeze %dma_wait3A_256 : memref<1x128xi32, #tpu.memory_space<vmem>> -> memref<128xi32, #tpu.memory_space<vmem>>
      %dma_wait3A_258 = arith.constant 0 : i32
      %dma_wait3A_259 = arith.constant 0 : i32
      %dma_wait3A_260 = tpu.memref_slice %arg2[%dma_wait3A_258, %dma_wait3A_259] : memref<10000x64xf32, #tpu.memory_space<hbm>> -> memref<10000x64xf32, #tpu.memory_space<hbm>>
      tpu.wait_indirect_dma semaphore(%arg24 : memref<!tpu.dma_semaphore, #tpu.memory_space<semaphore_mem>>) src(%dma_wait3A_260 : memref<10000x64xf32, #tpu.memory_space<hbm>>) dst(%arg15 : memref<128x64xf32, #tpu.memory_space<vmem>>)
      %dma_start3A_261 = arith.constant 0 : i32
      %dma_start3A_262 = tpu.memref_slice %arg8[%add3A_254, %dma_start3A_261] : memref<80x128xi32, #tpu.memory_space<vmem>> -> memref<1x128xi32, #tpu.memory_space<vmem>>
      %dma_start3A_263 = tpu.memref_squeeze %dma_start3A_262 : memref<1x128xi32, #tpu.memory_space<vmem>> -> memref<128xi32, #tpu.memory_space<vmem>>
      %dma_start3A_264 = arith.constant 0 : i32
      %dma_start3A_265 = arith.constant 0 : i32
      %dma_start3A_266 = tpu.memref_slice %arg17[%dma_start3A_264, %dma_start3A_265] : memref<10240x64xf32, #tpu.memory_space<vmem_shared>> -> memref<10240x64xf32, #tpu.memory_space<vmem_shared>>
      tpu.enqueue_indirect_dma source(%arg15 : memref<128x64xf32, #tpu.memory_space<vmem>>) target(%dma_start3A_266 : memref<10240x64xf32, #tpu.memory_space<vmem_shared>>) offsets(%dma_start3A_263 : memref<128xi32, #tpu.memory_space<vmem>>) semaphore(%arg32 : memref<!tpu.dma_semaphore, #tpu.memory_space<semaphore_mem>>) {add = true}
      %mul3A_267 = arith.constant 8 : i32
      %mul3A_268 = arith.muli %scan3A_154, %mul3A_267 : i32
      %add3A_269 = arith.constant 7 : i32
      %add3A_270 = arith.addi %mul3A_268, %add3A_269 : i32
      %dma_wait3A_271 = arith.constant 0 : i32
      %dma_wait3A_272 = tpu.memref_slice %arg7[%add3A_270, %dma_wait3A_271] : memref<80x128xi32, #tpu.memory_space<vmem>> -> memref<1x128xi32, #tpu.memory_space<vmem>>
      %dma_wait3A_273 = tpu.memref_squeeze %dma_wait3A_272 : memref<1x128xi32, #tpu.memory_space<vmem>> -> memref<128xi32, #tpu.memory_space<vmem>>
      %dma_wait3A_274 = arith.constant 0 : i32
      %dma_wait3A_275 = arith.constant 0 : i32
      %dma_wait3A_276 = tpu.memref_slice %arg2[%dma_wait3A_274, %dma_wait3A_275] : memref<10000x64xf32, #tpu.memory_space<hbm>> -> memref<10000x64xf32, #tpu.memory_space<hbm>>
      tpu.wait_indirect_dma semaphore(%arg25 : memref<!tpu.dma_semaphore, #tpu.memory_space<semaphore_mem>>) src(%dma_wait3A_276 : memref<10000x64xf32, #tpu.memory_space<hbm>>) dst(%arg16 : memref<128x64xf32, #tpu.memory_space<vmem>>)
      %dma_start3A_277 = arith.constant 0 : i32
      %dma_start3A_278 = tpu.memref_slice %arg8[%add3A_270, %dma_start3A_277] : memref<80x128xi32, #tpu.memory_space<vmem>> -> memref<1x128xi32, #tpu.memory_space<vmem>>
      %dma_start3A_279 = tpu.memref_squeeze %dma_start3A_278 : memref<1x128xi32, #tpu.memory_space<vmem>> -> memref<128xi32, #tpu.memory_space<vmem>>
      %dma_start3A_280 = arith.constant 0 : i32
      %dma_start3A_281 = arith.constant 0 : i32
      %dma_start3A_282 = tpu.memref_slice %arg17[%dma_start3A_280, %dma_start3A_281] : memref<10240x64xf32, #tpu.memory_space<vmem_shared>> -> memref<10240x64xf32, #tpu.memory_space<vmem_shared>>
      tpu.enqueue_indirect_dma source(%arg16 : memref<128x64xf32, #tpu.memory_space<vmem>>) target(%dma_start3A_282 : memref<10240x64xf32, #tpu.memory_space<vmem_shared>>) offsets(%dma_start3A_279 : memref<128xi32, #tpu.memory_space<vmem>>) semaphore(%arg33 : memref<!tpu.dma_semaphore, #tpu.memory_space<semaphore_mem>>) {add = true}
      %lt3A = arith.constant 9 : i32
      %lt3A_283 = arith.cmpi slt, %scan3A_154, %lt3A : i32
      %convert_element_type3A = arith.extui %lt3A_283 : i1 to i32
      %cond3A = arith.constant 0 : i32
      %cond3A_284 = arith.cmpi ne, %convert_element_type3A, %cond3A : i32
      scf.if %cond3A_284 {
        %mul3A_285 = arith.constant 8 : i32
        %mul3A_286 = arith.muli %scan3A_154, %mul3A_285 : i32
        %add3A_287 = arith.constant 0 : i32
        %add3A_288 = arith.addi %mul3A_286, %add3A_287 : i32
        %dma_wait3A_289 = arith.constant 0 : i32
        %dma_wait3A_290 = tpu.memref_slice %arg8[%add3A_288, %dma_wait3A_289] : memref<80x128xi32, #tpu.memory_space<vmem>> -> memref<1x128xi32, #tpu.memory_space<vmem>>
        %dma_wait3A_291 = tpu.memref_squeeze %dma_wait3A_290 : memref<1x128xi32, #tpu.memory_space<vmem>> -> memref<128xi32, #tpu.memory_space<vmem>>
        %dma_wait3A_292 = arith.constant 0 : i32
        %dma_wait3A_293 = arith.constant 0 : i32
        %dma_wait3A_294 = tpu.memref_slice %arg17[%dma_wait3A_292, %dma_wait3A_293] : memref<10240x64xf32, #tpu.memory_space<vmem_shared>> -> memref<10240x64xf32, #tpu.memory_space<vmem_shared>>
        tpu.wait_indirect_dma semaphore(%arg26 : memref<!tpu.dma_semaphore, #tpu.memory_space<semaphore_mem>>) src(%arg9 : memref<128x64xf32, #tpu.memory_space<vmem>>) dst(%dma_wait3A_294 : memref<10240x64xf32, #tpu.memory_space<vmem_shared>>)
        %add3A_295 = arith.constant 8 : i32
        %add3A_296 = arith.addi %add3A_288, %add3A_295 : i32
        %dma_start3A_297 = arith.constant 0 : i32
        %dma_start3A_298 = tpu.memref_slice %arg7[%add3A_296, %dma_start3A_297] : memref<80x128xi32, #tpu.memory_space<vmem>> -> memref<1x128xi32, #tpu.memory_space<vmem>>
        %dma_start3A_299 = tpu.memref_squeeze %dma_start3A_298 : memref<1x128xi32, #tpu.memory_space<vmem>> -> memref<128xi32, #tpu.memory_space<vmem>>
        %dma_start3A_300 = arith.constant 0 : i32
        %dma_start3A_301 = arith.constant 0 : i32
        %dma_start3A_302 = tpu.memref_slice %arg2[%dma_start3A_300, %dma_start3A_301] : memref<10000x64xf32, #tpu.memory_space<hbm>> -> memref<10000x64xf32, #tpu.memory_space<hbm>>
        tpu.enqueue_indirect_dma source(%dma_start3A_302 : memref<10000x64xf32, #tpu.memory_space<hbm>>) target(%arg9 : memref<128x64xf32, #tpu.memory_space<vmem>>) offsets(%dma_start3A_299 : memref<128xi32, #tpu.memory_space<vmem>>) semaphore(%arg18 : memref<!tpu.dma_semaphore, #tpu.memory_space<semaphore_mem>>)
        %mul3A_303 = arith.constant 8 : i32
        %mul3A_304 = arith.muli %scan3A_154, %mul3A_303 : i32
        %add3A_305 = arith.constant 1 : i32
        %add3A_306 = arith.addi %mul3A_304, %add3A_305 : i32
        %dma_wait3A_307 = arith.constant 0 : i32
        %dma_wait3A_308 = tpu.memref_slice %arg8[%add3A_306, %dma_wait3A_307] : memref<80x128xi32, #tpu.memory_space<vmem>> -> memref<1x128xi32, #tpu.memory_space<vmem>>
        %dma_wait3A_309 = tpu.memref_squeeze %dma_wait3A_308 : memref<1x128xi32, #tpu.memory_space<vmem>> -> memref<128xi32, #tpu.memory_space<vmem>>
        %dma_wait3A_310 = arith.constant 0 : i32
        %dma_wait3A_311 = arith.constant 0 : i32
        %dma_wait3A_312 = tpu.memref_slice %arg17[%dma_wait3A_310, %dma_wait3A_311] : memref<10240x64xf32, #tpu.memory_space<vmem_shared>> -> memref<10240x64xf32, #tpu.memory_space<vmem_shared>>
        tpu.wait_indirect_dma semaphore(%arg27 : memref<!tpu.dma_semaphore, #tpu.memory_space<semaphore_mem>>) src(%arg10 : memref<128x64xf32, #tpu.memory_space<vmem>>) dst(%dma_wait3A_312 : memref<10240x64xf32, #tpu.memory_space<vmem_shared>>)
        %add3A_313 = arith.constant 8 : i32
        %add3A_314 = arith.addi %add3A_306, %add3A_313 : i32
        %dma_start3A_315 = arith.constant 0 : i32
        %dma_start3A_316 = tpu.memref_slice %arg7[%add3A_314, %dma_start3A_315] : memref<80x128xi32, #tpu.memory_space<vmem>> -> memref<1x128xi32, #tpu.memory_space<vmem>>
        %dma_start3A_317 = tpu.memref_squeeze %dma_start3A_316 : memref<1x128xi32, #tpu.memory_space<vmem>> -> memref<128xi32, #tpu.memory_space<vmem>>
        %dma_start3A_318 = arith.constant 0 : i32
        %dma_start3A_319 = arith.constant 0 : i32
        %dma_start3A_320 = tpu.memref_slice %arg2[%dma_start3A_318, %dma_start3A_319] : memref<10000x64xf32, #tpu.memory_space<hbm>> -> memref<10000x64xf32, #tpu.memory_space<hbm>>
        tpu.enqueue_indirect_dma source(%dma_start3A_320 : memref<10000x64xf32, #tpu.memory_space<hbm>>) target(%arg10 : memref<128x64xf32, #tpu.memory_space<vmem>>) offsets(%dma_start3A_317 : memref<128xi32, #tpu.memory_space<vmem>>) semaphore(%arg19 : memref<!tpu.dma_semaphore, #tpu.memory_space<semaphore_mem>>)
        %mul3A_321 = arith.constant 8 : i32
        %mul3A_322 = arith.muli %scan3A_154, %mul3A_321 : i32
        %add3A_323 = arith.constant 2 : i32
        %add3A_324 = arith.addi %mul3A_322, %add3A_323 : i32
        %dma_wait3A_325 = arith.constant 0 : i32
        %dma_wait3A_326 = tpu.memref_slice %arg8[%add3A_324, %dma_wait3A_325] : memref<80x128xi32, #tpu.memory_space<vmem>> -> memref<1x128xi32, #tpu.memory_space<vmem>>
        %dma_wait3A_327 = tpu.memref_squeeze %dma_wait3A_326 : memref<1x128xi32, #tpu.memory_space<vmem>> -> memref<128xi32, #tpu.memory_space<vmem>>
        %dma_wait3A_328 = arith.constant 0 : i32
        %dma_wait3A_329 = arith.constant 0 : i32
        %dma_wait3A_330 = tpu.memref_slice %arg17[%dma_wait3A_328, %dma_wait3A_329] : memref<10240x64xf32, #tpu.memory_space<vmem_shared>> -> memref<10240x64xf32, #tpu.memory_space<vmem_shared>>
        tpu.wait_indirect_dma semaphore(%arg28 : memref<!tpu.dma_semaphore, #tpu.memory_space<semaphore_mem>>) src(%arg11 : memref<128x64xf32, #tpu.memory_space<vmem>>) dst(%dma_wait3A_330 : memref<10240x64xf32, #tpu.memory_space<vmem_shared>>)
        %add3A_331 = arith.constant 8 : i32
        %add3A_332 = arith.addi %add3A_324, %add3A_331 : i32
        %dma_start3A_333 = arith.constant 0 : i32
        %dma_start3A_334 = tpu.memref_slice %arg7[%add3A_332, %dma_start3A_333] : memref<80x128xi32, #tpu.memory_space<vmem>> -> memref<1x128xi32, #tpu.memory_space<vmem>>
        %dma_start3A_335 = tpu.memref_squeeze %dma_start3A_334 : memref<1x128xi32, #tpu.memory_space<vmem>> -> memref<128xi32, #tpu.memory_space<vmem>>
        %dma_start3A_336 = arith.constant 0 : i32
        %dma_start3A_337 = arith.constant 0 : i32
        %dma_start3A_338 = tpu.memref_slice %arg2[%dma_start3A_336, %dma_start3A_337] : memref<10000x64xf32, #tpu.memory_space<hbm>> -> memref<10000x64xf32, #tpu.memory_space<hbm>>
        tpu.enqueue_indirect_dma source(%dma_start3A_338 : memref<10000x64xf32, #tpu.memory_space<hbm>>) target(%arg11 : memref<128x64xf32, #tpu.memory_space<vmem>>) offsets(%dma_start3A_335 : memref<128xi32, #tpu.memory_space<vmem>>) semaphore(%arg20 : memref<!tpu.dma_semaphore, #tpu.memory_space<semaphore_mem>>)
        %mul3A_339 = arith.constant 8 : i32
        %mul3A_340 = arith.muli %scan3A_154, %mul3A_339 : i32
        %add3A_341 = arith.constant 3 : i32
        %add3A_342 = arith.addi %mul3A_340, %add3A_341 : i32
        %dma_wait3A_343 = arith.constant 0 : i32
        %dma_wait3A_344 = tpu.memref_slice %arg8[%add3A_342, %dma_wait3A_343] : memref<80x128xi32, #tpu.memory_space<vmem>> -> memref<1x128xi32, #tpu.memory_space<vmem>>
        %dma_wait3A_345 = tpu.memref_squeeze %dma_wait3A_344 : memref<1x128xi32, #tpu.memory_space<vmem>> -> memref<128xi32, #tpu.memory_space<vmem>>
        %dma_wait3A_346 = arith.constant 0 : i32
        %dma_wait3A_347 = arith.constant 0 : i32
        %dma_wait3A_348 = tpu.memref_slice %arg17[%dma_wait3A_346, %dma_wait3A_347] : memref<10240x64xf32, #tpu.memory_space<vmem_shared>> -> memref<10240x64xf32, #tpu.memory_space<vmem_shared>>
        tpu.wait_indirect_dma semaphore(%arg29 : memref<!tpu.dma_semaphore, #tpu.memory_space<semaphore_mem>>) src(%arg12 : memref<128x64xf32, #tpu.memory_space<vmem>>) dst(%dma_wait3A_348 : memref<10240x64xf32, #tpu.memory_space<vmem_shared>>)
        %add3A_349 = arith.constant 8 : i32
        %add3A_350 = arith.addi %add3A_342, %add3A_349 : i32
        %dma_start3A_351 = arith.constant 0 : i32
        %dma_start3A_352 = tpu.memref_slice %arg7[%add3A_350, %dma_start3A_351] : memref<80x128xi32, #tpu.memory_space<vmem>> -> memref<1x128xi32, #tpu.memory_space<vmem>>
        %dma_start3A_353 = tpu.memref_squeeze %dma_start3A_352 : memref<1x128xi32, #tpu.memory_space<vmem>> -> memref<128xi32, #tpu.memory_space<vmem>>
        %dma_start3A_354 = arith.constant 0 : i32
        %dma_start3A_355 = arith.constant 0 : i32
        %dma_start3A_356 = tpu.memref_slice %arg2[%dma_start3A_354, %dma_start3A_355] : memref<10000x64xf32, #tpu.memory_space<hbm>> -> memref<10000x64xf32, #tpu.memory_space<hbm>>
        tpu.enqueue_indirect_dma source(%dma_start3A_356 : memref<10000x64xf32, #tpu.memory_space<hbm>>) target(%arg12 : memref<128x64xf32, #tpu.memory_space<vmem>>) offsets(%dma_start3A_353 : memref<128xi32, #tpu.memory_space<vmem>>) semaphore(%arg21 : memref<!tpu.dma_semaphore, #tpu.memory_space<semaphore_mem>>)
        %mul3A_357 = arith.constant 8 : i32
        %mul3A_358 = arith.muli %scan3A_154, %mul3A_357 : i32
        %add3A_359 = arith.constant 4 : i32
        %add3A_360 = arith.addi %mul3A_358, %add3A_359 : i32
        %dma_wait3A_361 = arith.constant 0 : i32
        %dma_wait3A_362 = tpu.memref_slice %arg8[%add3A_360, %dma_wait3A_361] : memref<80x128xi32, #tpu.memory_space<vmem>> -> memref<1x128xi32, #tpu.memory_space<vmem>>
        %dma_wait3A_363 = tpu.memref_squeeze %dma_wait3A_362 : memref<1x128xi32, #tpu.memory_space<vmem>> -> memref<128xi32, #tpu.memory_space<vmem>>
        %dma_wait3A_364 = arith.constant 0 : i32
        %dma_wait3A_365 = arith.constant 0 : i32
        %dma_wait3A_366 = tpu.memref_slice %arg17[%dma_wait3A_364, %dma_wait3A_365] : memref<10240x64xf32, #tpu.memory_space<vmem_shared>> -> memref<10240x64xf32, #tpu.memory_space<vmem_shared>>
        tpu.wait_indirect_dma semaphore(%arg30 : memref<!tpu.dma_semaphore, #tpu.memory_space<semaphore_mem>>) src(%arg13 : memref<128x64xf32, #tpu.memory_space<vmem>>) dst(%dma_wait3A_366 : memref<10240x64xf32, #tpu.memory_space<vmem_shared>>)
        %add3A_367 = arith.constant 8 : i32
        %add3A_368 = arith.addi %add3A_360, %add3A_367 : i32
        %dma_start3A_369 = arith.constant 0 : i32
        %dma_start3A_370 = tpu.memref_slice %arg7[%add3A_368, %dma_start3A_369] : memref<80x128xi32, #tpu.memory_space<vmem>> -> memref<1x128xi32, #tpu.memory_space<vmem>>
        %dma_start3A_371 = tpu.memref_squeeze %dma_start3A_370 : memref<1x128xi32, #tpu.memory_space<vmem>> -> memref<128xi32, #tpu.memory_space<vmem>>
        %dma_start3A_372 = arith.constant 0 : i32
        %dma_start3A_373 = arith.constant 0 : i32
        %dma_start3A_374 = tpu.memref_slice %arg2[%dma_start3A_372, %dma_start3A_373] : memref<10000x64xf32, #tpu.memory_space<hbm>> -> memref<10000x64xf32, #tpu.memory_space<hbm>>
        tpu.enqueue_indirect_dma source(%dma_start3A_374 : memref<10000x64xf32, #tpu.memory_space<hbm>>) target(%arg13 : memref<128x64xf32, #tpu.memory_space<vmem>>) offsets(%dma_start3A_371 : memref<128xi32, #tpu.memory_space<vmem>>) semaphore(%arg22 : memref<!tpu.dma_semaphore, #tpu.memory_space<semaphore_mem>>)
        %mul3A_375 = arith.constant 8 : i32
        %mul3A_376 = arith.muli %scan3A_154, %mul3A_375 : i32
        %add3A_377 = arith.constant 5 : i32
        %add3A_378 = arith.addi %mul3A_376, %add3A_377 : i32
        %dma_wait3A_379 = arith.constant 0 : i32
        %dma_wait3A_380 = tpu.memref_slice %arg8[%add3A_378, %dma_wait3A_379] : memref<80x128xi32, #tpu.memory_space<vmem>> -> memref<1x128xi32, #tpu.memory_space<vmem>>
        %dma_wait3A_381 = tpu.memref_squeeze %dma_wait3A_380 : memref<1x128xi32, #tpu.memory_space<vmem>> -> memref<128xi32, #tpu.memory_space<vmem>>
        %dma_wait3A_382 = arith.constant 0 : i32
        %dma_wait3A_383 = arith.constant 0 : i32
        %dma_wait3A_384 = tpu.memref_slice %arg17[%dma_wait3A_382, %dma_wait3A_383] : memref<10240x64xf32, #tpu.memory_space<vmem_shared>> -> memref<10240x64xf32, #tpu.memory_space<vmem_shared>>
        tpu.wait_indirect_dma semaphore(%arg31 : memref<!tpu.dma_semaphore, #tpu.memory_space<semaphore_mem>>) src(%arg14 : memref<128x64xf32, #tpu.memory_space<vmem>>) dst(%dma_wait3A_384 : memref<10240x64xf32, #tpu.memory_space<vmem_shared>>)
        %add3A_385 = arith.constant 8 : i32
        %add3A_386 = arith.addi %add3A_378, %add3A_385 : i32
        %dma_start3A_387 = arith.constant 0 : i32
        %dma_start3A_388 = tpu.memref_slice %arg7[%add3A_386, %dma_start3A_387] : memref<80x128xi32, #tpu.memory_space<vmem>> -> memref<1x128xi32, #tpu.memory_space<vmem>>
        %dma_start3A_389 = tpu.memref_squeeze %dma_start3A_388 : memref<1x128xi32, #tpu.memory_space<vmem>> -> memref<128xi32, #tpu.memory_space<vmem>>
        %dma_start3A_390 = arith.constant 0 : i32
        %dma_start3A_391 = arith.constant 0 : i32
        %dma_start3A_392 = tpu.memref_slice %arg2[%dma_start3A_390, %dma_start3A_391] : memref<10000x64xf32, #tpu.memory_space<hbm>> -> memref<10000x64xf32, #tpu.memory_space<hbm>>
        tpu.enqueue_indirect_dma source(%dma_start3A_392 : memref<10000x64xf32, #tpu.memory_space<hbm>>) target(%arg14 : memref<128x64xf32, #tpu.memory_space<vmem>>) offsets(%dma_start3A_389 : memref<128xi32, #tpu.memory_space<vmem>>) semaphore(%arg23 : memref<!tpu.dma_semaphore, #tpu.memory_space<semaphore_mem>>)
        %mul3A_393 = arith.constant 8 : i32
        %mul3A_394 = arith.muli %scan3A_154, %mul3A_393 : i32
        %add3A_395 = arith.constant 6 : i32
        %add3A_396 = arith.addi %mul3A_394, %add3A_395 : i32
        %dma_wait3A_397 = arith.constant 0 : i32
        %dma_wait3A_398 = tpu.memref_slice %arg8[%add3A_396, %dma_wait3A_397] : memref<80x128xi32, #tpu.memory_space<vmem>> -> memref<1x128xi32, #tpu.memory_space<vmem>>
        %dma_wait3A_399 = tpu.memref_squeeze %dma_wait3A_398 : memref<1x128xi32, #tpu.memory_space<vmem>> -> memref<128xi32, #tpu.memory_space<vmem>>
        %dma_wait3A_400 = arith.constant 0 : i32
        %dma_wait3A_401 = arith.constant 0 : i32
        %dma_wait3A_402 = tpu.memref_slice %arg17[%dma_wait3A_400, %dma_wait3A_401] : memref<10240x64xf32, #tpu.memory_space<vmem_shared>> -> memref<10240x64xf32, #tpu.memory_space<vmem_shared>>
        tpu.wait_indirect_dma semaphore(%arg32 : memref<!tpu.dma_semaphore, #tpu.memory_space<semaphore_mem>>) src(%arg15 : memref<128x64xf32, #tpu.memory_space<vmem>>) dst(%dma_wait3A_402 : memref<10240x64xf32, #tpu.memory_space<vmem_shared>>)
        %add3A_403 = arith.constant 8 : i32
        %add3A_404 = arith.addi %add3A_396, %add3A_403 : i32
        %dma_start3A_405 = arith.constant 0 : i32
        %dma_start3A_406 = tpu.memref_slice %arg7[%add3A_404, %dma_start3A_405] : memref<80x128xi32, #tpu.memory_space<vmem>> -> memref<1x128xi32, #tpu.memory_space<vmem>>
        %dma_start3A_407 = tpu.memref_squeeze %dma_start3A_406 : memref<1x128xi32, #tpu.memory_space<vmem>> -> memref<128xi32, #tpu.memory_space<vmem>>
        %dma_start3A_408 = arith.constant 0 : i32
        %dma_start3A_409 = arith.constant 0 : i32
        %dma_start3A_410 = tpu.memref_slice %arg2[%dma_start3A_408, %dma_start3A_409] : memref<10000x64xf32, #tpu.memory_space<hbm>> -> memref<10000x64xf32, #tpu.memory_space<hbm>>
        tpu.enqueue_indirect_dma source(%dma_start3A_410 : memref<10000x64xf32, #tpu.memory_space<hbm>>) target(%arg15 : memref<128x64xf32, #tpu.memory_space<vmem>>) offsets(%dma_start3A_407 : memref<128xi32, #tpu.memory_space<vmem>>) semaphore(%arg24 : memref<!tpu.dma_semaphore, #tpu.memory_space<semaphore_mem>>)
        %mul3A_411 = arith.constant 8 : i32
        %mul3A_412 = arith.muli %scan3A_154, %mul3A_411 : i32
        %add3A_413 = arith.constant 7 : i32
        %add3A_414 = arith.addi %mul3A_412, %add3A_413 : i32
        %dma_wait3A_415 = arith.constant 0 : i32
        %dma_wait3A_416 = tpu.memref_slice %arg8[%add3A_414, %dma_wait3A_415] : memref<80x128xi32, #tpu.memory_space<vmem>> -> memref<1x128xi32, #tpu.memory_space<vmem>>
        %dma_wait3A_417 = tpu.memref_squeeze %dma_wait3A_416 : memref<1x128xi32, #tpu.memory_space<vmem>> -> memref<128xi32, #tpu.memory_space<vmem>>
        %dma_wait3A_418 = arith.constant 0 : i32
        %dma_wait3A_419 = arith.constant 0 : i32
        %dma_wait3A_420 = tpu.memref_slice %arg17[%dma_wait3A_418, %dma_wait3A_419] : memref<10240x64xf32, #tpu.memory_space<vmem_shared>> -> memref<10240x64xf32, #tpu.memory_space<vmem_shared>>
        tpu.wait_indirect_dma semaphore(%arg33 : memref<!tpu.dma_semaphore, #tpu.memory_space<semaphore_mem>>) src(%arg16 : memref<128x64xf32, #tpu.memory_space<vmem>>) dst(%dma_wait3A_420 : memref<10240x64xf32, #tpu.memory_space<vmem_shared>>)
        %add3A_421 = arith.constant 8 : i32
        %add3A_422 = arith.addi %add3A_414, %add3A_421 : i32
        %dma_start3A_423 = arith.constant 0 : i32
        %dma_start3A_424 = tpu.memref_slice %arg7[%add3A_422, %dma_start3A_423] : memref<80x128xi32, #tpu.memory_space<vmem>> -> memref<1x128xi32, #tpu.memory_space<vmem>>
        %dma_start3A_425 = tpu.memref_squeeze %dma_start3A_424 : memref<1x128xi32, #tpu.memory_space<vmem>> -> memref<128xi32, #tpu.memory_space<vmem>>
        %dma_start3A_426 = arith.constant 0 : i32
        %dma_start3A_427 = arith.constant 0 : i32
        %dma_start3A_428 = tpu.memref_slice %arg2[%dma_start3A_426, %dma_start3A_427] : memref<10000x64xf32, #tpu.memory_space<hbm>> -> memref<10000x64xf32, #tpu.memory_space<hbm>>
        tpu.enqueue_indirect_dma source(%dma_start3A_428 : memref<10000x64xf32, #tpu.memory_space<hbm>>) target(%arg16 : memref<128x64xf32, #tpu.memory_space<vmem>>) offsets(%dma_start3A_425 : memref<128xi32, #tpu.memory_space<vmem>>) semaphore(%arg25 : memref<!tpu.dma_semaphore, #tpu.memory_space<semaphore_mem>>)
      } else {
      }
    }
    %scan3A_92 = arith.constant 10 : i32
    %dma_wait3A_93 = arith.constant 0 : i32
    %dma_wait3A_94 = arith.constant 0 : i32
    %dma_wait3A_95 = tpu.memref_slice %arg8[%dma_wait3A_93, %dma_wait3A_94] : memref<80x128xi32, #tpu.memory_space<vmem>> -> memref<1x128xi32, #tpu.memory_space<vmem>>
    %dma_wait3A_96 = tpu.memref_squeeze %dma_wait3A_95 : memref<1x128xi32, #tpu.memory_space<vmem>> -> memref<128xi32, #tpu.memory_space<vmem>>
    %dma_wait3A_97 = arith.constant 0 : i32
    %dma_wait3A_98 = arith.constant 0 : i32
    %dma_wait3A_99 = tpu.memref_slice %arg17[%dma_wait3A_97, %dma_wait3A_98] : memref<10240x64xf32, #tpu.memory_space<vmem_shared>> -> memref<10240x64xf32, #tpu.memory_space<vmem_shared>>
    tpu.wait_indirect_dma semaphore(%arg26 : memref<!tpu.dma_semaphore, #tpu.memory_space<semaphore_mem>>) src(%arg9 : memref<128x64xf32, #tpu.memory_space<vmem>>) dst(%dma_wait3A_99 : memref<10240x64xf32, #tpu.memory_space<vmem_shared>>)
    %dma_wait3A_100 = arith.constant 0 : i32
    %dma_wait3A_101 = arith.constant 0 : i32
    %dma_wait3A_102 = tpu.memref_slice %arg8[%dma_wait3A_100, %dma_wait3A_101] : memref<80x128xi32, #tpu.memory_space<vmem>> -> memref<1x128xi32, #tpu.memory_space<vmem>>
    %dma_wait3A_103 = tpu.memref_squeeze %dma_wait3A_102 : memref<1x128xi32, #tpu.memory_space<vmem>> -> memref<128xi32, #tpu.memory_space<vmem>>
    %dma_wait3A_104 = arith.constant 0 : i32
    %dma_wait3A_105 = arith.constant 0 : i32
    %dma_wait3A_106 = tpu.memref_slice %arg17[%dma_wait3A_104, %dma_wait3A_105] : memref<10240x64xf32, #tpu.memory_space<vmem_shared>> -> memref<10240x64xf32, #tpu.memory_space<vmem_shared>>
    tpu.wait_indirect_dma semaphore(%arg27 : memref<!tpu.dma_semaphore, #tpu.memory_space<semaphore_mem>>) src(%arg10 : memref<128x64xf32, #tpu.memory_space<vmem>>) dst(%dma_wait3A_106 : memref<10240x64xf32, #tpu.memory_space<vmem_shared>>)
    %dma_wait3A_107 = arith.constant 0 : i32
    %dma_wait3A_108 = arith.constant 0 : i32
    %dma_wait3A_109 = tpu.memref_slice %arg8[%dma_wait3A_107, %dma_wait3A_108] : memref<80x128xi32, #tpu.memory_space<vmem>> -> memref<1x128xi32, #tpu.memory_space<vmem>>
    %dma_wait3A_110 = tpu.memref_squeeze %dma_wait3A_109 : memref<1x128xi32, #tpu.memory_space<vmem>> -> memref<128xi32, #tpu.memory_space<vmem>>
    %dma_wait3A_111 = arith.constant 0 : i32
    %dma_wait3A_112 = arith.constant 0 : i32
    %dma_wait3A_113 = tpu.memref_slice %arg17[%dma_wait3A_111, %dma_wait3A_112] : memref<10240x64xf32, #tpu.memory_space<vmem_shared>> -> memref<10240x64xf32, #tpu.memory_space<vmem_shared>>
    tpu.wait_indirect_dma semaphore(%arg28 : memref<!tpu.dma_semaphore, #tpu.memory_space<semaphore_mem>>) src(%arg11 : memref<128x64xf32, #tpu.memory_space<vmem>>) dst(%dma_wait3A_113 : memref<10240x64xf32, #tpu.memory_space<vmem_shared>>)
    %dma_wait3A_114 = arith.constant 0 : i32
    %dma_wait3A_115 = arith.constant 0 : i32
    %dma_wait3A_116 = tpu.memref_slice %arg8[%dma_wait3A_114, %dma_wait3A_115] : memref<80x128xi32, #tpu.memory_space<vmem>> -> memref<1x128xi32, #tpu.memory_space<vmem>>
    %dma_wait3A_117 = tpu.memref_squeeze %dma_wait3A_116 : memref<1x128xi32, #tpu.memory_space<vmem>> -> memref<128xi32, #tpu.memory_space<vmem>>
    %dma_wait3A_118 = arith.constant 0 : i32
    %dma_wait3A_119 = arith.constant 0 : i32
    %dma_wait3A_120 = tpu.memref_slice %arg17[%dma_wait3A_118, %dma_wait3A_119] : memref<10240x64xf32, #tpu.memory_space<vmem_shared>> -> memref<10240x64xf32, #tpu.memory_space<vmem_shared>>
    tpu.wait_indirect_dma semaphore(%arg29 : memref<!tpu.dma_semaphore, #tpu.memory_space<semaphore_mem>>) src(%arg12 : memref<128x64xf32, #tpu.memory_space<vmem>>) dst(%dma_wait3A_120 : memref<10240x64xf32, #tpu.memory_space<vmem_shared>>)
    %dma_wait3A_121 = arith.constant 0 : i32
    %dma_wait3A_122 = arith.constant 0 : i32
    %dma_wait3A_123 = tpu.memref_slice %arg8[%dma_wait3A_121, %dma_wait3A_122] : memref<80x128xi32, #tpu.memory_space<vmem>> -> memref<1x128xi32, #tpu.memory_space<vmem>>
    %dma_wait3A_124 = tpu.memref_squeeze %dma_wait3A_123 : memref<1x128xi32, #tpu.memory_space<vmem>> -> memref<128xi32, #tpu.memory_space<vmem>>
    %dma_wait3A_125 = arith.constant 0 : i32
    %dma_wait3A_126 = arith.constant 0 : i32
    %dma_wait3A_127 = tpu.memref_slice %arg17[%dma_wait3A_125, %dma_wait3A_126] : memref<10240x64xf32, #tpu.memory_space<vmem_shared>> -> memref<10240x64xf32, #tpu.memory_space<vmem_shared>>
    tpu.wait_indirect_dma semaphore(%arg30 : memref<!tpu.dma_semaphore, #tpu.memory_space<semaphore_mem>>) src(%arg13 : memref<128x64xf32, #tpu.memory_space<vmem>>) dst(%dma_wait3A_127 : memref<10240x64xf32, #tpu.memory_space<vmem_shared>>)
    %dma_wait3A_128 = arith.constant 0 : i32
    %dma_wait3A_129 = arith.constant 0 : i32
    %dma_wait3A_130 = tpu.memref_slice %arg8[%dma_wait3A_128, %dma_wait3A_129] : memref<80x128xi32, #tpu.memory_space<vmem>> -> memref<1x128xi32, #tpu.memory_space<vmem>>
    %dma_wait3A_131 = tpu.memref_squeeze %dma_wait3A_130 : memref<1x128xi32, #tpu.memory_space<vmem>> -> memref<128xi32, #tpu.memory_space<vmem>>
    %dma_wait3A_132 = arith.constant 0 : i32
    %dma_wait3A_133 = arith.constant 0 : i32
    %dma_wait3A_134 = tpu.memref_slice %arg17[%dma_wait3A_132, %dma_wait3A_133] : memref<10240x64xf32, #tpu.memory_space<vmem_shared>> -> memref<10240x64xf32, #tpu.memory_space<vmem_shared>>
    tpu.wait_indirect_dma semaphore(%arg31 : memref<!tpu.dma_semaphore, #tpu.memory_space<semaphore_mem>>) src(%arg14 : memref<128x64xf32, #tpu.memory_space<vmem>>) dst(%dma_wait3A_134 : memref<10240x64xf32, #tpu.memory_space<vmem_shared>>)
    %dma_wait3A_135 = arith.constant 0 : i32
    %dma_wait3A_136 = arith.constant 0 : i32
    %dma_wait3A_137 = tpu.memref_slice %arg8[%dma_wait3A_135, %dma_wait3A_136] : memref<80x128xi32, #tpu.memory_space<vmem>> -> memref<1x128xi32, #tpu.memory_space<vmem>>
    %dma_wait3A_138 = tpu.memref_squeeze %dma_wait3A_137 : memref<1x128xi32, #tpu.memory_space<vmem>> -> memref<128xi32, #tpu.memory_space<vmem>>
    %dma_wait3A_139 = arith.constant 0 : i32
    %dma_wait3A_140 = arith.constant 0 : i32
    %dma_wait3A_141 = tpu.memref_slice %arg17[%dma_wait3A_139, %dma_wait3A_140] : memref<10240x64xf32, #tpu.memory_space<vmem_shared>> -> memref<10240x64xf32, #tpu.memory_space<vmem_shared>>
    tpu.wait_indirect_dma semaphore(%arg32 : memref<!tpu.dma_semaphore, #tpu.memory_space<semaphore_mem>>) src(%arg15 : memref<128x64xf32, #tpu.memory_space<vmem>>) dst(%dma_wait3A_141 : memref<10240x64xf32, #tpu.memory_space<vmem_shared>>)
    %dma_wait3A_142 = arith.constant 0 : i32
    %dma_wait3A_143 = arith.constant 0 : i32
    %dma_wait3A_144 = tpu.memref_slice %arg8[%dma_wait3A_142, %dma_wait3A_143] : memref<80x128xi32, #tpu.memory_space<vmem>> -> memref<1x128xi32, #tpu.memory_space<vmem>>
    %dma_wait3A_145 = tpu.memref_squeeze %dma_wait3A_144 : memref<1x128xi32, #tpu.memory_space<vmem>> -> memref<128xi32, #tpu.memory_space<vmem>>
    %dma_wait3A_146 = arith.constant 0 : i32
    %dma_wait3A_147 = arith.constant 0 : i32
    %dma_wait3A_148 = tpu.memref_slice %arg17[%dma_wait3A_146, %dma_wait3A_147] : memref<10240x64xf32, #tpu.memory_space<vmem_shared>> -> memref<10240x64xf32, #tpu.memory_space<vmem_shared>>
    tpu.wait_indirect_dma semaphore(%arg33 : memref<!tpu.dma_semaphore, #tpu.memory_space<semaphore_mem>>) src(%arg16 : memref<128x64xf32, #tpu.memory_space<vmem>>) dst(%dma_wait3A_148 : memref<10240x64xf32, #tpu.memory_space<vmem_shared>>)
    %barrier3A_149 = arith.constant 0 : index
    tpu.barrier barrier_id(%barrier3A_149)
    %mul3A_150 = arith.constant 640 : i32
    %mul3A_151 = arith.muli %arg1, %mul3A_150 : i32
    %mul3A_152 = arith.constant 640 : i32
    %mul3A_153 = arith.muli %arg1, %mul3A_152 : i32
    "tpu.region"() ({
      %run_scoped3A = tpu.sem_alloc : memref<!tpu.dma_semaphore, #tpu.memory_space<semaphore_mem>>
      %dma_start3A_154 = arith.constant 0 : i32
      %dma_start3A_155 = tpu.memref_slice %arg6[%arg0, %mul3A_153, %dma_start3A_154] : memref<2x10240x64xf32, #tpu.memory_space<hbm>> -> memref<1x640x64xf32, #tpu.memory_space<hbm>>
      %dma_start3A_156 = tpu.memref_squeeze %dma_start3A_155 : memref<1x640x64xf32, #tpu.memory_space<hbm>> -> memref<640x64xf32, #tpu.memory_space<hbm>>
      %dma_start3A_157 = arith.constant 0 : i32
      %dma_start3A_158 = tpu.memref_slice %arg17[%mul3A_151, %dma_start3A_157] : memref<10240x64xf32, #tpu.memory_space<vmem_shared>> -> memref<640x64xf32, #tpu.memory_space<vmem_shared>>
      tpu.enqueue_dma source(%dma_start3A_158 : memref<640x64xf32, #tpu.memory_space<vmem_shared>>) target(%dma_start3A_156 : memref<640x64xf32, #tpu.memory_space<hbm>>) target_semaphore(%run_scoped3A : memref<!tpu.dma_semaphore, #tpu.memory_space<semaphore_mem>>)
      %dma_wait3A_159 = arith.constant 0 : i32
      %dma_wait3A_160 = tpu.memref_slice %arg6[%arg0, %mul3A_153, %dma_wait3A_159] : memref<2x10240x64xf32, #tpu.memory_space<hbm>> -> memref<1x640x64xf32, #tpu.memory_space<hbm>>
      %dma_wait3A_161 = tpu.memref_squeeze %dma_wait3A_160 : memref<1x640x64xf32, #tpu.memory_space<hbm>> -> memref<640x64xf32, #tpu.memory_space<hbm>>
      %dma_wait3A_162 = arith.constant 0 : i32
      %dma_wait3A_163 = tpu.memref_slice %arg17[%mul3A_151, %dma_wait3A_162] : memref<10240x64xf32, #tpu.memory_space<vmem_shared>> -> memref<640x64xf32, #tpu.memory_space<vmem_shared>>
      tpu.wait_dma2 semaphore(%run_scoped3A : memref<!tpu.dma_semaphore, #tpu.memory_space<semaphore_mem>>) src(%dma_wait3A_163 : memref<640x64xf32, #tpu.memory_space<vmem_shared>>) dst(%dma_wait3A_161 : memref<640x64xf32, #tpu.memory_space<hbm>>)
      tpu.yield
    }) : () -> ()
    return
  }
}

#map = affine_map<(d0, d1) -> (0, 0)>
#map1 = affine_map<(d0, d1) -> (0)>
module attributes {stable_mosaic.version = 14 : i64} {
  func.func @_sc_degree(%arg0: i32, %arg1: i32, %arg2: memref<2560x128xi32, #tpu.memory_space<hbm>>, %arg3: memref<128xf32, #tpu.memory_space<hbm>>, %arg4: memref<10240xf32, #tpu.memory_space<hbm>>, %arg5: memref<2x10240xf32, #tpu.memory_space<hbm>>, %arg6: memref<80x128xi32, #tpu.memory_space<vmem>>, %arg7: memref<128xf32, #tpu.memory_space<vmem>>, %arg8: memref<10240xf32, #tpu.memory_space<vmem_shared>>, %arg9: memref<!tpu.dma_semaphore, #tpu.memory_space<semaphore_mem>>) attributes {dimension_semantics = [#tpu.dimension_semantics<core_parallel>, #tpu.dimension_semantics<subcore_parallel>], iteration_bounds = array<i64: 2, 16>, scalar_prefetch = 0 : i64, scratch_operands = 4 : i64, tpu.core_type = #tpu.core_type<sc_vector_subcore>, window_params = [{transform_indices = #map}, {transform_indices = #map1}, {transform_indices = #map1}, {transform_indices = #map}]} {
    %mul3A = arith.constant 16 : i32
    %mul3A_0 = arith.muli %arg0, %mul3A : i32
    %add3A = arith.addi %mul3A_0, %arg1 : i32
    %mul3A_1 = arith.constant 640 : i32
    %mul3A_2 = arith.muli %arg1, %mul3A_1 : i32
    %mul3A_3 = arith.constant 640 : i32
    %mul3A_4 = arith.muli %arg1, %mul3A_3 : i32
    "tpu.region"() ({
      %run_scoped3A = tpu.sem_alloc : memref<!tpu.dma_semaphore, #tpu.memory_space<semaphore_mem>>
      %dma_start3A = tpu.memref_slice %arg8[%mul3A_4] : memref<10240xf32, #tpu.memory_space<vmem_shared>> -> memref<640xf32, #tpu.memory_space<vmem_shared>>
      %dma_start3A_21 = tpu.memref_slice %arg4[%mul3A_2] : memref<10240xf32, #tpu.memory_space<hbm>> -> memref<640xf32, #tpu.memory_space<hbm>>
      tpu.enqueue_dma source(%dma_start3A_21 : memref<640xf32, #tpu.memory_space<hbm>>) target(%dma_start3A : memref<640xf32, #tpu.memory_space<vmem_shared>>) target_semaphore(%run_scoped3A : memref<!tpu.dma_semaphore, #tpu.memory_space<semaphore_mem>>)
      %dma_wait3A = tpu.memref_slice %arg8[%mul3A_4] : memref<10240xf32, #tpu.memory_space<vmem_shared>> -> memref<640xf32, #tpu.memory_space<vmem_shared>>
      %dma_wait3A_22 = tpu.memref_slice %arg4[%mul3A_2] : memref<10240xf32, #tpu.memory_space<hbm>> -> memref<640xf32, #tpu.memory_space<hbm>>
      tpu.wait_dma2 semaphore(%run_scoped3A : memref<!tpu.dma_semaphore, #tpu.memory_space<semaphore_mem>>) src(%dma_wait3A_22 : memref<640xf32, #tpu.memory_space<hbm>>) dst(%dma_wait3A : memref<640xf32, #tpu.memory_space<vmem_shared>>)
      tpu.yield
    }) : () -> ()
    "tpu.region"() ({
      %run_scoped3A = tpu.sem_alloc : memref<!tpu.dma_semaphore, #tpu.memory_space<semaphore_mem>>
      tpu.enqueue_dma source(%arg3 : memref<128xf32, #tpu.memory_space<hbm>>) target(%arg7 : memref<128xf32, #tpu.memory_space<vmem>>) target_semaphore(%run_scoped3A : memref<!tpu.dma_semaphore, #tpu.memory_space<semaphore_mem>>)
      tpu.wait_dma2 semaphore(%run_scoped3A : memref<!tpu.dma_semaphore, #tpu.memory_space<semaphore_mem>>) src(%arg3 : memref<128xf32, #tpu.memory_space<hbm>>) dst(%arg7 : memref<128xf32, #tpu.memory_space<vmem>>)
      tpu.yield
    }) : () -> ()
    %mul3A_5 = arith.constant 80 : i32
    %mul3A_6 = arith.muli %add3A, %mul3A_5 : i32
    "tpu.region"() ({
      %run_scoped3A = tpu.sem_alloc : memref<!tpu.dma_semaphore, #tpu.memory_space<semaphore_mem>>
      %dma_start3A = arith.constant 0 : i32
      %dma_start3A_21 = tpu.memref_slice %arg2[%mul3A_6, %dma_start3A] : memref<2560x128xi32, #tpu.memory_space<hbm>> -> memref<80x128xi32, #tpu.memory_space<hbm>>
      %dma_start3A_22 = arith.constant 0 : i32
      %dma_start3A_23 = tpu.memref_slice %arg2[%mul3A_6, %dma_start3A_22] : memref<2560x128xi32, #tpu.memory_space<hbm>> -> memref<80x128xi32, #tpu.memory_space<hbm>>
      tpu.enqueue_dma source(%dma_start3A_23 : memref<80x128xi32, #tpu.memory_space<hbm>>) target(%arg6 : memref<80x128xi32, #tpu.memory_space<vmem>>) target_semaphore(%run_scoped3A : memref<!tpu.dma_semaphore, #tpu.memory_space<semaphore_mem>>)
      %dma_wait3A = arith.constant 0 : i32
      %dma_wait3A_24 = tpu.memref_slice %arg2[%mul3A_6, %dma_wait3A] : memref<2560x128xi32, #tpu.memory_space<hbm>> -> memref<80x128xi32, #tpu.memory_space<hbm>>
      %dma_wait3A_25 = arith.constant 0 : i32
      %dma_wait3A_26 = tpu.memref_slice %arg2[%mul3A_6, %dma_wait3A_25] : memref<2560x128xi32, #tpu.memory_space<hbm>> -> memref<80x128xi32, #tpu.memory_space<hbm>>
      tpu.wait_dma2 semaphore(%run_scoped3A : memref<!tpu.dma_semaphore, #tpu.memory_space<semaphore_mem>>) src(%dma_wait3A_26 : memref<80x128xi32, #tpu.memory_space<hbm>>) dst(%arg6 : memref<80x128xi32, #tpu.memory_space<vmem>>)
      tpu.yield
    }) : () -> ()
    %barrier3A = arith.constant 0 : index
    tpu.barrier barrier_id(%barrier3A)
    %scan3A = arith.constant 0 : i32
    %scan3A_7 = arith.constant 80 : i32
    %scan3A_8 = arith.addi %scan3A, %scan3A_7 : i32
    %scan3A_9 = arith.constant 1 : i32
    scf.for %scan3A_21 = %scan3A to %scan3A_8 step %scan3A_9  : i32 {
      %dma_start3A = arith.constant 0 : i32
      %dma_start3A_22 = tpu.memref_slice %arg6[%scan3A_21, %dma_start3A] : memref<80x128xi32, #tpu.memory_space<vmem>> -> memref<1x128xi32, #tpu.memory_space<vmem>>
      %dma_start3A_23 = tpu.memref_squeeze %dma_start3A_22 : memref<1x128xi32, #tpu.memory_space<vmem>> -> memref<128xi32, #tpu.memory_space<vmem>>
      %dma_start3A_24 = arith.constant 0 : i32
      %dma_start3A_25 = tpu.memref_slice %arg8[%dma_start3A_24] : memref<10240xf32, #tpu.memory_space<vmem_shared>> -> memref<10240xf32, #tpu.memory_space<vmem_shared>>
      tpu.enqueue_indirect_dma source(%arg7 : memref<128xf32, #tpu.memory_space<vmem>>) target(%dma_start3A_25 : memref<10240xf32, #tpu.memory_space<vmem_shared>>) offsets(%dma_start3A_23 : memref<128xi32, #tpu.memory_space<vmem>>) semaphore(%arg9 : memref<!tpu.dma_semaphore, #tpu.memory_space<semaphore_mem>>) {add = true}
    }
    %scan3A_10 = arith.constant 80 : i32
    %scan3A_11 = arith.constant 0 : i32
    %scan3A_12 = arith.constant 80 : i32
    %scan3A_13 = arith.addi %scan3A_11, %scan3A_12 : i32
    %scan3A_14 = arith.constant 1 : i32
    scf.for %scan3A_21 = %scan3A_11 to %scan3A_13 step %scan3A_14  : i32 {
      %dma_wait3A = arith.constant 0 : i32
      %dma_wait3A_22 = arith.constant 0 : i32
      %dma_wait3A_23 = tpu.memref_slice %arg6[%dma_wait3A, %dma_wait3A_22] : memref<80x128xi32, #tpu.memory_space<vmem>> -> memref<1x128xi32, #tpu.memory_space<vmem>>
      %dma_wait3A_24 = tpu.memref_squeeze %dma_wait3A_23 : memref<1x128xi32, #tpu.memory_space<vmem>> -> memref<128xi32, #tpu.memory_space<vmem>>
      %dma_wait3A_25 = arith.constant 0 : i32
      %dma_wait3A_26 = tpu.memref_slice %arg8[%dma_wait3A_25] : memref<10240xf32, #tpu.memory_space<vmem_shared>> -> memref<10240xf32, #tpu.memory_space<vmem_shared>>
      tpu.wait_indirect_dma semaphore(%arg9 : memref<!tpu.dma_semaphore, #tpu.memory_space<semaphore_mem>>) src(%arg7 : memref<128xf32, #tpu.memory_space<vmem>>) dst(%dma_wait3A_26 : memref<10240xf32, #tpu.memory_space<vmem_shared>>)
    }
    %scan3A_15 = arith.constant 80 : i32
    %barrier3A_16 = arith.constant 0 : index
    tpu.barrier barrier_id(%barrier3A_16)
    %mul3A_17 = arith.constant 640 : i32
    %mul3A_18 = arith.muli %arg1, %mul3A_17 : i32
    %mul3A_19 = arith.constant 640 : i32
    %mul3A_20 = arith.muli %arg1, %mul3A_19 : i32
    "tpu.region"() ({
      %run_scoped3A = tpu.sem_alloc : memref<!tpu.dma_semaphore, #tpu.memory_space<semaphore_mem>>
      %dma_start3A = tpu.memref_slice %arg5[%arg0, %mul3A_20] : memref<2x10240xf32, #tpu.memory_space<hbm>> -> memref<1x640xf32, #tpu.memory_space<hbm>>
      %dma_start3A_21 = tpu.memref_squeeze %dma_start3A : memref<1x640xf32, #tpu.memory_space<hbm>> -> memref<640xf32, #tpu.memory_space<hbm>>
      %dma_start3A_22 = tpu.memref_slice %arg8[%mul3A_18] : memref<10240xf32, #tpu.memory_space<vmem_shared>> -> memref<640xf32, #tpu.memory_space<vmem_shared>>
      tpu.enqueue_dma source(%dma_start3A_22 : memref<640xf32, #tpu.memory_space<vmem_shared>>) target(%dma_start3A_21 : memref<640xf32, #tpu.memory_space<hbm>>) target_semaphore(%run_scoped3A : memref<!tpu.dma_semaphore, #tpu.memory_space<semaphore_mem>>)
      %dma_wait3A = tpu.memref_slice %arg5[%arg0, %mul3A_20] : memref<2x10240xf32, #tpu.memory_space<hbm>> -> memref<1x640xf32, #tpu.memory_space<hbm>>
      %dma_wait3A_23 = tpu.memref_squeeze %dma_wait3A : memref<1x640xf32, #tpu.memory_space<hbm>> -> memref<640xf32, #tpu.memory_space<hbm>>
      %dma_wait3A_24 = tpu.memref_slice %arg8[%mul3A_18] : memref<10240xf32, #tpu.memory_space<vmem_shared>> -> memref<640xf32, #tpu.memory_space<vmem_shared>>
      tpu.wait_dma2 semaphore(%run_scoped3A : memref<!tpu.dma_semaphore, #tpu.memory_space<semaphore_mem>>) src(%dma_wait3A_24 : memref<640xf32, #tpu.memory_space<vmem_shared>>) dst(%dma_wait3A_23 : memref<640xf32, #tpu.memory_space<hbm>>)
      tpu.yield
    }) : () -> ()
    return
  }
}

#map = affine_map<(d0, d1) -> (0, 0)>
#map1 = affine_map<(d0, d1) -> (0, 0, 0)>
module attributes {stable_mosaic.version = 14 : i64} {
  func.func @_sc_propagate(%arg0: i32, %arg1: i32, %arg2: memref<10000x64xf32, #tpu.memory_space<hbm>>, %arg3: memref<2560x128xi32, #tpu.memory_space<hbm>>, %arg4: memref<2560x128xi32, #tpu.memory_space<hbm>>, %arg5: memref<10240x64xf32, #tpu.memory_space<hbm>>, %arg6: memref<2x10240x64xf32, #tpu.memory_space<hbm>>, %arg7: memref<80x128xi32, #tpu.memory_space<vmem>>, %arg8: memref<80x128xi32, #tpu.memory_space<vmem>>, %arg9: memref<128x64xf32, #tpu.memory_space<vmem>>, %arg10: memref<128x64xf32, #tpu.memory_space<vmem>>, %arg11: memref<128x64xf32, #tpu.memory_space<vmem>>, %arg12: memref<128x64xf32, #tpu.memory_space<vmem>>, %arg13: memref<128x64xf32, #tpu.memory_space<vmem>>, %arg14: memref<128x64xf32, #tpu.memory_space<vmem>>, %arg15: memref<128x64xf32, #tpu.memory_space<vmem>>, %arg16: memref<128x64xf32, #tpu.memory_space<vmem>>, %arg17: memref<10240x64xf32, #tpu.memory_space<vmem_shared>>, %arg18: memref<!tpu.dma_semaphore, #tpu.memory_space<semaphore_mem>>, %arg19: memref<!tpu.dma_semaphore, #tpu.memory_space<semaphore_mem>>, %arg20: memref<!tpu.dma_semaphore, #tpu.memory_space<semaphore_mem>>, %arg21: memref<!tpu.dma_semaphore, #tpu.memory_space<semaphore_mem>>, %arg22: memref<!tpu.dma_semaphore, #tpu.memory_space<semaphore_mem>>, %arg23: memref<!tpu.dma_semaphore, #tpu.memory_space<semaphore_mem>>, %arg24: memref<!tpu.dma_semaphore, #tpu.memory_space<semaphore_mem>>, %arg25: memref<!tpu.dma_semaphore, #tpu.memory_space<semaphore_mem>>, %arg26: memref<!tpu.dma_semaphore, #tpu.memory_space<semaphore_mem>>, %arg27: memref<!tpu.dma_semaphore, #tpu.memory_space<semaphore_mem>>, %arg28: memref<!tpu.dma_semaphore, #tpu.memory_space<semaphore_mem>>, %arg29: memref<!tpu.dma_semaphore, #tpu.memory_space<semaphore_mem>>, %arg30: memref<!tpu.dma_semaphore, #tpu.memory_space<semaphore_mem>>, %arg31: memref<!tpu.dma_semaphore, #tpu.memory_space<semaphore_mem>>, %arg32: memref<!tpu.dma_semaphore, #tpu.memory_space<semaphore_mem>>, %arg33: memref<!tpu.dma_semaphore, #tpu.memory_space<semaphore_mem>>, %arg34: memref<!tpu.dma_semaphore, #tpu.memory_space<semaphore_mem>>, %arg35: memref<!tpu.dma_semaphore, #tpu.memory_space<semaphore_mem>>) attributes {dimension_semantics = [#tpu.dimension_semantics<core_parallel>, #tpu.dimension_semantics<subcore_parallel>], iteration_bounds = array<i64: 2, 16>, scalar_prefetch = 0 : i64, scratch_operands = 29 : i64, tpu.core_type = #tpu.core_type<sc_vector_subcore>, window_params = [{transform_indices = #map}, {transform_indices = #map}, {transform_indices = #map}, {transform_indices = #map}, {transform_indices = #map1}]} {
    %mul3A = arith.constant 16 : i32
    %mul3A_0 = arith.muli %arg0, %mul3A : i32
    %add3A = arith.addi %mul3A_0, %arg1 : i32
    %mul3A_1 = arith.constant 80 : i32
    %mul3A_2 = arith.muli %add3A, %mul3A_1 : i32
    %mul3A_3 = arith.constant 640 : i32
    %mul3A_4 = arith.muli %arg1, %mul3A_3 : i32
    %mul3A_5 = arith.constant 640 : i32
    %mul3A_6 = arith.muli %arg1, %mul3A_5 : i32
    %dma_start3A = arith.constant 0 : i32
    %dma_start3A_7 = tpu.memref_slice %arg17[%mul3A_6, %dma_start3A] : memref<10240x64xf32, #tpu.memory_space<vmem_shared>> -> memref<640x64xf32, #tpu.memory_space<vmem_shared>>
    %dma_start3A_8 = arith.constant 0 : i32
    %dma_start3A_9 = tpu.memref_slice %arg5[%mul3A_4, %dma_start3A_8] : memref<10240x64xf32, #tpu.memory_space<hbm>> -> memref<640x64xf32, #tpu.memory_space<hbm>>
    tpu.enqueue_dma source(%dma_start3A_9 : memref<640x64xf32, #tpu.memory_space<hbm>>) target(%dma_start3A_7 : memref<640x64xf32, #tpu.memory_space<vmem_shared>>) target_semaphore(%arg34 : memref<!tpu.dma_semaphore, #tpu.memory_space<semaphore_mem>>)
    %dma_start3A_10 = arith.constant 0 : i32
    %dma_start3A_11 = tpu.memref_slice %arg3[%mul3A_2, %dma_start3A_10] : memref<2560x128xi32, #tpu.memory_space<hbm>> -> memref<80x128xi32, #tpu.memory_space<hbm>>
    %dma_start3A_12 = arith.constant 0 : i32
    %dma_start3A_13 = tpu.memref_slice %arg3[%mul3A_2, %dma_start3A_12] : memref<2560x128xi32, #tpu.memory_space<hbm>> -> memref<80x128xi32, #tpu.memory_space<hbm>>
    tpu.enqueue_dma source(%dma_start3A_13 : memref<80x128xi32, #tpu.memory_space<hbm>>) target(%arg7 : memref<80x128xi32, #tpu.memory_space<vmem>>) target_semaphore(%arg35 : memref<!tpu.dma_semaphore, #tpu.memory_space<semaphore_mem>>)
    %dma_start3A_14 = arith.constant 0 : i32
    %dma_start3A_15 = tpu.memref_slice %arg4[%mul3A_2, %dma_start3A_14] : memref<2560x128xi32, #tpu.memory_space<hbm>> -> memref<80x128xi32, #tpu.memory_space<hbm>>
    %dma_start3A_16 = arith.constant 0 : i32
    %dma_start3A_17 = tpu.memref_slice %arg4[%mul3A_2, %dma_start3A_16] : memref<2560x128xi32, #tpu.memory_space<hbm>> -> memref<80x128xi32, #tpu.memory_space<hbm>>
    tpu.enqueue_dma source(%dma_start3A_17 : memref<80x128xi32, #tpu.memory_space<hbm>>) target(%arg8 : memref<80x128xi32, #tpu.memory_space<vmem>>) target_semaphore(%arg35 : memref<!tpu.dma_semaphore, #tpu.memory_space<semaphore_mem>>)
    %dma_wait3A = arith.constant 0 : i32
    %dma_wait3A_18 = tpu.memref_slice %arg3[%mul3A_2, %dma_wait3A] : memref<2560x128xi32, #tpu.memory_space<hbm>> -> memref<80x128xi32, #tpu.memory_space<hbm>>
    %dma_wait3A_19 = arith.constant 0 : i32
    %dma_wait3A_20 = tpu.memref_slice %arg3[%mul3A_2, %dma_wait3A_19] : memref<2560x128xi32, #tpu.memory_space<hbm>> -> memref<80x128xi32, #tpu.memory_space<hbm>>
    tpu.wait_dma2 semaphore(%arg35 : memref<!tpu.dma_semaphore, #tpu.memory_space<semaphore_mem>>) src(%dma_wait3A_20 : memref<80x128xi32, #tpu.memory_space<hbm>>) dst(%arg7 : memref<80x128xi32, #tpu.memory_space<vmem>>)
    %dma_wait3A_21 = arith.constant 0 : i32
    %dma_wait3A_22 = tpu.memref_slice %arg4[%mul3A_2, %dma_wait3A_21] : memref<2560x128xi32, #tpu.memory_space<hbm>> -> memref<80x128xi32, #tpu.memory_space<hbm>>
    %dma_wait3A_23 = arith.constant 0 : i32
    %dma_wait3A_24 = tpu.memref_slice %arg4[%mul3A_2, %dma_wait3A_23] : memref<2560x128xi32, #tpu.memory_space<hbm>> -> memref<80x128xi32, #tpu.memory_space<hbm>>
    tpu.wait_dma2 semaphore(%arg35 : memref<!tpu.dma_semaphore, #tpu.memory_space<semaphore_mem>>) src(%dma_wait3A_24 : memref<80x128xi32, #tpu.memory_space<hbm>>) dst(%arg8 : memref<80x128xi32, #tpu.memory_space<vmem>>)
    %dma_start3A_25 = arith.constant 0 : i32
    %dma_start3A_26 = arith.constant 0 : i32
    %dma_start3A_27 = tpu.memref_slice %arg7[%dma_start3A_25, %dma_start3A_26] : memref<80x128xi32, #tpu.memory_space<vmem>> -> memref<1x128xi32, #tpu.memory_space<vmem>>
    %dma_start3A_28 = tpu.memref_squeeze %dma_start3A_27 : memref<1x128xi32, #tpu.memory_space<vmem>> -> memref<128xi32, #tpu.memory_space<vmem>>
    %dma_start3A_29 = arith.constant 0 : i32
    %dma_start3A_30 = arith.constant 0 : i32
    %dma_start3A_31 = tpu.memref_slice %arg2[%dma_start3A_29, %dma_start3A_30] : memref<10000x64xf32, #tpu.memory_space<hbm>> -> memref<10000x64xf32, #tpu.memory_space<hbm>>
    tpu.enqueue_indirect_dma source(%dma_start3A_31 : memref<10000x64xf32, #tpu.memory_space<hbm>>) target(%arg9 : memref<128x64xf32, #tpu.memory_space<vmem>>) offsets(%dma_start3A_28 : memref<128xi32, #tpu.memory_space<vmem>>) semaphore(%arg18 : memref<!tpu.dma_semaphore, #tpu.memory_space<semaphore_mem>>)
    %dma_start3A_32 = arith.constant 1 : i32
    %dma_start3A_33 = arith.constant 0 : i32
    %dma_start3A_34 = tpu.memref_slice %arg7[%dma_start3A_32, %dma_start3A_33] : memref<80x128xi32, #tpu.memory_space<vmem>> -> memref<1x128xi32, #tpu.memory_space<vmem>>
    %dma_start3A_35 = tpu.memref_squeeze %dma_start3A_34 : memref<1x128xi32, #tpu.memory_space<vmem>> -> memref<128xi32, #tpu.memory_space<vmem>>
    %dma_start3A_36 = arith.constant 0 : i32
    %dma_start3A_37 = arith.constant 0 : i32
    %dma_start3A_38 = tpu.memref_slice %arg2[%dma_start3A_36, %dma_start3A_37] : memref<10000x64xf32, #tpu.memory_space<hbm>> -> memref<10000x64xf32, #tpu.memory_space<hbm>>
    tpu.enqueue_indirect_dma source(%dma_start3A_38 : memref<10000x64xf32, #tpu.memory_space<hbm>>) target(%arg10 : memref<128x64xf32, #tpu.memory_space<vmem>>) offsets(%dma_start3A_35 : memref<128xi32, #tpu.memory_space<vmem>>) semaphore(%arg19 : memref<!tpu.dma_semaphore, #tpu.memory_space<semaphore_mem>>)
    %dma_start3A_39 = arith.constant 2 : i32
    %dma_start3A_40 = arith.constant 0 : i32
    %dma_start3A_41 = tpu.memref_slice %arg7[%dma_start3A_39, %dma_start3A_40] : memref<80x128xi32, #tpu.memory_space<vmem>> -> memref<1x128xi32, #tpu.memory_space<vmem>>
    %dma_start3A_42 = tpu.memref_squeeze %dma_start3A_41 : memref<1x128xi32, #tpu.memory_space<vmem>> -> memref<128xi32, #tpu.memory_space<vmem>>
    %dma_start3A_43 = arith.constant 0 : i32
    %dma_start3A_44 = arith.constant 0 : i32
    %dma_start3A_45 = tpu.memref_slice %arg2[%dma_start3A_43, %dma_start3A_44] : memref<10000x64xf32, #tpu.memory_space<hbm>> -> memref<10000x64xf32, #tpu.memory_space<hbm>>
    tpu.enqueue_indirect_dma source(%dma_start3A_45 : memref<10000x64xf32, #tpu.memory_space<hbm>>) target(%arg11 : memref<128x64xf32, #tpu.memory_space<vmem>>) offsets(%dma_start3A_42 : memref<128xi32, #tpu.memory_space<vmem>>) semaphore(%arg20 : memref<!tpu.dma_semaphore, #tpu.memory_space<semaphore_mem>>)
    %dma_start3A_46 = arith.constant 3 : i32
    %dma_start3A_47 = arith.constant 0 : i32
    %dma_start3A_48 = tpu.memref_slice %arg7[%dma_start3A_46, %dma_start3A_47] : memref<80x128xi32, #tpu.memory_space<vmem>> -> memref<1x128xi32, #tpu.memory_space<vmem>>
    %dma_start3A_49 = tpu.memref_squeeze %dma_start3A_48 : memref<1x128xi32, #tpu.memory_space<vmem>> -> memref<128xi32, #tpu.memory_space<vmem>>
    %dma_start3A_50 = arith.constant 0 : i32
    %dma_start3A_51 = arith.constant 0 : i32
    %dma_start3A_52 = tpu.memref_slice %arg2[%dma_start3A_50, %dma_start3A_51] : memref<10000x64xf32, #tpu.memory_space<hbm>> -> memref<10000x64xf32, #tpu.memory_space<hbm>>
    tpu.enqueue_indirect_dma source(%dma_start3A_52 : memref<10000x64xf32, #tpu.memory_space<hbm>>) target(%arg12 : memref<128x64xf32, #tpu.memory_space<vmem>>) offsets(%dma_start3A_49 : memref<128xi32, #tpu.memory_space<vmem>>) semaphore(%arg21 : memref<!tpu.dma_semaphore, #tpu.memory_space<semaphore_mem>>)
    %dma_start3A_53 = arith.constant 4 : i32
    %dma_start3A_54 = arith.constant 0 : i32
    %dma_start3A_55 = tpu.memref_slice %arg7[%dma_start3A_53, %dma_start3A_54] : memref<80x128xi32, #tpu.memory_space<vmem>> -> memref<1x128xi32, #tpu.memory_space<vmem>>
    %dma_start3A_56 = tpu.memref_squeeze %dma_start3A_55 : memref<1x128xi32, #tpu.memory_space<vmem>> -> memref<128xi32, #tpu.memory_space<vmem>>
    %dma_start3A_57 = arith.constant 0 : i32
    %dma_start3A_58 = arith.constant 0 : i32
    %dma_start3A_59 = tpu.memref_slice %arg2[%dma_start3A_57, %dma_start3A_58] : memref<10000x64xf32, #tpu.memory_space<hbm>> -> memref<10000x64xf32, #tpu.memory_space<hbm>>
    tpu.enqueue_indirect_dma source(%dma_start3A_59 : memref<10000x64xf32, #tpu.memory_space<hbm>>) target(%arg13 : memref<128x64xf32, #tpu.memory_space<vmem>>) offsets(%dma_start3A_56 : memref<128xi32, #tpu.memory_space<vmem>>) semaphore(%arg22 : memref<!tpu.dma_semaphore, #tpu.memory_space<semaphore_mem>>)
    %dma_start3A_60 = arith.constant 5 : i32
    %dma_start3A_61 = arith.constant 0 : i32
    %dma_start3A_62 = tpu.memref_slice %arg7[%dma_start3A_60, %dma_start3A_61] : memref<80x128xi32, #tpu.memory_space<vmem>> -> memref<1x128xi32, #tpu.memory_space<vmem>>
    %dma_start3A_63 = tpu.memref_squeeze %dma_start3A_62 : memref<1x128xi32, #tpu.memory_space<vmem>> -> memref<128xi32, #tpu.memory_space<vmem>>
    %dma_start3A_64 = arith.constant 0 : i32
    %dma_start3A_65 = arith.constant 0 : i32
    %dma_start3A_66 = tpu.memref_slice %arg2[%dma_start3A_64, %dma_start3A_65] : memref<10000x64xf32, #tpu.memory_space<hbm>> -> memref<10000x64xf32, #tpu.memory_space<hbm>>
    tpu.enqueue_indirect_dma source(%dma_start3A_66 : memref<10000x64xf32, #tpu.memory_space<hbm>>) target(%arg14 : memref<128x64xf32, #tpu.memory_space<vmem>>) offsets(%dma_start3A_63 : memref<128xi32, #tpu.memory_space<vmem>>) semaphore(%arg23 : memref<!tpu.dma_semaphore, #tpu.memory_space<semaphore_mem>>)
    %dma_start3A_67 = arith.constant 6 : i32
    %dma_start3A_68 = arith.constant 0 : i32
    %dma_start3A_69 = tpu.memref_slice %arg7[%dma_start3A_67, %dma_start3A_68] : memref<80x128xi32, #tpu.memory_space<vmem>> -> memref<1x128xi32, #tpu.memory_space<vmem>>
    %dma_start3A_70 = tpu.memref_squeeze %dma_start3A_69 : memref<1x128xi32, #tpu.memory_space<vmem>> -> memref<128xi32, #tpu.memory_space<vmem>>
    %dma_start3A_71 = arith.constant 0 : i32
    %dma_start3A_72 = arith.constant 0 : i32
    %dma_start3A_73 = tpu.memref_slice %arg2[%dma_start3A_71, %dma_start3A_72] : memref<10000x64xf32, #tpu.memory_space<hbm>> -> memref<10000x64xf32, #tpu.memory_space<hbm>>
    tpu.enqueue_indirect_dma source(%dma_start3A_73 : memref<10000x64xf32, #tpu.memory_space<hbm>>) target(%arg15 : memref<128x64xf32, #tpu.memory_space<vmem>>) offsets(%dma_start3A_70 : memref<128xi32, #tpu.memory_space<vmem>>) semaphore(%arg24 : memref<!tpu.dma_semaphore, #tpu.memory_space<semaphore_mem>>)
    %dma_start3A_74 = arith.constant 7 : i32
    %dma_start3A_75 = arith.constant 0 : i32
    %dma_start3A_76 = tpu.memref_slice %arg7[%dma_start3A_74, %dma_start3A_75] : memref<80x128xi32, #tpu.memory_space<vmem>> -> memref<1x128xi32, #tpu.memory_space<vmem>>
    %dma_start3A_77 = tpu.memref_squeeze %dma_start3A_76 : memref<1x128xi32, #tpu.memory_space<vmem>> -> memref<128xi32, #tpu.memory_space<vmem>>
    %dma_start3A_78 = arith.constant 0 : i32
    %dma_start3A_79 = arith.constant 0 : i32
    %dma_start3A_80 = tpu.memref_slice %arg2[%dma_start3A_78, %dma_start3A_79] : memref<10000x64xf32, #tpu.memory_space<hbm>> -> memref<10000x64xf32, #tpu.memory_space<hbm>>
    tpu.enqueue_indirect_dma source(%dma_start3A_80 : memref<10000x64xf32, #tpu.memory_space<hbm>>) target(%arg16 : memref<128x64xf32, #tpu.memory_space<vmem>>) offsets(%dma_start3A_77 : memref<128xi32, #tpu.memory_space<vmem>>) semaphore(%arg25 : memref<!tpu.dma_semaphore, #tpu.memory_space<semaphore_mem>>)
    %mul3A_81 = arith.constant 640 : i32
    %mul3A_82 = arith.muli %arg1, %mul3A_81 : i32
    %mul3A_83 = arith.constant 640 : i32
    %mul3A_84 = arith.muli %arg1, %mul3A_83 : i32
    %dma_wait3A_85 = arith.constant 0 : i32
    %dma_wait3A_86 = tpu.memref_slice %arg17[%mul3A_84, %dma_wait3A_85] : memref<10240x64xf32, #tpu.memory_space<vmem_shared>> -> memref<640x64xf32, #tpu.memory_space<vmem_shared>>
    %dma_wait3A_87 = arith.constant 0 : i32
    %dma_wait3A_88 = tpu.memref_slice %arg5[%mul3A_82, %dma_wait3A_87] : memref<10240x64xf32, #tpu.memory_space<hbm>> -> memref<640x64xf32, #tpu.memory_space<hbm>>
    tpu.wait_dma2 semaphore(%arg34 : memref<!tpu.dma_semaphore, #tpu.memory_space<semaphore_mem>>) src(%dma_wait3A_88 : memref<640x64xf32, #tpu.memory_space<hbm>>) dst(%dma_wait3A_86 : memref<640x64xf32, #tpu.memory_space<vmem_shared>>)
    %barrier3A = arith.constant 0 : index
    tpu.barrier barrier_id(%barrier3A)
    %scan3A = arith.constant 0 : i32
    %scan3A_89 = arith.constant 10 : i32
    %scan3A_90 = arith.addi %scan3A, %scan3A_89 : i32
    %scan3A_91 = arith.constant 1 : i32
    scf.for %scan3A_154 = %scan3A to %scan3A_90 step %scan3A_91  : i32 {
      %mul3A_155 = arith.constant 8 : i32
      %mul3A_156 = arith.muli %scan3A_154, %mul3A_155 : i32
      %add3A_157 = arith.constant 0 : i32
      %add3A_158 = arith.addi %mul3A_156, %add3A_157 : i32
      %dma_wait3A_159 = arith.constant 0 : i32
      %dma_wait3A_160 = tpu.memref_slice %arg7[%add3A_158, %dma_wait3A_159] : memref<80x128xi32, #tpu.memory_space<vmem>> -> memref<1x128xi32, #tpu.memory_space<vmem>>
      %dma_wait3A_161 = tpu.memref_squeeze %dma_wait3A_160 : memref<1x128xi32, #tpu.memory_space<vmem>> -> memref<128xi32, #tpu.memory_space<vmem>>
      %dma_wait3A_162 = arith.constant 0 : i32
      %dma_wait3A_163 = arith.constant 0 : i32
      %dma_wait3A_164 = tpu.memref_slice %arg2[%dma_wait3A_162, %dma_wait3A_163] : memref<10000x64xf32, #tpu.memory_space<hbm>> -> memref<10000x64xf32, #tpu.memory_space<hbm>>
      tpu.wait_indirect_dma semaphore(%arg18 : memref<!tpu.dma_semaphore, #tpu.memory_space<semaphore_mem>>) src(%dma_wait3A_164 : memref<10000x64xf32, #tpu.memory_space<hbm>>) dst(%arg9 : memref<128x64xf32, #tpu.memory_space<vmem>>)
      %dma_start3A_165 = arith.constant 0 : i32
      %dma_start3A_166 = tpu.memref_slice %arg8[%add3A_158, %dma_start3A_165] : memref<80x128xi32, #tpu.memory_space<vmem>> -> memref<1x128xi32, #tpu.memory_space<vmem>>
      %dma_start3A_167 = tpu.memref_squeeze %dma_start3A_166 : memref<1x128xi32, #tpu.memory_space<vmem>> -> memref<128xi32, #tpu.memory_space<vmem>>
      %dma_start3A_168 = arith.constant 0 : i32
      %dma_start3A_169 = arith.constant 0 : i32
      %dma_start3A_170 = tpu.memref_slice %arg17[%dma_start3A_168, %dma_start3A_169] : memref<10240x64xf32, #tpu.memory_space<vmem_shared>> -> memref<10240x64xf32, #tpu.memory_space<vmem_shared>>
      tpu.enqueue_indirect_dma source(%arg9 : memref<128x64xf32, #tpu.memory_space<vmem>>) target(%dma_start3A_170 : memref<10240x64xf32, #tpu.memory_space<vmem_shared>>) offsets(%dma_start3A_167 : memref<128xi32, #tpu.memory_space<vmem>>) semaphore(%arg26 : memref<!tpu.dma_semaphore, #tpu.memory_space<semaphore_mem>>) {add = true}
      %mul3A_171 = arith.constant 8 : i32
      %mul3A_172 = arith.muli %scan3A_154, %mul3A_171 : i32
      %add3A_173 = arith.constant 1 : i32
      %add3A_174 = arith.addi %mul3A_172, %add3A_173 : i32
      %dma_wait3A_175 = arith.constant 0 : i32
      %dma_wait3A_176 = tpu.memref_slice %arg7[%add3A_174, %dma_wait3A_175] : memref<80x128xi32, #tpu.memory_space<vmem>> -> memref<1x128xi32, #tpu.memory_space<vmem>>
      %dma_wait3A_177 = tpu.memref_squeeze %dma_wait3A_176 : memref<1x128xi32, #tpu.memory_space<vmem>> -> memref<128xi32, #tpu.memory_space<vmem>>
      %dma_wait3A_178 = arith.constant 0 : i32
      %dma_wait3A_179 = arith.constant 0 : i32
      %dma_wait3A_180 = tpu.memref_slice %arg2[%dma_wait3A_178, %dma_wait3A_179] : memref<10000x64xf32, #tpu.memory_space<hbm>> -> memref<10000x64xf32, #tpu.memory_space<hbm>>
      tpu.wait_indirect_dma semaphore(%arg19 : memref<!tpu.dma_semaphore, #tpu.memory_space<semaphore_mem>>) src(%dma_wait3A_180 : memref<10000x64xf32, #tpu.memory_space<hbm>>) dst(%arg10 : memref<128x64xf32, #tpu.memory_space<vmem>>)
      %dma_start3A_181 = arith.constant 0 : i32
      %dma_start3A_182 = tpu.memref_slice %arg8[%add3A_174, %dma_start3A_181] : memref<80x128xi32, #tpu.memory_space<vmem>> -> memref<1x128xi32, #tpu.memory_space<vmem>>
      %dma_start3A_183 = tpu.memref_squeeze %dma_start3A_182 : memref<1x128xi32, #tpu.memory_space<vmem>> -> memref<128xi32, #tpu.memory_space<vmem>>
      %dma_start3A_184 = arith.constant 0 : i32
      %dma_start3A_185 = arith.constant 0 : i32
      %dma_start3A_186 = tpu.memref_slice %arg17[%dma_start3A_184, %dma_start3A_185] : memref<10240x64xf32, #tpu.memory_space<vmem_shared>> -> memref<10240x64xf32, #tpu.memory_space<vmem_shared>>
      tpu.enqueue_indirect_dma source(%arg10 : memref<128x64xf32, #tpu.memory_space<vmem>>) target(%dma_start3A_186 : memref<10240x64xf32, #tpu.memory_space<vmem_shared>>) offsets(%dma_start3A_183 : memref<128xi32, #tpu.memory_space<vmem>>) semaphore(%arg27 : memref<!tpu.dma_semaphore, #tpu.memory_space<semaphore_mem>>) {add = true}
      %mul3A_187 = arith.constant 8 : i32
      %mul3A_188 = arith.muli %scan3A_154, %mul3A_187 : i32
      %add3A_189 = arith.constant 2 : i32
      %add3A_190 = arith.addi %mul3A_188, %add3A_189 : i32
      %dma_wait3A_191 = arith.constant 0 : i32
      %dma_wait3A_192 = tpu.memref_slice %arg7[%add3A_190, %dma_wait3A_191] : memref<80x128xi32, #tpu.memory_space<vmem>> -> memref<1x128xi32, #tpu.memory_space<vmem>>
      %dma_wait3A_193 = tpu.memref_squeeze %dma_wait3A_192 : memref<1x128xi32, #tpu.memory_space<vmem>> -> memref<128xi32, #tpu.memory_space<vmem>>
      %dma_wait3A_194 = arith.constant 0 : i32
      %dma_wait3A_195 = arith.constant 0 : i32
      %dma_wait3A_196 = tpu.memref_slice %arg2[%dma_wait3A_194, %dma_wait3A_195] : memref<10000x64xf32, #tpu.memory_space<hbm>> -> memref<10000x64xf32, #tpu.memory_space<hbm>>
      tpu.wait_indirect_dma semaphore(%arg20 : memref<!tpu.dma_semaphore, #tpu.memory_space<semaphore_mem>>) src(%dma_wait3A_196 : memref<10000x64xf32, #tpu.memory_space<hbm>>) dst(%arg11 : memref<128x64xf32, #tpu.memory_space<vmem>>)
      %dma_start3A_197 = arith.constant 0 : i32
      %dma_start3A_198 = tpu.memref_slice %arg8[%add3A_190, %dma_start3A_197] : memref<80x128xi32, #tpu.memory_space<vmem>> -> memref<1x128xi32, #tpu.memory_space<vmem>>
      %dma_start3A_199 = tpu.memref_squeeze %dma_start3A_198 : memref<1x128xi32, #tpu.memory_space<vmem>> -> memref<128xi32, #tpu.memory_space<vmem>>
      %dma_start3A_200 = arith.constant 0 : i32
      %dma_start3A_201 = arith.constant 0 : i32
      %dma_start3A_202 = tpu.memref_slice %arg17[%dma_start3A_200, %dma_start3A_201] : memref<10240x64xf32, #tpu.memory_space<vmem_shared>> -> memref<10240x64xf32, #tpu.memory_space<vmem_shared>>
      tpu.enqueue_indirect_dma source(%arg11 : memref<128x64xf32, #tpu.memory_space<vmem>>) target(%dma_start3A_202 : memref<10240x64xf32, #tpu.memory_space<vmem_shared>>) offsets(%dma_start3A_199 : memref<128xi32, #tpu.memory_space<vmem>>) semaphore(%arg28 : memref<!tpu.dma_semaphore, #tpu.memory_space<semaphore_mem>>) {add = true}
      %mul3A_203 = arith.constant 8 : i32
      %mul3A_204 = arith.muli %scan3A_154, %mul3A_203 : i32
      %add3A_205 = arith.constant 3 : i32
      %add3A_206 = arith.addi %mul3A_204, %add3A_205 : i32
      %dma_wait3A_207 = arith.constant 0 : i32
      %dma_wait3A_208 = tpu.memref_slice %arg7[%add3A_206, %dma_wait3A_207] : memref<80x128xi32, #tpu.memory_space<vmem>> -> memref<1x128xi32, #tpu.memory_space<vmem>>
      %dma_wait3A_209 = tpu.memref_squeeze %dma_wait3A_208 : memref<1x128xi32, #tpu.memory_space<vmem>> -> memref<128xi32, #tpu.memory_space<vmem>>
      %dma_wait3A_210 = arith.constant 0 : i32
      %dma_wait3A_211 = arith.constant 0 : i32
      %dma_wait3A_212 = tpu.memref_slice %arg2[%dma_wait3A_210, %dma_wait3A_211] : memref<10000x64xf32, #tpu.memory_space<hbm>> -> memref<10000x64xf32, #tpu.memory_space<hbm>>
      tpu.wait_indirect_dma semaphore(%arg21 : memref<!tpu.dma_semaphore, #tpu.memory_space<semaphore_mem>>) src(%dma_wait3A_212 : memref<10000x64xf32, #tpu.memory_space<hbm>>) dst(%arg12 : memref<128x64xf32, #tpu.memory_space<vmem>>)
      %dma_start3A_213 = arith.constant 0 : i32
      %dma_start3A_214 = tpu.memref_slice %arg8[%add3A_206, %dma_start3A_213] : memref<80x128xi32, #tpu.memory_space<vmem>> -> memref<1x128xi32, #tpu.memory_space<vmem>>
      %dma_start3A_215 = tpu.memref_squeeze %dma_start3A_214 : memref<1x128xi32, #tpu.memory_space<vmem>> -> memref<128xi32, #tpu.memory_space<vmem>>
      %dma_start3A_216 = arith.constant 0 : i32
      %dma_start3A_217 = arith.constant 0 : i32
      %dma_start3A_218 = tpu.memref_slice %arg17[%dma_start3A_216, %dma_start3A_217] : memref<10240x64xf32, #tpu.memory_space<vmem_shared>> -> memref<10240x64xf32, #tpu.memory_space<vmem_shared>>
      tpu.enqueue_indirect_dma source(%arg12 : memref<128x64xf32, #tpu.memory_space<vmem>>) target(%dma_start3A_218 : memref<10240x64xf32, #tpu.memory_space<vmem_shared>>) offsets(%dma_start3A_215 : memref<128xi32, #tpu.memory_space<vmem>>) semaphore(%arg29 : memref<!tpu.dma_semaphore, #tpu.memory_space<semaphore_mem>>) {add = true}
      %mul3A_219 = arith.constant 8 : i32
      %mul3A_220 = arith.muli %scan3A_154, %mul3A_219 : i32
      %add3A_221 = arith.constant 4 : i32
      %add3A_222 = arith.addi %mul3A_220, %add3A_221 : i32
      %dma_wait3A_223 = arith.constant 0 : i32
      %dma_wait3A_224 = tpu.memref_slice %arg7[%add3A_222, %dma_wait3A_223] : memref<80x128xi32, #tpu.memory_space<vmem>> -> memref<1x128xi32, #tpu.memory_space<vmem>>
      %dma_wait3A_225 = tpu.memref_squeeze %dma_wait3A_224 : memref<1x128xi32, #tpu.memory_space<vmem>> -> memref<128xi32, #tpu.memory_space<vmem>>
      %dma_wait3A_226 = arith.constant 0 : i32
      %dma_wait3A_227 = arith.constant 0 : i32
      %dma_wait3A_228 = tpu.memref_slice %arg2[%dma_wait3A_226, %dma_wait3A_227] : memref<10000x64xf32, #tpu.memory_space<hbm>> -> memref<10000x64xf32, #tpu.memory_space<hbm>>
      tpu.wait_indirect_dma semaphore(%arg22 : memref<!tpu.dma_semaphore, #tpu.memory_space<semaphore_mem>>) src(%dma_wait3A_228 : memref<10000x64xf32, #tpu.memory_space<hbm>>) dst(%arg13 : memref<128x64xf32, #tpu.memory_space<vmem>>)
      %dma_start3A_229 = arith.constant 0 : i32
      %dma_start3A_230 = tpu.memref_slice %arg8[%add3A_222, %dma_start3A_229] : memref<80x128xi32, #tpu.memory_space<vmem>> -> memref<1x128xi32, #tpu.memory_space<vmem>>
      %dma_start3A_231 = tpu.memref_squeeze %dma_start3A_230 : memref<1x128xi32, #tpu.memory_space<vmem>> -> memref<128xi32, #tpu.memory_space<vmem>>
      %dma_start3A_232 = arith.constant 0 : i32
      %dma_start3A_233 = arith.constant 0 : i32
      %dma_start3A_234 = tpu.memref_slice %arg17[%dma_start3A_232, %dma_start3A_233] : memref<10240x64xf32, #tpu.memory_space<vmem_shared>> -> memref<10240x64xf32, #tpu.memory_space<vmem_shared>>
      tpu.enqueue_indirect_dma source(%arg13 : memref<128x64xf32, #tpu.memory_space<vmem>>) target(%dma_start3A_234 : memref<10240x64xf32, #tpu.memory_space<vmem_shared>>) offsets(%dma_start3A_231 : memref<128xi32, #tpu.memory_space<vmem>>) semaphore(%arg30 : memref<!tpu.dma_semaphore, #tpu.memory_space<semaphore_mem>>) {add = true}
      %mul3A_235 = arith.constant 8 : i32
      %mul3A_236 = arith.muli %scan3A_154, %mul3A_235 : i32
      %add3A_237 = arith.constant 5 : i32
      %add3A_238 = arith.addi %mul3A_236, %add3A_237 : i32
      %dma_wait3A_239 = arith.constant 0 : i32
      %dma_wait3A_240 = tpu.memref_slice %arg7[%add3A_238, %dma_wait3A_239] : memref<80x128xi32, #tpu.memory_space<vmem>> -> memref<1x128xi32, #tpu.memory_space<vmem>>
      %dma_wait3A_241 = tpu.memref_squeeze %dma_wait3A_240 : memref<1x128xi32, #tpu.memory_space<vmem>> -> memref<128xi32, #tpu.memory_space<vmem>>
      %dma_wait3A_242 = arith.constant 0 : i32
      %dma_wait3A_243 = arith.constant 0 : i32
      %dma_wait3A_244 = tpu.memref_slice %arg2[%dma_wait3A_242, %dma_wait3A_243] : memref<10000x64xf32, #tpu.memory_space<hbm>> -> memref<10000x64xf32, #tpu.memory_space<hbm>>
      tpu.wait_indirect_dma semaphore(%arg23 : memref<!tpu.dma_semaphore, #tpu.memory_space<semaphore_mem>>) src(%dma_wait3A_244 : memref<10000x64xf32, #tpu.memory_space<hbm>>) dst(%arg14 : memref<128x64xf32, #tpu.memory_space<vmem>>)
      %dma_start3A_245 = arith.constant 0 : i32
      %dma_start3A_246 = tpu.memref_slice %arg8[%add3A_238, %dma_start3A_245] : memref<80x128xi32, #tpu.memory_space<vmem>> -> memref<1x128xi32, #tpu.memory_space<vmem>>
      %dma_start3A_247 = tpu.memref_squeeze %dma_start3A_246 : memref<1x128xi32, #tpu.memory_space<vmem>> -> memref<128xi32, #tpu.memory_space<vmem>>
      %dma_start3A_248 = arith.constant 0 : i32
      %dma_start3A_249 = arith.constant 0 : i32
      %dma_start3A_250 = tpu.memref_slice %arg17[%dma_start3A_248, %dma_start3A_249] : memref<10240x64xf32, #tpu.memory_space<vmem_shared>> -> memref<10240x64xf32, #tpu.memory_space<vmem_shared>>
      tpu.enqueue_indirect_dma source(%arg14 : memref<128x64xf32, #tpu.memory_space<vmem>>) target(%dma_start3A_250 : memref<10240x64xf32, #tpu.memory_space<vmem_shared>>) offsets(%dma_start3A_247 : memref<128xi32, #tpu.memory_space<vmem>>) semaphore(%arg31 : memref<!tpu.dma_semaphore, #tpu.memory_space<semaphore_mem>>) {add = true}
      %mul3A_251 = arith.constant 8 : i32
      %mul3A_252 = arith.muli %scan3A_154, %mul3A_251 : i32
      %add3A_253 = arith.constant 6 : i32
      %add3A_254 = arith.addi %mul3A_252, %add3A_253 : i32
      %dma_wait3A_255 = arith.constant 0 : i32
      %dma_wait3A_256 = tpu.memref_slice %arg7[%add3A_254, %dma_wait3A_255] : memref<80x128xi32, #tpu.memory_space<vmem>> -> memref<1x128xi32, #tpu.memory_space<vmem>>
      %dma_wait3A_257 = tpu.memref_squeeze %dma_wait3A_256 : memref<1x128xi32, #tpu.memory_space<vmem>> -> memref<128xi32, #tpu.memory_space<vmem>>
      %dma_wait3A_258 = arith.constant 0 : i32
      %dma_wait3A_259 = arith.constant 0 : i32
      %dma_wait3A_260 = tpu.memref_slice %arg2[%dma_wait3A_258, %dma_wait3A_259] : memref<10000x64xf32, #tpu.memory_space<hbm>> -> memref<10000x64xf32, #tpu.memory_space<hbm>>
      tpu.wait_indirect_dma semaphore(%arg24 : memref<!tpu.dma_semaphore, #tpu.memory_space<semaphore_mem>>) src(%dma_wait3A_260 : memref<10000x64xf32, #tpu.memory_space<hbm>>) dst(%arg15 : memref<128x64xf32, #tpu.memory_space<vmem>>)
      %dma_start3A_261 = arith.constant 0 : i32
      %dma_start3A_262 = tpu.memref_slice %arg8[%add3A_254, %dma_start3A_261] : memref<80x128xi32, #tpu.memory_space<vmem>> -> memref<1x128xi32, #tpu.memory_space<vmem>>
      %dma_start3A_263 = tpu.memref_squeeze %dma_start3A_262 : memref<1x128xi32, #tpu.memory_space<vmem>> -> memref<128xi32, #tpu.memory_space<vmem>>
      %dma_start3A_264 = arith.constant 0 : i32
      %dma_start3A_265 = arith.constant 0 : i32
      %dma_start3A_266 = tpu.memref_slice %arg17[%dma_start3A_264, %dma_start3A_265] : memref<10240x64xf32, #tpu.memory_space<vmem_shared>> -> memref<10240x64xf32, #tpu.memory_space<vmem_shared>>
      tpu.enqueue_indirect_dma source(%arg15 : memref<128x64xf32, #tpu.memory_space<vmem>>) target(%dma_start3A_266 : memref<10240x64xf32, #tpu.memory_space<vmem_shared>>) offsets(%dma_start3A_263 : memref<128xi32, #tpu.memory_space<vmem>>) semaphore(%arg32 : memref<!tpu.dma_semaphore, #tpu.memory_space<semaphore_mem>>) {add = true}
      %mul3A_267 = arith.constant 8 : i32
      %mul3A_268 = arith.muli %scan3A_154, %mul3A_267 : i32
      %add3A_269 = arith.constant 7 : i32
      %add3A_270 = arith.addi %mul3A_268, %add3A_269 : i32
      %dma_wait3A_271 = arith.constant 0 : i32
      %dma_wait3A_272 = tpu.memref_slice %arg7[%add3A_270, %dma_wait3A_271] : memref<80x128xi32, #tpu.memory_space<vmem>> -> memref<1x128xi32, #tpu.memory_space<vmem>>
      %dma_wait3A_273 = tpu.memref_squeeze %dma_wait3A_272 : memref<1x128xi32, #tpu.memory_space<vmem>> -> memref<128xi32, #tpu.memory_space<vmem>>
      %dma_wait3A_274 = arith.constant 0 : i32
      %dma_wait3A_275 = arith.constant 0 : i32
      %dma_wait3A_276 = tpu.memref_slice %arg2[%dma_wait3A_274, %dma_wait3A_275] : memref<10000x64xf32, #tpu.memory_space<hbm>> -> memref<10000x64xf32, #tpu.memory_space<hbm>>
      tpu.wait_indirect_dma semaphore(%arg25 : memref<!tpu.dma_semaphore, #tpu.memory_space<semaphore_mem>>) src(%dma_wait3A_276 : memref<10000x64xf32, #tpu.memory_space<hbm>>) dst(%arg16 : memref<128x64xf32, #tpu.memory_space<vmem>>)
      %dma_start3A_277 = arith.constant 0 : i32
      %dma_start3A_278 = tpu.memref_slice %arg8[%add3A_270, %dma_start3A_277] : memref<80x128xi32, #tpu.memory_space<vmem>> -> memref<1x128xi32, #tpu.memory_space<vmem>>
      %dma_start3A_279 = tpu.memref_squeeze %dma_start3A_278 : memref<1x128xi32, #tpu.memory_space<vmem>> -> memref<128xi32, #tpu.memory_space<vmem>>
      %dma_start3A_280 = arith.constant 0 : i32
      %dma_start3A_281 = arith.constant 0 : i32
      %dma_start3A_282 = tpu.memref_slice %arg17[%dma_start3A_280, %dma_start3A_281] : memref<10240x64xf32, #tpu.memory_space<vmem_shared>> -> memref<10240x64xf32, #tpu.memory_space<vmem_shared>>
      tpu.enqueue_indirect_dma source(%arg16 : memref<128x64xf32, #tpu.memory_space<vmem>>) target(%dma_start3A_282 : memref<10240x64xf32, #tpu.memory_space<vmem_shared>>) offsets(%dma_start3A_279 : memref<128xi32, #tpu.memory_space<vmem>>) semaphore(%arg33 : memref<!tpu.dma_semaphore, #tpu.memory_space<semaphore_mem>>) {add = true}
      %lt3A = arith.constant 9 : i32
      %lt3A_283 = arith.cmpi slt, %scan3A_154, %lt3A : i32
      %convert_element_type3A = arith.extui %lt3A_283 : i1 to i32
      %cond3A = arith.constant 0 : i32
      %cond3A_284 = arith.cmpi ne, %convert_element_type3A, %cond3A : i32
      scf.if %cond3A_284 {
        %mul3A_285 = arith.constant 8 : i32
        %mul3A_286 = arith.muli %scan3A_154, %mul3A_285 : i32
        %add3A_287 = arith.constant 0 : i32
        %add3A_288 = arith.addi %mul3A_286, %add3A_287 : i32
        %dma_wait3A_289 = arith.constant 0 : i32
        %dma_wait3A_290 = tpu.memref_slice %arg8[%add3A_288, %dma_wait3A_289] : memref<80x128xi32, #tpu.memory_space<vmem>> -> memref<1x128xi32, #tpu.memory_space<vmem>>
        %dma_wait3A_291 = tpu.memref_squeeze %dma_wait3A_290 : memref<1x128xi32, #tpu.memory_space<vmem>> -> memref<128xi32, #tpu.memory_space<vmem>>
        %dma_wait3A_292 = arith.constant 0 : i32
        %dma_wait3A_293 = arith.constant 0 : i32
        %dma_wait3A_294 = tpu.memref_slice %arg17[%dma_wait3A_292, %dma_wait3A_293] : memref<10240x64xf32, #tpu.memory_space<vmem_shared>> -> memref<10240x64xf32, #tpu.memory_space<vmem_shared>>
        tpu.wait_indirect_dma semaphore(%arg26 : memref<!tpu.dma_semaphore, #tpu.memory_space<semaphore_mem>>) src(%arg9 : memref<128x64xf32, #tpu.memory_space<vmem>>) dst(%dma_wait3A_294 : memref<10240x64xf32, #tpu.memory_space<vmem_shared>>)
        %add3A_295 = arith.constant 8 : i32
        %add3A_296 = arith.addi %add3A_288, %add3A_295 : i32
        %dma_start3A_297 = arith.constant 0 : i32
        %dma_start3A_298 = tpu.memref_slice %arg7[%add3A_296, %dma_start3A_297] : memref<80x128xi32, #tpu.memory_space<vmem>> -> memref<1x128xi32, #tpu.memory_space<vmem>>
        %dma_start3A_299 = tpu.memref_squeeze %dma_start3A_298 : memref<1x128xi32, #tpu.memory_space<vmem>> -> memref<128xi32, #tpu.memory_space<vmem>>
        %dma_start3A_300 = arith.constant 0 : i32
        %dma_start3A_301 = arith.constant 0 : i32
        %dma_start3A_302 = tpu.memref_slice %arg2[%dma_start3A_300, %dma_start3A_301] : memref<10000x64xf32, #tpu.memory_space<hbm>> -> memref<10000x64xf32, #tpu.memory_space<hbm>>
        tpu.enqueue_indirect_dma source(%dma_start3A_302 : memref<10000x64xf32, #tpu.memory_space<hbm>>) target(%arg9 : memref<128x64xf32, #tpu.memory_space<vmem>>) offsets(%dma_start3A_299 : memref<128xi32, #tpu.memory_space<vmem>>) semaphore(%arg18 : memref<!tpu.dma_semaphore, #tpu.memory_space<semaphore_mem>>)
        %mul3A_303 = arith.constant 8 : i32
        %mul3A_304 = arith.muli %scan3A_154, %mul3A_303 : i32
        %add3A_305 = arith.constant 1 : i32
        %add3A_306 = arith.addi %mul3A_304, %add3A_305 : i32
        %dma_wait3A_307 = arith.constant 0 : i32
        %dma_wait3A_308 = tpu.memref_slice %arg8[%add3A_306, %dma_wait3A_307] : memref<80x128xi32, #tpu.memory_space<vmem>> -> memref<1x128xi32, #tpu.memory_space<vmem>>
        %dma_wait3A_309 = tpu.memref_squeeze %dma_wait3A_308 : memref<1x128xi32, #tpu.memory_space<vmem>> -> memref<128xi32, #tpu.memory_space<vmem>>
        %dma_wait3A_310 = arith.constant 0 : i32
        %dma_wait3A_311 = arith.constant 0 : i32
        %dma_wait3A_312 = tpu.memref_slice %arg17[%dma_wait3A_310, %dma_wait3A_311] : memref<10240x64xf32, #tpu.memory_space<vmem_shared>> -> memref<10240x64xf32, #tpu.memory_space<vmem_shared>>
        tpu.wait_indirect_dma semaphore(%arg27 : memref<!tpu.dma_semaphore, #tpu.memory_space<semaphore_mem>>) src(%arg10 : memref<128x64xf32, #tpu.memory_space<vmem>>) dst(%dma_wait3A_312 : memref<10240x64xf32, #tpu.memory_space<vmem_shared>>)
        %add3A_313 = arith.constant 8 : i32
        %add3A_314 = arith.addi %add3A_306, %add3A_313 : i32
        %dma_start3A_315 = arith.constant 0 : i32
        %dma_start3A_316 = tpu.memref_slice %arg7[%add3A_314, %dma_start3A_315] : memref<80x128xi32, #tpu.memory_space<vmem>> -> memref<1x128xi32, #tpu.memory_space<vmem>>
        %dma_start3A_317 = tpu.memref_squeeze %dma_start3A_316 : memref<1x128xi32, #tpu.memory_space<vmem>> -> memref<128xi32, #tpu.memory_space<vmem>>
        %dma_start3A_318 = arith.constant 0 : i32
        %dma_start3A_319 = arith.constant 0 : i32
        %dma_start3A_320 = tpu.memref_slice %arg2[%dma_start3A_318, %dma_start3A_319] : memref<10000x64xf32, #tpu.memory_space<hbm>> -> memref<10000x64xf32, #tpu.memory_space<hbm>>
        tpu.enqueue_indirect_dma source(%dma_start3A_320 : memref<10000x64xf32, #tpu.memory_space<hbm>>) target(%arg10 : memref<128x64xf32, #tpu.memory_space<vmem>>) offsets(%dma_start3A_317 : memref<128xi32, #tpu.memory_space<vmem>>) semaphore(%arg19 : memref<!tpu.dma_semaphore, #tpu.memory_space<semaphore_mem>>)
        %mul3A_321 = arith.constant 8 : i32
        %mul3A_322 = arith.muli %scan3A_154, %mul3A_321 : i32
        %add3A_323 = arith.constant 2 : i32
        %add3A_324 = arith.addi %mul3A_322, %add3A_323 : i32
        %dma_wait3A_325 = arith.constant 0 : i32
        %dma_wait3A_326 = tpu.memref_slice %arg8[%add3A_324, %dma_wait3A_325] : memref<80x128xi32, #tpu.memory_space<vmem>> -> memref<1x128xi32, #tpu.memory_space<vmem>>
        %dma_wait3A_327 = tpu.memref_squeeze %dma_wait3A_326 : memref<1x128xi32, #tpu.memory_space<vmem>> -> memref<128xi32, #tpu.memory_space<vmem>>
        %dma_wait3A_328 = arith.constant 0 : i32
        %dma_wait3A_329 = arith.constant 0 : i32
        %dma_wait3A_330 = tpu.memref_slice %arg17[%dma_wait3A_328, %dma_wait3A_329] : memref<10240x64xf32, #tpu.memory_space<vmem_shared>> -> memref<10240x64xf32, #tpu.memory_space<vmem_shared>>
        tpu.wait_indirect_dma semaphore(%arg28 : memref<!tpu.dma_semaphore, #tpu.memory_space<semaphore_mem>>) src(%arg11 : memref<128x64xf32, #tpu.memory_space<vmem>>) dst(%dma_wait3A_330 : memref<10240x64xf32, #tpu.memory_space<vmem_shared>>)
        %add3A_331 = arith.constant 8 : i32
        %add3A_332 = arith.addi %add3A_324, %add3A_331 : i32
        %dma_start3A_333 = arith.constant 0 : i32
        %dma_start3A_334 = tpu.memref_slice %arg7[%add3A_332, %dma_start3A_333] : memref<80x128xi32, #tpu.memory_space<vmem>> -> memref<1x128xi32, #tpu.memory_space<vmem>>
        %dma_start3A_335 = tpu.memref_squeeze %dma_start3A_334 : memref<1x128xi32, #tpu.memory_space<vmem>> -> memref<128xi32, #tpu.memory_space<vmem>>
        %dma_start3A_336 = arith.constant 0 : i32
        %dma_start3A_337 = arith.constant 0 : i32
        %dma_start3A_338 = tpu.memref_slice %arg2[%dma_start3A_336, %dma_start3A_337] : memref<10000x64xf32, #tpu.memory_space<hbm>> -> memref<10000x64xf32, #tpu.memory_space<hbm>>
        tpu.enqueue_indirect_dma source(%dma_start3A_338 : memref<10000x64xf32, #tpu.memory_space<hbm>>) target(%arg11 : memref<128x64xf32, #tpu.memory_space<vmem>>) offsets(%dma_start3A_335 : memref<128xi32, #tpu.memory_space<vmem>>) semaphore(%arg20 : memref<!tpu.dma_semaphore, #tpu.memory_space<semaphore_mem>>)
        %mul3A_339 = arith.constant 8 : i32
        %mul3A_340 = arith.muli %scan3A_154, %mul3A_339 : i32
        %add3A_341 = arith.constant 3 : i32
        %add3A_342 = arith.addi %mul3A_340, %add3A_341 : i32
        %dma_wait3A_343 = arith.constant 0 : i32
        %dma_wait3A_344 = tpu.memref_slice %arg8[%add3A_342, %dma_wait3A_343] : memref<80x128xi32, #tpu.memory_space<vmem>> -> memref<1x128xi32, #tpu.memory_space<vmem>>
        %dma_wait3A_345 = tpu.memref_squeeze %dma_wait3A_344 : memref<1x128xi32, #tpu.memory_space<vmem>> -> memref<128xi32, #tpu.memory_space<vmem>>
        %dma_wait3A_346 = arith.constant 0 : i32
        %dma_wait3A_347 = arith.constant 0 : i32
        %dma_wait3A_348 = tpu.memref_slice %arg17[%dma_wait3A_346, %dma_wait3A_347] : memref<10240x64xf32, #tpu.memory_space<vmem_shared>> -> memref<10240x64xf32, #tpu.memory_space<vmem_shared>>
        tpu.wait_indirect_dma semaphore(%arg29 : memref<!tpu.dma_semaphore, #tpu.memory_space<semaphore_mem>>) src(%arg12 : memref<128x64xf32, #tpu.memory_space<vmem>>) dst(%dma_wait3A_348 : memref<10240x64xf32, #tpu.memory_space<vmem_shared>>)
        %add3A_349 = arith.constant 8 : i32
        %add3A_350 = arith.addi %add3A_342, %add3A_349 : i32
        %dma_start3A_351 = arith.constant 0 : i32
        %dma_start3A_352 = tpu.memref_slice %arg7[%add3A_350, %dma_start3A_351] : memref<80x128xi32, #tpu.memory_space<vmem>> -> memref<1x128xi32, #tpu.memory_space<vmem>>
        %dma_start3A_353 = tpu.memref_squeeze %dma_start3A_352 : memref<1x128xi32, #tpu.memory_space<vmem>> -> memref<128xi32, #tpu.memory_space<vmem>>
        %dma_start3A_354 = arith.constant 0 : i32
        %dma_start3A_355 = arith.constant 0 : i32
        %dma_start3A_356 = tpu.memref_slice %arg2[%dma_start3A_354, %dma_start3A_355] : memref<10000x64xf32, #tpu.memory_space<hbm>> -> memref<10000x64xf32, #tpu.memory_space<hbm>>
        tpu.enqueue_indirect_dma source(%dma_start3A_356 : memref<10000x64xf32, #tpu.memory_space<hbm>>) target(%arg12 : memref<128x64xf32, #tpu.memory_space<vmem>>) offsets(%dma_start3A_353 : memref<128xi32, #tpu.memory_space<vmem>>) semaphore(%arg21 : memref<!tpu.dma_semaphore, #tpu.memory_space<semaphore_mem>>)
        %mul3A_357 = arith.constant 8 : i32
        %mul3A_358 = arith.muli %scan3A_154, %mul3A_357 : i32
        %add3A_359 = arith.constant 4 : i32
        %add3A_360 = arith.addi %mul3A_358, %add3A_359 : i32
        %dma_wait3A_361 = arith.constant 0 : i32
        %dma_wait3A_362 = tpu.memref_slice %arg8[%add3A_360, %dma_wait3A_361] : memref<80x128xi32, #tpu.memory_space<vmem>> -> memref<1x128xi32, #tpu.memory_space<vmem>>
        %dma_wait3A_363 = tpu.memref_squeeze %dma_wait3A_362 : memref<1x128xi32, #tpu.memory_space<vmem>> -> memref<128xi32, #tpu.memory_space<vmem>>
        %dma_wait3A_364 = arith.constant 0 : i32
        %dma_wait3A_365 = arith.constant 0 : i32
        %dma_wait3A_366 = tpu.memref_slice %arg17[%dma_wait3A_364, %dma_wait3A_365] : memref<10240x64xf32, #tpu.memory_space<vmem_shared>> -> memref<10240x64xf32, #tpu.memory_space<vmem_shared>>
        tpu.wait_indirect_dma semaphore(%arg30 : memref<!tpu.dma_semaphore, #tpu.memory_space<semaphore_mem>>) src(%arg13 : memref<128x64xf32, #tpu.memory_space<vmem>>) dst(%dma_wait3A_366 : memref<10240x64xf32, #tpu.memory_space<vmem_shared>>)
        %add3A_367 = arith.constant 8 : i32
        %add3A_368 = arith.addi %add3A_360, %add3A_367 : i32
        %dma_start3A_369 = arith.constant 0 : i32
        %dma_start3A_370 = tpu.memref_slice %arg7[%add3A_368, %dma_start3A_369] : memref<80x128xi32, #tpu.memory_space<vmem>> -> memref<1x128xi32, #tpu.memory_space<vmem>>
        %dma_start3A_371 = tpu.memref_squeeze %dma_start3A_370 : memref<1x128xi32, #tpu.memory_space<vmem>> -> memref<128xi32, #tpu.memory_space<vmem>>
        %dma_start3A_372 = arith.constant 0 : i32
        %dma_start3A_373 = arith.constant 0 : i32
        %dma_start3A_374 = tpu.memref_slice %arg2[%dma_start3A_372, %dma_start3A_373] : memref<10000x64xf32, #tpu.memory_space<hbm>> -> memref<10000x64xf32, #tpu.memory_space<hbm>>
        tpu.enqueue_indirect_dma source(%dma_start3A_374 : memref<10000x64xf32, #tpu.memory_space<hbm>>) target(%arg13 : memref<128x64xf32, #tpu.memory_space<vmem>>) offsets(%dma_start3A_371 : memref<128xi32, #tpu.memory_space<vmem>>) semaphore(%arg22 : memref<!tpu.dma_semaphore, #tpu.memory_space<semaphore_mem>>)
        %mul3A_375 = arith.constant 8 : i32
        %mul3A_376 = arith.muli %scan3A_154, %mul3A_375 : i32
        %add3A_377 = arith.constant 5 : i32
        %add3A_378 = arith.addi %mul3A_376, %add3A_377 : i32
        %dma_wait3A_379 = arith.constant 0 : i32
        %dma_wait3A_380 = tpu.memref_slice %arg8[%add3A_378, %dma_wait3A_379] : memref<80x128xi32, #tpu.memory_space<vmem>> -> memref<1x128xi32, #tpu.memory_space<vmem>>
        %dma_wait3A_381 = tpu.memref_squeeze %dma_wait3A_380 : memref<1x128xi32, #tpu.memory_space<vmem>> -> memref<128xi32, #tpu.memory_space<vmem>>
        %dma_wait3A_382 = arith.constant 0 : i32
        %dma_wait3A_383 = arith.constant 0 : i32
        %dma_wait3A_384 = tpu.memref_slice %arg17[%dma_wait3A_382, %dma_wait3A_383] : memref<10240x64xf32, #tpu.memory_space<vmem_shared>> -> memref<10240x64xf32, #tpu.memory_space<vmem_shared>>
        tpu.wait_indirect_dma semaphore(%arg31 : memref<!tpu.dma_semaphore, #tpu.memory_space<semaphore_mem>>) src(%arg14 : memref<128x64xf32, #tpu.memory_space<vmem>>) dst(%dma_wait3A_384 : memref<10240x64xf32, #tpu.memory_space<vmem_shared>>)
        %add3A_385 = arith.constant 8 : i32
        %add3A_386 = arith.addi %add3A_378, %add3A_385 : i32
        %dma_start3A_387 = arith.constant 0 : i32
        %dma_start3A_388 = tpu.memref_slice %arg7[%add3A_386, %dma_start3A_387] : memref<80x128xi32, #tpu.memory_space<vmem>> -> memref<1x128xi32, #tpu.memory_space<vmem>>
        %dma_start3A_389 = tpu.memref_squeeze %dma_start3A_388 : memref<1x128xi32, #tpu.memory_space<vmem>> -> memref<128xi32, #tpu.memory_space<vmem>>
        %dma_start3A_390 = arith.constant 0 : i32
        %dma_start3A_391 = arith.constant 0 : i32
        %dma_start3A_392 = tpu.memref_slice %arg2[%dma_start3A_390, %dma_start3A_391] : memref<10000x64xf32, #tpu.memory_space<hbm>> -> memref<10000x64xf32, #tpu.memory_space<hbm>>
        tpu.enqueue_indirect_dma source(%dma_start3A_392 : memref<10000x64xf32, #tpu.memory_space<hbm>>) target(%arg14 : memref<128x64xf32, #tpu.memory_space<vmem>>) offsets(%dma_start3A_389 : memref<128xi32, #tpu.memory_space<vmem>>) semaphore(%arg23 : memref<!tpu.dma_semaphore, #tpu.memory_space<semaphore_mem>>)
        %mul3A_393 = arith.constant 8 : i32
        %mul3A_394 = arith.muli %scan3A_154, %mul3A_393 : i32
        %add3A_395 = arith.constant 6 : i32
        %add3A_396 = arith.addi %mul3A_394, %add3A_395 : i32
        %dma_wait3A_397 = arith.constant 0 : i32
        %dma_wait3A_398 = tpu.memref_slice %arg8[%add3A_396, %dma_wait3A_397] : memref<80x128xi32, #tpu.memory_space<vmem>> -> memref<1x128xi32, #tpu.memory_space<vmem>>
        %dma_wait3A_399 = tpu.memref_squeeze %dma_wait3A_398 : memref<1x128xi32, #tpu.memory_space<vmem>> -> memref<128xi32, #tpu.memory_space<vmem>>
        %dma_wait3A_400 = arith.constant 0 : i32
        %dma_wait3A_401 = arith.constant 0 : i32
        %dma_wait3A_402 = tpu.memref_slice %arg17[%dma_wait3A_400, %dma_wait3A_401] : memref<10240x64xf32, #tpu.memory_space<vmem_shared>> -> memref<10240x64xf32, #tpu.memory_space<vmem_shared>>
        tpu.wait_indirect_dma semaphore(%arg32 : memref<!tpu.dma_semaphore, #tpu.memory_space<semaphore_mem>>) src(%arg15 : memref<128x64xf32, #tpu.memory_space<vmem>>) dst(%dma_wait3A_402 : memref<10240x64xf32, #tpu.memory_space<vmem_shared>>)
        %add3A_403 = arith.constant 8 : i32
        %add3A_404 = arith.addi %add3A_396, %add3A_403 : i32
        %dma_start3A_405 = arith.constant 0 : i32
        %dma_start3A_406 = tpu.memref_slice %arg7[%add3A_404, %dma_start3A_405] : memref<80x128xi32, #tpu.memory_space<vmem>> -> memref<1x128xi32, #tpu.memory_space<vmem>>
        %dma_start3A_407 = tpu.memref_squeeze %dma_start3A_406 : memref<1x128xi32, #tpu.memory_space<vmem>> -> memref<128xi32, #tpu.memory_space<vmem>>
        %dma_start3A_408 = arith.constant 0 : i32
        %dma_start3A_409 = arith.constant 0 : i32
        %dma_start3A_410 = tpu.memref_slice %arg2[%dma_start3A_408, %dma_start3A_409] : memref<10000x64xf32, #tpu.memory_space<hbm>> -> memref<10000x64xf32, #tpu.memory_space<hbm>>
        tpu.enqueue_indirect_dma source(%dma_start3A_410 : memref<10000x64xf32, #tpu.memory_space<hbm>>) target(%arg15 : memref<128x64xf32, #tpu.memory_space<vmem>>) offsets(%dma_start3A_407 : memref<128xi32, #tpu.memory_space<vmem>>) semaphore(%arg24 : memref<!tpu.dma_semaphore, #tpu.memory_space<semaphore_mem>>)
        %mul3A_411 = arith.constant 8 : i32
        %mul3A_412 = arith.muli %scan3A_154, %mul3A_411 : i32
        %add3A_413 = arith.constant 7 : i32
        %add3A_414 = arith.addi %mul3A_412, %add3A_413 : i32
        %dma_wait3A_415 = arith.constant 0 : i32
        %dma_wait3A_416 = tpu.memref_slice %arg8[%add3A_414, %dma_wait3A_415] : memref<80x128xi32, #tpu.memory_space<vmem>> -> memref<1x128xi32, #tpu.memory_space<vmem>>
        %dma_wait3A_417 = tpu.memref_squeeze %dma_wait3A_416 : memref<1x128xi32, #tpu.memory_space<vmem>> -> memref<128xi32, #tpu.memory_space<vmem>>
        %dma_wait3A_418 = arith.constant 0 : i32
        %dma_wait3A_419 = arith.constant 0 : i32
        %dma_wait3A_420 = tpu.memref_slice %arg17[%dma_wait3A_418, %dma_wait3A_419] : memref<10240x64xf32, #tpu.memory_space<vmem_shared>> -> memref<10240x64xf32, #tpu.memory_space<vmem_shared>>
        tpu.wait_indirect_dma semaphore(%arg33 : memref<!tpu.dma_semaphore, #tpu.memory_space<semaphore_mem>>) src(%arg16 : memref<128x64xf32, #tpu.memory_space<vmem>>) dst(%dma_wait3A_420 : memref<10240x64xf32, #tpu.memory_space<vmem_shared>>)
        %add3A_421 = arith.constant 8 : i32
        %add3A_422 = arith.addi %add3A_414, %add3A_421 : i32
        %dma_start3A_423 = arith.constant 0 : i32
        %dma_start3A_424 = tpu.memref_slice %arg7[%add3A_422, %dma_start3A_423] : memref<80x128xi32, #tpu.memory_space<vmem>> -> memref<1x128xi32, #tpu.memory_space<vmem>>
        %dma_start3A_425 = tpu.memref_squeeze %dma_start3A_424 : memref<1x128xi32, #tpu.memory_space<vmem>> -> memref<128xi32, #tpu.memory_space<vmem>>
        %dma_start3A_426 = arith.constant 0 : i32
        %dma_start3A_427 = arith.constant 0 : i32
        %dma_start3A_428 = tpu.memref_slice %arg2[%dma_start3A_426, %dma_start3A_427] : memref<10000x64xf32, #tpu.memory_space<hbm>> -> memref<10000x64xf32, #tpu.memory_space<hbm>>
        tpu.enqueue_indirect_dma source(%dma_start3A_428 : memref<10000x64xf32, #tpu.memory_space<hbm>>) target(%arg16 : memref<128x64xf32, #tpu.memory_space<vmem>>) offsets(%dma_start3A_425 : memref<128xi32, #tpu.memory_space<vmem>>) semaphore(%arg25 : memref<!tpu.dma_semaphore, #tpu.memory_space<semaphore_mem>>)
      } else {
      }
    }
    %scan3A_92 = arith.constant 10 : i32
    %dma_wait3A_93 = arith.constant 0 : i32
    %dma_wait3A_94 = arith.constant 0 : i32
    %dma_wait3A_95 = tpu.memref_slice %arg8[%dma_wait3A_93, %dma_wait3A_94] : memref<80x128xi32, #tpu.memory_space<vmem>> -> memref<1x128xi32, #tpu.memory_space<vmem>>
    %dma_wait3A_96 = tpu.memref_squeeze %dma_wait3A_95 : memref<1x128xi32, #tpu.memory_space<vmem>> -> memref<128xi32, #tpu.memory_space<vmem>>
    %dma_wait3A_97 = arith.constant 0 : i32
    %dma_wait3A_98 = arith.constant 0 : i32
    %dma_wait3A_99 = tpu.memref_slice %arg17[%dma_wait3A_97, %dma_wait3A_98] : memref<10240x64xf32, #tpu.memory_space<vmem_shared>> -> memref<10240x64xf32, #tpu.memory_space<vmem_shared>>
    tpu.wait_indirect_dma semaphore(%arg26 : memref<!tpu.dma_semaphore, #tpu.memory_space<semaphore_mem>>) src(%arg9 : memref<128x64xf32, #tpu.memory_space<vmem>>) dst(%dma_wait3A_99 : memref<10240x64xf32, #tpu.memory_space<vmem_shared>>)
    %dma_wait3A_100 = arith.constant 0 : i32
    %dma_wait3A_101 = arith.constant 0 : i32
    %dma_wait3A_102 = tpu.memref_slice %arg8[%dma_wait3A_100, %dma_wait3A_101] : memref<80x128xi32, #tpu.memory_space<vmem>> -> memref<1x128xi32, #tpu.memory_space<vmem>>
    %dma_wait3A_103 = tpu.memref_squeeze %dma_wait3A_102 : memref<1x128xi32, #tpu.memory_space<vmem>> -> memref<128xi32, #tpu.memory_space<vmem>>
    %dma_wait3A_104 = arith.constant 0 : i32
    %dma_wait3A_105 = arith.constant 0 : i32
    %dma_wait3A_106 = tpu.memref_slice %arg17[%dma_wait3A_104, %dma_wait3A_105] : memref<10240x64xf32, #tpu.memory_space<vmem_shared>> -> memref<10240x64xf32, #tpu.memory_space<vmem_shared>>
    tpu.wait_indirect_dma semaphore(%arg27 : memref<!tpu.dma_semaphore, #tpu.memory_space<semaphore_mem>>) src(%arg10 : memref<128x64xf32, #tpu.memory_space<vmem>>) dst(%dma_wait3A_106 : memref<10240x64xf32, #tpu.memory_space<vmem_shared>>)
    %dma_wait3A_107 = arith.constant 0 : i32
    %dma_wait3A_108 = arith.constant 0 : i32
    %dma_wait3A_109 = tpu.memref_slice %arg8[%dma_wait3A_107, %dma_wait3A_108] : memref<80x128xi32, #tpu.memory_space<vmem>> -> memref<1x128xi32, #tpu.memory_space<vmem>>
    %dma_wait3A_110 = tpu.memref_squeeze %dma_wait3A_109 : memref<1x128xi32, #tpu.memory_space<vmem>> -> memref<128xi32, #tpu.memory_space<vmem>>
    %dma_wait3A_111 = arith.constant 0 : i32
    %dma_wait3A_112 = arith.constant 0 : i32
    %dma_wait3A_113 = tpu.memref_slice %arg17[%dma_wait3A_111, %dma_wait3A_112] : memref<10240x64xf32, #tpu.memory_space<vmem_shared>> -> memref<10240x64xf32, #tpu.memory_space<vmem_shared>>
    tpu.wait_indirect_dma semaphore(%arg28 : memref<!tpu.dma_semaphore, #tpu.memory_space<semaphore_mem>>) src(%arg11 : memref<128x64xf32, #tpu.memory_space<vmem>>) dst(%dma_wait3A_113 : memref<10240x64xf32, #tpu.memory_space<vmem_shared>>)
    %dma_wait3A_114 = arith.constant 0 : i32
    %dma_wait3A_115 = arith.constant 0 : i32
    %dma_wait3A_116 = tpu.memref_slice %arg8[%dma_wait3A_114, %dma_wait3A_115] : memref<80x128xi32, #tpu.memory_space<vmem>> -> memref<1x128xi32, #tpu.memory_space<vmem>>
    %dma_wait3A_117 = tpu.memref_squeeze %dma_wait3A_116 : memref<1x128xi32, #tpu.memory_space<vmem>> -> memref<128xi32, #tpu.memory_space<vmem>>
    %dma_wait3A_118 = arith.constant 0 : i32
    %dma_wait3A_119 = arith.constant 0 : i32
    %dma_wait3A_120 = tpu.memref_slice %arg17[%dma_wait3A_118, %dma_wait3A_119] : memref<10240x64xf32, #tpu.memory_space<vmem_shared>> -> memref<10240x64xf32, #tpu.memory_space<vmem_shared>>
    tpu.wait_indirect_dma semaphore(%arg29 : memref<!tpu.dma_semaphore, #tpu.memory_space<semaphore_mem>>) src(%arg12 : memref<128x64xf32, #tpu.memory_space<vmem>>) dst(%dma_wait3A_120 : memref<10240x64xf32, #tpu.memory_space<vmem_shared>>)
    %dma_wait3A_121 = arith.constant 0 : i32
    %dma_wait3A_122 = arith.constant 0 : i32
    %dma_wait3A_123 = tpu.memref_slice %arg8[%dma_wait3A_121, %dma_wait3A_122] : memref<80x128xi32, #tpu.memory_space<vmem>> -> memref<1x128xi32, #tpu.memory_space<vmem>>
    %dma_wait3A_124 = tpu.memref_squeeze %dma_wait3A_123 : memref<1x128xi32, #tpu.memory_space<vmem>> -> memref<128xi32, #tpu.memory_space<vmem>>
    %dma_wait3A_125 = arith.constant 0 : i32
    %dma_wait3A_126 = arith.constant 0 : i32
    %dma_wait3A_127 = tpu.memref_slice %arg17[%dma_wait3A_125, %dma_wait3A_126] : memref<10240x64xf32, #tpu.memory_space<vmem_shared>> -> memref<10240x64xf32, #tpu.memory_space<vmem_shared>>
    tpu.wait_indirect_dma semaphore(%arg30 : memref<!tpu.dma_semaphore, #tpu.memory_space<semaphore_mem>>) src(%arg13 : memref<128x64xf32, #tpu.memory_space<vmem>>) dst(%dma_wait3A_127 : memref<10240x64xf32, #tpu.memory_space<vmem_shared>>)
    %dma_wait3A_128 = arith.constant 0 : i32
    %dma_wait3A_129 = arith.constant 0 : i32
    %dma_wait3A_130 = tpu.memref_slice %arg8[%dma_wait3A_128, %dma_wait3A_129] : memref<80x128xi32, #tpu.memory_space<vmem>> -> memref<1x128xi32, #tpu.memory_space<vmem>>
    %dma_wait3A_131 = tpu.memref_squeeze %dma_wait3A_130 : memref<1x128xi32, #tpu.memory_space<vmem>> -> memref<128xi32, #tpu.memory_space<vmem>>
    %dma_wait3A_132 = arith.constant 0 : i32
    %dma_wait3A_133 = arith.constant 0 : i32
    %dma_wait3A_134 = tpu.memref_slice %arg17[%dma_wait3A_132, %dma_wait3A_133] : memref<10240x64xf32, #tpu.memory_space<vmem_shared>> -> memref<10240x64xf32, #tpu.memory_space<vmem_shared>>
    tpu.wait_indirect_dma semaphore(%arg31 : memref<!tpu.dma_semaphore, #tpu.memory_space<semaphore_mem>>) src(%arg14 : memref<128x64xf32, #tpu.memory_space<vmem>>) dst(%dma_wait3A_134 : memref<10240x64xf32, #tpu.memory_space<vmem_shared>>)
    %dma_wait3A_135 = arith.constant 0 : i32
    %dma_wait3A_136 = arith.constant 0 : i32
    %dma_wait3A_137 = tpu.memref_slice %arg8[%dma_wait3A_135, %dma_wait3A_136] : memref<80x128xi32, #tpu.memory_space<vmem>> -> memref<1x128xi32, #tpu.memory_space<vmem>>
    %dma_wait3A_138 = tpu.memref_squeeze %dma_wait3A_137 : memref<1x128xi32, #tpu.memory_space<vmem>> -> memref<128xi32, #tpu.memory_space<vmem>>
    %dma_wait3A_139 = arith.constant 0 : i32
    %dma_wait3A_140 = arith.constant 0 : i32
    %dma_wait3A_141 = tpu.memref_slice %arg17[%dma_wait3A_139, %dma_wait3A_140] : memref<10240x64xf32, #tpu.memory_space<vmem_shared>> -> memref<10240x64xf32, #tpu.memory_space<vmem_shared>>
    tpu.wait_indirect_dma semaphore(%arg32 : memref<!tpu.dma_semaphore, #tpu.memory_space<semaphore_mem>>) src(%arg15 : memref<128x64xf32, #tpu.memory_space<vmem>>) dst(%dma_wait3A_141 : memref<10240x64xf32, #tpu.memory_space<vmem_shared>>)
    %dma_wait3A_142 = arith.constant 0 : i32
    %dma_wait3A_143 = arith.constant 0 : i32
    %dma_wait3A_144 = tpu.memref_slice %arg8[%dma_wait3A_142, %dma_wait3A_143] : memref<80x128xi32, #tpu.memory_space<vmem>> -> memref<1x128xi32, #tpu.memory_space<vmem>>
    %dma_wait3A_145 = tpu.memref_squeeze %dma_wait3A_144 : memref<1x128xi32, #tpu.memory_space<vmem>> -> memref<128xi32, #tpu.memory_space<vmem>>
    %dma_wait3A_146 = arith.constant 0 : i32
    %dma_wait3A_147 = arith.constant 0 : i32
    %dma_wait3A_148 = tpu.memref_slice %arg17[%dma_wait3A_146, %dma_wait3A_147] : memref<10240x64xf32, #tpu.memory_space<vmem_shared>> -> memref<10240x64xf32, #tpu.memory_space<vmem_shared>>
    tpu.wait_indirect_dma semaphore(%arg33 : memref<!tpu.dma_semaphore, #tpu.memory_space<semaphore_mem>>) src(%arg16 : memref<128x64xf32, #tpu.memory_space<vmem>>) dst(%dma_wait3A_148 : memref<10240x64xf32, #tpu.memory_space<vmem_shared>>)
    %barrier3A_149 = arith.constant 0 : index
    tpu.barrier barrier_id(%barrier3A_149)
    %mul3A_150 = arith.constant 640 : i32
    %mul3A_151 = arith.muli %arg1, %mul3A_150 : i32
    %mul3A_152 = arith.constant 640 : i32
    %mul3A_153 = arith.muli %arg1, %mul3A_152 : i32
    "tpu.region"() ({
      %run_scoped3A = tpu.sem_alloc : memref<!tpu.dma_semaphore, #tpu.memory_space<semaphore_mem>>
      %dma_start3A_154 = arith.constant 0 : i32
      %dma_start3A_155 = tpu.memref_slice %arg6[%arg0, %mul3A_153, %dma_start3A_154] : memref<2x10240x64xf32, #tpu.memory_space<hbm>> -> memref<1x640x64xf32, #tpu.memory_space<hbm>>
      %dma_start3A_156 = tpu.memref_squeeze %dma_start3A_155 : memref<1x640x64xf32, #tpu.memory_space<hbm>> -> memref<640x64xf32, #tpu.memory_space<hbm>>
      %dma_start3A_157 = arith.constant 0 : i32
      %dma_start3A_158 = tpu.memref_slice %arg17[%mul3A_151, %dma_start3A_157] : memref<10240x64xf32, #tpu.memory_space<vmem_shared>> -> memref<640x64xf32, #tpu.memory_space<vmem_shared>>
      tpu.enqueue_dma source(%dma_start3A_158 : memref<640x64xf32, #tpu.memory_space<vmem_shared>>) target(%dma_start3A_156 : memref<640x64xf32, #tpu.memory_space<hbm>>) target_semaphore(%run_scoped3A : memref<!tpu.dma_semaphore, #tpu.memory_space<semaphore_mem>>)
      %dma_wait3A_159 = arith.constant 0 : i32
      %dma_wait3A_160 = tpu.memref_slice %arg6[%arg0, %mul3A_153, %dma_wait3A_159] : memref<2x10240x64xf32, #tpu.memory_space<hbm>> -> memref<1x640x64xf32, #tpu.memory_space<hbm>>
      %dma_wait3A_161 = tpu.memref_squeeze %dma_wait3A_160 : memref<1x640x64xf32, #tpu.memory_space<hbm>> -> memref<640x64xf32, #tpu.memory_space<hbm>>
      %dma_wait3A_162 = arith.constant 0 : i32
      %dma_wait3A_163 = tpu.memref_slice %arg17[%mul3A_151, %dma_wait3A_162] : memref<10240x64xf32, #tpu.memory_space<vmem_shared>> -> memref<640x64xf32, #tpu.memory_space<vmem_shared>>
      tpu.wait_dma2 semaphore(%run_scoped3A : memref<!tpu.dma_semaphore, #tpu.memory_space<semaphore_mem>>) src(%dma_wait3A_163 : memref<640x64xf32, #tpu.memory_space<vmem_shared>>) dst(%dma_wait3A_161 : memref<640x64xf32, #tpu.memory_space<hbm>>)
      tpu.yield
    }) : () -> ()
    return
  }
}

#map = affine_map<(d0, d1) -> (0, 0)>
#map1 = affine_map<(d0, d1) -> (0, 0, 0)>
module attributes {stable_mosaic.version = 14 : i64} {
  func.func @_sc_propagate(%arg0: i32, %arg1: i32, %arg2: memref<10000x64xf32, #tpu.memory_space<hbm>>, %arg3: memref<2560x128xi32, #tpu.memory_space<hbm>>, %arg4: memref<2560x128xi32, #tpu.memory_space<hbm>>, %arg5: memref<10240x64xf32, #tpu.memory_space<hbm>>, %arg6: memref<2x10240x64xf32, #tpu.memory_space<hbm>>, %arg7: memref<80x128xi32, #tpu.memory_space<vmem>>, %arg8: memref<80x128xi32, #tpu.memory_space<vmem>>, %arg9: memref<128x64xf32, #tpu.memory_space<vmem>>, %arg10: memref<128x64xf32, #tpu.memory_space<vmem>>, %arg11: memref<128x64xf32, #tpu.memory_space<vmem>>, %arg12: memref<128x64xf32, #tpu.memory_space<vmem>>, %arg13: memref<128x64xf32, #tpu.memory_space<vmem>>, %arg14: memref<128x64xf32, #tpu.memory_space<vmem>>, %arg15: memref<128x64xf32, #tpu.memory_space<vmem>>, %arg16: memref<128x64xf32, #tpu.memory_space<vmem>>, %arg17: memref<10240x64xf32, #tpu.memory_space<vmem_shared>>, %arg18: memref<!tpu.dma_semaphore, #tpu.memory_space<semaphore_mem>>, %arg19: memref<!tpu.dma_semaphore, #tpu.memory_space<semaphore_mem>>, %arg20: memref<!tpu.dma_semaphore, #tpu.memory_space<semaphore_mem>>, %arg21: memref<!tpu.dma_semaphore, #tpu.memory_space<semaphore_mem>>, %arg22: memref<!tpu.dma_semaphore, #tpu.memory_space<semaphore_mem>>, %arg23: memref<!tpu.dma_semaphore, #tpu.memory_space<semaphore_mem>>, %arg24: memref<!tpu.dma_semaphore, #tpu.memory_space<semaphore_mem>>, %arg25: memref<!tpu.dma_semaphore, #tpu.memory_space<semaphore_mem>>, %arg26: memref<!tpu.dma_semaphore, #tpu.memory_space<semaphore_mem>>, %arg27: memref<!tpu.dma_semaphore, #tpu.memory_space<semaphore_mem>>, %arg28: memref<!tpu.dma_semaphore, #tpu.memory_space<semaphore_mem>>, %arg29: memref<!tpu.dma_semaphore, #tpu.memory_space<semaphore_mem>>, %arg30: memref<!tpu.dma_semaphore, #tpu.memory_space<semaphore_mem>>, %arg31: memref<!tpu.dma_semaphore, #tpu.memory_space<semaphore_mem>>, %arg32: memref<!tpu.dma_semaphore, #tpu.memory_space<semaphore_mem>>, %arg33: memref<!tpu.dma_semaphore, #tpu.memory_space<semaphore_mem>>, %arg34: memref<!tpu.dma_semaphore, #tpu.memory_space<semaphore_mem>>, %arg35: memref<!tpu.dma_semaphore, #tpu.memory_space<semaphore_mem>>) attributes {dimension_semantics = [#tpu.dimension_semantics<core_parallel>, #tpu.dimension_semantics<subcore_parallel>], iteration_bounds = array<i64: 2, 16>, scalar_prefetch = 0 : i64, scratch_operands = 29 : i64, tpu.core_type = #tpu.core_type<sc_vector_subcore>, window_params = [{transform_indices = #map}, {transform_indices = #map}, {transform_indices = #map}, {transform_indices = #map}, {transform_indices = #map1}]} {
    %mul3A = arith.constant 16 : i32
    %mul3A_0 = arith.muli %arg0, %mul3A : i32
    %add3A = arith.addi %mul3A_0, %arg1 : i32
    %mul3A_1 = arith.constant 80 : i32
    %mul3A_2 = arith.muli %add3A, %mul3A_1 : i32
    %mul3A_3 = arith.constant 640 : i32
    %mul3A_4 = arith.muli %arg1, %mul3A_3 : i32
    %mul3A_5 = arith.constant 640 : i32
    %mul3A_6 = arith.muli %arg1, %mul3A_5 : i32
    %dma_start3A = arith.constant 0 : i32
    %dma_start3A_7 = tpu.memref_slice %arg17[%mul3A_6, %dma_start3A] : memref<10240x64xf32, #tpu.memory_space<vmem_shared>> -> memref<640x64xf32, #tpu.memory_space<vmem_shared>>
    %dma_start3A_8 = arith.constant 0 : i32
    %dma_start3A_9 = tpu.memref_slice %arg5[%mul3A_4, %dma_start3A_8] : memref<10240x64xf32, #tpu.memory_space<hbm>> -> memref<640x64xf32, #tpu.memory_space<hbm>>
    tpu.enqueue_dma source(%dma_start3A_9 : memref<640x64xf32, #tpu.memory_space<hbm>>) target(%dma_start3A_7 : memref<640x64xf32, #tpu.memory_space<vmem_shared>>) target_semaphore(%arg34 : memref<!tpu.dma_semaphore, #tpu.memory_space<semaphore_mem>>)
    %dma_start3A_10 = arith.constant 0 : i32
    %dma_start3A_11 = tpu.memref_slice %arg3[%mul3A_2, %dma_start3A_10] : memref<2560x128xi32, #tpu.memory_space<hbm>> -> memref<80x128xi32, #tpu.memory_space<hbm>>
    %dma_start3A_12 = arith.constant 0 : i32
    %dma_start3A_13 = tpu.memref_slice %arg3[%mul3A_2, %dma_start3A_12] : memref<2560x128xi32, #tpu.memory_space<hbm>> -> memref<80x128xi32, #tpu.memory_space<hbm>>
    tpu.enqueue_dma source(%dma_start3A_13 : memref<80x128xi32, #tpu.memory_space<hbm>>) target(%arg7 : memref<80x128xi32, #tpu.memory_space<vmem>>) target_semaphore(%arg35 : memref<!tpu.dma_semaphore, #tpu.memory_space<semaphore_mem>>)
    %dma_start3A_14 = arith.constant 0 : i32
    %dma_start3A_15 = tpu.memref_slice %arg4[%mul3A_2, %dma_start3A_14] : memref<2560x128xi32, #tpu.memory_space<hbm>> -> memref<80x128xi32, #tpu.memory_space<hbm>>
    %dma_start3A_16 = arith.constant 0 : i32
    %dma_start3A_17 = tpu.memref_slice %arg4[%mul3A_2, %dma_start3A_16] : memref<2560x128xi32, #tpu.memory_space<hbm>> -> memref<80x128xi32, #tpu.memory_space<hbm>>
    tpu.enqueue_dma source(%dma_start3A_17 : memref<80x128xi32, #tpu.memory_space<hbm>>) target(%arg8 : memref<80x128xi32, #tpu.memory_space<vmem>>) target_semaphore(%arg35 : memref<!tpu.dma_semaphore, #tpu.memory_space<semaphore_mem>>)
    %dma_wait3A = arith.constant 0 : i32
    %dma_wait3A_18 = tpu.memref_slice %arg3[%mul3A_2, %dma_wait3A] : memref<2560x128xi32, #tpu.memory_space<hbm>> -> memref<80x128xi32, #tpu.memory_space<hbm>>
    %dma_wait3A_19 = arith.constant 0 : i32
    %dma_wait3A_20 = tpu.memref_slice %arg3[%mul3A_2, %dma_wait3A_19] : memref<2560x128xi32, #tpu.memory_space<hbm>> -> memref<80x128xi32, #tpu.memory_space<hbm>>
    tpu.wait_dma2 semaphore(%arg35 : memref<!tpu.dma_semaphore, #tpu.memory_space<semaphore_mem>>) src(%dma_wait3A_20 : memref<80x128xi32, #tpu.memory_space<hbm>>) dst(%arg7 : memref<80x128xi32, #tpu.memory_space<vmem>>)
    %dma_wait3A_21 = arith.constant 0 : i32
    %dma_wait3A_22 = tpu.memref_slice %arg4[%mul3A_2, %dma_wait3A_21] : memref<2560x128xi32, #tpu.memory_space<hbm>> -> memref<80x128xi32, #tpu.memory_space<hbm>>
    %dma_wait3A_23 = arith.constant 0 : i32
    %dma_wait3A_24 = tpu.memref_slice %arg4[%mul3A_2, %dma_wait3A_23] : memref<2560x128xi32, #tpu.memory_space<hbm>> -> memref<80x128xi32, #tpu.memory_space<hbm>>
    tpu.wait_dma2 semaphore(%arg35 : memref<!tpu.dma_semaphore, #tpu.memory_space<semaphore_mem>>) src(%dma_wait3A_24 : memref<80x128xi32, #tpu.memory_space<hbm>>) dst(%arg8 : memref<80x128xi32, #tpu.memory_space<vmem>>)
    %dma_start3A_25 = arith.constant 0 : i32
    %dma_start3A_26 = arith.constant 0 : i32
    %dma_start3A_27 = tpu.memref_slice %arg7[%dma_start3A_25, %dma_start3A_26] : memref<80x128xi32, #tpu.memory_space<vmem>> -> memref<1x128xi32, #tpu.memory_space<vmem>>
    %dma_start3A_28 = tpu.memref_squeeze %dma_start3A_27 : memref<1x128xi32, #tpu.memory_space<vmem>> -> memref<128xi32, #tpu.memory_space<vmem>>
    %dma_start3A_29 = arith.constant 0 : i32
    %dma_start3A_30 = arith.constant 0 : i32
    %dma_start3A_31 = tpu.memref_slice %arg2[%dma_start3A_29, %dma_start3A_30] : memref<10000x64xf32, #tpu.memory_space<hbm>> -> memref<10000x64xf32, #tpu.memory_space<hbm>>
    tpu.enqueue_indirect_dma source(%dma_start3A_31 : memref<10000x64xf32, #tpu.memory_space<hbm>>) target(%arg9 : memref<128x64xf32, #tpu.memory_space<vmem>>) offsets(%dma_start3A_28 : memref<128xi32, #tpu.memory_space<vmem>>) semaphore(%arg18 : memref<!tpu.dma_semaphore, #tpu.memory_space<semaphore_mem>>)
    %dma_start3A_32 = arith.constant 1 : i32
    %dma_start3A_33 = arith.constant 0 : i32
    %dma_start3A_34 = tpu.memref_slice %arg7[%dma_start3A_32, %dma_start3A_33] : memref<80x128xi32, #tpu.memory_space<vmem>> -> memref<1x128xi32, #tpu.memory_space<vmem>>
    %dma_start3A_35 = tpu.memref_squeeze %dma_start3A_34 : memref<1x128xi32, #tpu.memory_space<vmem>> -> memref<128xi32, #tpu.memory_space<vmem>>
    %dma_start3A_36 = arith.constant 0 : i32
    %dma_start3A_37 = arith.constant 0 : i32
    %dma_start3A_38 = tpu.memref_slice %arg2[%dma_start3A_36, %dma_start3A_37] : memref<10000x64xf32, #tpu.memory_space<hbm>> -> memref<10000x64xf32, #tpu.memory_space<hbm>>
    tpu.enqueue_indirect_dma source(%dma_start3A_38 : memref<10000x64xf32, #tpu.memory_space<hbm>>) target(%arg10 : memref<128x64xf32, #tpu.memory_space<vmem>>) offsets(%dma_start3A_35 : memref<128xi32, #tpu.memory_space<vmem>>) semaphore(%arg19 : memref<!tpu.dma_semaphore, #tpu.memory_space<semaphore_mem>>)
    %dma_start3A_39 = arith.constant 2 : i32
    %dma_start3A_40 = arith.constant 0 : i32
    %dma_start3A_41 = tpu.memref_slice %arg7[%dma_start3A_39, %dma_start3A_40] : memref<80x128xi32, #tpu.memory_space<vmem>> -> memref<1x128xi32, #tpu.memory_space<vmem>>
    %dma_start3A_42 = tpu.memref_squeeze %dma_start3A_41 : memref<1x128xi32, #tpu.memory_space<vmem>> -> memref<128xi32, #tpu.memory_space<vmem>>
    %dma_start3A_43 = arith.constant 0 : i32
    %dma_start3A_44 = arith.constant 0 : i32
    %dma_start3A_45 = tpu.memref_slice %arg2[%dma_start3A_43, %dma_start3A_44] : memref<10000x64xf32, #tpu.memory_space<hbm>> -> memref<10000x64xf32, #tpu.memory_space<hbm>>
    tpu.enqueue_indirect_dma source(%dma_start3A_45 : memref<10000x64xf32, #tpu.memory_space<hbm>>) target(%arg11 : memref<128x64xf32, #tpu.memory_space<vmem>>) offsets(%dma_start3A_42 : memref<128xi32, #tpu.memory_space<vmem>>) semaphore(%arg20 : memref<!tpu.dma_semaphore, #tpu.memory_space<semaphore_mem>>)
    %dma_start3A_46 = arith.constant 3 : i32
    %dma_start3A_47 = arith.constant 0 : i32
    %dma_start3A_48 = tpu.memref_slice %arg7[%dma_start3A_46, %dma_start3A_47] : memref<80x128xi32, #tpu.memory_space<vmem>> -> memref<1x128xi32, #tpu.memory_space<vmem>>
    %dma_start3A_49 = tpu.memref_squeeze %dma_start3A_48 : memref<1x128xi32, #tpu.memory_space<vmem>> -> memref<128xi32, #tpu.memory_space<vmem>>
    %dma_start3A_50 = arith.constant 0 : i32
    %dma_start3A_51 = arith.constant 0 : i32
    %dma_start3A_52 = tpu.memref_slice %arg2[%dma_start3A_50, %dma_start3A_51] : memref<10000x64xf32, #tpu.memory_space<hbm>> -> memref<10000x64xf32, #tpu.memory_space<hbm>>
    tpu.enqueue_indirect_dma source(%dma_start3A_52 : memref<10000x64xf32, #tpu.memory_space<hbm>>) target(%arg12 : memref<128x64xf32, #tpu.memory_space<vmem>>) offsets(%dma_start3A_49 : memref<128xi32, #tpu.memory_space<vmem>>) semaphore(%arg21 : memref<!tpu.dma_semaphore, #tpu.memory_space<semaphore_mem>>)
    %dma_start3A_53 = arith.constant 4 : i32
    %dma_start3A_54 = arith.constant 0 : i32
    %dma_start3A_55 = tpu.memref_slice %arg7[%dma_start3A_53, %dma_start3A_54] : memref<80x128xi32, #tpu.memory_space<vmem>> -> memref<1x128xi32, #tpu.memory_space<vmem>>
    %dma_start3A_56 = tpu.memref_squeeze %dma_start3A_55 : memref<1x128xi32, #tpu.memory_space<vmem>> -> memref<128xi32, #tpu.memory_space<vmem>>
    %dma_start3A_57 = arith.constant 0 : i32
    %dma_start3A_58 = arith.constant 0 : i32
    %dma_start3A_59 = tpu.memref_slice %arg2[%dma_start3A_57, %dma_start3A_58] : memref<10000x64xf32, #tpu.memory_space<hbm>> -> memref<10000x64xf32, #tpu.memory_space<hbm>>
    tpu.enqueue_indirect_dma source(%dma_start3A_59 : memref<10000x64xf32, #tpu.memory_space<hbm>>) target(%arg13 : memref<128x64xf32, #tpu.memory_space<vmem>>) offsets(%dma_start3A_56 : memref<128xi32, #tpu.memory_space<vmem>>) semaphore(%arg22 : memref<!tpu.dma_semaphore, #tpu.memory_space<semaphore_mem>>)
    %dma_start3A_60 = arith.constant 5 : i32
    %dma_start3A_61 = arith.constant 0 : i32
    %dma_start3A_62 = tpu.memref_slice %arg7[%dma_start3A_60, %dma_start3A_61] : memref<80x128xi32, #tpu.memory_space<vmem>> -> memref<1x128xi32, #tpu.memory_space<vmem>>
    %dma_start3A_63 = tpu.memref_squeeze %dma_start3A_62 : memref<1x128xi32, #tpu.memory_space<vmem>> -> memref<128xi32, #tpu.memory_space<vmem>>
    %dma_start3A_64 = arith.constant 0 : i32
    %dma_start3A_65 = arith.constant 0 : i32
    %dma_start3A_66 = tpu.memref_slice %arg2[%dma_start3A_64, %dma_start3A_65] : memref<10000x64xf32, #tpu.memory_space<hbm>> -> memref<10000x64xf32, #tpu.memory_space<hbm>>
    tpu.enqueue_indirect_dma source(%dma_start3A_66 : memref<10000x64xf32, #tpu.memory_space<hbm>>) target(%arg14 : memref<128x64xf32, #tpu.memory_space<vmem>>) offsets(%dma_start3A_63 : memref<128xi32, #tpu.memory_space<vmem>>) semaphore(%arg23 : memref<!tpu.dma_semaphore, #tpu.memory_space<semaphore_mem>>)
    %dma_start3A_67 = arith.constant 6 : i32
    %dma_start3A_68 = arith.constant 0 : i32
    %dma_start3A_69 = tpu.memref_slice %arg7[%dma_start3A_67, %dma_start3A_68] : memref<80x128xi32, #tpu.memory_space<vmem>> -> memref<1x128xi32, #tpu.memory_space<vmem>>
    %dma_start3A_70 = tpu.memref_squeeze %dma_start3A_69 : memref<1x128xi32, #tpu.memory_space<vmem>> -> memref<128xi32, #tpu.memory_space<vmem>>
    %dma_start3A_71 = arith.constant 0 : i32
    %dma_start3A_72 = arith.constant 0 : i32
    %dma_start3A_73 = tpu.memref_slice %arg2[%dma_start3A_71, %dma_start3A_72] : memref<10000x64xf32, #tpu.memory_space<hbm>> -> memref<10000x64xf32, #tpu.memory_space<hbm>>
    tpu.enqueue_indirect_dma source(%dma_start3A_73 : memref<10000x64xf32, #tpu.memory_space<hbm>>) target(%arg15 : memref<128x64xf32, #tpu.memory_space<vmem>>) offsets(%dma_start3A_70 : memref<128xi32, #tpu.memory_space<vmem>>) semaphore(%arg24 : memref<!tpu.dma_semaphore, #tpu.memory_space<semaphore_mem>>)
    %dma_start3A_74 = arith.constant 7 : i32
    %dma_start3A_75 = arith.constant 0 : i32
    %dma_start3A_76 = tpu.memref_slice %arg7[%dma_start3A_74, %dma_start3A_75] : memref<80x128xi32, #tpu.memory_space<vmem>> -> memref<1x128xi32, #tpu.memory_space<vmem>>
    %dma_start3A_77 = tpu.memref_squeeze %dma_start3A_76 : memref<1x128xi32, #tpu.memory_space<vmem>> -> memref<128xi32, #tpu.memory_space<vmem>>
    %dma_start3A_78 = arith.constant 0 : i32
    %dma_start3A_79 = arith.constant 0 : i32
    %dma_start3A_80 = tpu.memref_slice %arg2[%dma_start3A_78, %dma_start3A_79] : memref<10000x64xf32, #tpu.memory_space<hbm>> -> memref<10000x64xf32, #tpu.memory_space<hbm>>
    tpu.enqueue_indirect_dma source(%dma_start3A_80 : memref<10000x64xf32, #tpu.memory_space<hbm>>) target(%arg16 : memref<128x64xf32, #tpu.memory_space<vmem>>) offsets(%dma_start3A_77 : memref<128xi32, #tpu.memory_space<vmem>>) semaphore(%arg25 : memref<!tpu.dma_semaphore, #tpu.memory_space<semaphore_mem>>)
    %mul3A_81 = arith.constant 640 : i32
    %mul3A_82 = arith.muli %arg1, %mul3A_81 : i32
    %mul3A_83 = arith.constant 640 : i32
    %mul3A_84 = arith.muli %arg1, %mul3A_83 : i32
    %dma_wait3A_85 = arith.constant 0 : i32
    %dma_wait3A_86 = tpu.memref_slice %arg17[%mul3A_84, %dma_wait3A_85] : memref<10240x64xf32, #tpu.memory_space<vmem_shared>> -> memref<640x64xf32, #tpu.memory_space<vmem_shared>>
    %dma_wait3A_87 = arith.constant 0 : i32
    %dma_wait3A_88 = tpu.memref_slice %arg5[%mul3A_82, %dma_wait3A_87] : memref<10240x64xf32, #tpu.memory_space<hbm>> -> memref<640x64xf32, #tpu.memory_space<hbm>>
    tpu.wait_dma2 semaphore(%arg34 : memref<!tpu.dma_semaphore, #tpu.memory_space<semaphore_mem>>) src(%dma_wait3A_88 : memref<640x64xf32, #tpu.memory_space<hbm>>) dst(%dma_wait3A_86 : memref<640x64xf32, #tpu.memory_space<vmem_shared>>)
    %barrier3A = arith.constant 0 : index
    tpu.barrier barrier_id(%barrier3A)
    %scan3A = arith.constant 0 : i32
    %scan3A_89 = arith.constant 10 : i32
    %scan3A_90 = arith.addi %scan3A, %scan3A_89 : i32
    %scan3A_91 = arith.constant 1 : i32
    scf.for %scan3A_154 = %scan3A to %scan3A_90 step %scan3A_91  : i32 {
      %mul3A_155 = arith.constant 8 : i32
      %mul3A_156 = arith.muli %scan3A_154, %mul3A_155 : i32
      %add3A_157 = arith.constant 0 : i32
      %add3A_158 = arith.addi %mul3A_156, %add3A_157 : i32
      %dma_wait3A_159 = arith.constant 0 : i32
      %dma_wait3A_160 = tpu.memref_slice %arg7[%add3A_158, %dma_wait3A_159] : memref<80x128xi32, #tpu.memory_space<vmem>> -> memref<1x128xi32, #tpu.memory_space<vmem>>
      %dma_wait3A_161 = tpu.memref_squeeze %dma_wait3A_160 : memref<1x128xi32, #tpu.memory_space<vmem>> -> memref<128xi32, #tpu.memory_space<vmem>>
      %dma_wait3A_162 = arith.constant 0 : i32
      %dma_wait3A_163 = arith.constant 0 : i32
      %dma_wait3A_164 = tpu.memref_slice %arg2[%dma_wait3A_162, %dma_wait3A_163] : memref<10000x64xf32, #tpu.memory_space<hbm>> -> memref<10000x64xf32, #tpu.memory_space<hbm>>
      tpu.wait_indirect_dma semaphore(%arg18 : memref<!tpu.dma_semaphore, #tpu.memory_space<semaphore_mem>>) src(%dma_wait3A_164 : memref<10000x64xf32, #tpu.memory_space<hbm>>) dst(%arg9 : memref<128x64xf32, #tpu.memory_space<vmem>>)
      %dma_start3A_165 = arith.constant 0 : i32
      %dma_start3A_166 = tpu.memref_slice %arg8[%add3A_158, %dma_start3A_165] : memref<80x128xi32, #tpu.memory_space<vmem>> -> memref<1x128xi32, #tpu.memory_space<vmem>>
      %dma_start3A_167 = tpu.memref_squeeze %dma_start3A_166 : memref<1x128xi32, #tpu.memory_space<vmem>> -> memref<128xi32, #tpu.memory_space<vmem>>
      %dma_start3A_168 = arith.constant 0 : i32
      %dma_start3A_169 = arith.constant 0 : i32
      %dma_start3A_170 = tpu.memref_slice %arg17[%dma_start3A_168, %dma_start3A_169] : memref<10240x64xf32, #tpu.memory_space<vmem_shared>> -> memref<10240x64xf32, #tpu.memory_space<vmem_shared>>
      tpu.enqueue_indirect_dma source(%arg9 : memref<128x64xf32, #tpu.memory_space<vmem>>) target(%dma_start3A_170 : memref<10240x64xf32, #tpu.memory_space<vmem_shared>>) offsets(%dma_start3A_167 : memref<128xi32, #tpu.memory_space<vmem>>) semaphore(%arg26 : memref<!tpu.dma_semaphore, #tpu.memory_space<semaphore_mem>>) {add = true}
      %mul3A_171 = arith.constant 8 : i32
      %mul3A_172 = arith.muli %scan3A_154, %mul3A_171 : i32
      %add3A_173 = arith.constant 1 : i32
      %add3A_174 = arith.addi %mul3A_172, %add3A_173 : i32
      %dma_wait3A_175 = arith.constant 0 : i32
      %dma_wait3A_176 = tpu.memref_slice %arg7[%add3A_174, %dma_wait3A_175] : memref<80x128xi32, #tpu.memory_space<vmem>> -> memref<1x128xi32, #tpu.memory_space<vmem>>
      %dma_wait3A_177 = tpu.memref_squeeze %dma_wait3A_176 : memref<1x128xi32, #tpu.memory_space<vmem>> -> memref<128xi32, #tpu.memory_space<vmem>>
      %dma_wait3A_178 = arith.constant 0 : i32
      %dma_wait3A_179 = arith.constant 0 : i32
      %dma_wait3A_180 = tpu.memref_slice %arg2[%dma_wait3A_178, %dma_wait3A_179] : memref<10000x64xf32, #tpu.memory_space<hbm>> -> memref<10000x64xf32, #tpu.memory_space<hbm>>
      tpu.wait_indirect_dma semaphore(%arg19 : memref<!tpu.dma_semaphore, #tpu.memory_space<semaphore_mem>>) src(%dma_wait3A_180 : memref<10000x64xf32, #tpu.memory_space<hbm>>) dst(%arg10 : memref<128x64xf32, #tpu.memory_space<vmem>>)
      %dma_start3A_181 = arith.constant 0 : i32
      %dma_start3A_182 = tpu.memref_slice %arg8[%add3A_174, %dma_start3A_181] : memref<80x128xi32, #tpu.memory_space<vmem>> -> memref<1x128xi32, #tpu.memory_space<vmem>>
      %dma_start3A_183 = tpu.memref_squeeze %dma_start3A_182 : memref<1x128xi32, #tpu.memory_space<vmem>> -> memref<128xi32, #tpu.memory_space<vmem>>
      %dma_start3A_184 = arith.constant 0 : i32
      %dma_start3A_185 = arith.constant 0 : i32
      %dma_start3A_186 = tpu.memref_slice %arg17[%dma_start3A_184, %dma_start3A_185] : memref<10240x64xf32, #tpu.memory_space<vmem_shared>> -> memref<10240x64xf32, #tpu.memory_space<vmem_shared>>
      tpu.enqueue_indirect_dma source(%arg10 : memref<128x64xf32, #tpu.memory_space<vmem>>) target(%dma_start3A_186 : memref<10240x64xf32, #tpu.memory_space<vmem_shared>>) offsets(%dma_start3A_183 : memref<128xi32, #tpu.memory_space<vmem>>) semaphore(%arg27 : memref<!tpu.dma_semaphore, #tpu.memory_space<semaphore_mem>>) {add = true}
      %mul3A_187 = arith.constant 8 : i32
      %mul3A_188 = arith.muli %scan3A_154, %mul3A_187 : i32
      %add3A_189 = arith.constant 2 : i32
      %add3A_190 = arith.addi %mul3A_188, %add3A_189 : i32
      %dma_wait3A_191 = arith.constant 0 : i32
      %dma_wait3A_192 = tpu.memref_slice %arg7[%add3A_190, %dma_wait3A_191] : memref<80x128xi32, #tpu.memory_space<vmem>> -> memref<1x128xi32, #tpu.memory_space<vmem>>
      %dma_wait3A_193 = tpu.memref_squeeze %dma_wait3A_192 : memref<1x128xi32, #tpu.memory_space<vmem>> -> memref<128xi32, #tpu.memory_space<vmem>>
      %dma_wait3A_194 = arith.constant 0 : i32
      %dma_wait3A_195 = arith.constant 0 : i32
      %dma_wait3A_196 = tpu.memref_slice %arg2[%dma_wait3A_194, %dma_wait3A_195] : memref<10000x64xf32, #tpu.memory_space<hbm>> -> memref<10000x64xf32, #tpu.memory_space<hbm>>
      tpu.wait_indirect_dma semaphore(%arg20 : memref<!tpu.dma_semaphore, #tpu.memory_space<semaphore_mem>>) src(%dma_wait3A_196 : memref<10000x64xf32, #tpu.memory_space<hbm>>) dst(%arg11 : memref<128x64xf32, #tpu.memory_space<vmem>>)
      %dma_start3A_197 = arith.constant 0 : i32
      %dma_start3A_198 = tpu.memref_slice %arg8[%add3A_190, %dma_start3A_197] : memref<80x128xi32, #tpu.memory_space<vmem>> -> memref<1x128xi32, #tpu.memory_space<vmem>>
      %dma_start3A_199 = tpu.memref_squeeze %dma_start3A_198 : memref<1x128xi32, #tpu.memory_space<vmem>> -> memref<128xi32, #tpu.memory_space<vmem>>
      %dma_start3A_200 = arith.constant 0 : i32
      %dma_start3A_201 = arith.constant 0 : i32
      %dma_start3A_202 = tpu.memref_slice %arg17[%dma_start3A_200, %dma_start3A_201] : memref<10240x64xf32, #tpu.memory_space<vmem_shared>> -> memref<10240x64xf32, #tpu.memory_space<vmem_shared>>
      tpu.enqueue_indirect_dma source(%arg11 : memref<128x64xf32, #tpu.memory_space<vmem>>) target(%dma_start3A_202 : memref<10240x64xf32, #tpu.memory_space<vmem_shared>>) offsets(%dma_start3A_199 : memref<128xi32, #tpu.memory_space<vmem>>) semaphore(%arg28 : memref<!tpu.dma_semaphore, #tpu.memory_space<semaphore_mem>>) {add = true}
      %mul3A_203 = arith.constant 8 : i32
      %mul3A_204 = arith.muli %scan3A_154, %mul3A_203 : i32
      %add3A_205 = arith.constant 3 : i32
      %add3A_206 = arith.addi %mul3A_204, %add3A_205 : i32
      %dma_wait3A_207 = arith.constant 0 : i32
      %dma_wait3A_208 = tpu.memref_slice %arg7[%add3A_206, %dma_wait3A_207] : memref<80x128xi32, #tpu.memory_space<vmem>> -> memref<1x128xi32, #tpu.memory_space<vmem>>
      %dma_wait3A_209 = tpu.memref_squeeze %dma_wait3A_208 : memref<1x128xi32, #tpu.memory_space<vmem>> -> memref<128xi32, #tpu.memory_space<vmem>>
      %dma_wait3A_210 = arith.constant 0 : i32
      %dma_wait3A_211 = arith.constant 0 : i32
      %dma_wait3A_212 = tpu.memref_slice %arg2[%dma_wait3A_210, %dma_wait3A_211] : memref<10000x64xf32, #tpu.memory_space<hbm>> -> memref<10000x64xf32, #tpu.memory_space<hbm>>
      tpu.wait_indirect_dma semaphore(%arg21 : memref<!tpu.dma_semaphore, #tpu.memory_space<semaphore_mem>>) src(%dma_wait3A_212 : memref<10000x64xf32, #tpu.memory_space<hbm>>) dst(%arg12 : memref<128x64xf32, #tpu.memory_space<vmem>>)
      %dma_start3A_213 = arith.constant 0 : i32
      %dma_start3A_214 = tpu.memref_slice %arg8[%add3A_206, %dma_start3A_213] : memref<80x128xi32, #tpu.memory_space<vmem>> -> memref<1x128xi32, #tpu.memory_space<vmem>>
      %dma_start3A_215 = tpu.memref_squeeze %dma_start3A_214 : memref<1x128xi32, #tpu.memory_space<vmem>> -> memref<128xi32, #tpu.memory_space<vmem>>
      %dma_start3A_216 = arith.constant 0 : i32
      %dma_start3A_217 = arith.constant 0 : i32
      %dma_start3A_218 = tpu.memref_slice %arg17[%dma_start3A_216, %dma_start3A_217] : memref<10240x64xf32, #tpu.memory_space<vmem_shared>> -> memref<10240x64xf32, #tpu.memory_space<vmem_shared>>
      tpu.enqueue_indirect_dma source(%arg12 : memref<128x64xf32, #tpu.memory_space<vmem>>) target(%dma_start3A_218 : memref<10240x64xf32, #tpu.memory_space<vmem_shared>>) offsets(%dma_start3A_215 : memref<128xi32, #tpu.memory_space<vmem>>) semaphore(%arg29 : memref<!tpu.dma_semaphore, #tpu.memory_space<semaphore_mem>>) {add = true}
      %mul3A_219 = arith.constant 8 : i32
      %mul3A_220 = arith.muli %scan3A_154, %mul3A_219 : i32
      %add3A_221 = arith.constant 4 : i32
      %add3A_222 = arith.addi %mul3A_220, %add3A_221 : i32
      %dma_wait3A_223 = arith.constant 0 : i32
      %dma_wait3A_224 = tpu.memref_slice %arg7[%add3A_222, %dma_wait3A_223] : memref<80x128xi32, #tpu.memory_space<vmem>> -> memref<1x128xi32, #tpu.memory_space<vmem>>
      %dma_wait3A_225 = tpu.memref_squeeze %dma_wait3A_224 : memref<1x128xi32, #tpu.memory_space<vmem>> -> memref<128xi32, #tpu.memory_space<vmem>>
      %dma_wait3A_226 = arith.constant 0 : i32
      %dma_wait3A_227 = arith.constant 0 : i32
      %dma_wait3A_228 = tpu.memref_slice %arg2[%dma_wait3A_226, %dma_wait3A_227] : memref<10000x64xf32, #tpu.memory_space<hbm>> -> memref<10000x64xf32, #tpu.memory_space<hbm>>
      tpu.wait_indirect_dma semaphore(%arg22 : memref<!tpu.dma_semaphore, #tpu.memory_space<semaphore_mem>>) src(%dma_wait3A_228 : memref<10000x64xf32, #tpu.memory_space<hbm>>) dst(%arg13 : memref<128x64xf32, #tpu.memory_space<vmem>>)
      %dma_start3A_229 = arith.constant 0 : i32
      %dma_start3A_230 = tpu.memref_slice %arg8[%add3A_222, %dma_start3A_229] : memref<80x128xi32, #tpu.memory_space<vmem>> -> memref<1x128xi32, #tpu.memory_space<vmem>>
      %dma_start3A_231 = tpu.memref_squeeze %dma_start3A_230 : memref<1x128xi32, #tpu.memory_space<vmem>> -> memref<128xi32, #tpu.memory_space<vmem>>
      %dma_start3A_232 = arith.constant 0 : i32
      %dma_start3A_233 = arith.constant 0 : i32
      %dma_start3A_234 = tpu.memref_slice %arg17[%dma_start3A_232, %dma_start3A_233] : memref<10240x64xf32, #tpu.memory_space<vmem_shared>> -> memref<10240x64xf32, #tpu.memory_space<vmem_shared>>
      tpu.enqueue_indirect_dma source(%arg13 : memref<128x64xf32, #tpu.memory_space<vmem>>) target(%dma_start3A_234 : memref<10240x64xf32, #tpu.memory_space<vmem_shared>>) offsets(%dma_start3A_231 : memref<128xi32, #tpu.memory_space<vmem>>) semaphore(%arg30 : memref<!tpu.dma_semaphore, #tpu.memory_space<semaphore_mem>>) {add = true}
      %mul3A_235 = arith.constant 8 : i32
      %mul3A_236 = arith.muli %scan3A_154, %mul3A_235 : i32
      %add3A_237 = arith.constant 5 : i32
      %add3A_238 = arith.addi %mul3A_236, %add3A_237 : i32
      %dma_wait3A_239 = arith.constant 0 : i32
      %dma_wait3A_240 = tpu.memref_slice %arg7[%add3A_238, %dma_wait3A_239] : memref<80x128xi32, #tpu.memory_space<vmem>> -> memref<1x128xi32, #tpu.memory_space<vmem>>
      %dma_wait3A_241 = tpu.memref_squeeze %dma_wait3A_240 : memref<1x128xi32, #tpu.memory_space<vmem>> -> memref<128xi32, #tpu.memory_space<vmem>>
      %dma_wait3A_242 = arith.constant 0 : i32
      %dma_wait3A_243 = arith.constant 0 : i32
      %dma_wait3A_244 = tpu.memref_slice %arg2[%dma_wait3A_242, %dma_wait3A_243] : memref<10000x64xf32, #tpu.memory_space<hbm>> -> memref<10000x64xf32, #tpu.memory_space<hbm>>
      tpu.wait_indirect_dma semaphore(%arg23 : memref<!tpu.dma_semaphore, #tpu.memory_space<semaphore_mem>>) src(%dma_wait3A_244 : memref<10000x64xf32, #tpu.memory_space<hbm>>) dst(%arg14 : memref<128x64xf32, #tpu.memory_space<vmem>>)
      %dma_start3A_245 = arith.constant 0 : i32
      %dma_start3A_246 = tpu.memref_slice %arg8[%add3A_238, %dma_start3A_245] : memref<80x128xi32, #tpu.memory_space<vmem>> -> memref<1x128xi32, #tpu.memory_space<vmem>>
      %dma_start3A_247 = tpu.memref_squeeze %dma_start3A_246 : memref<1x128xi32, #tpu.memory_space<vmem>> -> memref<128xi32, #tpu.memory_space<vmem>>
      %dma_start3A_248 = arith.constant 0 : i32
      %dma_start3A_249 = arith.constant 0 : i32
      %dma_start3A_250 = tpu.memref_slice %arg17[%dma_start3A_248, %dma_start3A_249] : memref<10240x64xf32, #tpu.memory_space<vmem_shared>> -> memref<10240x64xf32, #tpu.memory_space<vmem_shared>>
      tpu.enqueue_indirect_dma source(%arg14 : memref<128x64xf32, #tpu.memory_space<vmem>>) target(%dma_start3A_250 : memref<10240x64xf32, #tpu.memory_space<vmem_shared>>) offsets(%dma_start3A_247 : memref<128xi32, #tpu.memory_space<vmem>>) semaphore(%arg31 : memref<!tpu.dma_semaphore, #tpu.memory_space<semaphore_mem>>) {add = true}
      %mul3A_251 = arith.constant 8 : i32
      %mul3A_252 = arith.muli %scan3A_154, %mul3A_251 : i32
      %add3A_253 = arith.constant 6 : i32
      %add3A_254 = arith.addi %mul3A_252, %add3A_253 : i32
      %dma_wait3A_255 = arith.constant 0 : i32
      %dma_wait3A_256 = tpu.memref_slice %arg7[%add3A_254, %dma_wait3A_255] : memref<80x128xi32, #tpu.memory_space<vmem>> -> memref<1x128xi32, #tpu.memory_space<vmem>>
      %dma_wait3A_257 = tpu.memref_squeeze %dma_wait3A_256 : memref<1x128xi32, #tpu.memory_space<vmem>> -> memref<128xi32, #tpu.memory_space<vmem>>
      %dma_wait3A_258 = arith.constant 0 : i32
      %dma_wait3A_259 = arith.constant 0 : i32
      %dma_wait3A_260 = tpu.memref_slice %arg2[%dma_wait3A_258, %dma_wait3A_259] : memref<10000x64xf32, #tpu.memory_space<hbm>> -> memref<10000x64xf32, #tpu.memory_space<hbm>>
      tpu.wait_indirect_dma semaphore(%arg24 : memref<!tpu.dma_semaphore, #tpu.memory_space<semaphore_mem>>) src(%dma_wait3A_260 : memref<10000x64xf32, #tpu.memory_space<hbm>>) dst(%arg15 : memref<128x64xf32, #tpu.memory_space<vmem>>)
      %dma_start3A_261 = arith.constant 0 : i32
      %dma_start3A_262 = tpu.memref_slice %arg8[%add3A_254, %dma_start3A_261] : memref<80x128xi32, #tpu.memory_space<vmem>> -> memref<1x128xi32, #tpu.memory_space<vmem>>
      %dma_start3A_263 = tpu.memref_squeeze %dma_start3A_262 : memref<1x128xi32, #tpu.memory_space<vmem>> -> memref<128xi32, #tpu.memory_space<vmem>>
      %dma_start3A_264 = arith.constant 0 : i32
      %dma_start3A_265 = arith.constant 0 : i32
      %dma_start3A_266 = tpu.memref_slice %arg17[%dma_start3A_264, %dma_start3A_265] : memref<10240x64xf32, #tpu.memory_space<vmem_shared>> -> memref<10240x64xf32, #tpu.memory_space<vmem_shared>>
      tpu.enqueue_indirect_dma source(%arg15 : memref<128x64xf32, #tpu.memory_space<vmem>>) target(%dma_start3A_266 : memref<10240x64xf32, #tpu.memory_space<vmem_shared>>) offsets(%dma_start3A_263 : memref<128xi32, #tpu.memory_space<vmem>>) semaphore(%arg32 : memref<!tpu.dma_semaphore, #tpu.memory_space<semaphore_mem>>) {add = true}
      %mul3A_267 = arith.constant 8 : i32
      %mul3A_268 = arith.muli %scan3A_154, %mul3A_267 : i32
      %add3A_269 = arith.constant 7 : i32
      %add3A_270 = arith.addi %mul3A_268, %add3A_269 : i32
      %dma_wait3A_271 = arith.constant 0 : i32
      %dma_wait3A_272 = tpu.memref_slice %arg7[%add3A_270, %dma_wait3A_271] : memref<80x128xi32, #tpu.memory_space<vmem>> -> memref<1x128xi32, #tpu.memory_space<vmem>>
      %dma_wait3A_273 = tpu.memref_squeeze %dma_wait3A_272 : memref<1x128xi32, #tpu.memory_space<vmem>> -> memref<128xi32, #tpu.memory_space<vmem>>
      %dma_wait3A_274 = arith.constant 0 : i32
      %dma_wait3A_275 = arith.constant 0 : i32
      %dma_wait3A_276 = tpu.memref_slice %arg2[%dma_wait3A_274, %dma_wait3A_275] : memref<10000x64xf32, #tpu.memory_space<hbm>> -> memref<10000x64xf32, #tpu.memory_space<hbm>>
      tpu.wait_indirect_dma semaphore(%arg25 : memref<!tpu.dma_semaphore, #tpu.memory_space<semaphore_mem>>) src(%dma_wait3A_276 : memref<10000x64xf32, #tpu.memory_space<hbm>>) dst(%arg16 : memref<128x64xf32, #tpu.memory_space<vmem>>)
      %dma_start3A_277 = arith.constant 0 : i32
      %dma_start3A_278 = tpu.memref_slice %arg8[%add3A_270, %dma_start3A_277] : memref<80x128xi32, #tpu.memory_space<vmem>> -> memref<1x128xi32, #tpu.memory_space<vmem>>
      %dma_start3A_279 = tpu.memref_squeeze %dma_start3A_278 : memref<1x128xi32, #tpu.memory_space<vmem>> -> memref<128xi32, #tpu.memory_space<vmem>>
      %dma_start3A_280 = arith.constant 0 : i32
      %dma_start3A_281 = arith.constant 0 : i32
      %dma_start3A_282 = tpu.memref_slice %arg17[%dma_start3A_280, %dma_start3A_281] : memref<10240x64xf32, #tpu.memory_space<vmem_shared>> -> memref<10240x64xf32, #tpu.memory_space<vmem_shared>>
      tpu.enqueue_indirect_dma source(%arg16 : memref<128x64xf32, #tpu.memory_space<vmem>>) target(%dma_start3A_282 : memref<10240x64xf32, #tpu.memory_space<vmem_shared>>) offsets(%dma_start3A_279 : memref<128xi32, #tpu.memory_space<vmem>>) semaphore(%arg33 : memref<!tpu.dma_semaphore, #tpu.memory_space<semaphore_mem>>) {add = true}
      %lt3A = arith.constant 9 : i32
      %lt3A_283 = arith.cmpi slt, %scan3A_154, %lt3A : i32
      %convert_element_type3A = arith.extui %lt3A_283 : i1 to i32
      %cond3A = arith.constant 0 : i32
      %cond3A_284 = arith.cmpi ne, %convert_element_type3A, %cond3A : i32
      scf.if %cond3A_284 {
        %mul3A_285 = arith.constant 8 : i32
        %mul3A_286 = arith.muli %scan3A_154, %mul3A_285 : i32
        %add3A_287 = arith.constant 0 : i32
        %add3A_288 = arith.addi %mul3A_286, %add3A_287 : i32
        %dma_wait3A_289 = arith.constant 0 : i32
        %dma_wait3A_290 = tpu.memref_slice %arg8[%add3A_288, %dma_wait3A_289] : memref<80x128xi32, #tpu.memory_space<vmem>> -> memref<1x128xi32, #tpu.memory_space<vmem>>
        %dma_wait3A_291 = tpu.memref_squeeze %dma_wait3A_290 : memref<1x128xi32, #tpu.memory_space<vmem>> -> memref<128xi32, #tpu.memory_space<vmem>>
        %dma_wait3A_292 = arith.constant 0 : i32
        %dma_wait3A_293 = arith.constant 0 : i32
        %dma_wait3A_294 = tpu.memref_slice %arg17[%dma_wait3A_292, %dma_wait3A_293] : memref<10240x64xf32, #tpu.memory_space<vmem_shared>> -> memref<10240x64xf32, #tpu.memory_space<vmem_shared>>
        tpu.wait_indirect_dma semaphore(%arg26 : memref<!tpu.dma_semaphore, #tpu.memory_space<semaphore_mem>>) src(%arg9 : memref<128x64xf32, #tpu.memory_space<vmem>>) dst(%dma_wait3A_294 : memref<10240x64xf32, #tpu.memory_space<vmem_shared>>)
        %add3A_295 = arith.constant 8 : i32
        %add3A_296 = arith.addi %add3A_288, %add3A_295 : i32
        %dma_start3A_297 = arith.constant 0 : i32
        %dma_start3A_298 = tpu.memref_slice %arg7[%add3A_296, %dma_start3A_297] : memref<80x128xi32, #tpu.memory_space<vmem>> -> memref<1x128xi32, #tpu.memory_space<vmem>>
        %dma_start3A_299 = tpu.memref_squeeze %dma_start3A_298 : memref<1x128xi32, #tpu.memory_space<vmem>> -> memref<128xi32, #tpu.memory_space<vmem>>
        %dma_start3A_300 = arith.constant 0 : i32
        %dma_start3A_301 = arith.constant 0 : i32
        %dma_start3A_302 = tpu.memref_slice %arg2[%dma_start3A_300, %dma_start3A_301] : memref<10000x64xf32, #tpu.memory_space<hbm>> -> memref<10000x64xf32, #tpu.memory_space<hbm>>
        tpu.enqueue_indirect_dma source(%dma_start3A_302 : memref<10000x64xf32, #tpu.memory_space<hbm>>) target(%arg9 : memref<128x64xf32, #tpu.memory_space<vmem>>) offsets(%dma_start3A_299 : memref<128xi32, #tpu.memory_space<vmem>>) semaphore(%arg18 : memref<!tpu.dma_semaphore, #tpu.memory_space<semaphore_mem>>)
        %mul3A_303 = arith.constant 8 : i32
        %mul3A_304 = arith.muli %scan3A_154, %mul3A_303 : i32
        %add3A_305 = arith.constant 1 : i32
        %add3A_306 = arith.addi %mul3A_304, %add3A_305 : i32
        %dma_wait3A_307 = arith.constant 0 : i32
        %dma_wait3A_308 = tpu.memref_slice %arg8[%add3A_306, %dma_wait3A_307] : memref<80x128xi32, #tpu.memory_space<vmem>> -> memref<1x128xi32, #tpu.memory_space<vmem>>
        %dma_wait3A_309 = tpu.memref_squeeze %dma_wait3A_308 : memref<1x128xi32, #tpu.memory_space<vmem>> -> memref<128xi32, #tpu.memory_space<vmem>>
        %dma_wait3A_310 = arith.constant 0 : i32
        %dma_wait3A_311 = arith.constant 0 : i32
        %dma_wait3A_312 = tpu.memref_slice %arg17[%dma_wait3A_310, %dma_wait3A_311] : memref<10240x64xf32, #tpu.memory_space<vmem_shared>> -> memref<10240x64xf32, #tpu.memory_space<vmem_shared>>
        tpu.wait_indirect_dma semaphore(%arg27 : memref<!tpu.dma_semaphore, #tpu.memory_space<semaphore_mem>>) src(%arg10 : memref<128x64xf32, #tpu.memory_space<vmem>>) dst(%dma_wait3A_312 : memref<10240x64xf32, #tpu.memory_space<vmem_shared>>)
        %add3A_313 = arith.constant 8 : i32
        %add3A_314 = arith.addi %add3A_306, %add3A_313 : i32
        %dma_start3A_315 = arith.constant 0 : i32
        %dma_start3A_316 = tpu.memref_slice %arg7[%add3A_314, %dma_start3A_315] : memref<80x128xi32, #tpu.memory_space<vmem>> -> memref<1x128xi32, #tpu.memory_space<vmem>>
        %dma_start3A_317 = tpu.memref_squeeze %dma_start3A_316 : memref<1x128xi32, #tpu.memory_space<vmem>> -> memref<128xi32, #tpu.memory_space<vmem>>
        %dma_start3A_318 = arith.constant 0 : i32
        %dma_start3A_319 = arith.constant 0 : i32
        %dma_start3A_320 = tpu.memref_slice %arg2[%dma_start3A_318, %dma_start3A_319] : memref<10000x64xf32, #tpu.memory_space<hbm>> -> memref<10000x64xf32, #tpu.memory_space<hbm>>
        tpu.enqueue_indirect_dma source(%dma_start3A_320 : memref<10000x64xf32, #tpu.memory_space<hbm>>) target(%arg10 : memref<128x64xf32, #tpu.memory_space<vmem>>) offsets(%dma_start3A_317 : memref<128xi32, #tpu.memory_space<vmem>>) semaphore(%arg19 : memref<!tpu.dma_semaphore, #tpu.memory_space<semaphore_mem>>)
        %mul3A_321 = arith.constant 8 : i32
        %mul3A_322 = arith.muli %scan3A_154, %mul3A_321 : i32
        %add3A_323 = arith.constant 2 : i32
        %add3A_324 = arith.addi %mul3A_322, %add3A_323 : i32
        %dma_wait3A_325 = arith.constant 0 : i32
        %dma_wait3A_326 = tpu.memref_slice %arg8[%add3A_324, %dma_wait3A_325] : memref<80x128xi32, #tpu.memory_space<vmem>> -> memref<1x128xi32, #tpu.memory_space<vmem>>
        %dma_wait3A_327 = tpu.memref_squeeze %dma_wait3A_326 : memref<1x128xi32, #tpu.memory_space<vmem>> -> memref<128xi32, #tpu.memory_space<vmem>>
        %dma_wait3A_328 = arith.constant 0 : i32
        %dma_wait3A_329 = arith.constant 0 : i32
        %dma_wait3A_330 = tpu.memref_slice %arg17[%dma_wait3A_328, %dma_wait3A_329] : memref<10240x64xf32, #tpu.memory_space<vmem_shared>> -> memref<10240x64xf32, #tpu.memory_space<vmem_shared>>
        tpu.wait_indirect_dma semaphore(%arg28 : memref<!tpu.dma_semaphore, #tpu.memory_space<semaphore_mem>>) src(%arg11 : memref<128x64xf32, #tpu.memory_space<vmem>>) dst(%dma_wait3A_330 : memref<10240x64xf32, #tpu.memory_space<vmem_shared>>)
        %add3A_331 = arith.constant 8 : i32
        %add3A_332 = arith.addi %add3A_324, %add3A_331 : i32
        %dma_start3A_333 = arith.constant 0 : i32
        %dma_start3A_334 = tpu.memref_slice %arg7[%add3A_332, %dma_start3A_333] : memref<80x128xi32, #tpu.memory_space<vmem>> -> memref<1x128xi32, #tpu.memory_space<vmem>>
        %dma_start3A_335 = tpu.memref_squeeze %dma_start3A_334 : memref<1x128xi32, #tpu.memory_space<vmem>> -> memref<128xi32, #tpu.memory_space<vmem>>
        %dma_start3A_336 = arith.constant 0 : i32
        %dma_start3A_337 = arith.constant 0 : i32
        %dma_start3A_338 = tpu.memref_slice %arg2[%dma_start3A_336, %dma_start3A_337] : memref<10000x64xf32, #tpu.memory_space<hbm>> -> memref<10000x64xf32, #tpu.memory_space<hbm>>
        tpu.enqueue_indirect_dma source(%dma_start3A_338 : memref<10000x64xf32, #tpu.memory_space<hbm>>) target(%arg11 : memref<128x64xf32, #tpu.memory_space<vmem>>) offsets(%dma_start3A_335 : memref<128xi32, #tpu.memory_space<vmem>>) semaphore(%arg20 : memref<!tpu.dma_semaphore, #tpu.memory_space<semaphore_mem>>)
        %mul3A_339 = arith.constant 8 : i32
        %mul3A_340 = arith.muli %scan3A_154, %mul3A_339 : i32
        %add3A_341 = arith.constant 3 : i32
        %add3A_342 = arith.addi %mul3A_340, %add3A_341 : i32
        %dma_wait3A_343 = arith.constant 0 : i32
        %dma_wait3A_344 = tpu.memref_slice %arg8[%add3A_342, %dma_wait3A_343] : memref<80x128xi32, #tpu.memory_space<vmem>> -> memref<1x128xi32, #tpu.memory_space<vmem>>
        %dma_wait3A_345 = tpu.memref_squeeze %dma_wait3A_344 : memref<1x128xi32, #tpu.memory_space<vmem>> -> memref<128xi32, #tpu.memory_space<vmem>>
        %dma_wait3A_346 = arith.constant 0 : i32
        %dma_wait3A_347 = arith.constant 0 : i32
        %dma_wait3A_348 = tpu.memref_slice %arg17[%dma_wait3A_346, %dma_wait3A_347] : memref<10240x64xf32, #tpu.memory_space<vmem_shared>> -> memref<10240x64xf32, #tpu.memory_space<vmem_shared>>
        tpu.wait_indirect_dma semaphore(%arg29 : memref<!tpu.dma_semaphore, #tpu.memory_space<semaphore_mem>>) src(%arg12 : memref<128x64xf32, #tpu.memory_space<vmem>>) dst(%dma_wait3A_348 : memref<10240x64xf32, #tpu.memory_space<vmem_shared>>)
        %add3A_349 = arith.constant 8 : i32
        %add3A_350 = arith.addi %add3A_342, %add3A_349 : i32
        %dma_start3A_351 = arith.constant 0 : i32
        %dma_start3A_352 = tpu.memref_slice %arg7[%add3A_350, %dma_start3A_351] : memref<80x128xi32, #tpu.memory_space<vmem>> -> memref<1x128xi32, #tpu.memory_space<vmem>>
        %dma_start3A_353 = tpu.memref_squeeze %dma_start3A_352 : memref<1x128xi32, #tpu.memory_space<vmem>> -> memref<128xi32, #tpu.memory_space<vmem>>
        %dma_start3A_354 = arith.constant 0 : i32
        %dma_start3A_355 = arith.constant 0 : i32
        %dma_start3A_356 = tpu.memref_slice %arg2[%dma_start3A_354, %dma_start3A_355] : memref<10000x64xf32, #tpu.memory_space<hbm>> -> memref<10000x64xf32, #tpu.memory_space<hbm>>
        tpu.enqueue_indirect_dma source(%dma_start3A_356 : memref<10000x64xf32, #tpu.memory_space<hbm>>) target(%arg12 : memref<128x64xf32, #tpu.memory_space<vmem>>) offsets(%dma_start3A_353 : memref<128xi32, #tpu.memory_space<vmem>>) semaphore(%arg21 : memref<!tpu.dma_semaphore, #tpu.memory_space<semaphore_mem>>)
        %mul3A_357 = arith.constant 8 : i32
        %mul3A_358 = arith.muli %scan3A_154, %mul3A_357 : i32
        %add3A_359 = arith.constant 4 : i32
        %add3A_360 = arith.addi %mul3A_358, %add3A_359 : i32
        %dma_wait3A_361 = arith.constant 0 : i32
        %dma_wait3A_362 = tpu.memref_slice %arg8[%add3A_360, %dma_wait3A_361] : memref<80x128xi32, #tpu.memory_space<vmem>> -> memref<1x128xi32, #tpu.memory_space<vmem>>
        %dma_wait3A_363 = tpu.memref_squeeze %dma_wait3A_362 : memref<1x128xi32, #tpu.memory_space<vmem>> -> memref<128xi32, #tpu.memory_space<vmem>>
        %dma_wait3A_364 = arith.constant 0 : i32
        %dma_wait3A_365 = arith.constant 0 : i32
        %dma_wait3A_366 = tpu.memref_slice %arg17[%dma_wait3A_364, %dma_wait3A_365] : memref<10240x64xf32, #tpu.memory_space<vmem_shared>> -> memref<10240x64xf32, #tpu.memory_space<vmem_shared>>
        tpu.wait_indirect_dma semaphore(%arg30 : memref<!tpu.dma_semaphore, #tpu.memory_space<semaphore_mem>>) src(%arg13 : memref<128x64xf32, #tpu.memory_space<vmem>>) dst(%dma_wait3A_366 : memref<10240x64xf32, #tpu.memory_space<vmem_shared>>)
        %add3A_367 = arith.constant 8 : i32
        %add3A_368 = arith.addi %add3A_360, %add3A_367 : i32
        %dma_start3A_369 = arith.constant 0 : i32
        %dma_start3A_370 = tpu.memref_slice %arg7[%add3A_368, %dma_start3A_369] : memref<80x128xi32, #tpu.memory_space<vmem>> -> memref<1x128xi32, #tpu.memory_space<vmem>>
        %dma_start3A_371 = tpu.memref_squeeze %dma_start3A_370 : memref<1x128xi32, #tpu.memory_space<vmem>> -> memref<128xi32, #tpu.memory_space<vmem>>
        %dma_start3A_372 = arith.constant 0 : i32
        %dma_start3A_373 = arith.constant 0 : i32
        %dma_start3A_374 = tpu.memref_slice %arg2[%dma_start3A_372, %dma_start3A_373] : memref<10000x64xf32, #tpu.memory_space<hbm>> -> memref<10000x64xf32, #tpu.memory_space<hbm>>
        tpu.enqueue_indirect_dma source(%dma_start3A_374 : memref<10000x64xf32, #tpu.memory_space<hbm>>) target(%arg13 : memref<128x64xf32, #tpu.memory_space<vmem>>) offsets(%dma_start3A_371 : memref<128xi32, #tpu.memory_space<vmem>>) semaphore(%arg22 : memref<!tpu.dma_semaphore, #tpu.memory_space<semaphore_mem>>)
        %mul3A_375 = arith.constant 8 : i32
        %mul3A_376 = arith.muli %scan3A_154, %mul3A_375 : i32
        %add3A_377 = arith.constant 5 : i32
        %add3A_378 = arith.addi %mul3A_376, %add3A_377 : i32
        %dma_wait3A_379 = arith.constant 0 : i32
        %dma_wait3A_380 = tpu.memref_slice %arg8[%add3A_378, %dma_wait3A_379] : memref<80x128xi32, #tpu.memory_space<vmem>> -> memref<1x128xi32, #tpu.memory_space<vmem>>
        %dma_wait3A_381 = tpu.memref_squeeze %dma_wait3A_380 : memref<1x128xi32, #tpu.memory_space<vmem>> -> memref<128xi32, #tpu.memory_space<vmem>>
        %dma_wait3A_382 = arith.constant 0 : i32
        %dma_wait3A_383 = arith.constant 0 : i32
        %dma_wait3A_384 = tpu.memref_slice %arg17[%dma_wait3A_382, %dma_wait3A_383] : memref<10240x64xf32, #tpu.memory_space<vmem_shared>> -> memref<10240x64xf32, #tpu.memory_space<vmem_shared>>
        tpu.wait_indirect_dma semaphore(%arg31 : memref<!tpu.dma_semaphore, #tpu.memory_space<semaphore_mem>>) src(%arg14 : memref<128x64xf32, #tpu.memory_space<vmem>>) dst(%dma_wait3A_384 : memref<10240x64xf32, #tpu.memory_space<vmem_shared>>)
        %add3A_385 = arith.constant 8 : i32
        %add3A_386 = arith.addi %add3A_378, %add3A_385 : i32
        %dma_start3A_387 = arith.constant 0 : i32
        %dma_start3A_388 = tpu.memref_slice %arg7[%add3A_386, %dma_start3A_387] : memref<80x128xi32, #tpu.memory_space<vmem>> -> memref<1x128xi32, #tpu.memory_space<vmem>>
        %dma_start3A_389 = tpu.memref_squeeze %dma_start3A_388 : memref<1x128xi32, #tpu.memory_space<vmem>> -> memref<128xi32, #tpu.memory_space<vmem>>
        %dma_start3A_390 = arith.constant 0 : i32
        %dma_start3A_391 = arith.constant 0 : i32
        %dma_start3A_392 = tpu.memref_slice %arg2[%dma_start3A_390, %dma_start3A_391] : memref<10000x64xf32, #tpu.memory_space<hbm>> -> memref<10000x64xf32, #tpu.memory_space<hbm>>
        tpu.enqueue_indirect_dma source(%dma_start3A_392 : memref<10000x64xf32, #tpu.memory_space<hbm>>) target(%arg14 : memref<128x64xf32, #tpu.memory_space<vmem>>) offsets(%dma_start3A_389 : memref<128xi32, #tpu.memory_space<vmem>>) semaphore(%arg23 : memref<!tpu.dma_semaphore, #tpu.memory_space<semaphore_mem>>)
        %mul3A_393 = arith.constant 8 : i32
        %mul3A_394 = arith.muli %scan3A_154, %mul3A_393 : i32
        %add3A_395 = arith.constant 6 : i32
        %add3A_396 = arith.addi %mul3A_394, %add3A_395 : i32
        %dma_wait3A_397 = arith.constant 0 : i32
        %dma_wait3A_398 = tpu.memref_slice %arg8[%add3A_396, %dma_wait3A_397] : memref<80x128xi32, #tpu.memory_space<vmem>> -> memref<1x128xi32, #tpu.memory_space<vmem>>
        %dma_wait3A_399 = tpu.memref_squeeze %dma_wait3A_398 : memref<1x128xi32, #tpu.memory_space<vmem>> -> memref<128xi32, #tpu.memory_space<vmem>>
        %dma_wait3A_400 = arith.constant 0 : i32
        %dma_wait3A_401 = arith.constant 0 : i32
        %dma_wait3A_402 = tpu.memref_slice %arg17[%dma_wait3A_400, %dma_wait3A_401] : memref<10240x64xf32, #tpu.memory_space<vmem_shared>> -> memref<10240x64xf32, #tpu.memory_space<vmem_shared>>
        tpu.wait_indirect_dma semaphore(%arg32 : memref<!tpu.dma_semaphore, #tpu.memory_space<semaphore_mem>>) src(%arg15 : memref<128x64xf32, #tpu.memory_space<vmem>>) dst(%dma_wait3A_402 : memref<10240x64xf32, #tpu.memory_space<vmem_shared>>)
        %add3A_403 = arith.constant 8 : i32
        %add3A_404 = arith.addi %add3A_396, %add3A_403 : i32
        %dma_start3A_405 = arith.constant 0 : i32
        %dma_start3A_406 = tpu.memref_slice %arg7[%add3A_404, %dma_start3A_405] : memref<80x128xi32, #tpu.memory_space<vmem>> -> memref<1x128xi32, #tpu.memory_space<vmem>>
        %dma_start3A_407 = tpu.memref_squeeze %dma_start3A_406 : memref<1x128xi32, #tpu.memory_space<vmem>> -> memref<128xi32, #tpu.memory_space<vmem>>
        %dma_start3A_408 = arith.constant 0 : i32
        %dma_start3A_409 = arith.constant 0 : i32
        %dma_start3A_410 = tpu.memref_slice %arg2[%dma_start3A_408, %dma_start3A_409] : memref<10000x64xf32, #tpu.memory_space<hbm>> -> memref<10000x64xf32, #tpu.memory_space<hbm>>
        tpu.enqueue_indirect_dma source(%dma_start3A_410 : memref<10000x64xf32, #tpu.memory_space<hbm>>) target(%arg15 : memref<128x64xf32, #tpu.memory_space<vmem>>) offsets(%dma_start3A_407 : memref<128xi32, #tpu.memory_space<vmem>>) semaphore(%arg24 : memref<!tpu.dma_semaphore, #tpu.memory_space<semaphore_mem>>)
        %mul3A_411 = arith.constant 8 : i32
        %mul3A_412 = arith.muli %scan3A_154, %mul3A_411 : i32
        %add3A_413 = arith.constant 7 : i32
        %add3A_414 = arith.addi %mul3A_412, %add3A_413 : i32
        %dma_wait3A_415 = arith.constant 0 : i32
        %dma_wait3A_416 = tpu.memref_slice %arg8[%add3A_414, %dma_wait3A_415] : memref<80x128xi32, #tpu.memory_space<vmem>> -> memref<1x128xi32, #tpu.memory_space<vmem>>
        %dma_wait3A_417 = tpu.memref_squeeze %dma_wait3A_416 : memref<1x128xi32, #tpu.memory_space<vmem>> -> memref<128xi32, #tpu.memory_space<vmem>>
        %dma_wait3A_418 = arith.constant 0 : i32
        %dma_wait3A_419 = arith.constant 0 : i32
        %dma_wait3A_420 = tpu.memref_slice %arg17[%dma_wait3A_418, %dma_wait3A_419] : memref<10240x64xf32, #tpu.memory_space<vmem_shared>> -> memref<10240x64xf32, #tpu.memory_space<vmem_shared>>
        tpu.wait_indirect_dma semaphore(%arg33 : memref<!tpu.dma_semaphore, #tpu.memory_space<semaphore_mem>>) src(%arg16 : memref<128x64xf32, #tpu.memory_space<vmem>>) dst(%dma_wait3A_420 : memref<10240x64xf32, #tpu.memory_space<vmem_shared>>)
        %add3A_421 = arith.constant 8 : i32
        %add3A_422 = arith.addi %add3A_414, %add3A_421 : i32
        %dma_start3A_423 = arith.constant 0 : i32
        %dma_start3A_424 = tpu.memref_slice %arg7[%add3A_422, %dma_start3A_423] : memref<80x128xi32, #tpu.memory_space<vmem>> -> memref<1x128xi32, #tpu.memory_space<vmem>>
        %dma_start3A_425 = tpu.memref_squeeze %dma_start3A_424 : memref<1x128xi32, #tpu.memory_space<vmem>> -> memref<128xi32, #tpu.memory_space<vmem>>
        %dma_start3A_426 = arith.constant 0 : i32
        %dma_start3A_427 = arith.constant 0 : i32
        %dma_start3A_428 = tpu.memref_slice %arg2[%dma_start3A_426, %dma_start3A_427] : memref<10000x64xf32, #tpu.memory_space<hbm>> -> memref<10000x64xf32, #tpu.memory_space<hbm>>
        tpu.enqueue_indirect_dma source(%dma_start3A_428 : memref<10000x64xf32, #tpu.memory_space<hbm>>) target(%arg16 : memref<128x64xf32, #tpu.memory_space<vmem>>) offsets(%dma_start3A_425 : memref<128xi32, #tpu.memory_space<vmem>>) semaphore(%arg25 : memref<!tpu.dma_semaphore, #tpu.memory_space<semaphore_mem>>)
      } else {
      }
    }
    %scan3A_92 = arith.constant 10 : i32
    %dma_wait3A_93 = arith.constant 0 : i32
    %dma_wait3A_94 = arith.constant 0 : i32
    %dma_wait3A_95 = tpu.memref_slice %arg8[%dma_wait3A_93, %dma_wait3A_94] : memref<80x128xi32, #tpu.memory_space<vmem>> -> memref<1x128xi32, #tpu.memory_space<vmem>>
    %dma_wait3A_96 = tpu.memref_squeeze %dma_wait3A_95 : memref<1x128xi32, #tpu.memory_space<vmem>> -> memref<128xi32, #tpu.memory_space<vmem>>
    %dma_wait3A_97 = arith.constant 0 : i32
    %dma_wait3A_98 = arith.constant 0 : i32
    %dma_wait3A_99 = tpu.memref_slice %arg17[%dma_wait3A_97, %dma_wait3A_98] : memref<10240x64xf32, #tpu.memory_space<vmem_shared>> -> memref<10240x64xf32, #tpu.memory_space<vmem_shared>>
    tpu.wait_indirect_dma semaphore(%arg26 : memref<!tpu.dma_semaphore, #tpu.memory_space<semaphore_mem>>) src(%arg9 : memref<128x64xf32, #tpu.memory_space<vmem>>) dst(%dma_wait3A_99 : memref<10240x64xf32, #tpu.memory_space<vmem_shared>>)
    %dma_wait3A_100 = arith.constant 0 : i32
    %dma_wait3A_101 = arith.constant 0 : i32
    %dma_wait3A_102 = tpu.memref_slice %arg8[%dma_wait3A_100, %dma_wait3A_101] : memref<80x128xi32, #tpu.memory_space<vmem>> -> memref<1x128xi32, #tpu.memory_space<vmem>>
    %dma_wait3A_103 = tpu.memref_squeeze %dma_wait3A_102 : memref<1x128xi32, #tpu.memory_space<vmem>> -> memref<128xi32, #tpu.memory_space<vmem>>
    %dma_wait3A_104 = arith.constant 0 : i32
    %dma_wait3A_105 = arith.constant 0 : i32
    %dma_wait3A_106 = tpu.memref_slice %arg17[%dma_wait3A_104, %dma_wait3A_105] : memref<10240x64xf32, #tpu.memory_space<vmem_shared>> -> memref<10240x64xf32, #tpu.memory_space<vmem_shared>>
    tpu.wait_indirect_dma semaphore(%arg27 : memref<!tpu.dma_semaphore, #tpu.memory_space<semaphore_mem>>) src(%arg10 : memref<128x64xf32, #tpu.memory_space<vmem>>) dst(%dma_wait3A_106 : memref<10240x64xf32, #tpu.memory_space<vmem_shared>>)
    %dma_wait3A_107 = arith.constant 0 : i32
    %dma_wait3A_108 = arith.constant 0 : i32
    %dma_wait3A_109 = tpu.memref_slice %arg8[%dma_wait3A_107, %dma_wait3A_108] : memref<80x128xi32, #tpu.memory_space<vmem>> -> memref<1x128xi32, #tpu.memory_space<vmem>>
    %dma_wait3A_110 = tpu.memref_squeeze %dma_wait3A_109 : memref<1x128xi32, #tpu.memory_space<vmem>> -> memref<128xi32, #tpu.memory_space<vmem>>
    %dma_wait3A_111 = arith.constant 0 : i32
    %dma_wait3A_112 = arith.constant 0 : i32
    %dma_wait3A_113 = tpu.memref_slice %arg17[%dma_wait3A_111, %dma_wait3A_112] : memref<10240x64xf32, #tpu.memory_space<vmem_shared>> -> memref<10240x64xf32, #tpu.memory_space<vmem_shared>>
    tpu.wait_indirect_dma semaphore(%arg28 : memref<!tpu.dma_semaphore, #tpu.memory_space<semaphore_mem>>) src(%arg11 : memref<128x64xf32, #tpu.memory_space<vmem>>) dst(%dma_wait3A_113 : memref<10240x64xf32, #tpu.memory_space<vmem_shared>>)
    %dma_wait3A_114 = arith.constant 0 : i32
    %dma_wait3A_115 = arith.constant 0 : i32
    %dma_wait3A_116 = tpu.memref_slice %arg8[%dma_wait3A_114, %dma_wait3A_115] : memref<80x128xi32, #tpu.memory_space<vmem>> -> memref<1x128xi32, #tpu.memory_space<vmem>>
    %dma_wait3A_117 = tpu.memref_squeeze %dma_wait3A_116 : memref<1x128xi32, #tpu.memory_space<vmem>> -> memref<128xi32, #tpu.memory_space<vmem>>
    %dma_wait3A_118 = arith.constant 0 : i32
    %dma_wait3A_119 = arith.constant 0 : i32
    %dma_wait3A_120 = tpu.memref_slice %arg17[%dma_wait3A_118, %dma_wait3A_119] : memref<10240x64xf32, #tpu.memory_space<vmem_shared>> -> memref<10240x64xf32, #tpu.memory_space<vmem_shared>>
    tpu.wait_indirect_dma semaphore(%arg29 : memref<!tpu.dma_semaphore, #tpu.memory_space<semaphore_mem>>) src(%arg12 : memref<128x64xf32, #tpu.memory_space<vmem>>) dst(%dma_wait3A_120 : memref<10240x64xf32, #tpu.memory_space<vmem_shared>>)
    %dma_wait3A_121 = arith.constant 0 : i32
    %dma_wait3A_122 = arith.constant 0 : i32
    %dma_wait3A_123 = tpu.memref_slice %arg8[%dma_wait3A_121, %dma_wait3A_122] : memref<80x128xi32, #tpu.memory_space<vmem>> -> memref<1x128xi32, #tpu.memory_space<vmem>>
    %dma_wait3A_124 = tpu.memref_squeeze %dma_wait3A_123 : memref<1x128xi32, #tpu.memory_space<vmem>> -> memref<128xi32, #tpu.memory_space<vmem>>
    %dma_wait3A_125 = arith.constant 0 : i32
    %dma_wait3A_126 = arith.constant 0 : i32
    %dma_wait3A_127 = tpu.memref_slice %arg17[%dma_wait3A_125, %dma_wait3A_126] : memref<10240x64xf32, #tpu.memory_space<vmem_shared>> -> memref<10240x64xf32, #tpu.memory_space<vmem_shared>>
    tpu.wait_indirect_dma semaphore(%arg30 : memref<!tpu.dma_semaphore, #tpu.memory_space<semaphore_mem>>) src(%arg13 : memref<128x64xf32, #tpu.memory_space<vmem>>) dst(%dma_wait3A_127 : memref<10240x64xf32, #tpu.memory_space<vmem_shared>>)
    %dma_wait3A_128 = arith.constant 0 : i32
    %dma_wait3A_129 = arith.constant 0 : i32
    %dma_wait3A_130 = tpu.memref_slice %arg8[%dma_wait3A_128, %dma_wait3A_129] : memref<80x128xi32, #tpu.memory_space<vmem>> -> memref<1x128xi32, #tpu.memory_space<vmem>>
    %dma_wait3A_131 = tpu.memref_squeeze %dma_wait3A_130 : memref<1x128xi32, #tpu.memory_space<vmem>> -> memref<128xi32, #tpu.memory_space<vmem>>
    %dma_wait3A_132 = arith.constant 0 : i32
    %dma_wait3A_133 = arith.constant 0 : i32
    %dma_wait3A_134 = tpu.memref_slice %arg17[%dma_wait3A_132, %dma_wait3A_133] : memref<10240x64xf32, #tpu.memory_space<vmem_shared>> -> memref<10240x64xf32, #tpu.memory_space<vmem_shared>>
    tpu.wait_indirect_dma semaphore(%arg31 : memref<!tpu.dma_semaphore, #tpu.memory_space<semaphore_mem>>) src(%arg14 : memref<128x64xf32, #tpu.memory_space<vmem>>) dst(%dma_wait3A_134 : memref<10240x64xf32, #tpu.memory_space<vmem_shared>>)
    %dma_wait3A_135 = arith.constant 0 : i32
    %dma_wait3A_136 = arith.constant 0 : i32
    %dma_wait3A_137 = tpu.memref_slice %arg8[%dma_wait3A_135, %dma_wait3A_136] : memref<80x128xi32, #tpu.memory_space<vmem>> -> memref<1x128xi32, #tpu.memory_space<vmem>>
    %dma_wait3A_138 = tpu.memref_squeeze %dma_wait3A_137 : memref<1x128xi32, #tpu.memory_space<vmem>> -> memref<128xi32, #tpu.memory_space<vmem>>
    %dma_wait3A_139 = arith.constant 0 : i32
    %dma_wait3A_140 = arith.constant 0 : i32
    %dma_wait3A_141 = tpu.memref_slice %arg17[%dma_wait3A_139, %dma_wait3A_140] : memref<10240x64xf32, #tpu.memory_space<vmem_shared>> -> memref<10240x64xf32, #tpu.memory_space<vmem_shared>>
    tpu.wait_indirect_dma semaphore(%arg32 : memref<!tpu.dma_semaphore, #tpu.memory_space<semaphore_mem>>) src(%arg15 : memref<128x64xf32, #tpu.memory_space<vmem>>) dst(%dma_wait3A_141 : memref<10240x64xf32, #tpu.memory_space<vmem_shared>>)
    %dma_wait3A_142 = arith.constant 0 : i32
    %dma_wait3A_143 = arith.constant 0 : i32
    %dma_wait3A_144 = tpu.memref_slice %arg8[%dma_wait3A_142, %dma_wait3A_143] : memref<80x128xi32, #tpu.memory_space<vmem>> -> memref<1x128xi32, #tpu.memory_space<vmem>>
    %dma_wait3A_145 = tpu.memref_squeeze %dma_wait3A_144 : memref<1x128xi32, #tpu.memory_space<vmem>> -> memref<128xi32, #tpu.memory_space<vmem>>
    %dma_wait3A_146 = arith.constant 0 : i32
    %dma_wait3A_147 = arith.constant 0 : i32
    %dma_wait3A_148 = tpu.memref_slice %arg17[%dma_wait3A_146, %dma_wait3A_147] : memref<10240x64xf32, #tpu.memory_space<vmem_shared>> -> memref<10240x64xf32, #tpu.memory_space<vmem_shared>>
    tpu.wait_indirect_dma semaphore(%arg33 : memref<!tpu.dma_semaphore, #tpu.memory_space<semaphore_mem>>) src(%arg16 : memref<128x64xf32, #tpu.memory_space<vmem>>) dst(%dma_wait3A_148 : memref<10240x64xf32, #tpu.memory_space<vmem_shared>>)
    %barrier3A_149 = arith.constant 0 : index
    tpu.barrier barrier_id(%barrier3A_149)
    %mul3A_150 = arith.constant 640 : i32
    %mul3A_151 = arith.muli %arg1, %mul3A_150 : i32
    %mul3A_152 = arith.constant 640 : i32
    %mul3A_153 = arith.muli %arg1, %mul3A_152 : i32
    "tpu.region"() ({
      %run_scoped3A = tpu.sem_alloc : memref<!tpu.dma_semaphore, #tpu.memory_space<semaphore_mem>>
      %dma_start3A_154 = arith.constant 0 : i32
      %dma_start3A_155 = tpu.memref_slice %arg6[%arg0, %mul3A_153, %dma_start3A_154] : memref<2x10240x64xf32, #tpu.memory_space<hbm>> -> memref<1x640x64xf32, #tpu.memory_space<hbm>>
      %dma_start3A_156 = tpu.memref_squeeze %dma_start3A_155 : memref<1x640x64xf32, #tpu.memory_space<hbm>> -> memref<640x64xf32, #tpu.memory_space<hbm>>
      %dma_start3A_157 = arith.constant 0 : i32
      %dma_start3A_158 = tpu.memref_slice %arg17[%mul3A_151, %dma_start3A_157] : memref<10240x64xf32, #tpu.memory_space<vmem_shared>> -> memref<640x64xf32, #tpu.memory_space<vmem_shared>>
      tpu.enqueue_dma source(%dma_start3A_158 : memref<640x64xf32, #tpu.memory_space<vmem_shared>>) target(%dma_start3A_156 : memref<640x64xf32, #tpu.memory_space<hbm>>) target_semaphore(%run_scoped3A : memref<!tpu.dma_semaphore, #tpu.memory_space<semaphore_mem>>)
      %dma_wait3A_159 = arith.constant 0 : i32
      %dma_wait3A_160 = tpu.memref_slice %arg6[%arg0, %mul3A_153, %dma_wait3A_159] : memref<2x10240x64xf32, #tpu.memory_space<hbm>> -> memref<1x640x64xf32, #tpu.memory_space<hbm>>
      %dma_wait3A_161 = tpu.memref_squeeze %dma_wait3A_160 : memref<1x640x64xf32, #tpu.memory_space<hbm>> -> memref<640x64xf32, #tpu.memory_space<hbm>>
      %dma_wait3A_162 = arith.constant 0 : i32
      %dma_wait3A_163 = tpu.memref_slice %arg17[%mul3A_151, %dma_wait3A_162] : memref<10240x64xf32, #tpu.memory_space<vmem_shared>> -> memref<640x64xf32, #tpu.memory_space<vmem_shared>>
      tpu.wait_dma2 semaphore(%run_scoped3A : memref<!tpu.dma_semaphore, #tpu.memory_space<semaphore_mem>>) src(%dma_wait3A_163 : memref<640x64xf32, #tpu.memory_space<vmem_shared>>) dst(%dma_wait3A_161 : memref<640x64xf32, #tpu.memory_space<hbm>>)
      tpu.yield
    }) : () -> ()
    return
  }
}

module attributes {stable_mosaic.version = 14 : i64} {
  func.func @_tc_matmul1_body(%arg0: memref<10000x128xf32, #tpu.memory_space<vmem>>, %arg1: memref<128x64xf32, #tpu.memory_space<vmem>>, %arg2: memref<10000x64xf32, #tpu.memory_space<vmem>>) attributes {dimension_semantics = [], scalar_prefetch = 0 : i64, scratch_operands = 0 : i64, tpu.core_type = #tpu.core_type<tc>} {
    %get3A = arith.constant 0 : index
    %get3A_0 = arith.constant 0 : index
    %get3A_1 = vector.load %arg0[%get3A, %get3A_0] : memref<10000x128xf32, #tpu.memory_space<vmem>>, vector<10000x128xf32>
    %get3A_2 = arith.constant 0 : index
    %get3A_3 = arith.constant 0 : index
    %get3A_4 = vector.load %arg1[%get3A_2, %get3A_3] : memref<128x64xf32, #tpu.memory_space<vmem>>, vector<128x64xf32>
    %dot_general3A = arith.constant dense<0.000000e+00> : vector<10000x64xf32>
    %dot_general3A_5 = tpu.matmul %get3A_1, %get3A_4, %dot_general3A {dimension_numbers = #tpu.dot_dimension_numbers<[1], [0], [0], [1], [0, 0, 1, 1], [], []>, transpose_lhs_hint = false} : vector<10000x128xf32>, vector<128x64xf32>, vector<10000x64xf32> -> vector<10000x64xf32>
    %swap3A = arith.constant 0 : index
    %swap3A_6 = arith.constant 0 : index
    %swap3A_7 = vector.load %arg2[%swap3A, %swap3A_6] : memref<10000x64xf32, #tpu.memory_space<vmem>>, vector<10000x64xf32>
    tpu.vector_store %arg2[%swap3A, %swap3A_6], %dot_general3A_5 {strides = array<i32>} : memref<10000x64xf32, #tpu.memory_space<vmem>>, vector<10000x64xf32>,
    return
  }
}

module attributes {stable_mosaic.version = 14 : i64} {
  func.func @_tc_head_body(%arg0: memref<10000x64xf32, #tpu.memory_space<vmem>>, %arg1: memref<2x10240xf32, #tpu.memory_space<vmem>>, %arg2: memref<10000x64xf32, #tpu.memory_space<vmem>>, %arg3: memref<10000x1xf32, #tpu.memory_space<vmem>>) attributes {dimension_semantics = [], scalar_prefetch = 0 : i64, scratch_operands = 0 : i64, tpu.core_type = #tpu.core_type<tc>} {
    %get3A = arith.constant 0 : index
    %get3A_0 = arith.constant 0 : index
    %get3A_1 = vector.load %arg1[%get3A, %get3A_0] : memref<2x10240xf32, #tpu.memory_space<vmem>>, vector<1x10000xf32>
    %get3A_2 = vector.shape_cast %get3A_1 : vector<1x10000xf32> to vector<10000xf32>
    %get3A_3 = arith.constant 1 : index
    %get3A_4 = arith.constant 0 : index
    %get3A_5 = vector.load %arg1[%get3A_3, %get3A_4] : memref<2x10240xf32, #tpu.memory_space<vmem>>, vector<1x10000xf32>
    %get3A_6 = vector.shape_cast %get3A_5 : vector<1x10000xf32> to vector<10000xf32>
    %add3A = arith.addf %get3A_2, %get3A_6 : vector<10000xf32>
    %add3A_7 = arith.constant 1.000000e+00 : f32
    %add3A_8 = vector.broadcast %add3A_7 : f32 to vector<10000xf32>
    %add3A_9 = arith.addf %add3A, %add3A_8 : vector<10000xf32>
    %rsqrt3A = math.rsqrt %add3A_9 : vector<10000xf32>
    %broadcast_in_dim3A = vector.shape_cast %rsqrt3A : vector<10000xf32> to vector<10000x1xf32>
    %swap3A = arith.constant 0 : index
    %swap3A_10 = arith.constant 0 : index
    %swap3A_11 = vector.load %arg3[%swap3A, %swap3A_10] : memref<10000x1xf32, #tpu.memory_space<vmem>>, vector<10000x1xf32>
    tpu.vector_store %arg3[%swap3A, %swap3A_10], %broadcast_in_dim3A {strides = array<i32>} : memref<10000x1xf32, #tpu.memory_space<vmem>>, vector<10000x1xf32>,
    %get3A_12 = arith.constant 0 : index
    %get3A_13 = arith.constant 0 : index
    %get3A_14 = vector.load %arg0[%get3A_12, %get3A_13] : memref<10000x64xf32, #tpu.memory_space<vmem>>, vector<10000x64xf32>
    %mul3A = vector.broadcast %broadcast_in_dim3A : vector<10000x1xf32> to vector<10000x64xf32>
    %mul3A_15 = arith.mulf %get3A_14, %mul3A : vector<10000x64xf32>
    %swap3A_16 = arith.constant 0 : index
    %swap3A_17 = arith.constant 0 : index
    %swap3A_18 = vector.load %arg2[%swap3A_16, %swap3A_17] : memref<10000x64xf32, #tpu.memory_space<vmem>>, vector<10000x64xf32>
    tpu.vector_store %arg2[%swap3A_16, %swap3A_17], %mul3A_15 {strides = array<i32>} : memref<10000x64xf32, #tpu.memory_space<vmem>>, vector<10000x64xf32>,
    return
  }
}

module attributes {stable_mosaic.version = 14 : i64} {
  func.func @_tc_mid_body(%arg0: memref<2x10240x64xf32, #tpu.memory_space<vmem>>, %arg1: memref<10000x64xf32, #tpu.memory_space<vmem>>, %arg2: memref<10000x1xf32, #tpu.memory_space<vmem>>, %arg3: memref<1x64xf32, #tpu.memory_space<vmem>>, %arg4: memref<1x64xf32, #tpu.memory_space<vmem>>, %arg5: memref<1x64xf32, #tpu.memory_space<vmem>>, %arg6: memref<64x64xf32, #tpu.memory_space<vmem>>, %arg7: memref<10000x64xf32, #tpu.memory_space<vmem>>) attributes {dimension_semantics = [], scalar_prefetch = 0 : i64, scratch_operands = 0 : i64, tpu.core_type = #tpu.core_type<tc>} {
    %get3A = arith.constant 0 : index
    %get3A_0 = arith.constant 0 : index
    %get3A_1 = vector.load %arg2[%get3A, %get3A_0] : memref<10000x1xf32, #tpu.memory_space<vmem>>, vector<10000x1xf32>
    %get3A_2 = arith.constant 0 : index
    %get3A_3 = arith.constant 0 : index
    %get3A_4 = arith.constant 0 : index
    %get3A_5 = vector.load %arg0[%get3A_2, %get3A_3, %get3A_4] : memref<2x10240x64xf32, #tpu.memory_space<vmem>>, vector<1x10000x64xf32>
    %get3A_6 = vector.shape_cast %get3A_5 : vector<1x10000x64xf32> to vector<10000x64xf32>
    %get3A_7 = arith.constant 1 : index
    %get3A_8 = arith.constant 0 : index
    %get3A_9 = arith.constant 0 : index
    %get3A_10 = vector.load %arg0[%get3A_7, %get3A_8, %get3A_9] : memref<2x10240x64xf32, #tpu.memory_space<vmem>>, vector<1x10000x64xf32>
    %get3A_11 = vector.shape_cast %get3A_10 : vector<1x10000x64xf32> to vector<10000x64xf32>
    %add3A = arith.addf %get3A_6, %get3A_11 : vector<10000x64xf32>
    %get3A_12 = arith.constant 0 : index
    %get3A_13 = arith.constant 0 : index
    %get3A_14 = vector.load %arg1[%get3A_12, %get3A_13] : memref<10000x64xf32, #tpu.memory_space<vmem>>, vector<10000x64xf32>
    %add3A_15 = arith.addf %add3A, %get3A_14 : vector<10000x64xf32>
    %mul3A = vector.broadcast %get3A_1 : vector<10000x1xf32> to vector<10000x64xf32>
    %mul3A_16 = arith.mulf %mul3A, %add3A_15 : vector<10000x64xf32>
    %get3A_17 = arith.constant 0 : index
    %get3A_18 = arith.constant 0 : index
    %get3A_19 = vector.load %arg3[%get3A_17, %get3A_18] : memref<1x64xf32, #tpu.memory_space<vmem>>, vector<1x64xf32>
    %add3A_20 = vector.broadcast %get3A_19 : vector<1x64xf32> to vector<10000x64xf32>
    %add3A_21 = arith.addf %mul3A_16, %add3A_20 : vector<10000x64xf32>
    %get3A_22 = arith.constant 0 : index
    %get3A_23 = arith.constant 0 : index
    %get3A_24 = vector.load %arg4[%get3A_22, %get3A_23] : memref<1x64xf32, #tpu.memory_space<vmem>>, vector<1x64xf32>
    %mul3A_25 = arith.constant 0.999994993 : f32
    %mul3A_26 = vector.broadcast %mul3A_25 : f32 to vector<1x64xf32>
    %mul3A_27 = arith.mulf %get3A_24, %mul3A_26 : vector<1x64xf32>
    %mul3A_28 = vector.broadcast %mul3A_27 : vector<1x64xf32> to vector<10000x64xf32>
    %mul3A_29 = arith.mulf %add3A_21, %mul3A_28 : vector<10000x64xf32>
    %get3A_30 = arith.constant 0 : index
    %get3A_31 = arith.constant 0 : index
    %get3A_32 = vector.load %arg5[%get3A_30, %get3A_31] : memref<1x64xf32, #tpu.memory_space<vmem>>, vector<1x64xf32>
    %add3A_33 = vector.broadcast %get3A_32 : vector<1x64xf32> to vector<10000x64xf32>
    %add3A_34 = arith.addf %mul3A_29, %add3A_33 : vector<10000x64xf32>
    %max3A = arith.constant 0.000000e+00 : f32
    %max3A_35 = vector.broadcast %max3A : f32 to vector<10000x64xf32>
    %max3A_36 = arith.maximumf %add3A_34, %max3A_35 : vector<10000x64xf32>
    %get3A_37 = arith.constant 0 : index
    %get3A_38 = arith.constant 0 : index
    %get3A_39 = vector.load %arg6[%get3A_37, %get3A_38] : memref<64x64xf32, #tpu.memory_space<vmem>>, vector<64x64xf32>
    %dot_general3A = arith.constant dense<0.000000e+00> : vector<10000x64xf32>
    %dot_general3A_40 = tpu.matmul %max3A_36, %get3A_39, %dot_general3A {dimension_numbers = #tpu.dot_dimension_numbers<[1], [0], [0], [1], [0, 0, 1, 1], [], []>, transpose_lhs_hint = false} : vector<10000x64xf32>, vector<64x64xf32>, vector<10000x64xf32> -> vector<10000x64xf32>
    %mul3A_41 = vector.broadcast %get3A_1 : vector<10000x1xf32> to vector<10000x64xf32>
    %mul3A_42 = arith.mulf %dot_general3A_40, %mul3A_41 : vector<10000x64xf32>
    %swap3A = arith.constant 0 : index
    %swap3A_43 = arith.constant 0 : index
    %swap3A_44 = vector.load %arg7[%swap3A, %swap3A_43] : memref<10000x64xf32, #tpu.memory_space<vmem>>, vector<10000x64xf32>
    tpu.vector_store %arg7[%swap3A, %swap3A_43], %mul3A_42 {strides = array<i32>} : memref<10000x64xf32, #tpu.memory_space<vmem>>, vector<10000x64xf32>,
    return
  }
}

module attributes {stable_mosaic.version = 14 : i64} {
  func.func @_tc_tail_body(%arg0: memref<2x10240x64xf32, #tpu.memory_space<vmem>>, %arg1: memref<10000x64xf32, #tpu.memory_space<vmem>>, %arg2: memref<10000x1xf32, #tpu.memory_space<vmem>>, %arg3: memref<1x64xf32, #tpu.memory_space<vmem>>, %arg4: memref<1x64xf32, #tpu.memory_space<vmem>>, %arg5: memref<1x64xf32, #tpu.memory_space<vmem>>, %arg6: memref<64x2xf32, #tpu.memory_space<vmem>>, %arg7: memref<1x2xf32, #tpu.memory_space<vmem>>, %arg8: memref<10000x2xf32, #tpu.memory_space<vmem>>) attributes {dimension_semantics = [], scalar_prefetch = 0 : i64, scratch_operands = 0 : i64, tpu.core_type = #tpu.core_type<tc>} {
    %get3A = arith.constant 0 : index
    %get3A_0 = arith.constant 0 : index
    %get3A_1 = vector.load %arg2[%get3A, %get3A_0] : memref<10000x1xf32, #tpu.memory_space<vmem>>, vector<10000x1xf32>
    %get3A_2 = arith.constant 0 : index
    %get3A_3 = arith.constant 0 : index
    %get3A_4 = arith.constant 0 : index
    %get3A_5 = vector.load %arg0[%get3A_2, %get3A_3, %get3A_4] : memref<2x10240x64xf32, #tpu.memory_space<vmem>>, vector<1x10000x64xf32>
    %get3A_6 = vector.shape_cast %get3A_5 : vector<1x10000x64xf32> to vector<10000x64xf32>
    %get3A_7 = arith.constant 1 : index
    %get3A_8 = arith.constant 0 : index
    %get3A_9 = arith.constant 0 : index
    %get3A_10 = vector.load %arg0[%get3A_7, %get3A_8, %get3A_9] : memref<2x10240x64xf32, #tpu.memory_space<vmem>>, vector<1x10000x64xf32>
    %get3A_11 = vector.shape_cast %get3A_10 : vector<1x10000x64xf32> to vector<10000x64xf32>
    %add3A = arith.addf %get3A_6, %get3A_11 : vector<10000x64xf32>
    %get3A_12 = arith.constant 0 : index
    %get3A_13 = arith.constant 0 : index
    %get3A_14 = vector.load %arg1[%get3A_12, %get3A_13] : memref<10000x64xf32, #tpu.memory_space<vmem>>, vector<10000x64xf32>
    %add3A_15 = arith.addf %add3A, %get3A_14 : vector<10000x64xf32>
    %mul3A = vector.broadcast %get3A_1 : vector<10000x1xf32> to vector<10000x64xf32>
    %mul3A_16 = arith.mulf %mul3A, %add3A_15 : vector<10000x64xf32>
    %get3A_17 = arith.constant 0 : index
    %get3A_18 = arith.constant 0 : index
    %get3A_19 = vector.load %arg3[%get3A_17, %get3A_18] : memref<1x64xf32, #tpu.memory_space<vmem>>, vector<1x64xf32>
    %add3A_20 = vector.broadcast %get3A_19 : vector<1x64xf32> to vector<10000x64xf32>
    %add3A_21 = arith.addf %mul3A_16, %add3A_20 : vector<10000x64xf32>
    %get3A_22 = arith.constant 0 : index
    %get3A_23 = arith.constant 0 : index
    %get3A_24 = vector.load %arg4[%get3A_22, %get3A_23] : memref<1x64xf32, #tpu.memory_space<vmem>>, vector<1x64xf32>
    %mul3A_25 = arith.constant 0.999994993 : f32
    %mul3A_26 = vector.broadcast %mul3A_25 : f32 to vector<1x64xf32>
    %mul3A_27 = arith.mulf %get3A_24, %mul3A_26 : vector<1x64xf32>
    %mul3A_28 = vector.broadcast %mul3A_27 : vector<1x64xf32> to vector<10000x64xf32>
    %mul3A_29 = arith.mulf %add3A_21, %mul3A_28 : vector<10000x64xf32>
    %get3A_30 = arith.constant 0 : index
    %get3A_31 = arith.constant 0 : index
    %get3A_32 = vector.load %arg5[%get3A_30, %get3A_31] : memref<1x64xf32, #tpu.memory_space<vmem>>, vector<1x64xf32>
    %add3A_33 = vector.broadcast %get3A_32 : vector<1x64xf32> to vector<10000x64xf32>
    %add3A_34 = arith.addf %mul3A_29, %add3A_33 : vector<10000x64xf32>
    %max3A = arith.constant 0.000000e+00 : f32
    %max3A_35 = vector.broadcast %max3A : f32 to vector<10000x64xf32>
    %max3A_36 = arith.maximumf %add3A_34, %max3A_35 : vector<10000x64xf32>
    %get3A_37 = arith.constant 0 : index
    %get3A_38 = arith.constant 0 : index
    %get3A_39 = vector.load %arg6[%get3A_37, %get3A_38] : memref<64x2xf32, #tpu.memory_space<vmem>>, vector<64x2xf32>
    %dot_general3A = arith.constant dense<0.000000e+00> : vector<10000x2xf32>
    %dot_general3A_40 = tpu.matmul %max3A_36, %get3A_39, %dot_general3A {dimension_numbers = #tpu.dot_dimension_numbers<[1], [0], [0], [1], [0, 0, 1, 1], [], []>, transpose_lhs_hint = false} : vector<10000x64xf32>, vector<64x2xf32>, vector<10000x2xf32> -> vector<10000x2xf32>
    %get3A_41 = arith.constant 0 : index
    %get3A_42 = arith.constant 0 : index
    %get3A_43 = vector.load %arg7[%get3A_41, %get3A_42] : memref<1x2xf32, #tpu.memory_space<vmem>>, vector<1x2xf32>
    %add3A_44 = vector.broadcast %get3A_43 : vector<1x2xf32> to vector<10000x2xf32>
    %add3A_45 = arith.addf %dot_general3A_40, %add3A_44 : vector<10000x2xf32>
    %reduce_max3A = arith.constant dense<0xFF800000> : vector<10000xf32>
    %reduce_max3A_46 = vector.multi_reduction <maximumf>, %add3A_45, %reduce_max3A [1] : vector<10000x2xf32> to vector<10000xf32>
    %broadcast_in_dim3A = vector.shape_cast %reduce_max3A_46 : vector<10000xf32> to vector<10000x1xf32>
    %sub3A = vector.broadcast %broadcast_in_dim3A : vector<10000x1xf32> to vector<10000x2xf32>
    %sub3A_47 = arith.subf %add3A_45, %sub3A : vector<10000x2xf32>
    %exp3A = math.exp %sub3A_47 : vector<10000x2xf32>
    %reduce_sum3A = arith.constant dense<0.000000e+00> : vector<10000xf32>
    %reduce_sum3A_48 = vector.multi_reduction <add>, %exp3A, %reduce_sum3A [1] : vector<10000x2xf32> to vector<10000xf32>
    %broadcast_in_dim3A_49 = vector.shape_cast %reduce_sum3A_48 : vector<10000xf32> to vector<10000x1xf32>
    %log3A = math.log %broadcast_in_dim3A_49 : vector<10000x1xf32>
    %add3A_50 = arith.addf %log3A, %broadcast_in_dim3A : vector<10000x1xf32>
    %sub3A_51 = vector.broadcast %add3A_50 : vector<10000x1xf32> to vector<10000x2xf32>
    %sub3A_52 = arith.subf %add3A_45, %sub3A_51 : vector<10000x2xf32>
    %swap3A = arith.constant 0 : index
    %swap3A_53 = arith.constant 0 : index
    %swap3A_54 = vector.load %arg8[%swap3A, %swap3A_53] : memref<10000x2xf32, #tpu.memory_space<vmem>>, vector<10000x2xf32>
    tpu.vector_store %arg8[%swap3A, %swap3A_53], %sub3A_52 {strides = array<i32>} : memref<10000x2xf32, #tpu.memory_space<vmem>>, vector<10000x2xf32>,
    return
  }
}

</mosaic_0001>

<sc_bundles>
// kernel: kernel.11.cloned.1.call-start
scs
__scs_entry_jumppad:
0x0: {  	(pc) =	sbr.rel $0x88, $3  }
0x1: {  	(tag) =	ssettag $0x0;
	lr =	simm.s32 $0x1  }
0x2: {  	[smem:$0x3F91] =	sst lr;
	_ =	strace $0xD0000000  }
0x3: {  	_ = 	snop  }
0x4: {  	_ = 	snop  }
0x5: {  	_ = 	snop  }
0x6: {  	_ = 	snop  }
0x7: {  	_ = 	snop  }
__scs_overlays_trampoline_lowered:
0x8: {  	[smem:$0x3FA0] =	sst s0  }
0x9: {  	[smem:$0x3FA1] =	sst s1  }
0xa: {  	[smem:$0x3FA2] =	sst s2  }
0xb: {  	[smem:$0x3FA3] =	sst s3  }
0xc: {  	[smem:$0x3FA4] =	sst s4  }
0xd: {  	[smem:$0x3FA5] =	sst s5  }
0xe: {  	[smem:$0x3FA6] =	sst s6  }
0xf: {  	[smem:$0x3FA7] =	sst s7  }
0x10: {  	[smem:$0x3FA8] =	sst s8  }
0x11: {  	[smem:$0x3FA9] =	sst s9;
	s0 =	simm.s32 @!p0 $0x0  }
0x12: {  	s1 =	sld [smem:$0x3F8F];
	s0 =	simm.s32 @p0 $0x1  }
0x13: {  	[smem:$0x3FAA] =	sst s0;
	s0 =	simm.s32 @!p1 $0x0  }
0x14: {  	s2 =	sld [smem:$0x3F8E];
	s0 =	simm.s32 @p1 $0x1  }
0x15: {  	[smem:$0x3FAB] =	sst s0;
	s0 =	simm.s32 @!p2 $0x0  }
0x16: {  	s3 =	sld [smem:$0x3FDB];
	s0 =	simm.s32 @p2 $0x1  }
0x17: {  	s4 =	simm.s32 $0x1BF5;
	[smem:$0x3FAD] =	sst s0  }
0x18: {  	s0 =	sld [smem:$0x3F90];
	_ =	swait.ge [sflag:s4], $0x0  }
0x19: {  	s7 =	sld [smem:$0x3F91]  }
0x1a: {  	s8 =	sadd.s32 $0xFFFFE003, lr  }
0x1b: {  	s9 =	sadd.s32 $0xFFFFFEF7, lr;
	s5 =	simm.s32 $0xFFFFFFFF;
	p2 =	slt.u32 s8, $0xFFFFF086  }
0x1c: {  	p1 =	slt.u32 s9, $0xF7A;
	s5 =	simm.s32 @!p2 $0x0  }
0x1d: {  	s5 =	simm.s32 @p1 $0x1;
	p0 =	seq.s32 s7, s2  }
0x1e: {  	s7 =	smul.u32 @!p0 $0xF7A, s2;
	p2 =	seq.s32 @!p0 s5, $0x0  }
0x1f: {  	s9 =	smul.u32 $0xF7A, s1;
	s8 =	simm.s32 @!p0 $0x1BF5;
	p2 =	por !p2, p0  }
0x20: {  	[sflag:s8] =	ssyncset.s32 @!p0 $0xFFFFF086;
	s6 =	sadd.s32 @!p0 s3, s7;
	s7 =	simm.s32 @!p0 $0x108  }
0x21: {  	s3 =	sadd.s32 s3, s9;
	s6 =	sadd.s32 @!p0 $0x88, s6;
	s7 =	simm.s32 @p2 $0x1082  }
0x22: {  	[simem:s7], [sflag:s8] =	dma.local @!p0 [hbm:s6], $0xF7A  }
0x23: {  	s9 =	sor.u32 $0xD0000000, s2;
	s6 =	simm.s32 $0x108;
	_ =	swait.ge @!p0 [sflag:s8], $0x0  }
0x24: {  	s3 =	sadd.s32 $0x88, s3;
	s6 =	simm.s32 @!p1 $0x1082;
	[sflag:s4] =	ssyncset.s32 $0xFFFFF086  }
0x25: {  	[simem:s6], [sflag:s4] =	dma.local [hbm:s3], $0xF7A  }
0x26: {  	[smem:$0x3F91] =	sst s1;
	(tag) =	ssettag s2;
	_ =	strace s9  }
0x27: {  	s1 =	sld [smem:$0x3FA1]  }
0x28: {  	s2 =	sld [smem:$0x3FA2]  }
0x29: {  	s4 =	sld [smem:$0x3FA4]  }
0x2a: {  	p0 =	seq.s32 s5, $0x0;
	s5 =	sld [smem:$0x3FA5]  }
0x2b: {  	s6 =	sld [smem:$0x3FA6]  }
0x2c: {  	s7 =	sld [smem:$0x3FA7]  }
0x2d: {  	s3 =	simm.s32 $0x108;
	s8 =	sld [smem:$0x3FA8]  }
0x2e: {  	s3 =	simm.s32 @!p0 $0x1082;
	s9 =	sld [smem:$0x3FA9]  }
0x2f: {  	lr =	sadd.s32 s0, s3;
	s0 =	sld [smem:$0x3FA0]  }
0x30: {  	s3 =	sld [smem:$0x3FA3]  }
0x31: {  	[smem:$0x3FAC] =	sst s10  }
0x32: {  	s10 =	sld [smem:$0x3FAA];
	_ =	sdelay $0x3  }
0x33: {  	p0 =	seq.s32 s10, $0x1;
	s10 =	sld [smem:$0x3FAC];
	_ =	sdelay $0x3  }
0x34: {  	[smem:$0x3FAC] =	sst s10  }
0x35: {  	s10 =	sld [smem:$0x3FAB];
	_ =	sdelay $0x3  }
0x36: {  	p1 =	seq.s32 s10, $0x1;
	s10 =	sld [smem:$0x3FAC];
	_ =	sdelay $0x3  }
0x37: {  	[smem:$0x3FAC] =	sst s10  }
0x38: {  	s10 =	sld [smem:$0x3FAD]  }
0x39: {  	_ = 	snop;
	(pc) =	sbr.ind lr, $3  }
0x3a: {  	_ = 	snop  }
0x3b: {  	_ = 	snop  }
0x3c: {  	p2 =	seq.s32 s10, $0x1;
	s10 =	sld [smem:$0x3FAC]  }
0x3d: {  	_ =	shalt  }
0x3e: {  	_ =	shalt  }
0x3f: {  	_ =	shalt  }
0x40: {  	_ =	shalt  }
0x41: {  	_ =	shalt  }
0x42: {  	_ =	shalt  }
0x43: {  	_ =	shalt  }
0x44: {  	_ =	shalt  }
0x45: {  	_ =	shalt  }
0x46: {  	_ =	shalt  }
0x47: {  	_ =	shalt  }
0x48: {  	_ =	shalt  }
0x49: {  	_ =	shalt  }
0x4a: {  	_ =	shalt  }
0x4b: {  	_ =	shalt  }
0x4c: {  	_ =	shalt  }
0x4d: {  	_ =	shalt  }
0x4e: {  	_ =	shalt  }
0x4f: {  	_ =	shalt  }
0x50: {  	_ =	shalt  }
0x51: {  	_ =	shalt  }
0x52: {  	_ =	shalt  }
0x53: {  	_ =	shalt  }
0x54: {  	_ =	shalt  }
0x55: {  	_ =	shalt  }
0x56: {  	_ =	shalt  }
0x57: {  	_ =	shalt  }
0x58: {  	_ =	shalt  }
0x59: {  	_ =	shalt  }
0x5a: {  	_ =	shalt  }
0x5b: {  	_ =	shalt  }
0x5c: {  	_ =	shalt  }
0x5d: {  	_ =	shalt  }
0x5e: {  	_ =	shalt  }
0x5f: {  	_ =	shalt  }
0x60: {  	_ =	shalt  }
0x61: {  	_ =	shalt  }
0x62: {  	_ =	shalt  }
0x63: {  	_ =	shalt  }
0x64: {  	_ =	shalt  }
0x65: {  	_ =	shalt  }
0x66: {  	_ =	shalt  }
0x67: {  	_ =	shalt  }
0x68: {  	_ =	shalt  }
0x69: {  	_ =	shalt  }
0x6a: {  	_ =	shalt  }
0x6b: {  	_ =	shalt  }
0x6c: {  	_ =	shalt  }
0x6d: {  	_ =	shalt  }
0x6e: {  	_ =	shalt  }
0x6f: {  	_ =	shalt  }
0x70: {  	_ =	shalt  }
0x71: {  	_ =	shalt  }
0x72: {  	_ =	shalt  }
0x73: {  	_ =	shalt  }
0x74: {  	_ =	shalt  }
0x75: {  	_ =	shalt  }
0x76: {  	_ =	shalt  }
0x77: {  	_ =	shalt  }
0x78: {  	_ =	shalt  }
0x79: {  	_ =	shalt  }
0x7a: {  	_ =	shalt  }
0x7b: {  	_ =	shalt  }
0x7c: {  	_ =	shalt  }
0x7d: {  	_ =	shalt  }
0x7e: {  	_ =	shalt  }
0x7f: {  	_ =	shalt  }
0x80: {  	_ =	shalt  }
0x81: {  	_ =	shalt  }
0x82: {  	_ =	shalt  }
0x83: {  	_ =	shalt  }
0x84: {  	_ =	shalt  }
0x85: {  	_ =	shalt  }
0x86: {  	_ =	shalt  }
0x87: {  	_ =	shalt  }
.Lfunc_end0:
.L_simem_size_0:
called_computation_lowered:
.L_overlay_start_0:
0x88: {  	s2 =	sld [smem:$0x3FD9]  }
0x89: {  	s3 =	sld [smem:$0x3FFE];
	_ =	sdelay $0x1  }
0x8a: {  	s1 =	srdreg.scid  }
0x8b: {  	s0 =	sand.u32 $0x1, s1  }
0x8c: {  	s17 =	sshll.u32 s0, $0xA;
	s2 =	sadd.s32 s3, s2  }
0x8d: {  	s2 =	sadd.s32 s2, s17  }
0x8e: {  	[smem:$0x3FB8] =	sst s2  }
0x8f: {  	_ = 	snop  }
0x90: {  	s2 =	sld [smem:$0x3FD0];
	(tm) =	ssettm $0x1  }
0x91: {  	s18 =	sld [smem:$0x3FFB];
	_ =	sdelay $0x3  }
0x92: {  	_ =	strace s18  }
0x93: {  	s3 =	sld [smem:$0x3FFC];
	_ =	sdelay $0x3  }
0x94: {  	_ =	strace s3  }
0x95: {  	s3 =	sld [smem:$0x3FFD];
	_ =	sdelay $0x3  }
0x96: {  	_ =	strace s3  }
0x97: {  	_ =	strace $0x8FFFFFFF  }
0x98: {  	s19 =	sld [smem:$0x3FDB];
	_ =	sdelay $0x1  }
0x99: {  	s4 =	simm.s32 $_scs_section_size  }
0x9a: {  	s5 =	simm.s32 $_size__tile_overlayer_lowered;
	s6 =	simm.s32 $_tile_overlayer_lowered  }
0x9b: {  	s22 =	simm.s32 $0x1BFF;
	s21 =	sshll.u32 s6, $0x1;
	s3 =	sadd.s32 s4, s19  }
0x9c: {  	s7 =	simm.s32 $0x0;
	s20 =	sshll.u32 s5, $0x1;
	s5 =	sadd.s32 s21, s3  }
0x9d: {  	[timem:s7], [sflag:s22] =	dma.local [hbm:s5], s20  }
0x9e: {  	_ =	swait.ge [sflag:s22], s20  }
0x9f: {  	s4 =	ssub.s32 $0x0, s20;
	[sflag:s22] =	ssyncset.done $0x0  }
0xa0: {  	[sflag:s22] =	ssyncadd.s32 s4;
	_ =	sdelay $0x1  }
0xa1: {  	s23 =	simm.s32 $0x1B8B  }
0xa2: {  	_ =	swait.ge [sflag:s23], $0x1  }
0xa3: {  	[sflag:s23] =	ssyncset.done $0x0  }
0xa4: {  	s25 =	simm.s32 $0x1B8E;
	s24 =	sld [smem:$0x3FFE];
	[sflag:s23] =	ssyncadd.s32 $0xFFFFFFFF  }
0xa5: {  	s26 =	simm.s32 $execute0_lowered;
	[smem:$0x3FD2] =	sst s25  }
0xa6: {  	s5 =	sshll.u32 s26, $0x1;
	_ =	strace $0x80000046;
	[dreg:$0x1] =	wrdreg $0xFFFFFFFF  }
0xa7: {  	s28 =	simm.s32 $_size_execute0_lowered;
	s3 =	sadd.s32 s3, s5;
	[dreg:$0x0] =	wrdreg $0x0  }
0xa8: {  	s5 =	sshll.u32 s28, $0x1;
	[dreg:$0x2] =	wrdreg s3  }
0xa9: {  	[dreg:$0x3] =	wrdreg s5  }
0xaa: {  	[dreg:$0x4] =	wrdreg $0xC0  }
0xab: {  	_ =	task [dreg:s7], $0x5FFFF  }
0xac: {  	[dreg:$0x1] =	wrdreg $0xFFFFFFFF  }
0xad: {  	[dreg:$0x0] =	wrdreg $0x60  }
0xae: {  	[dreg:$0x2] =	wrdreg s24  }
0xaf: {  	[dreg:$0x3] =	wrdreg s2  }
0xb0: {  	[dreg:$0x4] =	wrdreg $0x28800  }
0xb1: {  	[dreg:$0x5] =	wrdreg $0x9  }
0xb2: {  	_ =	task.clear_ibuf [dreg:s7], $0x6FFFF;
	_ =	strace $0x90000046  }
0xb3: {  	s29 =	simm.s32 $0x9;
	_ =	strace $0x80000048  }
0xb4: {  	_ =	swait.ge [sflag:s29], $0x1  }
0xb5: {  	[sflag:s29] =	ssyncadd.s32 $0xFFFFFFFF  }
0xb6: {  	_ =	strace $0x90000048  }
0xb7: {  	_ =	sfence  }
0xb8: {  	s30 =	sld [smem:$0x0];
	_ =	sdelay $0x2  }
0xb9: {  	s31 =	sshll.u32 s1, $0xD;
	s1 =	sshrl.u32 s1, $0x2  }
0xba: {  	s3 =	sand.u32 $0x4000, s31;
	s1 =	sadd.s32 s1, s30  }
0xbb: {  	s0 =	sor.u32 s3, s0;
	s1 =	sshll.u32 s1, $0x11  }
0xbc: {  	s0 =	sor.u32 s1, s0  }
0xbd: {  	s0 =	sadd.s32 $0x8F2B, s0  }
0xbe: {  	[sflag:s0] =	ssyncadd.remote.s32 $0x1  }
0xbf: {  	_ =	sfence.sel $0xFFFF  }
0xc0: {  	[dreg:$0x0] =	wrdreg $0xFFFFFFFF;
	(pc) =	sbr.abs _section_cstart, $3  }
0xc1: {  	[dreg:$0x1] =	wrdreg $0xFFFFFFFF  }
0xc2: {  	_ =	task.clear_ibuf [dreg:s7], $0x2FFFF;
	_ =	strace $0x9FFFFFFF  }
0xc3: {  	(tm) =	ssettm $0x7FFFFFFF  }
tec
execute0_lowered:
.L_overlay_start_1:
0x0: {  	(tag) =	ssettag $0x1  }
0x1: {  	s5 =	rddreg [dreg:$0x0]  }
0x2: {  	s6 =	rddreg [dreg:$0x1]  }
0x3: {  	s0 =	srdreg.scid;
	s2 =	rddreg [dreg:$0x2]  }
0x4: {  	s3 =	simm.s32 $0x0;
	s12 =	simm.s32 $0x2800;
	s13 =	simm.s32 $0x80  }
0x5: {  	s14 =	simm.s32 $0x1;
	s15 =	simm.s32 $0x20;
	s16 =	simm.s32 $0x10  }
0x6: {  	s17 =	simm.s32 $0x0;
	s4 =	sand.u32 $0x1, s0;
	s0 =	stileid.u32  }
0x7: {  	[smem:$0x7FF] =	sst s3;
	s1 =	sshll.u32 s4, $0x4;
	s8 =	smul.u32 $0x500, s0  }
0x8: {  	s9 =	sshll.u32 s4, $0x7;
	s29 =	ssub.s32 $0x2, s4;
	s10 =	smul.u32 $0x280, s0  }
0x9: {  	s4 =	sadd.s32 $0x17200, s5;
	s31 =	sshll.u32 s0, $0x6;
	s7 =	sor.u32 s0, s1  }
0xa: {  	s1 =	rddreg [dreg:$0x3];
	_ =	strace $0x80000047;
	s11 =	sshrl.u32 s29, $0x1  }
0xb: {  	s7 =	smul.u32 $0x500, s7;
	s8 =	sor.u32 s9, s8;
	s9 =	ssub.s32 s29, s11  }
0xc: {  	s30 =	sshrl.u32 s10, $0x3;
	s10 =	sadd.s32 s10, s2;
	s11 =	simm.s32 $0x2  }
0xd: {  	s8 =	sshrl.u32 s8, $0x3;
	s9 =	smax.u32 s9, $0x1;
	s10 =	sshrl.u32 s10, $0x3  }
0xe: {  	s7 =	sadd.s32 s7, s5;
	s8 =	sadd.s32 s8, s5;
	s5 =	sadd.s32 s6, s30  }
0xf: {  	s6 =	sor.u32 $0x1C02, s31;
	s7 =	sadd.s32 $0x3200, s7;
	s8 =	sadd.s32 $0x17400, s8  }
.LBB2_1:
0x10: {  	[spmem:s10], [sflag:s6] =	dma.local [hbm:s5], $0x50  }
0x11: {  	_ =	swait.ge [sflag:s11], $0x50  }
0x12: {  	[sflag:s11] =	ssyncset.done $0x0  }
0x13: {  	[sflag:s11] =	ssyncadd.s32 $0xFFFFFFB0  }
0x14: {  	[tilespmem:s12], [sflag:$0x2] =	stream.linear.gather [hbm4b:s4+s3], $0x80, $0x38;
	[tilespmem:$0x2B00] =	vst v63  }
0x15: {  	_ =	swait.ge [sflag:s11], $0x80  }
0x16: {  	[sflag:s11] =	ssyncset.done $0x0  }
0x17: {  	[sflag:s11] =	ssyncadd.s32 $0xFFFFFF80  }
0x18: {  	[tilespmem:s3], [sflag:$0x2] =	stream.linear.gather [hbm4b:s7+s3], $0x2800, $0x38;
	[tilespmem:$0x2B00] =	vst v63  }
0x19: {  	_ =	swait.ge [sflag:s11], $0x2800  }
0x1a: {  	[sflag:s11] =	ssyncset.done $0x0  }
0x1b: {  	[sflag:s11] =	ssyncadd.s32 $0xFFFFD800  }
0x1c: {  	s18 =	simm.s32 $0x0;
	[bflag:$0x0] =	sbarrier.arrive $0xFFFF  }
.LBB2_2:
0x1d: {  	p0 =	sne.s32 s18, $0x9E00  }
.Ltmp0:
0x1e: {  	_ = 	snop;
	(pc) =	sbr.rel @p0 .LBB2_2-.Ltmp0, $3  }
0x1f: {  	_ =	sdelay $0x1  }
0x20: {  	s19 =	sshra.s32 s18, $0x2;
	s18 =	sadd.s32 $0x200, s18  }
0x21: {  	[spmem:s2] =	stream.indirect.scatter.add.f32 [tilespmem:s12], [sflag:$0x1], $0x1, s19, s13, $0xb8;
	[tilespmem:$0x2B00] =	vst v63  }
0x22: {  	_ =	swait.ge [sflag:s14], $0x80  }
0x23: {  	s18 =	simm.s32 $0x4F;
	[sflag:s14] =	ssyncset.done $0x0  }
.LBB2_4:
0x24: {  	p0 =	sne.s32 s18, $0x1;
	s18 =	sadd.s32 $0xFFFFFFFF, s18;
	[sflag:s14] =	ssyncadd.s32 $0xFFFFFF80  }
.Ltmp1:
0x25: {  	(pc) =	sbr.rel @p0 .LBB2_4-.Ltmp1, $3  }
0x26: {  	_ =	sdelay $0x1  }
0x27: {  	_ =	swait.ge [sflag:s14], $0x80  }
0x28: {  	[sflag:s14] =	ssyncset.done $0x0  }
0x29: {  	s17 =	sadd.s32 $0x1, s17  }
0x2a: {  	[sflag:s14] =	ssyncadd.s32 $0xFFFFFF80;
	p0 =	sne.s32 s17, s9  }
.Ltmp2:
0x2b: {  	[bflag:$0x0] =	sbarrier.arrive $0xFFFF;
	(pc) =	sbr.rel @p0 .LBB2_1-.Ltmp2, $4  }
0x2c: {  	[hbm:s8@s15], [sflag:s6] =	dma.strided [spmem:s10@s16], $0x50, s14, $0x10   }
0x2d: {  	_ =	swait.ge [sflag:s11], $0x50  }
0x2e: {  	[sflag:s11] =	ssyncset.done $0x0  }
0x2f: {  	[sflag:s11] =	ssyncadd.s32 $0xFFFFFFB0  }
0x30: {  	_ =	sfence.sel $0x180000  }
0x31: {  	[bflag:$0x0] =	sbarrier.arrive $0xFFFF  }
0x32: {  	p0 =	sne.s32 s0, $0x0;
	_ =	strace $0x90000047  }
0x33: {  	s0 =	sadd.s32 @!p0 $0x100000, s1;
	[bflag:$0x2] =	sbarrier.arrive $0xFFFF  }
0x34: {  	[sflag:s0] =	ssyncadd.tile.s32 @!p0 $0x1;
	_ =	shalt  }
.Lfunc_end2:
_tile_overlayer_lowered:
.L_overlay_start_2:
0x35: {  	(tag) =	ssettag $0x2  }
0x36: {  	s0 =	rddreg [dreg:$0x0];
	s2 =	stileid.u32  }
0x37: {  	s1 =	rddreg [dreg:$0x1];
	p0 =	sne.s32 s2, $0x0  }
0x38: {  	s3 =	rddreg [dreg:$0x2];
	[bflag:$0x3] =	sbarrier.arrive $0xFFFF;
	s2 =	simm.s32 @!p0 $0x1C02  }
0x39: {  	[timem:s3], [sflag:s2] =	dma.local @!p0 [hbm:s0], s1  }
0x3a: {  	s0 =	simm.s32 @!p0 $0x2  }
0x3b: {  	_ =	swait.ge @!p0 [sflag:s0], s1  }
0x3c: {  	s1 =	ssub.s32 @!p0 $0x0, s1;
	[sflag:s0] =	ssyncset.done @!p0 $0x0  }
0x3d: {  	[sflag:s0] =	ssyncadd.s32 @!p0 s1  }
0x3e: {  	[bflag:$0x3] =	sbarrier.arrive $0xFFFF  }
0x3f: {  	_ =	shalt  }

// kernel: kernel.14.cloned.1.call-start
scs
__scs_entry_jumppad:
0x0: {  	(pc) =	sbr.rel $0x88, $3  }
0x1: {  	(tag) =	ssettag $0x0;
	lr =	simm.s32 $0x1  }
0x2: {  	[smem:$0x3F91] =	sst lr;
	_ =	strace $0xD0000000  }
0x3: {  	_ = 	snop  }
0x4: {  	_ = 	snop  }
0x5: {  	_ = 	snop  }
0x6: {  	_ = 	snop  }
0x7: {  	_ = 	snop  }
__scs_overlays_trampoline_lowered:
0x8: {  	[smem:$0x3FA0] =	sst s0  }
0x9: {  	[smem:$0x3FA1] =	sst s1  }
0xa: {  	[smem:$0x3FA2] =	sst s2  }
0xb: {  	[smem:$0x3FA3] =	sst s3  }
0xc: {  	[smem:$0x3FA4] =	sst s4  }
0xd: {  	[smem:$0x3FA5] =	sst s5  }
0xe: {  	[smem:$0x3FA6] =	sst s6  }
0xf: {  	[smem:$0x3FA7] =	sst s7  }
0x10: {  	[smem:$0x3FA8] =	sst s8  }
0x11: {  	[smem:$0x3FA9] =	sst s9;
	s0 =	simm.s32 @!p0 $0x0  }
0x12: {  	s1 =	sld [smem:$0x3F8F];
	s0 =	simm.s32 @p0 $0x1  }
0x13: {  	[smem:$0x3FAA] =	sst s0;
	s0 =	simm.s32 @!p1 $0x0  }
0x14: {  	s2 =	sld [smem:$0x3F8E];
	s0 =	simm.s32 @p1 $0x1  }
0x15: {  	[smem:$0x3FAB] =	sst s0;
	s0 =	simm.s32 @!p2 $0x0  }
0x16: {  	s3 =	sld [smem:$0x3FDB];
	s0 =	simm.s32 @p2 $0x1  }
0x17: {  	s4 =	simm.s32 $0x1BF5;
	[smem:$0x3FAD] =	sst s0  }
0x18: {  	s0 =	sld [smem:$0x3F90];
	_ =	swait.ge [sflag:s4], $0x0  }
0x19: {  	s7 =	sld [smem:$0x3F91]  }
0x1a: {  	s8 =	sadd.s32 $0xFFFFE003, lr  }
0x1b: {  	s9 =	sadd.s32 $0xFFFFFEF7, lr;
	s5 =	simm.s32 $0xFFFFFFFF;
	p2 =	slt.u32 s8, $0xFFFFF086  }
0x1c: {  	p1 =	slt.u32 s9, $0xF7A;
	s5 =	simm.s32 @!p2 $0x0  }
0x1d: {  	s5 =	simm.s32 @p1 $0x1;
	p0 =	seq.s32 s7, s2  }
0x1e: {  	s7 =	smul.u32 @!p0 $0xF7A, s2;
	p2 =	seq.s32 @!p0 s5, $0x0  }
0x1f: {  	s9 =	smul.u32 $0xF7A, s1;
	s8 =	simm.s32 @!p0 $0x1BF5;
	p2 =	por !p2, p0  }
0x20: {  	[sflag:s8] =	ssyncset.s32 @!p0 $0xFFFFF086;
	s6 =	sadd.s32 @!p0 s3, s7;
	s7 =	simm.s32 @!p0 $0x108  }
0x21: {  	s3 =	sadd.s32 s3, s9;
	s6 =	sadd.s32 @!p0 $0x88, s6;
	s7 =	simm.s32 @p2 $0x1082  }
0x22: {  	[simem:s7], [sflag:s8] =	dma.local @!p0 [hbm:s6], $0xF7A  }
0x23: {  	s9 =	sor.u32 $0xD0000000, s2;
	s6 =	simm.s32 $0x108;
	_ =	swait.ge @!p0 [sflag:s8], $0x0  }
0x24: {  	s3 =	sadd.s32 $0x88, s3;
	s6 =	simm.s32 @!p1 $0x1082;
	[sflag:s4] =	ssyncset.s32 $0xFFFFF086  }
0x25: {  	[simem:s6], [sflag:s4] =	dma.local [hbm:s3], $0xF7A  }
0x26: {  	[smem:$0x3F91] =	sst s1;
	(tag) =	ssettag s2;
	_ =	strace s9  }
0x27: {  	s1 =	sld [smem:$0x3FA1]  }
0x28: {  	s2 =	sld [smem:$0x3FA2]  }
0x29: {  	s4 =	sld [smem:$0x3FA4]  }
0x2a: {  	p0 =	seq.s32 s5, $0x0;
	s5 =	sld [smem:$0x3FA5]  }
0x2b: {  	s6 =	sld [smem:$0x3FA6]  }
0x2c: {  	s7 =	sld [smem:$0x3FA7]  }
0x2d: {  	s3 =	simm.s32 $0x108;
	s8 =	sld [smem:$0x3FA8]  }
0x2e: {  	s3 =	simm.s32 @!p0 $0x1082;
	s9 =	sld [smem:$0x3FA9]  }
0x2f: {  	lr =	sadd.s32 s0, s3;
	s0 =	sld [smem:$0x3FA0]  }
0x30: {  	s3 =	sld [smem:$0x3FA3]  }
0x31: {  	[smem:$0x3FAC] =	sst s10  }
0x32: {  	s10 =	sld [smem:$0x3FAA];
	_ =	sdelay $0x3  }
0x33: {  	p0 =	seq.s32 s10, $0x1;
	s10 =	sld [smem:$0x3FAC];
	_ =	sdelay $0x3  }
0x34: {  	[smem:$0x3FAC] =	sst s10  }
0x35: {  	s10 =	sld [smem:$0x3FAB];
	_ =	sdelay $0x3  }
0x36: {  	p1 =	seq.s32 s10, $0x1;
	s10 =	sld [smem:$0x3FAC];
	_ =	sdelay $0x3  }
0x37: {  	[smem:$0x3FAC] =	sst s10  }
0x38: {  	s10 =	sld [smem:$0x3FAD]  }
0x39: {  	_ = 	snop;
	(pc) =	sbr.ind lr, $3  }
0x3a: {  	_ = 	snop  }
0x3b: {  	_ = 	snop  }
0x3c: {  	p2 =	seq.s32 s10, $0x1;
	s10 =	sld [smem:$0x3FAC]  }
0x3d: {  	_ =	shalt  }
0x3e: {  	_ =	shalt  }
0x3f: {  	_ =	shalt  }
0x40: {  	_ =	shalt  }
0x41: {  	_ =	shalt  }
0x42: {  	_ =	shalt  }
0x43: {  	_ =	shalt  }
0x44: {  	_ =	shalt  }
0x45: {  	_ =	shalt  }
0x46: {  	_ =	shalt  }
0x47: {  	_ =	shalt  }
0x48: {  	_ =	shalt  }
0x49: {  	_ =	shalt  }
0x4a: {  	_ =	shalt  }
0x4b: {  	_ =	shalt  }
0x4c: {  	_ =	shalt  }
0x4d: {  	_ =	shalt  }
0x4e: {  	_ =	shalt  }
0x4f: {  	_ =	shalt  }
0x50: {  	_ =	shalt  }
0x51: {  	_ =	shalt  }
0x52: {  	_ =	shalt  }
0x53: {  	_ =	shalt  }
0x54: {  	_ =	shalt  }
0x55: {  	_ =	shalt  }
0x56: {  	_ =	shalt  }
0x57: {  	_ =	shalt  }
0x58: {  	_ =	shalt  }
0x59: {  	_ =	shalt  }
0x5a: {  	_ =	shalt  }
0x5b: {  	_ =	shalt  }
0x5c: {  	_ =	shalt  }
0x5d: {  	_ =	shalt  }
0x5e: {  	_ =	shalt  }
0x5f: {  	_ =	shalt  }
0x60: {  	_ =	shalt  }
0x61: {  	_ =	shalt  }
0x62: {  	_ =	shalt  }
0x63: {  	_ =	shalt  }
0x64: {  	_ =	shalt  }
0x65: {  	_ =	shalt  }
0x66: {  	_ =	shalt  }
0x67: {  	_ =	shalt  }
0x68: {  	_ =	shalt  }
0x69: {  	_ =	shalt  }
0x6a: {  	_ =	shalt  }
0x6b: {  	_ =	shalt  }
0x6c: {  	_ =	shalt  }
0x6d: {  	_ =	shalt  }
0x6e: {  	_ =	shalt  }
0x6f: {  	_ =	shalt  }
0x70: {  	_ =	shalt  }
0x71: {  	_ =	shalt  }
0x72: {  	_ =	shalt  }
0x73: {  	_ =	shalt  }
0x74: {  	_ =	shalt  }
0x75: {  	_ =	shalt  }
0x76: {  	_ =	shalt  }
0x77: {  	_ =	shalt  }
0x78: {  	_ =	shalt  }
0x79: {  	_ =	shalt  }
0x7a: {  	_ =	shalt  }
0x7b: {  	_ =	shalt  }
0x7c: {  	_ =	shalt  }
0x7d: {  	_ =	shalt  }
0x7e: {  	_ =	shalt  }
0x7f: {  	_ =	shalt  }
0x80: {  	_ =	shalt  }
0x81: {  	_ =	shalt  }
0x82: {  	_ =	shalt  }
0x83: {  	_ =	shalt  }
0x84: {  	_ =	shalt  }
0x85: {  	_ =	shalt  }
0x86: {  	_ =	shalt  }
0x87: {  	_ =	shalt  }
.Lfunc_end0:
.L_simem_size_0:
called_computation.1_lowered:
.L_overlay_start_0:
0x88: {  	s2 =	sld [smem:$0x3FD9]  }
0x89: {  	s3 =	sld [smem:$0x3FFE];
	_ =	sdelay $0x1  }
0x8a: {  	s1 =	srdreg.scid  }
0x8b: {  	s0 =	sand.u32 $0x1, s1  }
0x8c: {  	s16 =	sshll.u32 s0, $0xA;
	s2 =	sadd.s32 s3, s2  }
0x8d: {  	s2 =	sadd.s32 s2, s16  }
0x8e: {  	[smem:$0x3FB8] =	sst s2  }
0x8f: {  	_ = 	snop  }
0x90: {  	(tm) =	ssettm $0x1  }
0x91: {  	s17 =	sld [smem:$0x3FFB];
	_ =	sdelay $0x3  }
0x92: {  	_ =	strace s17  }
0x93: {  	s2 =	sld [smem:$0x3FFC];
	_ =	sdelay $0x3  }
0x94: {  	_ =	strace s2  }
0x95: {  	s2 =	sld [smem:$0x3FFD];
	_ =	sdelay $0x3  }
0x96: {  	_ =	strace s2  }
0x97: {  	_ =	strace $0x8FFFFFFF  }
0x98: {  	s18 =	sld [smem:$0x3FDB];
	_ =	sdelay $0x1  }
0x99: {  	s19 =	simm.s32 $_scs_section_size  }
0x9a: {  	s4 =	simm.s32 $_size__tile_overlayer_lowered;
	s5 =	simm.s32 $_tile_overlayer_lowered  }
0x9b: {  	s22 =	simm.s32 $0x1BFF;
	s21 =	sshll.u32 s5, $0x1;
	s2 =	sadd.s32 s19, s18  }
0x9c: {  	s6 =	simm.s32 $0x0;
	s20 =	sshll.u32 s4, $0x1;
	s4 =	sadd.s32 s21, s2  }
0x9d: {  	[timem:s6], [sflag:s22] =	dma.local [hbm:s4], s20  }
0x9e: {  	_ =	swait.ge [sflag:s22], s20  }
0x9f: {  	s3 =	ssub.s32 $0x0, s20;
	[sflag:s22] =	ssyncset.done $0x0  }
0xa0: {  	[sflag:s22] =	ssyncadd.s32 s3;
	_ =	sdelay $0x1  }
0xa1: {  	s23 =	simm.s32 $0x1B8B  }
0xa2: {  	_ =	swait.ge [sflag:s23], $0x1  }
0xa3: {  	[sflag:s23] =	ssyncset.done $0x0  }
0xa4: {  	s25 =	simm.s32 $0x1B8E;
	s24 =	sld [smem:$0x3FFE];
	[sflag:s23] =	ssyncadd.s32 $0xFFFFFFFF  }
0xa5: {  	s26 =	simm.s32 $execute0_lowered;
	[smem:$0x3FD2] =	sst s25  }
0xa6: {  	s4 =	sshll.u32 s26, $0x1;
	_ =	strace $0x80000049;
	[dreg:$0x1] =	wrdreg $0xFFFFFFFF  }
0xa7: {  	s28 =	simm.s32 $_size_execute0_lowered;
	s2 =	sadd.s32 s2, s4;
	[dreg:$0x0] =	wrdreg $0x0  }
0xa8: {  	s4 =	sshll.u32 s28, $0x1;
	[dreg:$0x2] =	wrdreg s2  }
0xa9: {  	[dreg:$0x3] =	wrdreg s4  }
0xaa: {  	[dreg:$0x4] =	wrdreg $0xC0  }
0xab: {  	_ =	task [dreg:s6], $0x5FFFF  }
0xac: {  	[dreg:$0x1] =	wrdreg $0xFFFFFFFF  }
0xad: {  	[dreg:$0x0] =	wrdreg $0x60  }
0xae: {  	[dreg:$0x2] =	wrdreg s24  }
0xaf: {  	[dreg:$0x3] =	wrdreg $0x150000  }
0xb0: {  	[dreg:$0x4] =	wrdreg $0x9  }
0xb1: {  	_ =	task.clear_ibuf [dreg:s6], $0x5FFFF;
	_ =	strace $0x90000049  }
0xb2: {  	s29 =	simm.s32 $0x9;
	_ =	strace $0x8000004B  }
0xb3: {  	_ =	swait.ge [sflag:s29], $0x1  }
0xb4: {  	[sflag:s29] =	ssyncadd.s32 $0xFFFFFFFF  }
0xb5: {  	_ =	strace $0x9000004B  }
0xb6: {  	_ =	sfence  }
0xb7: {  	s30 =	sld [smem:$0x0];
	_ =	sdelay $0x2  }
0xb8: {  	s31 =	sshll.u32 s1, $0xD;
	s1 =	sshrl.u32 s1, $0x2  }
0xb9: {  	s3 =	sand.u32 $0x4000, s31;
	s1 =	sadd.s32 s1, s30  }
0xba: {  	s0 =	sor.u32 s3, s0;
	s1 =	sshll.u32 s1, $0x11  }
0xbb: {  	s0 =	sor.u32 s1, s0  }
0xbc: {  	s0 =	sadd.s32 $0x8F2B, s0  }
0xbd: {  	[sflag:s0] =	ssyncadd.remote.s32 $0x1  }
0xbe: {  	_ =	sfence.sel $0xFFFF  }
0xbf: {  	[dreg:$0x0] =	wrdreg $0xFFFFFFFF;
	(pc) =	sbr.abs _section_cstart, $3  }
0xc0: {  	[dreg:$0x1] =	wrdreg $0xFFFFFFFF  }
0xc1: {  	_ =	task.clear_ibuf [dreg:s6], $0x2FFFF;
	_ =	strace $0x9FFFFFFF  }
0xc2: {  	(tm) =	ssettm $0x7FFFFFFF  }
0xc3: {  	_ =	shalt  }
tec
execute0_lowered:
.L_overlay_start_1:
0x0: {  	(tag) =	ssettag $0x1  }
0x1: {  	s0 =	srdreg.scid  }
0x2: {  	s8 =	stileid.u32;
	s3 =	rddreg [dreg:$0x0]  }
0x3: {  	s2 =	rddreg [dreg:$0x1];
	s4 =	simm.s32 $0x0;
	s15 =	simm.s32 $0x80  }
0x4: {  	s16 =	simm.s32 $0x5000;
	s17 =	simm.s32 $0x7000;
	s19 =	simm.s32 $0x9000  }
0x5: {  	s21 =	simm.s32 $0xB000;
	s28 =	simm.s32 $0x11000;
	s30 =	simm.s32 $0x13000  }
0x6: {  	s13 =	simm.s32 $0x3;
	s18 =	simm.s32 $0x4;
	s20 =	simm.s32 $0x5  }
0x7: {  	s22 =	simm.s32 $0x6;
	s29 =	simm.s32 $0x9;
	s9 =	simm.s32 $0xD  }
0x8: {  	s10 =	simm.s32 $0xE;
	s11 =	simm.s32 $0xF;
	s31 =	simm.s32 $0x0  }
0x9: {  	s0 =	sand.u32 $0x1, s0;
	s5 =	smul.u32 $0xA000, s8;
	[smem:$0x7FF] =	sst s4  }
0xa: {  	s4 =	sadd.s32 $0x17200, s3;
	s24 =	sshll.u32 s8, $0x6;
	s1 =	sshll.u32 s0, $0x4  }
0xb: {  	s6 =	smul.u32 $0xA0000, s0;
	_ =	strace $0x8000004A;
	s0 =	ssub.s32 $0x2, s0  }
0xc: {  	[dreg:$0x3] =	wrdreg s24;
	s1 =	sor.u32 s8, s1;
	s7 =	sshrl.u32 s5, $0x3  }
0xd: {  	s23 =	sshrl.u32 s0, $0x1;
	s8 =	simm.s32 $0xC;
	s1 =	smul.u32 $0x500, s1  }
0xe: {  	s6 =	sadd.s32 s5, s6;
	s7 =	sadd.s32 s7, s3;
	s0 =	ssub.s32 s0, s23  }
0xf: {  	s5 =	sadd.s32 s5, s2;
	s23 =	simm.s32 $0xD000;
	s7 =	sadd.s32 $0x2AC00, s7  }
0x10: {  	s6 =	sshrl.u32 s6, $0x3;
	s0 =	smax.u32 s0, $0x1;
	[dreg:$0x4] =	wrdreg s7  }
0x11: {  	s14 =	sshrl.u32 s5, $0x3;
	s1 =	sadd.s32 s1, s3;
	[dreg:$0x9] =	wrdreg s0  }
0x12: {  	s3 =	sadd.s32 s6, s3;
	s6 =	sor.u32 $0x1C11, s24;
	[dreg:$0xa] =	wrdreg s14  }
0x13: {  	s5 =	simm.s32 $0x10;
	[dreg:$0x5] =	wrdreg s6;
	s25 =	sadd.s32 $0xD200, s1  }
0x14: {  	s0 =	simm.s32 $0x2;
	s1 =	sadd.s32 $0x3200, s1;
	[dreg:$0x6] =	wrdreg s25  }
0x15: {  	s24 =	simm.s32 $0x7;
	s26 =	sadd.s32 $0x3EC00, s3;
	[dreg:$0x7] =	wrdreg s1  }
0x16: {  	s7 =	simm.s32 $0xB;
	s6 =	simm.s32 $0xA;
	[dreg:$0x8] =	wrdreg s26  }
0x17: {  	s25 =	simm.s32 $0xF000;
	s1 =	simm.s32 $0x1;
	s26 =	simm.s32 $0x8  }
.LBB2_1:
0x18: {  	s3 =	rddreg [dreg:$0x4]  }
0x19: {  	s12 =	rddreg [dreg:$0x5]  }
0x1a: {  	[spmem:s14], [sflag:s12] =	dma.local [hbm:s3], $0x1400  }
0x1b: {  	s3 =	simm.s32 $0x0;
	s12 =	rddreg [dreg:$0x6]  }
0x1c: {  	[tilespmem:s3], [sflag:$0x12] =	stream.linear.gather [hbm4b:s12+s3], $0x2800, $0x38;
	[tilespmem:$0x1F000] =	vst v63  }
0x1d: {  	s14 =	simm.s32 $0x2800;
	s12 =	rddreg [dreg:$0x7]  }
0x1e: {  	[tilespmem:s14], [sflag:$0x12] =	stream.linear.gather [hbm4b:s12+s3], $0x2800, $0x38;
	[tilespmem:$0x1F000] =	vst v63  }
0x1f: {  	s14 =	simm.s32 $0x12  }
0x20: {  	_ =	swait.ge [sflag:s14], $0x2800  }
0x21: {  	[sflag:s14] =	ssyncset.done $0x0  }
0x22: {  	[sflag:s14] =	ssyncadd.s32 $0xFFFFD800  }
0x23: {  	_ =	swait.ge [sflag:s14], $0x2800  }
0x24: {  	[sflag:s14] =	ssyncset.done $0x0  }
0x25: {  	[sflag:s14] =	ssyncadd.s32 $0xFFFFD800  }
0x26: {  	[tilespmem:s16], [sflag:$0x1] =	stream.indirect.gather [hbm4b:s4+s15], $0x40, s3, s15, $0xb8;
	[tilespmem:$0x1F000] =	vst v63  }
0x27: {  	_ = 	snop  }
0x28: {  	[tilespmem:s17], [sflag:$0x2] =	stream.indirect.gather [hbm4b:s4+s15], $0x40, s15, s15, $0xb8;
	[tilespmem:$0x1F000] =	vst v63  }
0x29: {  	s12 =	simm.s32 $0x100  }
0x2a: {  	[tilespmem:s19], [sflag:$0x3] =	stream.indirect.gather [hbm4b:s4+s15], $0x40, s12, s15, $0xb8;
	[tilespmem:$0x1F000] =	vst v63  }
0x2b: {  	s14 =	simm.s32 $0x180  }
0x2c: {  	[tilespmem:s21], [sflag:$0x4] =	stream.indirect.gather [hbm4b:s4+s15], $0x40, s14, s15, $0xb8;
	[tilespmem:$0x1F000] =	vst v63  }
0x2d: {  	s12 =	simm.s32 $0x200  }
0x2e: {  	[tilespmem:s23], [sflag:$0x5] =	stream.indirect.gather [hbm4b:s4+s15], $0x40, s12, s15, $0xb8;
	[tilespmem:$0x1F000] =	vst v63  }
0x2f: {  	s14 =	simm.s32 $0x280  }
0x30: {  	[tilespmem:s25], [sflag:$0x6] =	stream.indirect.gather [hbm4b:s4+s15], $0x40, s14, s15, $0xb8;
	[tilespmem:$0x1F000] =	vst v63  }
0x31: {  	s12 =	simm.s32 $0x300  }
0x32: {  	[tilespmem:s28], [sflag:$0x7] =	stream.indirect.gather [hbm4b:s4+s15], $0x40, s12, s15, $0xb8;
	[tilespmem:$0x1F000] =	vst v63  }
0x33: {  	s14 =	simm.s32 $0x380;
	s12 =	simm.s32 $0x11  }
0x34: {  	[tilespmem:s30], [sflag:$0x8] =	stream.indirect.gather [hbm4b:s4+s15], $0x40, s14, s15, $0xb8;
	[tilespmem:$0x1F000] =	vst v63  }
0x35: {  	_ =	swait.ge [sflag:s12], $0x1400  }
0x36: {  	[sflag:s12] =	ssyncset.done $0x0  }
0x37: {  	[sflag:s12] =	ssyncadd.s32 $0xFFFFEC00  }
0x38: {  	[bflag:$0x0] =	sbarrier.arrive $0xFFFF  }
0x39: {  	_ =	swait.ge [sflag:s1], $0x2000  }
0x3a: {  	[sflag:s1] =	ssyncset.done $0x0  }
0x3b: {  	s14 =	simm.s32 $0x2800;
	[sflag:s1] =	ssyncadd.s32 $0xFFFFE000  }
0x3c: {  	[spmem:s2] =	stream.indirect.scatter.add.f32 [tilespmem:s16], [sflag:$0x9], $0x40, s14, s15, $0xb8;
	[tilespmem:$0x1F000] =	vst v63  }
0x3d: {  	_ =	swait.ge [sflag:s0], $0x2000  }
0x3e: {  	[sflag:s0] =	ssyncset.done $0x0  }
0x3f: {  	s12 =	simm.s32 $0x2880;
	[sflag:s0] =	ssyncadd.s32 $0xFFFFE000  }
0x40: {  	[spmem:s2] =	stream.indirect.scatter.add.f32 [tilespmem:s17], [sflag:$0xA], $0x40, s12, s15, $0xb8;
	[tilespmem:$0x1F000] =	vst v63  }
0x41: {  	_ =	swait.ge [sflag:s13], $0x2000  }
0x42: {  	[sflag:s13] =	ssyncset.done $0x0  }
0x43: {  	s14 =	simm.s32 $0x2900;
	[sflag:s13] =	ssyncadd.s32 $0xFFFFE000  }
0x44: {  	[spmem:s2] =	stream.indirect.scatter.add.f32 [tilespmem:s19], [sflag:$0xB], $0x40, s14, s15, $0xb8;
	[tilespmem:$0x1F000] =	vst v63  }
0x45: {  	_ =	swait.ge [sflag:s18], $0x2000  }
0x46: {  	[sflag:s18] =	ssyncset.done $0x0  }
0x47: {  	s12 =	simm.s32 $0x2980;
	[sflag:s18] =	ssyncadd.s32 $0xFFFFE000  }
0x48: {  	[spmem:s2] =	stream.indirect.scatter.add.f32 [tilespmem:s21], [sflag:$0xC], $0x40, s12, s15, $0xb8;
	[tilespmem:$0x1F000] =	vst v63  }
0x49: {  	_ =	swait.ge [sflag:s20], $0x2000  }
0x4a: {  	[sflag:s20] =	ssyncset.done $0x0  }
0x4b: {  	s14 =	simm.s32 $0x2A00;
	[sflag:s20] =	ssyncadd.s32 $0xFFFFE000  }
0x4c: {  	[spmem:s2] =	stream.indirect.scatter.add.f32 [tilespmem:s23], [sflag:$0xD], $0x40, s14, s15, $0xb8;
	[tilespmem:$0x1F000] =	vst v63  }
0x4d: {  	_ =	swait.ge [sflag:s22], $0x2000  }
0x4e: {  	[sflag:s22] =	ssyncset.done $0x0  }
0x4f: {  	s12 =	simm.s32 $0x2A80;
	[sflag:s22] =	ssyncadd.s32 $0xFFFFE000  }
0x50: {  	[spmem:s2] =	stream.indirect.scatter.add.f32 [tilespmem:s25], [sflag:$0xE], $0x40, s12, s15, $0xb8;
	[tilespmem:$0x1F000] =	vst v63  }
0x51: {  	_ =	swait.ge [sflag:s24], $0x2000  }
0x52: {  	[sflag:s24] =	ssyncset.done $0x0  }
0x53: {  	s14 =	simm.s32 $0x2B00;
	[sflag:s24] =	ssyncadd.s32 $0xFFFFE000  }
0x54: {  	[spmem:s2] =	stream.indirect.scatter.add.f32 [tilespmem:s28], [sflag:$0xF], $0x40, s14, s15, $0xb8;
	[tilespmem:$0x1F000] =	vst v63  }
0x55: {  	_ =	swait.ge [sflag:s26], $0x2000  }
0x56: {  	[sflag:s26] =	ssyncset.done $0x0  }
0x57: {  	s12 =	simm.s32 $0x2B80;
	[sflag:s26] =	ssyncadd.s32 $0xFFFFE000  }
0x58: {  	[spmem:s2] =	stream.indirect.scatter.add.f32 [tilespmem:s30], [sflag:$0x10], $0x40, s12, s15, $0xb8;
	[tilespmem:$0x1F000] =	vst v63  }
0x59: {  	_ =	swait.ge [sflag:s29], $0x2000  }
0x5a: {  	[sflag:s29] =	ssyncset.done $0x0  }
0x5b: {  	s14 =	simm.s32 $0x400;
	[sflag:s29] =	ssyncadd.s32 $0xFFFFE000  }
0x5c: {  	[tilespmem:s16], [sflag:$0x1] =	stream.indirect.gather [hbm4b:s4+s15], $0x40, s14, s15, $0xb8;
	[tilespmem:$0x1F000] =	vst v63  }
0x5d: {  	_ =	swait.ge [sflag:s6], $0x2000  }
0x5e: {  	[sflag:s6] =	ssyncset.done $0x0  }
0x5f: {  	s12 =	simm.s32 $0x480;
	[sflag:s6] =	ssyncadd.s32 $0xFFFFE000  }
0x60: {  	[tilespmem:s17], [sflag:$0x2] =	stream.indirect.gather [hbm4b:s4+s15], $0x40, s12, s15, $0xb8;
	[tilespmem:$0x1F000] =	vst v63  }
0x61: {  	_ =	swait.ge [sflag:s7], $0x2000  }
0x62: {  	[sflag:s7] =	ssyncset.done $0x0  }
0x63: {  	s14 =	simm.s32 $0x500;
	[sflag:s7] =	ssyncadd.s32 $0xFFFFE000  }
0x64: {  	[tilespmem:s19], [sflag:$0x3] =	stream.indirect.gather [hbm4b:s4+s15], $0x40, s14, s15, $0xb8;
	[tilespmem:$0x1F000] =	vst v63  }
0x65: {  	_ =	swait.ge [sflag:s8], $0x2000  }
0x66: {  	[sflag:s8] =	ssyncset.done $0x0  }
0x67: {  	s12 =	simm.s32 $0x580;
	[sflag:s8] =	ssyncadd.s32 $0xFFFFE000  }
0x68: {  	[tilespmem:s21], [sflag:$0x4] =	stream.indirect.gather [hbm4b:s4+s15], $0x40, s12, s15, $0xb8;
	[tilespmem:$0x1F000] =	vst v63  }
0x69: {  	_ =	swait.ge [sflag:s9], $0x2000  }
0x6a: {  	[sflag:s9] =	ssyncset.done $0x0  }
0x6b: {  	s14 =	simm.s32 $0x600;
	[sflag:s9] =	ssyncadd.s32 $0xFFFFE000  }
0x6c: {  	[tilespmem:s23], [sflag:$0x5] =	stream.indirect.gather [hbm4b:s4+s15], $0x40, s14, s15, $0xb8;
	[tilespmem:$0x1F000] =	vst v63  }
0x6d: {  	_ =	swait.ge [sflag:s10], $0x2000  }
0x6e: {  	[sflag:s10] =	ssyncset.done $0x0  }
0x6f: {  	s12 =	simm.s32 $0x680;
	[sflag:s10] =	ssyncadd.s32 $0xFFFFE000  }
0x70: {  	[tilespmem:s25], [sflag:$0x6] =	stream.indirect.gather [hbm4b:s4+s15], $0x40, s12, s15, $0xb8;
	[tilespmem:$0x1F000] =	vst v63  }
0x71: {  	_ =	swait.ge [sflag:s11], $0x2000  }
0x72: {  	[sflag:s11] =	ssyncset.done $0x0  }
0x73: {  	s14 =	simm.s32 $0x700;
	[sflag:s11] =	ssyncadd.s32 $0xFFFFE000  }
0x74: {  	[tilespmem:s28], [sflag:$0x7] =	stream.indirect.gather [hbm4b:s4+s15], $0x40, s14, s15, $0xb8;
	[tilespmem:$0x1F000] =	vst v63  }
0x75: {  	_ =	swait.ge [sflag:s5], $0x2000  }
0x76: {  	[sflag:s5] =	ssyncset.done $0x0  }
0x77: {  	s3 =	simm.s32 $0x1000;
	s12 =	simm.s32 $0x780;
	[sflag:s5] =	ssyncadd.s32 $0xFFFFE000  }
.LBB2_2:
0x78: {  	[tilespmem:s30], [sflag:$0x8] =	stream.indirect.gather [hbm4b:s4+s15], $0x40, s12, s15, $0xb8;
	[tilespmem:$0x1F000] =	vst v63  }
0x79: {  	s12 =	smov.u32 s3  }
0x7a: {  	p0 =	sne.s32 s3, $0x8000;
	s3 =	sadd.s32 $0x1000, s3;
	_ =	swait.ge [sflag:s1], $0x2000  }
0x7b: {  	s12 =	sshra.s32 s12, $0x2;
	[sflag:s1] =	ssyncset.done $0x0  }
0x7c: {  	s14 =	sadd.s32 $0x2800, s12;
	[sflag:s1] =	ssyncadd.s32 $0xFFFFE000  }
0x7d: {  	[spmem:s2] =	stream.indirect.scatter.add.f32 [tilespmem:s16], [sflag:$0x9], $0x40, s14, s15, $0xb8;
	[tilespmem:$0x1F000] =	vst v63  }
0x7e: {  	_ =	swait.ge [sflag:s0], $0x2000  }
0x7f: {  	[sflag:s0] =	ssyncset.done $0x0  }
0x80: {  	s14 =	sadd.s32 $0x2880, s12;
	[sflag:s0] =	ssyncadd.s32 $0xFFFFE000  }
0x81: {  	[spmem:s2] =	stream.indirect.scatter.add.f32 [tilespmem:s17], [sflag:$0xA], $0x40, s14, s15, $0xb8;
	[tilespmem:$0x1F000] =	vst v63  }
0x82: {  	_ =	swait.ge [sflag:s13], $0x2000  }
0x83: {  	[sflag:s13] =	ssyncset.done $0x0  }
0x84: {  	s14 =	sadd.s32 $0x2900, s12;
	[sflag:s13] =	ssyncadd.s32 $0xFFFFE000  }
0x85: {  	[spmem:s2] =	stream.indirect.scatter.add.f32 [tilespmem:s19], [sflag:$0xB], $0x40, s14, s15, $0xb8;
	[tilespmem:$0x1F000] =	vst v63  }
0x86: {  	_ =	swait.ge [sflag:s18], $0x2000  }
0x87: {  	[sflag:s18] =	ssyncset.done $0x0  }
0x88: {  	s14 =	sadd.s32 $0x2980, s12;
	[sflag:s18] =	ssyncadd.s32 $0xFFFFE000  }
0x89: {  	[spmem:s2] =	stream.indirect.scatter.add.f32 [tilespmem:s21], [sflag:$0xC], $0x40, s14, s15, $0xb8;
	[tilespmem:$0x1F000] =	vst v63  }
0x8a: {  	_ =	swait.ge [sflag:s20], $0x2000  }
0x8b: {  	[sflag:s20] =	ssyncset.done $0x0  }
0x8c: {  	s14 =	sadd.s32 $0x2A00, s12;
	[sflag:s20] =	ssyncadd.s32 $0xFFFFE000  }
0x8d: {  	[spmem:s2] =	stream.indirect.scatter.add.f32 [tilespmem:s23], [sflag:$0xD], $0x40, s14, s15, $0xb8;
	[tilespmem:$0x1F000] =	vst v63  }
0x8e: {  	_ =	swait.ge [sflag:s22], $0x2000  }
0x8f: {  	[sflag:s22] =	ssyncset.done $0x0  }
0x90: {  	s14 =	sadd.s32 $0x2A80, s12;
	[sflag:s22] =	ssyncadd.s32 $0xFFFFE000  }
0x91: {  	[spmem:s2] =	stream.indirect.scatter.add.f32 [tilespmem:s25], [sflag:$0xE], $0x40, s14, s15, $0xb8;
	[tilespmem:$0x1F000] =	vst v63  }
0x92: {  	_ =	swait.ge [sflag:s24], $0x2000  }
0x93: {  	[sflag:s24] =	ssyncset.done $0x0  }
0x94: {  	s14 =	sadd.s32 $0x2B00, s12;
	[sflag:s24] =	ssyncadd.s32 $0xFFFFE000  }
0x95: {  	[spmem:s2] =	stream.indirect.scatter.add.f32 [tilespmem:s28], [sflag:$0xF], $0x40, s14, s15, $0xb8;
	[tilespmem:$0x1F000] =	vst v63  }
0x96: {  	_ =	swait.ge [sflag:s26], $0x2000  }
0x97: {  	[sflag:s26] =	ssyncset.done $0x0  }
0x98: {  	s14 =	sadd.s32 $0x2B80, s12;
	[sflag:s26] =	ssyncadd.s32 $0xFFFFE000  }
0x99: {  	[spmem:s2] =	stream.indirect.scatter.add.f32 [tilespmem:s30], [sflag:$0x10], $0x40, s14, s15, $0xb8;
	[tilespmem:$0x1F000] =	vst v63  }
0x9a: {  	_ =	swait.ge [sflag:s29], $0x2000  }
0x9b: {  	[sflag:s29] =	ssyncset.done $0x0  }
0x9c: {  	s14 =	sadd.s32 $0x400, s12;
	[sflag:s29] =	ssyncadd.s32 $0xFFFFE000  }
0x9d: {  	[tilespmem:s16], [sflag:$0x1] =	stream.indirect.gather [hbm4b:s4+s15], $0x40, s14, s15, $0xb8;
	[tilespmem:$0x1F000] =	vst v63  }
0x9e: {  	_ =	swait.ge [sflag:s6], $0x2000  }
0x9f: {  	[sflag:s6] =	ssyncset.done $0x0  }
0xa0: {  	s14 =	sadd.s32 $0x480, s12;
	[sflag:s6] =	ssyncadd.s32 $0xFFFFE000  }
0xa1: {  	[tilespmem:s17], [sflag:$0x2] =	stream.indirect.gather [hbm4b:s4+s15], $0x40, s14, s15, $0xb8;
	[tilespmem:$0x1F000] =	vst v63  }
0xa2: {  	_ =	swait.ge [sflag:s7], $0x2000  }
0xa3: {  	[sflag:s7] =	ssyncset.done $0x0  }
0xa4: {  	s14 =	sadd.s32 $0x500, s12;
	[sflag:s7] =	ssyncadd.s32 $0xFFFFE000  }
0xa5: {  	[tilespmem:s19], [sflag:$0x3] =	stream.indirect.gather [hbm4b:s4+s15], $0x40, s14, s15, $0xb8;
	[tilespmem:$0x1F000] =	vst v63  }
0xa6: {  	_ =	swait.ge [sflag:s8], $0x2000  }
0xa7: {  	[sflag:s8] =	ssyncset.done $0x0  }
0xa8: {  	s14 =	sadd.s32 $0x580, s12;
	[sflag:s8] =	ssyncadd.s32 $0xFFFFE000  }
0xa9: {  	[tilespmem:s21], [sflag:$0x4] =	stream.indirect.gather [hbm4b:s4+s15], $0x40, s14, s15, $0xb8;
	[tilespmem:$0x1F000] =	vst v63  }
0xaa: {  	_ =	swait.ge [sflag:s9], $0x2000  }
0xab: {  	[sflag:s9] =	ssyncset.done $0x0  }
0xac: {  	s14 =	sadd.s32 $0x600, s12;
	[sflag:s9] =	ssyncadd.s32 $0xFFFFE000  }
0xad: {  	[tilespmem:s23], [sflag:$0x5] =	stream.indirect.gather [hbm4b:s4+s15], $0x40, s14, s15, $0xb8;
	[tilespmem:$0x1F000] =	vst v63  }
0xae: {  	_ =	swait.ge [sflag:s10], $0x2000  }
0xaf: {  	[sflag:s10] =	ssyncset.done $0x0  }
0xb0: {  	s14 =	sadd.s32 $0x680, s12;
	[sflag:s10] =	ssyncadd.s32 $0xFFFFE000  }
0xb1: {  	[tilespmem:s25], [sflag:$0x6] =	stream.indirect.gather [hbm4b:s4+s15], $0x40, s14, s15, $0xb8;
	[tilespmem:$0x1F000] =	vst v63  }
0xb2: {  	_ =	swait.ge [sflag:s11], $0x2000  }
0xb3: {  	[sflag:s11] =	ssyncset.done $0x0  }
.Ltmp0:
0xb4: {  	s14 =	sadd.s32 $0x700, s12;
	[sflag:s11] =	ssyncadd.s32 $0xFFFFE000;
	(pc) =	sbr.rel @p0 .LBB2_2-.Ltmp0, $4  }
0xb5: {  	[tilespmem:s28], [sflag:$0x7] =	stream.indirect.gather [hbm4b:s4+s15], $0x40, s14, s15, $0xb8;
	[tilespmem:$0x1F000] =	vst v63  }
0xb6: {  	_ =	swait.ge [sflag:s5], $0x2000  }
0xb7: {  	[sflag:s5] =	ssyncset.done $0x0  }
0xb8: {  	s12 =	sadd.s32 $0x780, s12;
	[sflag:s5] =	ssyncadd.s32 $0xFFFFE000  }
0xb9: {  	[tilespmem:s30], [sflag:$0x8] =	stream.indirect.gather [hbm4b:s4+s15], $0x40, s12, s15, $0xb8;
	[tilespmem:$0x1F000] =	vst v63  }
0xba: {  	_ =	swait.ge [sflag:s1], $0x2000  }
0xbb: {  	[sflag:s1] =	ssyncset.done $0x0  }
0xbc: {  	s3 =	simm.s32 $0x4C00;
	[sflag:s1] =	ssyncadd.s32 $0xFFFFE000  }
0xbd: {  	[spmem:s2] =	stream.indirect.scatter.add.f32 [tilespmem:s16], [sflag:$0x9], $0x40, s3, s15, $0xb8;
	[tilespmem:$0x1F000] =	vst v63  }
0xbe: {  	_ =	swait.ge [sflag:s0], $0x2000  }
0xbf: {  	[sflag:s0] =	ssyncset.done $0x0  }
0xc0: {  	s12 =	simm.s32 $0x4C80;
	[sflag:s0] =	ssyncadd.s32 $0xFFFFE000  }
0xc1: {  	[spmem:s2] =	stream.indirect.scatter.add.f32 [tilespmem:s17], [sflag:$0xA], $0x40, s12, s15, $0xb8;
	[tilespmem:$0x1F000] =	vst v63  }
0xc2: {  	_ =	swait.ge [sflag:s13], $0x2000  }
0xc3: {  	[sflag:s13] =	ssyncset.done $0x0  }
0xc4: {  	s14 =	simm.s32 $0x4D00;
	[sflag:s13] =	ssyncadd.s32 $0xFFFFE000  }
0xc5: {  	[spmem:s2] =	stream.indirect.scatter.add.f32 [tilespmem:s19], [sflag:$0xB], $0x40, s14, s15, $0xb8;
	[tilespmem:$0x1F000] =	vst v63  }
0xc6: {  	_ =	swait.ge [sflag:s18], $0x2000  }
0xc7: {  	[sflag:s18] =	ssyncset.done $0x0  }
0xc8: {  	s12 =	simm.s32 $0x4D80;
	[sflag:s18] =	ssyncadd.s32 $0xFFFFE000  }
0xc9: {  	[spmem:s2] =	stream.indirect.scatter.add.f32 [tilespmem:s21], [sflag:$0xC], $0x40, s12, s15, $0xb8;
	[tilespmem:$0x1F000] =	vst v63  }
0xca: {  	_ =	swait.ge [sflag:s20], $0x2000  }
0xcb: {  	[sflag:s20] =	ssyncset.done $0x0  }
0xcc: {  	s14 =	simm.s32 $0x4E00;
	[sflag:s20] =	ssyncadd.s32 $0xFFFFE000  }
0xcd: {  	[spmem:s2] =	stream.indirect.scatter.add.f32 [tilespmem:s23], [sflag:$0xD], $0x40, s14, s15, $0xb8;
	[tilespmem:$0x1F000] =	vst v63  }
0xce: {  	_ =	swait.ge [sflag:s22], $0x2000  }
0xcf: {  	[sflag:s22] =	ssyncset.done $0x0  }
0xd0: {  	s12 =	simm.s32 $0x4E80;
	[sflag:s22] =	ssyncadd.s32 $0xFFFFE000  }
0xd1: {  	[spmem:s2] =	stream.indirect.scatter.add.f32 [tilespmem:s25], [sflag:$0xE], $0x40, s12, s15, $0xb8;
	[tilespmem:$0x1F000] =	vst v63  }
0xd2: {  	_ =	swait.ge [sflag:s24], $0x2000  }
0xd3: {  	[sflag:s24] =	ssyncset.done $0x0  }
0xd4: {  	s14 =	simm.s32 $0x4F00;
	[sflag:s24] =	ssyncadd.s32 $0xFFFFE000  }
0xd5: {  	[spmem:s2] =	stream.indirect.scatter.add.f32 [tilespmem:s28], [sflag:$0xF], $0x40, s14, s15, $0xb8;
	[tilespmem:$0x1F000] =	vst v63  }
0xd6: {  	_ =	swait.ge [sflag:s26], $0x2000  }
0xd7: {  	[sflag:s26] =	ssyncset.done $0x0  }
0xd8: {  	s12 =	simm.s32 $0x4F80;
	[sflag:s26] =	ssyncadd.s32 $0xFFFFE000  }
0xd9: {  	[spmem:s2] =	stream.indirect.scatter.add.f32 [tilespmem:s30], [sflag:$0x10], $0x40, s12, s15, $0xb8;
	[tilespmem:$0x1F000] =	vst v63  }
0xda: {  	_ =	swait.ge [sflag:s29], $0x2000  }
0xdb: {  	[sflag:s29] =	ssyncset.done $0x0  }
0xdc: {  	[sflag:s29] =	ssyncadd.s32 $0xFFFFE000  }
0xdd: {  	_ =	swait.ge [sflag:s6], $0x2000  }
0xde: {  	[sflag:s6] =	ssyncset.done $0x0  }
0xdf: {  	[sflag:s6] =	ssyncadd.s32 $0xFFFFE000  }
0xe0: {  	_ =	swait.ge [sflag:s7], $0x2000  }
0xe1: {  	[sflag:s7] =	ssyncset.done $0x0  }
0xe2: {  	[sflag:s7] =	ssyncadd.s32 $0xFFFFE000  }
0xe3: {  	_ =	swait.ge [sflag:s8], $0x2000  }
0xe4: {  	[sflag:s8] =	ssyncset.done $0x0  }
0xe5: {  	[sflag:s8] =	ssyncadd.s32 $0xFFFFE000  }
0xe6: {  	_ =	swait.ge [sflag:s9], $0x2000  }
0xe7: {  	[sflag:s9] =	ssyncset.done $0x0  }
0xe8: {  	[sflag:s9] =	ssyncadd.s32 $0xFFFFE000  }
0xe9: {  	_ =	swait.ge [sflag:s10], $0x2000  }
0xea: {  	[sflag:s10] =	ssyncset.done $0x0  }
0xeb: {  	[sflag:s10] =	ssyncadd.s32 $0xFFFFE000  }
0xec: {  	_ =	swait.ge [sflag:s11], $0x2000  }
0xed: {  	[sflag:s11] =	ssyncset.done $0x0  }
0xee: {  	[sflag:s11] =	ssyncadd.s32 $0xFFFFE000  }
0xef: {  	_ =	swait.ge [sflag:s5], $0x2000  }
0xf0: {  	[sflag:s5] =	ssyncset.done $0x0  }
0xf1: {  	[sflag:s5] =	ssyncadd.s32 $0xFFFFE000  }
0xf2: {  	[bflag:$0x0] =	sbarrier.arrive $0xFFFF  }
0xf3: {  	s14 =	rddreg [dreg:$0x3]  }
0xf4: {  	s12 =	rddreg [dreg:$0x8]  }
0xf5: {  	s3 =	sor.u32 $0x1C13, s14;
	s14 =	rddreg [dreg:$0xa]  }
0xf6: {  	[hbm:s12], [sflag:s3] =	dma.local [spmem:s14], $0x1400  }
0xf7: {  	s12 =	simm.s32 $0x13  }
0xf8: {  	_ =	swait.ge [sflag:s12], $0x1400  }
0xf9: {  	s31 =	sadd.s32 $0x1, s31;
	s3 =	rddreg [dreg:$0x9]  }
0xfa: {  	p0 =	sne.s32 s31, s3  }
.Ltmp1:
0xfb: {  	_ = 	snop;
	(pc) =	sbr.rel @p0 .LBB2_1-.Ltmp1, $3  }
0xfc: {  	_ =	sdelay $0x1  }
0xfd: {  	[sflag:s12] =	ssyncset.done $0x0  }
0xfe: {  	[sflag:s12] =	ssyncadd.s32 $0xFFFFEC00  }
0xff: {  	_ =	sfence.sel $0x180000  }
0x100: {  	[bflag:$0x0] =	sbarrier.arrive $0xFFFF  }
0x101: {  	_ =	strace $0x9000004A  }
0x102: {  	s0 =	stileid.u32;
	[bflag:$0x2] =	sbarrier.arrive $0xFFFF  }
0x103: {  	p0 =	sne.s32 s0, $0x0;
	s0 =	rddreg [dreg:$0x2]  }
0x104: {  	s0 =	sadd.s32 @!p0 $0x100000, s0  }
0x105: {  	[sflag:s0] =	ssyncadd.tile.s32 @!p0 $0x1;
	_ =	shalt  }
.Lfunc_end2:
_tile_overlayer_lowered:
.L_overlay_start_2:
0x106: {  	(tag) =	ssettag $0x2  }
0x107: {  	s0 =	rddreg [dreg:$0x0];
	s2 =	stileid.u32  }
0x108: {  	s1 =	rddreg [dreg:$0x1];
	p0 =	sne.s32 s2, $0x0  }
0x109: {  	s3 =	rddreg [dreg:$0x2];
	[bflag:$0x3] =	sbarrier.arrive $0xFFFF;
	s2 =	simm.s32 @!p0 $0x1C13  }
0x10a: {  	[timem:s3], [sflag:s2] =	dma.local @!p0 [hbm:s0], s1  }
0x10b: {  	s0 =	simm.s32 @!p0 $0x13  }
0x10c: {  	_ =	swait.ge @!p0 [sflag:s0], s1  }
0x10d: {  	s1 =	ssub.s32 @!p0 $0x0, s1;
	[sflag:s0] =	ssyncset.done @!p0 $0x0  }
0x10e: {  	[sflag:s0] =	ssyncadd.s32 @!p0 s1  }
0x10f: {  	[bflag:$0x3] =	sbarrier.arrive $0xFFFF  }
0x110: {  	_ =	shalt  }

// kernel: kernel.17.cloned.1.call-start
scs
__scs_entry_jumppad:
0x0: {  	(pc) =	sbr.rel $0x88, $3  }
0x1: {  	(tag) =	ssettag $0x0;
	lr =	simm.s32 $0x1  }
0x2: {  	[smem:$0x3F91] =	sst lr;
	_ =	strace $0xD0000000  }
0x3: {  	_ = 	snop  }
0x4: {  	_ = 	snop  }
0x5: {  	_ = 	snop  }
0x6: {  	_ = 	snop  }
0x7: {  	_ = 	snop  }
__scs_overlays_trampoline_lowered:
0x8: {  	[smem:$0x3FA0] =	sst s0  }
0x9: {  	[smem:$0x3FA1] =	sst s1  }
0xa: {  	[smem:$0x3FA2] =	sst s2  }
0xb: {  	[smem:$0x3FA3] =	sst s3  }
0xc: {  	[smem:$0x3FA4] =	sst s4  }
0xd: {  	[smem:$0x3FA5] =	sst s5  }
0xe: {  	[smem:$0x3FA6] =	sst s6  }
0xf: {  	[smem:$0x3FA7] =	sst s7  }
0x10: {  	[smem:$0x3FA8] =	sst s8  }
0x11: {  	[smem:$0x3FA9] =	sst s9;
	s0 =	simm.s32 @!p0 $0x0  }
0x12: {  	s1 =	sld [smem:$0x3F8F];
	s0 =	simm.s32 @p0 $0x1  }
0x13: {  	[smem:$0x3FAA] =	sst s0;
	s0 =	simm.s32 @!p1 $0x0  }
0x14: {  	s2 =	sld [smem:$0x3F8E];
	s0 =	simm.s32 @p1 $0x1  }
0x15: {  	[smem:$0x3FAB] =	sst s0;
	s0 =	simm.s32 @!p2 $0x0  }
0x16: {  	s3 =	sld [smem:$0x3FDB];
	s0 =	simm.s32 @p2 $0x1  }
0x17: {  	s4 =	simm.s32 $0x1BF5;
	[smem:$0x3FAD] =	sst s0  }
0x18: {  	s0 =	sld [smem:$0x3F90];
	_ =	swait.ge [sflag:s4], $0x0  }
0x19: {  	s7 =	sld [smem:$0x3F91]  }
0x1a: {  	s8 =	sadd.s32 $0xFFFFE003, lr  }
0x1b: {  	s9 =	sadd.s32 $0xFFFFFEF7, lr;
	s5 =	simm.s32 $0xFFFFFFFF;
	p2 =	slt.u32 s8, $0xFFFFF086  }
0x1c: {  	p1 =	slt.u32 s9, $0xF7A;
	s5 =	simm.s32 @!p2 $0x0  }
0x1d: {  	s5 =	simm.s32 @p1 $0x1;
	p0 =	seq.s32 s7, s2  }
0x1e: {  	s7 =	smul.u32 @!p0 $0xF7A, s2;
	p2 =	seq.s32 @!p0 s5, $0x0  }
0x1f: {  	s9 =	smul.u32 $0xF7A, s1;
	s8 =	simm.s32 @!p0 $0x1BF5;
	p2 =	por !p2, p0  }
0x20: {  	[sflag:s8] =	ssyncset.s32 @!p0 $0xFFFFF086;
	s6 =	sadd.s32 @!p0 s3, s7;
	s7 =	simm.s32 @!p0 $0x108  }
0x21: {  	s3 =	sadd.s32 s3, s9;
	s6 =	sadd.s32 @!p0 $0x88, s6;
	s7 =	simm.s32 @p2 $0x1082  }
0x22: {  	[simem:s7], [sflag:s8] =	dma.local @!p0 [hbm:s6], $0xF7A  }
0x23: {  	s9 =	sor.u32 $0xD0000000, s2;
	s6 =	simm.s32 $0x108;
	_ =	swait.ge @!p0 [sflag:s8], $0x0  }
0x24: {  	s3 =	sadd.s32 $0x88, s3;
	s6 =	simm.s32 @!p1 $0x1082;
	[sflag:s4] =	ssyncset.s32 $0xFFFFF086  }
0x25: {  	[simem:s6], [sflag:s4] =	dma.local [hbm:s3], $0xF7A  }
0x26: {  	[smem:$0x3F91] =	sst s1;
	(tag) =	ssettag s2;
	_ =	strace s9  }
0x27: {  	s1 =	sld [smem:$0x3FA1]  }
0x28: {  	s2 =	sld [smem:$0x3FA2]  }
0x29: {  	s4 =	sld [smem:$0x3FA4]  }
0x2a: {  	p0 =	seq.s32 s5, $0x0;
	s5 =	sld [smem:$0x3FA5]  }
0x2b: {  	s6 =	sld [smem:$0x3FA6]  }
0x2c: {  	s7 =	sld [smem:$0x3FA7]  }
0x2d: {  	s3 =	simm.s32 $0x108;
	s8 =	sld [smem:$0x3FA8]  }
0x2e: {  	s3 =	simm.s32 @!p0 $0x1082;
	s9 =	sld [smem:$0x3FA9]  }
0x2f: {  	lr =	sadd.s32 s0, s3;
	s0 =	sld [smem:$0x3FA0]  }
0x30: {  	s3 =	sld [smem:$0x3FA3]  }
0x31: {  	[smem:$0x3FAC] =	sst s10  }
0x32: {  	s10 =	sld [smem:$0x3FAA];
	_ =	sdelay $0x3  }
0x33: {  	p0 =	seq.s32 s10, $0x1;
	s10 =	sld [smem:$0x3FAC];
	_ =	sdelay $0x3  }
0x34: {  	[smem:$0x3FAC] =	sst s10  }
0x35: {  	s10 =	sld [smem:$0x3FAB];
	_ =	sdelay $0x3  }
0x36: {  	p1 =	seq.s32 s10, $0x1;
	s10 =	sld [smem:$0x3FAC];
	_ =	sdelay $0x3  }
0x37: {  	[smem:$0x3FAC] =	sst s10  }
0x38: {  	s10 =	sld [smem:$0x3FAD]  }
0x39: {  	_ = 	snop;
	(pc) =	sbr.ind lr, $3  }
0x3a: {  	_ = 	snop  }
0x3b: {  	_ = 	snop  }
0x3c: {  	p2 =	seq.s32 s10, $0x1;
	s10 =	sld [smem:$0x3FAC]  }
0x3d: {  	_ =	shalt  }
0x3e: {  	_ =	shalt  }
0x3f: {  	_ =	shalt  }
0x40: {  	_ =	shalt  }
0x41: {  	_ =	shalt  }
0x42: {  	_ =	shalt  }
0x43: {  	_ =	shalt  }
0x44: {  	_ =	shalt  }
0x45: {  	_ =	shalt  }
0x46: {  	_ =	shalt  }
0x47: {  	_ =	shalt  }
0x48: {  	_ =	shalt  }
0x49: {  	_ =	shalt  }
0x4a: {  	_ =	shalt  }
0x4b: {  	_ =	shalt  }
0x4c: {  	_ =	shalt  }
0x4d: {  	_ =	shalt  }
0x4e: {  	_ =	shalt  }
0x4f: {  	_ =	shalt  }
0x50: {  	_ =	shalt  }
0x51: {  	_ =	shalt  }
0x52: {  	_ =	shalt  }
0x53: {  	_ =	shalt  }
0x54: {  	_ =	shalt  }
0x55: {  	_ =	shalt  }
0x56: {  	_ =	shalt  }
0x57: {  	_ =	shalt  }
0x58: {  	_ =	shalt  }
0x59: {  	_ =	shalt  }
0x5a: {  	_ =	shalt  }
0x5b: {  	_ =	shalt  }
0x5c: {  	_ =	shalt  }
0x5d: {  	_ =	shalt  }
0x5e: {  	_ =	shalt  }
0x5f: {  	_ =	shalt  }
0x60: {  	_ =	shalt  }
0x61: {  	_ =	shalt  }
0x62: {  	_ =	shalt  }
0x63: {  	_ =	shalt  }
0x64: {  	_ =	shalt  }
0x65: {  	_ =	shalt  }
0x66: {  	_ =	shalt  }
0x67: {  	_ =	shalt  }
0x68: {  	_ =	shalt  }
0x69: {  	_ =	shalt  }
0x6a: {  	_ =	shalt  }
0x6b: {  	_ =	shalt  }
0x6c: {  	_ =	shalt  }
0x6d: {  	_ =	shalt  }
0x6e: {  	_ =	shalt  }
0x6f: {  	_ =	shalt  }
0x70: {  	_ =	shalt  }
0x71: {  	_ =	shalt  }
0x72: {  	_ =	shalt  }
0x73: {  	_ =	shalt  }
0x74: {  	_ =	shalt  }
0x75: {  	_ =	shalt  }
0x76: {  	_ =	shalt  }
0x77: {  	_ =	shalt  }
0x78: {  	_ =	shalt  }
0x79: {  	_ =	shalt  }
0x7a: {  	_ =	shalt  }
0x7b: {  	_ =	shalt  }
0x7c: {  	_ =	shalt  }
0x7d: {  	_ =	shalt  }
0x7e: {  	_ =	shalt  }
0x7f: {  	_ =	shalt  }
0x80: {  	_ =	shalt  }
0x81: {  	_ =	shalt  }
0x82: {  	_ =	shalt  }
0x83: {  	_ =	shalt  }
0x84: {  	_ =	shalt  }
0x85: {  	_ =	shalt  }
0x86: {  	_ =	shalt  }
0x87: {  	_ =	shalt  }
.Lfunc_end0:
.L_simem_size_0:
called_computation.2_lowered:
.L_overlay_start_0:
0x88: {  	s2 =	sld [smem:$0x3FD9]  }
0x89: {  	s3 =	sld [smem:$0x3FFE];
	_ =	sdelay $0x1  }
0x8a: {  	s1 =	srdreg.scid  }
0x8b: {  	s0 =	sand.u32 $0x1, s1  }
0x8c: {  	s16 =	sshll.u32 s0, $0xA;
	s2 =	sadd.s32 s3, s2  }
0x8d: {  	s2 =	sadd.s32 s2, s16  }
0x8e: {  	[smem:$0x3FB8] =	sst s2  }
0x8f: {  	_ = 	snop  }
0x90: {  	(tm) =	ssettm $0x1  }
0x91: {  	s17 =	sld [smem:$0x3FFB];
	_ =	sdelay $0x3  }
0x92: {  	_ =	strace s17  }
0x93: {  	s2 =	sld [smem:$0x3FFC];
	_ =	sdelay $0x3  }
0x94: {  	_ =	strace s2  }
0x95: {  	s2 =	sld [smem:$0x3FFD];
	_ =	sdelay $0x3  }
0x96: {  	_ =	strace s2  }
0x97: {  	_ =	strace $0x8FFFFFFF  }
0x98: {  	s18 =	sld [smem:$0x3FDB];
	_ =	sdelay $0x1  }
0x99: {  	s19 =	simm.s32 $_scs_section_size  }
0x9a: {  	s4 =	simm.s32 $_size__tile_overlayer_lowered;
	s5 =	simm.s32 $_tile_overlayer_lowered  }
0x9b: {  	s22 =	simm.s32 $0x1BFF;
	s21 =	sshll.u32 s5, $0x1;
	s2 =	sadd.s32 s19, s18  }
0x9c: {  	s6 =	simm.s32 $0x0;
	s20 =	sshll.u32 s4, $0x1;
	s4 =	sadd.s32 s21, s2  }
0x9d: {  	[timem:s6], [sflag:s22] =	dma.local [hbm:s4], s20  }
0x9e: {  	_ =	swait.ge [sflag:s22], s20  }
0x9f: {  	s3 =	ssub.s32 $0x0, s20;
	[sflag:s22] =	ssyncset.done $0x0  }
0xa0: {  	[sflag:s22] =	ssyncadd.s32 s3;
	_ =	sdelay $0x1  }
0xa1: {  	s23 =	simm.s32 $0x1B8B  }
0xa2: {  	_ =	swait.ge [sflag:s23], $0x1  }
0xa3: {  	[sflag:s23] =	ssyncset.done $0x0  }
0xa4: {  	s25 =	simm.s32 $0x1B8E;
	s24 =	sld [smem:$0x3FFE];
	[sflag:s23] =	ssyncadd.s32 $0xFFFFFFFF  }
0xa5: {  	s26 =	simm.s32 $execute0_lowered;
	[smem:$0x3FD2] =	sst s25  }
0xa6: {  	s4 =	sshll.u32 s26, $0x1;
	_ =	strace $0x8000004C;
	[dreg:$0x1] =	wrdreg $0xFFFFFFFF  }
0xa7: {  	s28 =	simm.s32 $_size_execute0_lowered;
	s2 =	sadd.s32 s2, s4;
	[dreg:$0x0] =	wrdreg $0x0  }
0xa8: {  	s4 =	sshll.u32 s28, $0x1;
	[dreg:$0x2] =	wrdreg s2  }
0xa9: {  	[dreg:$0x3] =	wrdreg s4  }
0xaa: {  	[dreg:$0x4] =	wrdreg $0xC0  }
0xab: {  	_ =	task [dreg:s6], $0x5FFFF  }
0xac: {  	[dreg:$0x1] =	wrdreg $0xFFFFFFFF  }
0xad: {  	[dreg:$0x0] =	wrdreg $0x60  }
0xae: {  	[dreg:$0x2] =	wrdreg s24  }
0xaf: {  	[dreg:$0x3] =	wrdreg $0x150000  }
0xb0: {  	[dreg:$0x4] =	wrdreg $0x9  }
0xb1: {  	_ =	task.clear_ibuf [dreg:s6], $0x5FFFF;
	_ =	strace $0x9000004C  }
0xb2: {  	s29 =	simm.s32 $0x9;
	_ =	strace $0x8000004E  }
0xb3: {  	_ =	swait.ge [sflag:s29], $0x1  }
0xb4: {  	[sflag:s29] =	ssyncadd.s32 $0xFFFFFFFF  }
0xb5: {  	_ =	strace $0x9000004E  }
0xb6: {  	_ =	sfence  }
0xb7: {  	s30 =	sld [smem:$0x0];
	_ =	sdelay $0x2  }
0xb8: {  	s31 =	sshll.u32 s1, $0xD;
	s1 =	sshrl.u32 s1, $0x2  }
0xb9: {  	s3 =	sand.u32 $0x4000, s31;
	s1 =	sadd.s32 s1, s30  }
0xba: {  	s0 =	sor.u32 s3, s0;
	s1 =	sshll.u32 s1, $0x11  }
0xbb: {  	s0 =	sor.u32 s1, s0  }
0xbc: {  	s0 =	sadd.s32 $0x8F2B, s0  }
0xbd: {  	[sflag:s0] =	ssyncadd.remote.s32 $0x1  }
0xbe: {  	_ =	sfence.sel $0xFFFF  }
0xbf: {  	[dreg:$0x0] =	wrdreg $0xFFFFFFFF;
	(pc) =	sbr.abs _section_cstart, $3  }
0xc0: {  	[dreg:$0x1] =	wrdreg $0xFFFFFFFF  }
0xc1: {  	_ =	task.clear_ibuf [dreg:s6], $0x2FFFF;
	_ =	strace $0x9FFFFFFF  }
0xc2: {  	(tm) =	ssettm $0x7FFFFFFF  }
0xc3: {  	_ =	shalt  }
tec
execute0_lowered:
.L_overlay_start_1:
0x0: {  	(tag) =	ssettag $0x1  }
0x1: {  	s0 =	srdreg.scid  }
0x2: {  	s8 =	stileid.u32;
	s3 =	rddreg [dreg:$0x0]  }
0x3: {  	s2 =	rddreg [dreg:$0x1];
	s4 =	simm.s32 $0x0;
	s15 =	simm.s32 $0x80  }
0x4: {  	s16 =	simm.s32 $0x5000;
	s17 =	simm.s32 $0x7000;
	s19 =	simm.s32 $0x9000  }
0x5: {  	s21 =	simm.s32 $0xB000;
	s28 =	simm.s32 $0x11000;
	s30 =	simm.s32 $0x13000  }
0x6: {  	s13 =	simm.s32 $0x3;
	s18 =	simm.s32 $0x4;
	s20 =	simm.s32 $0x5  }
0x7: {  	s22 =	simm.s32 $0x6;
	s29 =	simm.s32 $0x9;
	s9 =	simm.s32 $0xD  }
0x8: {  	s10 =	simm.s32 $0xE;
	s11 =	simm.s32 $0xF;
	s31 =	simm.s32 $0x0  }
0x9: {  	s0 =	sand.u32 $0x1, s0;
	s5 =	smul.u32 $0xA000, s8;
	[smem:$0x7FF] =	sst s4  }
0xa: {  	s4 =	sadd.s32 $0x17200, s3;
	s24 =	sshll.u32 s8, $0x6;
	s1 =	sshll.u32 s0, $0x4  }
0xb: {  	s6 =	smul.u32 $0xA0000, s0;
	_ =	strace $0x8000004D;
	s0 =	ssub.s32 $0x2, s0  }
0xc: {  	[dreg:$0x3] =	wrdreg s24;
	s1 =	sor.u32 s8, s1;
	s7 =	sshrl.u32 s5, $0x3  }
0xd: {  	s23 =	sshrl.u32 s0, $0x1;
	s8 =	simm.s32 $0xC;
	s1 =	smul.u32 $0x500, s1  }
0xe: {  	s6 =	sadd.s32 s5, s6;
	s7 =	sadd.s32 s7, s3;
	s0 =	ssub.s32 s0, s23  }
0xf: {  	s5 =	sadd.s32 s5, s2;
	s23 =	simm.s32 $0xD000;
	s7 =	sadd.s32 $0x2AC00, s7  }
0x10: {  	s6 =	sshrl.u32 s6, $0x3;
	s0 =	smax.u32 s0, $0x1;
	[dreg:$0x4] =	wrdreg s7  }
0x11: {  	s14 =	sshrl.u32 s5, $0x3;
	s1 =	sadd.s32 s1, s3;
	[dreg:$0x9] =	wrdreg s0  }
0x12: {  	s3 =	sadd.s32 s6, s3;
	s6 =	sor.u32 $0x1C11, s24;
	[dreg:$0xa] =	wrdreg s14  }
0x13: {  	s5 =	simm.s32 $0x10;
	[dreg:$0x5] =	wrdreg s6;
	s25 =	sadd.s32 $0xD200, s1  }
0x14: {  	s0 =	simm.s32 $0x2;
	s1 =	sadd.s32 $0x3200, s1;
	[dreg:$0x6] =	wrdreg s25  }
0x15: {  	s24 =	simm.s32 $0x7;
	s26 =	sadd.s32 $0x3EC00, s3;
	[dreg:$0x7] =	wrdreg s1  }
0x16: {  	s7 =	simm.s32 $0xB;
	s6 =	simm.s32 $0xA;
	[dreg:$0x8] =	wrdreg s26  }
0x17: {  	s25 =	simm.s32 $0xF000;
	s1 =	simm.s32 $0x1;
	s26 =	simm.s32 $0x8  }
.LBB2_1:
0x18: {  	s3 =	rddreg [dreg:$0x4]  }
0x19: {  	s12 =	rddreg [dreg:$0x5]  }
0x1a: {  	[spmem:s14], [sflag:s12] =	dma.local [hbm:s3], $0x1400  }
0x1b: {  	s3 =	simm.s32 $0x0;
	s12 =	rddreg [dreg:$0x6]  }
0x1c: {  	[tilespmem:s3], [sflag:$0x12] =	stream.linear.gather [hbm4b:s12+s3], $0x2800, $0x38;
	[tilespmem:$0x1F000] =	vst v63  }
0x1d: {  	s14 =	simm.s32 $0x2800;
	s12 =	rddreg [dreg:$0x7]  }
0x1e: {  	[tilespmem:s14], [sflag:$0x12] =	stream.linear.gather [hbm4b:s12+s3], $0x2800, $0x38;
	[tilespmem:$0x1F000] =	vst v63  }
0x1f: {  	s14 =	simm.s32 $0x12  }
0x20: {  	_ =	swait.ge [sflag:s14], $0x2800  }
0x21: {  	[sflag:s14] =	ssyncset.done $0x0  }
0x22: {  	[sflag:s14] =	ssyncadd.s32 $0xFFFFD800  }
0x23: {  	_ =	swait.ge [sflag:s14], $0x2800  }
0x24: {  	[sflag:s14] =	ssyncset.done $0x0  }
0x25: {  	[sflag:s14] =	ssyncadd.s32 $0xFFFFD800  }
0x26: {  	[tilespmem:s16], [sflag:$0x1] =	stream.indirect.gather [hbm4b:s4+s15], $0x40, s3, s15, $0xb8;
	[tilespmem:$0x1F000] =	vst v63  }
0x27: {  	_ = 	snop  }
0x28: {  	[tilespmem:s17], [sflag:$0x2] =	stream.indirect.gather [hbm4b:s4+s15], $0x40, s15, s15, $0xb8;
	[tilespmem:$0x1F000] =	vst v63  }
0x29: {  	s12 =	simm.s32 $0x100  }
0x2a: {  	[tilespmem:s19], [sflag:$0x3] =	stream.indirect.gather [hbm4b:s4+s15], $0x40, s12, s15, $0xb8;
	[tilespmem:$0x1F000] =	vst v63  }
0x2b: {  	s14 =	simm.s32 $0x180  }
0x2c: {  	[tilespmem:s21], [sflag:$0x4] =	stream.indirect.gather [hbm4b:s4+s15], $0x40, s14, s15, $0xb8;
	[tilespmem:$0x1F000] =	vst v63  }
0x2d: {  	s12 =	simm.s32 $0x200  }
0x2e: {  	[tilespmem:s23], [sflag:$0x5] =	stream.indirect.gather [hbm4b:s4+s15], $0x40, s12, s15, $0xb8;
	[tilespmem:$0x1F000] =	vst v63  }
0x2f: {  	s14 =	simm.s32 $0x280  }
0x30: {  	[tilespmem:s25], [sflag:$0x6] =	stream.indirect.gather [hbm4b:s4+s15], $0x40, s14, s15, $0xb8;
	[tilespmem:$0x1F000] =	vst v63  }
0x31: {  	s12 =	simm.s32 $0x300  }
0x32: {  	[tilespmem:s28], [sflag:$0x7] =	stream.indirect.gather [hbm4b:s4+s15], $0x40, s12, s15, $0xb8;
	[tilespmem:$0x1F000] =	vst v63  }
0x33: {  	s14 =	simm.s32 $0x380;
	s12 =	simm.s32 $0x11  }
0x34: {  	[tilespmem:s30], [sflag:$0x8] =	stream.indirect.gather [hbm4b:s4+s15], $0x40, s14, s15, $0xb8;
	[tilespmem:$0x1F000] =	vst v63  }
0x35: {  	_ =	swait.ge [sflag:s12], $0x1400  }
0x36: {  	[sflag:s12] =	ssyncset.done $0x0  }
0x37: {  	[sflag:s12] =	ssyncadd.s32 $0xFFFFEC00  }
0x38: {  	[bflag:$0x0] =	sbarrier.arrive $0xFFFF  }
0x39: {  	_ =	swait.ge [sflag:s1], $0x2000  }
0x3a: {  	[sflag:s1] =	ssyncset.done $0x0  }
0x3b: {  	s14 =	simm.s32 $0x2800;
	[sflag:s1] =	ssyncadd.s32 $0xFFFFE000  }
0x3c: {  	[spmem:s2] =	stream.indirect.scatter.add.f32 [tilespmem:s16], [sflag:$0x9], $0x40, s14, s15, $0xb8;
	[tilespmem:$0x1F000] =	vst v63  }
0x3d: {  	_ =	swait.ge [sflag:s0], $0x2000  }
0x3e: {  	[sflag:s0] =	ssyncset.done $0x0  }
0x3f: {  	s12 =	simm.s32 $0x2880;
	[sflag:s0] =	ssyncadd.s32 $0xFFFFE000  }
0x40: {  	[spmem:s2] =	stream.indirect.scatter.add.f32 [tilespmem:s17], [sflag:$0xA], $0x40, s12, s15, $0xb8;
	[tilespmem:$0x1F000] =	vst v63  }
0x41: {  	_ =	swait.ge [sflag:s13], $0x2000  }
0x42: {  	[sflag:s13] =	ssyncset.done $0x0  }
0x43: {  	s14 =	simm.s32 $0x2900;
	[sflag:s13] =	ssyncadd.s32 $0xFFFFE000  }
0x44: {  	[spmem:s2] =	stream.indirect.scatter.add.f32 [tilespmem:s19], [sflag:$0xB], $0x40, s14, s15, $0xb8;
	[tilespmem:$0x1F000] =	vst v63  }
0x45: {  	_ =	swait.ge [sflag:s18], $0x2000  }
0x46: {  	[sflag:s18] =	ssyncset.done $0x0  }
0x47: {  	s12 =	simm.s32 $0x2980;
	[sflag:s18] =	ssyncadd.s32 $0xFFFFE000  }
0x48: {  	[spmem:s2] =	stream.indirect.scatter.add.f32 [tilespmem:s21], [sflag:$0xC], $0x40, s12, s15, $0xb8;
	[tilespmem:$0x1F000] =	vst v63  }
0x49: {  	_ =	swait.ge [sflag:s20], $0x2000  }
0x4a: {  	[sflag:s20] =	ssyncset.done $0x0  }
0x4b: {  	s14 =	simm.s32 $0x2A00;
	[sflag:s20] =	ssyncadd.s32 $0xFFFFE000  }
0x4c: {  	[spmem:s2] =	stream.indirect.scatter.add.f32 [tilespmem:s23], [sflag:$0xD], $0x40, s14, s15, $0xb8;
	[tilespmem:$0x1F000] =	vst v63  }
0x4d: {  	_ =	swait.ge [sflag:s22], $0x2000  }
0x4e: {  	[sflag:s22] =	ssyncset.done $0x0  }
0x4f: {  	s12 =	simm.s32 $0x2A80;
	[sflag:s22] =	ssyncadd.s32 $0xFFFFE000  }
0x50: {  	[spmem:s2] =	stream.indirect.scatter.add.f32 [tilespmem:s25], [sflag:$0xE], $0x40, s12, s15, $0xb8;
	[tilespmem:$0x1F000] =	vst v63  }
0x51: {  	_ =	swait.ge [sflag:s24], $0x2000  }
0x52: {  	[sflag:s24] =	ssyncset.done $0x0  }
0x53: {  	s14 =	simm.s32 $0x2B00;
	[sflag:s24] =	ssyncadd.s32 $0xFFFFE000  }
0x54: {  	[spmem:s2] =	stream.indirect.scatter.add.f32 [tilespmem:s28], [sflag:$0xF], $0x40, s14, s15, $0xb8;
	[tilespmem:$0x1F000] =	vst v63  }
0x55: {  	_ =	swait.ge [sflag:s26], $0x2000  }
0x56: {  	[sflag:s26] =	ssyncset.done $0x0  }
0x57: {  	s12 =	simm.s32 $0x2B80;
	[sflag:s26] =	ssyncadd.s32 $0xFFFFE000  }
0x58: {  	[spmem:s2] =	stream.indirect.scatter.add.f32 [tilespmem:s30], [sflag:$0x10], $0x40, s12, s15, $0xb8;
	[tilespmem:$0x1F000] =	vst v63  }
0x59: {  	_ =	swait.ge [sflag:s29], $0x2000  }
0x5a: {  	[sflag:s29] =	ssyncset.done $0x0  }
0x5b: {  	s14 =	simm.s32 $0x400;
	[sflag:s29] =	ssyncadd.s32 $0xFFFFE000  }
0x5c: {  	[tilespmem:s16], [sflag:$0x1] =	stream.indirect.gather [hbm4b:s4+s15], $0x40, s14, s15, $0xb8;
	[tilespmem:$0x1F000] =	vst v63  }
0x5d: {  	_ =	swait.ge [sflag:s6], $0x2000  }
0x5e: {  	[sflag:s6] =	ssyncset.done $0x0  }
0x5f: {  	s12 =	simm.s32 $0x480;
	[sflag:s6] =	ssyncadd.s32 $0xFFFFE000  }
0x60: {  	[tilespmem:s17], [sflag:$0x2] =	stream.indirect.gather [hbm4b:s4+s15], $0x40, s12, s15, $0xb8;
	[tilespmem:$0x1F000] =	vst v63  }
0x61: {  	_ =	swait.ge [sflag:s7], $0x2000  }
0x62: {  	[sflag:s7] =	ssyncset.done $0x0  }
0x63: {  	s14 =	simm.s32 $0x500;
	[sflag:s7] =	ssyncadd.s32 $0xFFFFE000  }
0x64: {  	[tilespmem:s19], [sflag:$0x3] =	stream.indirect.gather [hbm4b:s4+s15], $0x40, s14, s15, $0xb8;
	[tilespmem:$0x1F000] =	vst v63  }
0x65: {  	_ =	swait.ge [sflag:s8], $0x2000  }
0x66: {  	[sflag:s8] =	ssyncset.done $0x0  }
0x67: {  	s12 =	simm.s32 $0x580;
	[sflag:s8] =	ssyncadd.s32 $0xFFFFE000  }
0x68: {  	[tilespmem:s21], [sflag:$0x4] =	stream.indirect.gather [hbm4b:s4+s15], $0x40, s12, s15, $0xb8;
	[tilespmem:$0x1F000] =	vst v63  }
0x69: {  	_ =	swait.ge [sflag:s9], $0x2000  }
0x6a: {  	[sflag:s9] =	ssyncset.done $0x0  }
0x6b: {  	s14 =	simm.s32 $0x600;
	[sflag:s9] =	ssyncadd.s32 $0xFFFFE000  }
0x6c: {  	[tilespmem:s23], [sflag:$0x5] =	stream.indirect.gather [hbm4b:s4+s15], $0x40, s14, s15, $0xb8;
	[tilespmem:$0x1F000] =	vst v63  }
0x6d: {  	_ =	swait.ge [sflag:s10], $0x2000  }
0x6e: {  	[sflag:s10] =	ssyncset.done $0x0  }
0x6f: {  	s12 =	simm.s32 $0x680;
	[sflag:s10] =	ssyncadd.s32 $0xFFFFE000  }
0x70: {  	[tilespmem:s25], [sflag:$0x6] =	stream.indirect.gather [hbm4b:s4+s15], $0x40, s12, s15, $0xb8;
	[tilespmem:$0x1F000] =	vst v63  }
0x71: {  	_ =	swait.ge [sflag:s11], $0x2000  }
0x72: {  	[sflag:s11] =	ssyncset.done $0x0  }
0x73: {  	s14 =	simm.s32 $0x700;
	[sflag:s11] =	ssyncadd.s32 $0xFFFFE000  }
0x74: {  	[tilespmem:s28], [sflag:$0x7] =	stream.indirect.gather [hbm4b:s4+s15], $0x40, s14, s15, $0xb8;
	[tilespmem:$0x1F000] =	vst v63  }
0x75: {  	_ =	swait.ge [sflag:s5], $0x2000  }
0x76: {  	[sflag:s5] =	ssyncset.done $0x0  }
0x77: {  	s3 =	simm.s32 $0x1000;
	s12 =	simm.s32 $0x780;
	[sflag:s5] =	ssyncadd.s32 $0xFFFFE000  }
.LBB2_2:
0x78: {  	[tilespmem:s30], [sflag:$0x8] =	stream.indirect.gather [hbm4b:s4+s15], $0x40, s12, s15, $0xb8;
	[tilespmem:$0x1F000] =	vst v63  }
0x79: {  	s12 =	smov.u32 s3  }
0x7a: {  	p0 =	sne.s32 s3, $0x8000;
	s3 =	sadd.s32 $0x1000, s3;
	_ =	swait.ge [sflag:s1], $0x2000  }
0x7b: {  	s12 =	sshra.s32 s12, $0x2;
	[sflag:s1] =	ssyncset.done $0x0  }
0x7c: {  	s14 =	sadd.s32 $0x2800, s12;
	[sflag:s1] =	ssyncadd.s32 $0xFFFFE000  }
0x7d: {  	[spmem:s2] =	stream.indirect.scatter.add.f32 [tilespmem:s16], [sflag:$0x9], $0x40, s14, s15, $0xb8;
	[tilespmem:$0x1F000] =	vst v63  }
0x7e: {  	_ =	swait.ge [sflag:s0], $0x2000  }
0x7f: {  	[sflag:s0] =	ssyncset.done $0x0  }
0x80: {  	s14 =	sadd.s32 $0x2880, s12;
	[sflag:s0] =	ssyncadd.s32 $0xFFFFE000  }
0x81: {  	[spmem:s2] =	stream.indirect.scatter.add.f32 [tilespmem:s17], [sflag:$0xA], $0x40, s14, s15, $0xb8;
	[tilespmem:$0x1F000] =	vst v63  }
0x82: {  	_ =	swait.ge [sflag:s13], $0x2000  }
0x83: {  	[sflag:s13] =	ssyncset.done $0x0  }
0x84: {  	s14 =	sadd.s32 $0x2900, s12;
	[sflag:s13] =	ssyncadd.s32 $0xFFFFE000  }
0x85: {  	[spmem:s2] =	stream.indirect.scatter.add.f32 [tilespmem:s19], [sflag:$0xB], $0x40, s14, s15, $0xb8;
	[tilespmem:$0x1F000] =	vst v63  }
0x86: {  	_ =	swait.ge [sflag:s18], $0x2000  }
0x87: {  	[sflag:s18] =	ssyncset.done $0x0  }
0x88: {  	s14 =	sadd.s32 $0x2980, s12;
	[sflag:s18] =	ssyncadd.s32 $0xFFFFE000  }
0x89: {  	[spmem:s2] =	stream.indirect.scatter.add.f32 [tilespmem:s21], [sflag:$0xC], $0x40, s14, s15, $0xb8;
	[tilespmem:$0x1F000] =	vst v63  }
0x8a: {  	_ =	swait.ge [sflag:s20], $0x2000  }
0x8b: {  	[sflag:s20] =	ssyncset.done $0x0  }
0x8c: {  	s14 =	sadd.s32 $0x2A00, s12;
	[sflag:s20] =	ssyncadd.s32 $0xFFFFE000  }
0x8d: {  	[spmem:s2] =	stream.indirect.scatter.add.f32 [tilespmem:s23], [sflag:$0xD], $0x40, s14, s15, $0xb8;
	[tilespmem:$0x1F000] =	vst v63  }
0x8e: {  	_ =	swait.ge [sflag:s22], $0x2000  }
0x8f: {  	[sflag:s22] =	ssyncset.done $0x0  }
0x90: {  	s14 =	sadd.s32 $0x2A80, s12;
	[sflag:s22] =	ssyncadd.s32 $0xFFFFE000  }
0x91: {  	[spmem:s2] =	stream.indirect.scatter.add.f32 [tilespmem:s25], [sflag:$0xE], $0x40, s14, s15, $0xb8;
	[tilespmem:$0x1F000] =	vst v63  }
0x92: {  	_ =	swait.ge [sflag:s24], $0x2000  }
0x93: {  	[sflag:s24] =	ssyncset.done $0x0  }
0x94: {  	s14 =	sadd.s32 $0x2B00, s12;
	[sflag:s24] =	ssyncadd.s32 $0xFFFFE000  }
0x95: {  	[spmem:s2] =	stream.indirect.scatter.add.f32 [tilespmem:s28], [sflag:$0xF], $0x40, s14, s15, $0xb8;
	[tilespmem:$0x1F000] =	vst v63  }
0x96: {  	_ =	swait.ge [sflag:s26], $0x2000  }
0x97: {  	[sflag:s26] =	ssyncset.done $0x0  }
0x98: {  	s14 =	sadd.s32 $0x2B80, s12;
	[sflag:s26] =	ssyncadd.s32 $0xFFFFE000  }
0x99: {  	[spmem:s2] =	stream.indirect.scatter.add.f32 [tilespmem:s30], [sflag:$0x10], $0x40, s14, s15, $0xb8;
	[tilespmem:$0x1F000] =	vst v63  }
0x9a: {  	_ =	swait.ge [sflag:s29], $0x2000  }
0x9b: {  	[sflag:s29] =	ssyncset.done $0x0  }
0x9c: {  	s14 =	sadd.s32 $0x400, s12;
	[sflag:s29] =	ssyncadd.s32 $0xFFFFE000  }
0x9d: {  	[tilespmem:s16], [sflag:$0x1] =	stream.indirect.gather [hbm4b:s4+s15], $0x40, s14, s15, $0xb8;
	[tilespmem:$0x1F000] =	vst v63  }
0x9e: {  	_ =	swait.ge [sflag:s6], $0x2000  }
0x9f: {  	[sflag:s6] =	ssyncset.done $0x0  }
0xa0: {  	s14 =	sadd.s32 $0x480, s12;
	[sflag:s6] =	ssyncadd.s32 $0xFFFFE000  }
0xa1: {  	[tilespmem:s17], [sflag:$0x2] =	stream.indirect.gather [hbm4b:s4+s15], $0x40, s14, s15, $0xb8;
	[tilespmem:$0x1F000] =	vst v63  }
0xa2: {  	_ =	swait.ge [sflag:s7], $0x2000  }
0xa3: {  	[sflag:s7] =	ssyncset.done $0x0  }
0xa4: {  	s14 =	sadd.s32 $0x500, s12;
	[sflag:s7] =	ssyncadd.s32 $0xFFFFE000  }
0xa5: {  	[tilespmem:s19], [sflag:$0x3] =	stream.indirect.gather [hbm4b:s4+s15], $0x40, s14, s15, $0xb8;
	[tilespmem:$0x1F000] =	vst v63  }
0xa6: {  	_ =	swait.ge [sflag:s8], $0x2000  }
0xa7: {  	[sflag:s8] =	ssyncset.done $0x0  }
0xa8: {  	s14 =	sadd.s32 $0x580, s12;
	[sflag:s8] =	ssyncadd.s32 $0xFFFFE000  }
0xa9: {  	[tilespmem:s21], [sflag:$0x4] =	stream.indirect.gather [hbm4b:s4+s15], $0x40, s14, s15, $0xb8;
	[tilespmem:$0x1F000] =	vst v63  }
0xaa: {  	_ =	swait.ge [sflag:s9], $0x2000  }
0xab: {  	[sflag:s9] =	ssyncset.done $0x0  }
0xac: {  	s14 =	sadd.s32 $0x600, s12;
	[sflag:s9] =	ssyncadd.s32 $0xFFFFE000  }
0xad: {  	[tilespmem:s23], [sflag:$0x5] =	stream.indirect.gather [hbm4b:s4+s15], $0x40, s14, s15, $0xb8;
	[tilespmem:$0x1F000] =	vst v63  }
0xae: {  	_ =	swait.ge [sflag:s10], $0x2000  }
0xaf: {  	[sflag:s10] =	ssyncset.done $0x0  }
0xb0: {  	s14 =	sadd.s32 $0x680, s12;
	[sflag:s10] =	ssyncadd.s32 $0xFFFFE000  }
0xb1: {  	[tilespmem:s25], [sflag:$0x6] =	stream.indirect.gather [hbm4b:s4+s15], $0x40, s14, s15, $0xb8;
	[tilespmem:$0x1F000] =	vst v63  }
0xb2: {  	_ =	swait.ge [sflag:s11], $0x2000  }
0xb3: {  	[sflag:s11] =	ssyncset.done $0x0  }
.Ltmp0:
0xb4: {  	s14 =	sadd.s32 $0x700, s12;
	[sflag:s11] =	ssyncadd.s32 $0xFFFFE000;
	(pc) =	sbr.rel @p0 .LBB2_2-.Ltmp0, $4  }
0xb5: {  	[tilespmem:s28], [sflag:$0x7] =	stream.indirect.gather [hbm4b:s4+s15], $0x40, s14, s15, $0xb8;
	[tilespmem:$0x1F000] =	vst v63  }
0xb6: {  	_ =	swait.ge [sflag:s5], $0x2000  }
0xb7: {  	[sflag:s5] =	ssyncset.done $0x0  }
0xb8: {  	s12 =	sadd.s32 $0x780, s12;
	[sflag:s5] =	ssyncadd.s32 $0xFFFFE000  }
0xb9: {  	[tilespmem:s30], [sflag:$0x8] =	stream.indirect.gather [hbm4b:s4+s15], $0x40, s12, s15, $0xb8;
	[tilespmem:$0x1F000] =	vst v63  }
0xba: {  	_ =	swait.ge [sflag:s1], $0x2000  }
0xbb: {  	[sflag:s1] =	ssyncset.done $0x0  }
0xbc: {  	s3 =	simm.s32 $0x4C00;
	[sflag:s1] =	ssyncadd.s32 $0xFFFFE000  }
0xbd: {  	[spmem:s2] =	stream.indirect.scatter.add.f32 [tilespmem:s16], [sflag:$0x9], $0x40, s3, s15, $0xb8;
	[tilespmem:$0x1F000] =	vst v63  }
0xbe: {  	_ =	swait.ge [sflag:s0], $0x2000  }
0xbf: {  	[sflag:s0] =	ssyncset.done $0x0  }
0xc0: {  	s12 =	simm.s32 $0x4C80;
	[sflag:s0] =	ssyncadd.s32 $0xFFFFE000  }
0xc1: {  	[spmem:s2] =	stream.indirect.scatter.add.f32 [tilespmem:s17], [sflag:$0xA], $0x40, s12, s15, $0xb8;
	[tilespmem:$0x1F000] =	vst v63  }
0xc2: {  	_ =	swait.ge [sflag:s13], $0x2000  }
0xc3: {  	[sflag:s13] =	ssyncset.done $0x0  }
0xc4: {  	s14 =	simm.s32 $0x4D00;
	[sflag:s13] =	ssyncadd.s32 $0xFFFFE000  }
0xc5: {  	[spmem:s2] =	stream.indirect.scatter.add.f32 [tilespmem:s19], [sflag:$0xB], $0x40, s14, s15, $0xb8;
	[tilespmem:$0x1F000] =	vst v63  }
0xc6: {  	_ =	swait.ge [sflag:s18], $0x2000  }
0xc7: {  	[sflag:s18] =	ssyncset.done $0x0  }
0xc8: {  	s12 =	simm.s32 $0x4D80;
	[sflag:s18] =	ssyncadd.s32 $0xFFFFE000  }
0xc9: {  	[spmem:s2] =	stream.indirect.scatter.add.f32 [tilespmem:s21], [sflag:$0xC], $0x40, s12, s15, $0xb8;
	[tilespmem:$0x1F000] =	vst v63  }
0xca: {  	_ =	swait.ge [sflag:s20], $0x2000  }
0xcb: {  	[sflag:s20] =	ssyncset.done $0x0  }
0xcc: {  	s14 =	simm.s32 $0x4E00;
	[sflag:s20] =	ssyncadd.s32 $0xFFFFE000  }
0xcd: {  	[spmem:s2] =	stream.indirect.scatter.add.f32 [tilespmem:s23], [sflag:$0xD], $0x40, s14, s15, $0xb8;
	[tilespmem:$0x1F000] =	vst v63  }
0xce: {  	_ =	swait.ge [sflag:s22], $0x2000  }
0xcf: {  	[sflag:s22] =	ssyncset.done $0x0  }
0xd0: {  	s12 =	simm.s32 $0x4E80;
	[sflag:s22] =	ssyncadd.s32 $0xFFFFE000  }
0xd1: {  	[spmem:s2] =	stream.indirect.scatter.add.f32 [tilespmem:s25], [sflag:$0xE], $0x40, s12, s15, $0xb8;
	[tilespmem:$0x1F000] =	vst v63  }
0xd2: {  	_ =	swait.ge [sflag:s24], $0x2000  }
0xd3: {  	[sflag:s24] =	ssyncset.done $0x0  }
0xd4: {  	s14 =	simm.s32 $0x4F00;
	[sflag:s24] =	ssyncadd.s32 $0xFFFFE000  }
0xd5: {  	[spmem:s2] =	stream.indirect.scatter.add.f32 [tilespmem:s28], [sflag:$0xF], $0x40, s14, s15, $0xb8;
	[tilespmem:$0x1F000] =	vst v63  }
0xd6: {  	_ =	swait.ge [sflag:s26], $0x2000  }
0xd7: {  	[sflag:s26] =	ssyncset.done $0x0  }
0xd8: {  	s12 =	simm.s32 $0x4F80;
	[sflag:s26] =	ssyncadd.s32 $0xFFFFE000  }
0xd9: {  	[spmem:s2] =	stream.indirect.scatter.add.f32 [tilespmem:s30], [sflag:$0x10], $0x40, s12, s15, $0xb8;
	[tilespmem:$0x1F000] =	vst v63  }
0xda: {  	_ =	swait.ge [sflag:s29], $0x2000  }
0xdb: {  	[sflag:s29] =	ssyncset.done $0x0  }
0xdc: {  	[sflag:s29] =	ssyncadd.s32 $0xFFFFE000  }
0xdd: {  	_ =	swait.ge [sflag:s6], $0x2000  }
0xde: {  	[sflag:s6] =	ssyncset.done $0x0  }
0xdf: {  	[sflag:s6] =	ssyncadd.s32 $0xFFFFE000  }
0xe0: {  	_ =	swait.ge [sflag:s7], $0x2000  }
0xe1: {  	[sflag:s7] =	ssyncset.done $0x0  }
0xe2: {  	[sflag:s7] =	ssyncadd.s32 $0xFFFFE000  }
0xe3: {  	_ =	swait.ge [sflag:s8], $0x2000  }
0xe4: {  	[sflag:s8] =	ssyncset.done $0x0  }
0xe5: {  	[sflag:s8] =	ssyncadd.s32 $0xFFFFE000  }
0xe6: {  	_ =	swait.ge [sflag:s9], $0x2000  }
0xe7: {  	[sflag:s9] =	ssyncset.done $0x0  }
0xe8: {  	[sflag:s9] =	ssyncadd.s32 $0xFFFFE000  }
0xe9: {  	_ =	swait.ge [sflag:s10], $0x2000  }
0xea: {  	[sflag:s10] =	ssyncset.done $0x0  }
0xeb: {  	[sflag:s10] =	ssyncadd.s32 $0xFFFFE000  }
0xec: {  	_ =	swait.ge [sflag:s11], $0x2000  }
0xed: {  	[sflag:s11] =	ssyncset.done $0x0  }
0xee: {  	[sflag:s11] =	ssyncadd.s32 $0xFFFFE000  }
0xef: {  	_ =	swait.ge [sflag:s5], $0x2000  }
0xf0: {  	[sflag:s5] =	ssyncset.done $0x0  }
0xf1: {  	[sflag:s5] =	ssyncadd.s32 $0xFFFFE000  }
0xf2: {  	[bflag:$0x0] =	sbarrier.arrive $0xFFFF  }
0xf3: {  	s14 =	rddreg [dreg:$0x3]  }
0xf4: {  	s12 =	rddreg [dreg:$0x8]  }
0xf5: {  	s3 =	sor.u32 $0x1C13, s14;
	s14 =	rddreg [dreg:$0xa]  }
0xf6: {  	[hbm:s12], [sflag:s3] =	dma.local [spmem:s14], $0x1400  }
0xf7: {  	s12 =	simm.s32 $0x13  }
0xf8: {  	_ =	swait.ge [sflag:s12], $0x1400  }
0xf9: {  	s31 =	sadd.s32 $0x1, s31;
	s3 =	rddreg [dreg:$0x9]  }
0xfa: {  	p0 =	sne.s32 s31, s3  }
.Ltmp1:
0xfb: {  	_ = 	snop;
	(pc) =	sbr.rel @p0 .LBB2_1-.Ltmp1, $3  }
0xfc: {  	_ =	sdelay $0x1  }
0xfd: {  	[sflag:s12] =	ssyncset.done $0x0  }
0xfe: {  	[sflag:s12] =	ssyncadd.s32 $0xFFFFEC00  }
0xff: {  	_ =	sfence.sel $0x180000  }
0x100: {  	[bflag:$0x0] =	sbarrier.arrive $0xFFFF  }
0x101: {  	_ =	strace $0x9000004D  }
0x102: {  	s0 =	stileid.u32;
	[bflag:$0x2] =	sbarrier.arrive $0xFFFF  }
0x103: {  	p0 =	sne.s32 s0, $0x0;
	s0 =	rddreg [dreg:$0x2]  }
0x104: {  	s0 =	sadd.s32 @!p0 $0x100000, s0  }
0x105: {  	[sflag:s0] =	ssyncadd.tile.s32 @!p0 $0x1;
	_ =	shalt  }
.Lfunc_end2:
_tile_overlayer_lowered:
.L_overlay_start_2:
0x106: {  	(tag) =	ssettag $0x2  }
0x107: {  	s0 =	rddreg [dreg:$0x0];
	s2 =	stileid.u32  }
0x108: {  	s1 =	rddreg [dreg:$0x1];
	p0 =	sne.s32 s2, $0x0  }
0x109: {  	s3 =	rddreg [dreg:$0x2];
	[bflag:$0x3] =	sbarrier.arrive $0xFFFF;
	s2 =	simm.s32 @!p0 $0x1C13  }
0x10a: {  	[timem:s3], [sflag:s2] =	dma.local @!p0 [hbm:s0], s1  }
0x10b: {  	s0 =	simm.s32 @!p0 $0x13  }
0x10c: {  	_ =	swait.ge @!p0 [sflag:s0], s1  }
0x10d: {  	s1 =	ssub.s32 @!p0 $0x0, s1;
	[sflag:s0] =	ssyncset.done @!p0 $0x0  }
0x10e: {  	[sflag:s0] =	ssyncadd.s32 @!p0 s1  }
0x10f: {  	[bflag:$0x3] =	sbarrier.arrive $0xFFFF  }
0x110: {  	_ =	shalt  }

// kernel: kernel.20.cloned.1.call-start
scs
__scs_entry_jumppad:
0x0: {  	(pc) =	sbr.rel $0x88, $3  }
0x1: {  	(tag) =	ssettag $0x0;
	lr =	simm.s32 $0x1  }
0x2: {  	[smem:$0x3F91] =	sst lr;
	_ =	strace $0xD0000000  }
0x3: {  	_ = 	snop  }
0x4: {  	_ = 	snop  }
0x5: {  	_ = 	snop  }
0x6: {  	_ = 	snop  }
0x7: {  	_ = 	snop  }
__scs_overlays_trampoline_lowered:
0x8: {  	[smem:$0x3FA0] =	sst s0  }
0x9: {  	[smem:$0x3FA1] =	sst s1  }
0xa: {  	[smem:$0x3FA2] =	sst s2  }
0xb: {  	[smem:$0x3FA3] =	sst s3  }
0xc: {  	[smem:$0x3FA4] =	sst s4  }
0xd: {  	[smem:$0x3FA5] =	sst s5  }
0xe: {  	[smem:$0x3FA6] =	sst s6  }
0xf: {  	[smem:$0x3FA7] =	sst s7  }
0x10: {  	[smem:$0x3FA8] =	sst s8  }
0x11: {  	[smem:$0x3FA9] =	sst s9;
	s0 =	simm.s32 @!p0 $0x0  }
0x12: {  	s1 =	sld [smem:$0x3F8F];
	s0 =	simm.s32 @p0 $0x1  }
0x13: {  	[smem:$0x3FAA] =	sst s0;
	s0 =	simm.s32 @!p1 $0x0  }
0x14: {  	s2 =	sld [smem:$0x3F8E];
	s0 =	simm.s32 @p1 $0x1  }
0x15: {  	[smem:$0x3FAB] =	sst s0;
	s0 =	simm.s32 @!p2 $0x0  }
0x16: {  	s3 =	sld [smem:$0x3FDB];
	s0 =	simm.s32 @p2 $0x1  }
0x17: {  	s4 =	simm.s32 $0x1BF5;
	[smem:$0x3FAD] =	sst s0  }
0x18: {  	s0 =	sld [smem:$0x3F90];
	_ =	swait.ge [sflag:s4], $0x0  }
0x19: {  	s7 =	sld [smem:$0x3F91]  }
0x1a: {  	s8 =	sadd.s32 $0xFFFFE003, lr  }
0x1b: {  	s9 =	sadd.s32 $0xFFFFFEF7, lr;
	s5 =	simm.s32 $0xFFFFFFFF;
	p2 =	slt.u32 s8, $0xFFFFF086  }
0x1c: {  	p1 =	slt.u32 s9, $0xF7A;
	s5 =	simm.s32 @!p2 $0x0  }
0x1d: {  	s5 =	simm.s32 @p1 $0x1;
	p0 =	seq.s32 s7, s2  }
0x1e: {  	s7 =	smul.u32 @!p0 $0xF7A, s2;
	p2 =	seq.s32 @!p0 s5, $0x0  }
0x1f: {  	s9 =	smul.u32 $0xF7A, s1;
	s8 =	simm.s32 @!p0 $0x1BF5;
	p2 =	por !p2, p0  }
0x20: {  	[sflag:s8] =	ssyncset.s32 @!p0 $0xFFFFF086;
	s6 =	sadd.s32 @!p0 s3, s7;
	s7 =	simm.s32 @!p0 $0x108  }
0x21: {  	s3 =	sadd.s32 s3, s9;
	s6 =	sadd.s32 @!p0 $0x88, s6;
	s7 =	simm.s32 @p2 $0x1082  }
0x22: {  	[simem:s7], [sflag:s8] =	dma.local @!p0 [hbm:s6], $0xF7A  }
0x23: {  	s9 =	sor.u32 $0xD0000000, s2;
	s6 =	simm.s32 $0x108;
	_ =	swait.ge @!p0 [sflag:s8], $0x0  }
0x24: {  	s3 =	sadd.s32 $0x88, s3;
	s6 =	simm.s32 @!p1 $0x1082;
	[sflag:s4] =	ssyncset.s32 $0xFFFFF086  }
0x25: {  	[simem:s6], [sflag:s4] =	dma.local [hbm:s3], $0xF7A  }
0x26: {  	[smem:$0x3F91] =	sst s1;
	(tag) =	ssettag s2;
	_ =	strace s9  }
0x27: {  	s1 =	sld [smem:$0x3FA1]  }
0x28: {  	s2 =	sld [smem:$0x3FA2]  }
0x29: {  	s4 =	sld [smem:$0x3FA4]  }
0x2a: {  	p0 =	seq.s32 s5, $0x0;
	s5 =	sld [smem:$0x3FA5]  }
0x2b: {  	s6 =	sld [smem:$0x3FA6]  }
0x2c: {  	s7 =	sld [smem:$0x3FA7]  }
0x2d: {  	s3 =	simm.s32 $0x108;
	s8 =	sld [smem:$0x3FA8]  }
0x2e: {  	s3 =	simm.s32 @!p0 $0x1082;
	s9 =	sld [smem:$0x3FA9]  }
0x2f: {  	lr =	sadd.s32 s0, s3;
	s0 =	sld [smem:$0x3FA0]  }
0x30: {  	s3 =	sld [smem:$0x3FA3]  }
0x31: {  	[smem:$0x3FAC] =	sst s10  }
0x32: {  	s10 =	sld [smem:$0x3FAA];
	_ =	sdelay $0x3  }
0x33: {  	p0 =	seq.s32 s10, $0x1;
	s10 =	sld [smem:$0x3FAC];
	_ =	sdelay $0x3  }
0x34: {  	[smem:$0x3FAC] =	sst s10  }
0x35: {  	s10 =	sld [smem:$0x3FAB];
	_ =	sdelay $0x3  }
0x36: {  	p1 =	seq.s32 s10, $0x1;
	s10 =	sld [smem:$0x3FAC];
	_ =	sdelay $0x3  }
0x37: {  	[smem:$0x3FAC] =	sst s10  }
0x38: {  	s10 =	sld [smem:$0x3FAD]  }
0x39: {  	_ = 	snop;
	(pc) =	sbr.ind lr, $3  }
0x3a: {  	_ = 	snop  }
0x3b: {  	_ = 	snop  }
0x3c: {  	p2 =	seq.s32 s10, $0x1;
	s10 =	sld [smem:$0x3FAC]  }
0x3d: {  	_ =	shalt  }
0x3e: {  	_ =	shalt  }
0x3f: {  	_ =	shalt  }
0x40: {  	_ =	shalt  }
0x41: {  	_ =	shalt  }
0x42: {  	_ =	shalt  }
0x43: {  	_ =	shalt  }
0x44: {  	_ =	shalt  }
0x45: {  	_ =	shalt  }
0x46: {  	_ =	shalt  }
0x47: {  	_ =	shalt  }
0x48: {  	_ =	shalt  }
0x49: {  	_ =	shalt  }
0x4a: {  	_ =	shalt  }
0x4b: {  	_ =	shalt  }
0x4c: {  	_ =	shalt  }
0x4d: {  	_ =	shalt  }
0x4e: {  	_ =	shalt  }
0x4f: {  	_ =	shalt  }
0x50: {  	_ =	shalt  }
0x51: {  	_ =	shalt  }
0x52: {  	_ =	shalt  }
0x53: {  	_ =	shalt  }
0x54: {  	_ =	shalt  }
0x55: {  	_ =	shalt  }
0x56: {  	_ =	shalt  }
0x57: {  	_ =	shalt  }
0x58: {  	_ =	shalt  }
0x59: {  	_ =	shalt  }
0x5a: {  	_ =	shalt  }
0x5b: {  	_ =	shalt  }
0x5c: {  	_ =	shalt  }
0x5d: {  	_ =	shalt  }
0x5e: {  	_ =	shalt  }
0x5f: {  	_ =	shalt  }
0x60: {  	_ =	shalt  }
0x61: {  	_ =	shalt  }
0x62: {  	_ =	shalt  }
0x63: {  	_ =	shalt  }
0x64: {  	_ =	shalt  }
0x65: {  	_ =	shalt  }
0x66: {  	_ =	shalt  }
0x67: {  	_ =	shalt  }
0x68: {  	_ =	shalt  }
0x69: {  	_ =	shalt  }
0x6a: {  	_ =	shalt  }
0x6b: {  	_ =	shalt  }
0x6c: {  	_ =	shalt  }
0x6d: {  	_ =	shalt  }
0x6e: {  	_ =	shalt  }
0x6f: {  	_ =	shalt  }
0x70: {  	_ =	shalt  }
0x71: {  	_ =	shalt  }
0x72: {  	_ =	shalt  }
0x73: {  	_ =	shalt  }
0x74: {  	_ =	shalt  }
0x75: {  	_ =	shalt  }
0x76: {  	_ =	shalt  }
0x77: {  	_ =	shalt  }
0x78: {  	_ =	shalt  }
0x79: {  	_ =	shalt  }
0x7a: {  	_ =	shalt  }
0x7b: {  	_ =	shalt  }
0x7c: {  	_ =	shalt  }
0x7d: {  	_ =	shalt  }
0x7e: {  	_ =	shalt  }
0x7f: {  	_ =	shalt  }
0x80: {  	_ =	shalt  }
0x81: {  	_ =	shalt  }
0x82: {  	_ =	shalt  }
0x83: {  	_ =	shalt  }
0x84: {  	_ =	shalt  }
0x85: {  	_ =	shalt  }
0x86: {  	_ =	shalt  }
0x87: {  	_ =	shalt  }
.Lfunc_end0:
.L_simem_size_0:
called_computation.3_lowered:
.L_overlay_start_0:
0x88: {  	s2 =	sld [smem:$0x3FD9]  }
0x89: {  	s3 =	sld [smem:$0x3FFE];
	_ =	sdelay $0x1  }
0x8a: {  	s1 =	srdreg.scid  }
0x8b: {  	s0 =	sand.u32 $0x1, s1  }
0x8c: {  	s16 =	sshll.u32 s0, $0xA;
	s2 =	sadd.s32 s3, s2  }
0x8d: {  	s2 =	sadd.s32 s2, s16  }
0x8e: {  	[smem:$0x3FB8] =	sst s2  }
0x8f: {  	_ = 	snop  }
0x90: {  	(tm) =	ssettm $0x1  }
0x91: {  	s17 =	sld [smem:$0x3FFB];
	_ =	sdelay $0x3  }
0x92: {  	_ =	strace s17  }
0x93: {  	s2 =	sld [smem:$0x3FFC];
	_ =	sdelay $0x3  }
0x94: {  	_ =	strace s2  }
0x95: {  	s2 =	sld [smem:$0x3FFD];
	_ =	sdelay $0x3  }
0x96: {  	_ =	strace s2  }
0x97: {  	_ =	strace $0x8FFFFFFF  }
0x98: {  	s18 =	sld [smem:$0x3FDB];
	_ =	sdelay $0x1  }
0x99: {  	s19 =	simm.s32 $_scs_section_size  }
0x9a: {  	s4 =	simm.s32 $_size__tile_overlayer_lowered;
	s5 =	simm.s32 $_tile_overlayer_lowered  }
0x9b: {  	s22 =	simm.s32 $0x1BFF;
	s21 =	sshll.u32 s5, $0x1;
	s2 =	sadd.s32 s19, s18  }
0x9c: {  	s6 =	simm.s32 $0x0;
	s20 =	sshll.u32 s4, $0x1;
	s4 =	sadd.s32 s21, s2  }
0x9d: {  	[timem:s6], [sflag:s22] =	dma.local [hbm:s4], s20  }
0x9e: {  	_ =	swait.ge [sflag:s22], s20  }
0x9f: {  	s3 =	ssub.s32 $0x0, s20;
	[sflag:s22] =	ssyncset.done $0x0  }
0xa0: {  	[sflag:s22] =	ssyncadd.s32 s3;
	_ =	sdelay $0x1  }
0xa1: {  	s23 =	simm.s32 $0x1B8B  }
0xa2: {  	_ =	swait.ge [sflag:s23], $0x1  }
0xa3: {  	[sflag:s23] =	ssyncset.done $0x0  }
0xa4: {  	s25 =	simm.s32 $0x1B8E;
	s24 =	sld [smem:$0x3FFE];
	[sflag:s23] =	ssyncadd.s32 $0xFFFFFFFF  }
0xa5: {  	s26 =	simm.s32 $execute0_lowered;
	[smem:$0x3FD2] =	sst s25  }
0xa6: {  	s4 =	sshll.u32 s26, $0x1;
	_ =	strace $0x8000004F;
	[dreg:$0x1] =	wrdreg $0xFFFFFFFF  }
0xa7: {  	s28 =	simm.s32 $_size_execute0_lowered;
	s2 =	sadd.s32 s2, s4;
	[dreg:$0x0] =	wrdreg $0x0  }
0xa8: {  	s4 =	sshll.u32 s28, $0x1;
	[dreg:$0x2] =	wrdreg s2  }
0xa9: {  	[dreg:$0x3] =	wrdreg s4  }
0xaa: {  	[dreg:$0x4] =	wrdreg $0xC0  }
0xab: {  	_ =	task [dreg:s6], $0x5FFFF  }
0xac: {  	[dreg:$0x1] =	wrdreg $0xFFFFFFFF  }
0xad: {  	[dreg:$0x0] =	wrdreg $0x60  }
0xae: {  	[dreg:$0x2] =	wrdreg s24  }
0xaf: {  	[dreg:$0x3] =	wrdreg $0x150000  }
0xb0: {  	[dreg:$0x4] =	wrdreg $0x9  }
0xb1: {  	_ =	task.clear_ibuf [dreg:s6], $0x5FFFF;
	_ =	strace $0x9000004F  }
0xb2: {  	s29 =	simm.s32 $0x9;
	_ =	strace $0x80000051  }
0xb3: {  	_ =	swait.ge [sflag:s29], $0x1  }
0xb4: {  	[sflag:s29] =	ssyncadd.s32 $0xFFFFFFFF  }
0xb5: {  	_ =	strace $0x90000051  }
0xb6: {  	_ =	sfence  }
0xb7: {  	s30 =	sld [smem:$0x0];
	_ =	sdelay $0x2  }
0xb8: {  	s31 =	sshll.u32 s1, $0xD;
	s1 =	sshrl.u32 s1, $0x2  }
0xb9: {  	s3 =	sand.u32 $0x4000, s31;
	s1 =	sadd.s32 s1, s30  }
0xba: {  	s0 =	sor.u32 s3, s0;
	s1 =	sshll.u32 s1, $0x11  }
0xbb: {  	s0 =	sor.u32 s1, s0  }
0xbc: {  	s0 =	sadd.s32 $0x8F2B, s0  }
0xbd: {  	[sflag:s0] =	ssyncadd.remote.s32 $0x1  }
0xbe: {  	_ =	sfence.sel $0xFFFF  }
0xbf: {  	[dreg:$0x0] =	wrdreg $0xFFFFFFFF;
	(pc) =	sbr.abs _section_cstart, $3  }
0xc0: {  	[dreg:$0x1] =	wrdreg $0xFFFFFFFF  }
0xc1: {  	_ =	task.clear_ibuf [dreg:s6], $0x2FFFF;
	_ =	strace $0x9FFFFFFF  }
0xc2: {  	(tm) =	ssettm $0x7FFFFFFF  }
0xc3: {  	_ =	shalt  }
tec
execute0_lowered:
.L_overlay_start_1:
0x0: {  	(tag) =	ssettag $0x1  }
0x1: {  	s0 =	srdreg.scid  }
0x2: {  	s8 =	stileid.u32;
	s3 =	rddreg [dreg:$0x0]  }
0x3: {  	s2 =	rddreg [dreg:$0x1];
	s4 =	simm.s32 $0x0;
	s15 =	simm.s32 $0x80  }
0x4: {  	s16 =	simm.s32 $0x5000;
	s17 =	simm.s32 $0x7000;
	s19 =	simm.s32 $0x9000  }
0x5: {  	s21 =	simm.s32 $0xB000;
	s28 =	simm.s32 $0x11000;
	s30 =	simm.s32 $0x13000  }
0x6: {  	s13 =	simm.s32 $0x3;
	s18 =	simm.s32 $0x4;
	s20 =	simm.s32 $0x5  }
0x7: {  	s22 =	simm.s32 $0x6;
	s29 =	simm.s32 $0x9;
	s9 =	simm.s32 $0xD  }
0x8: {  	s10 =	simm.s32 $0xE;
	s11 =	simm.s32 $0xF;
	s31 =	simm.s32 $0x0  }
0x9: {  	s0 =	sand.u32 $0x1, s0;
	s5 =	smul.u32 $0xA000, s8;
	[smem:$0x7FF] =	sst s4  }
0xa: {  	s4 =	sadd.s32 $0x17200, s3;
	s24 =	sshll.u32 s8, $0x6;
	s1 =	sshll.u32 s0, $0x4  }
0xb: {  	s6 =	smul.u32 $0xA0000, s0;
	_ =	strace $0x80000050;
	s0 =	ssub.s32 $0x2, s0  }
0xc: {  	[dreg:$0x3] =	wrdreg s24;
	s1 =	sor.u32 s8, s1;
	s7 =	sshrl.u32 s5, $0x3  }
0xd: {  	s23 =	sshrl.u32 s0, $0x1;
	s8 =	simm.s32 $0xC;
	s1 =	smul.u32 $0x500, s1  }
0xe: {  	s6 =	sadd.s32 s5, s6;
	s7 =	sadd.s32 s7, s3;
	s0 =	ssub.s32 s0, s23  }
0xf: {  	s5 =	sadd.s32 s5, s2;
	s23 =	simm.s32 $0xD000;
	s7 =	sadd.s32 $0x2AC00, s7  }
0x10: {  	s6 =	sshrl.u32 s6, $0x3;
	s0 =	smax.u32 s0, $0x1;
	[dreg:$0x4] =	wrdreg s7  }
0x11: {  	s14 =	sshrl.u32 s5, $0x3;
	s1 =	sadd.s32 s1, s3;
	[dreg:$0x9] =	wrdreg s0  }
0x12: {  	s3 =	sadd.s32 s6, s3;
	s6 =	sor.u32 $0x1C11, s24;
	[dreg:$0xa] =	wrdreg s14  }
0x13: {  	s5 =	simm.s32 $0x10;
	[dreg:$0x5] =	wrdreg s6;
	s25 =	sadd.s32 $0xD200, s1  }
0x14: {  	s0 =	simm.s32 $0x2;
	s1 =	sadd.s32 $0x3200, s1;
	[dreg:$0x6] =	wrdreg s25  }
0x15: {  	s24 =	simm.s32 $0x7;
	s26 =	sadd.s32 $0x3EC00, s3;
	[dreg:$0x7] =	wrdreg s1  }
0x16: {  	s7 =	simm.s32 $0xB;
	s6 =	simm.s32 $0xA;
	[dreg:$0x8] =	wrdreg s26  }
0x17: {  	s25 =	simm.s32 $0xF000;
	s1 =	simm.s32 $0x1;
	s26 =	simm.s32 $0x8  }
.LBB2_1:
0x18: {  	s3 =	rddreg [dreg:$0x4]  }
0x19: {  	s12 =	rddreg [dreg:$0x5]  }
0x1a: {  	[spmem:s14], [sflag:s12] =	dma.local [hbm:s3], $0x1400  }
0x1b: {  	s3 =	simm.s32 $0x0;
	s12 =	rddreg [dreg:$0x6]  }
0x1c: {  	[tilespmem:s3], [sflag:$0x12] =	stream.linear.gather [hbm4b:s12+s3], $0x2800, $0x38;
	[tilespmem:$0x1F000] =	vst v63  }
0x1d: {  	s14 =	simm.s32 $0x2800;
	s12 =	rddreg [dreg:$0x7]  }
0x1e: {  	[tilespmem:s14], [sflag:$0x12] =	stream.linear.gather [hbm4b:s12+s3], $0x2800, $0x38;
	[tilespmem:$0x1F000] =	vst v63  }
0x1f: {  	s14 =	simm.s32 $0x12  }
0x20: {  	_ =	swait.ge [sflag:s14], $0x2800  }
0x21: {  	[sflag:s14] =	ssyncset.done $0x0  }
0x22: {  	[sflag:s14] =	ssyncadd.s32 $0xFFFFD800  }
0x23: {  	_ =	swait.ge [sflag:s14], $0x2800  }
0x24: {  	[sflag:s14] =	ssyncset.done $0x0  }
0x25: {  	[sflag:s14] =	ssyncadd.s32 $0xFFFFD800  }
0x26: {  	[tilespmem:s16], [sflag:$0x1] =	stream.indirect.gather [hbm4b:s4+s15], $0x40, s3, s15, $0xb8;
	[tilespmem:$0x1F000] =	vst v63  }
0x27: {  	_ = 	snop  }
0x28: {  	[tilespmem:s17], [sflag:$0x2] =	stream.indirect.gather [hbm4b:s4+s15], $0x40, s15, s15, $0xb8;
	[tilespmem:$0x1F000] =	vst v63  }
0x29: {  	s12 =	simm.s32 $0x100  }
0x2a: {  	[tilespmem:s19], [sflag:$0x3] =	stream.indirect.gather [hbm4b:s4+s15], $0x40, s12, s15, $0xb8;
	[tilespmem:$0x1F000] =	vst v63  }
0x2b: {  	s14 =	simm.s32 $0x180  }
0x2c: {  	[tilespmem:s21], [sflag:$0x4] =	stream.indirect.gather [hbm4b:s4+s15], $0x40, s14, s15, $0xb8;
	[tilespmem:$0x1F000] =	vst v63  }
0x2d: {  	s12 =	simm.s32 $0x200  }
0x2e: {  	[tilespmem:s23], [sflag:$0x5] =	stream.indirect.gather [hbm4b:s4+s15], $0x40, s12, s15, $0xb8;
	[tilespmem:$0x1F000] =	vst v63  }
0x2f: {  	s14 =	simm.s32 $0x280  }
0x30: {  	[tilespmem:s25], [sflag:$0x6] =	stream.indirect.gather [hbm4b:s4+s15], $0x40, s14, s15, $0xb8;
	[tilespmem:$0x1F000] =	vst v63  }
0x31: {  	s12 =	simm.s32 $0x300  }
0x32: {  	[tilespmem:s28], [sflag:$0x7] =	stream.indirect.gather [hbm4b:s4+s15], $0x40, s12, s15, $0xb8;
	[tilespmem:$0x1F000] =	vst v63  }
0x33: {  	s14 =	simm.s32 $0x380;
	s12 =	simm.s32 $0x11  }
0x34: {  	[tilespmem:s30], [sflag:$0x8] =	stream.indirect.gather [hbm4b:s4+s15], $0x40, s14, s15, $0xb8;
	[tilespmem:$0x1F000] =	vst v63  }
0x35: {  	_ =	swait.ge [sflag:s12], $0x1400  }
0x36: {  	[sflag:s12] =	ssyncset.done $0x0  }
0x37: {  	[sflag:s12] =	ssyncadd.s32 $0xFFFFEC00  }
0x38: {  	[bflag:$0x0] =	sbarrier.arrive $0xFFFF  }
0x39: {  	_ =	swait.ge [sflag:s1], $0x2000  }
0x3a: {  	[sflag:s1] =	ssyncset.done $0x0  }
0x3b: {  	s14 =	simm.s32 $0x2800;
	[sflag:s1] =	ssyncadd.s32 $0xFFFFE000  }
0x3c: {  	[spmem:s2] =	stream.indirect.scatter.add.f32 [tilespmem:s16], [sflag:$0x9], $0x40, s14, s15, $0xb8;
	[tilespmem:$0x1F000] =	vst v63  }
0x3d: {  	_ =	swait.ge [sflag:s0], $0x2000  }
0x3e: {  	[sflag:s0] =	ssyncset.done $0x0  }
0x3f: {  	s12 =	simm.s32 $0x2880;
	[sflag:s0] =	ssyncadd.s32 $0xFFFFE000  }
0x40: {  	[spmem:s2] =	stream.indirect.scatter.add.f32 [tilespmem:s17], [sflag:$0xA], $0x40, s12, s15, $0xb8;
	[tilespmem:$0x1F000] =	vst v63  }
0x41: {  	_ =	swait.ge [sflag:s13], $0x2000  }
0x42: {  	[sflag:s13] =	ssyncset.done $0x0  }
0x43: {  	s14 =	simm.s32 $0x2900;
	[sflag:s13] =	ssyncadd.s32 $0xFFFFE000  }
0x44: {  	[spmem:s2] =	stream.indirect.scatter.add.f32 [tilespmem:s19], [sflag:$0xB], $0x40, s14, s15, $0xb8;
	[tilespmem:$0x1F000] =	vst v63  }
0x45: {  	_ =	swait.ge [sflag:s18], $0x2000  }
0x46: {  	[sflag:s18] =	ssyncset.done $0x0  }
0x47: {  	s12 =	simm.s32 $0x2980;
	[sflag:s18] =	ssyncadd.s32 $0xFFFFE000  }
0x48: {  	[spmem:s2] =	stream.indirect.scatter.add.f32 [tilespmem:s21], [sflag:$0xC], $0x40, s12, s15, $0xb8;
	[tilespmem:$0x1F000] =	vst v63  }
0x49: {  	_ =	swait.ge [sflag:s20], $0x2000  }
0x4a: {  	[sflag:s20] =	ssyncset.done $0x0  }
0x4b: {  	s14 =	simm.s32 $0x2A00;
	[sflag:s20] =	ssyncadd.s32 $0xFFFFE000  }
0x4c: {  	[spmem:s2] =	stream.indirect.scatter.add.f32 [tilespmem:s23], [sflag:$0xD], $0x40, s14, s15, $0xb8;
	[tilespmem:$0x1F000] =	vst v63  }
0x4d: {  	_ =	swait.ge [sflag:s22], $0x2000  }
0x4e: {  	[sflag:s22] =	ssyncset.done $0x0  }
0x4f: {  	s12 =	simm.s32 $0x2A80;
	[sflag:s22] =	ssyncadd.s32 $0xFFFFE000  }
0x50: {  	[spmem:s2] =	stream.indirect.scatter.add.f32 [tilespmem:s25], [sflag:$0xE], $0x40, s12, s15, $0xb8;
	[tilespmem:$0x1F000] =	vst v63  }
0x51: {  	_ =	swait.ge [sflag:s24], $0x2000  }
0x52: {  	[sflag:s24] =	ssyncset.done $0x0  }
0x53: {  	s14 =	simm.s32 $0x2B00;
	[sflag:s24] =	ssyncadd.s32 $0xFFFFE000  }
0x54: {  	[spmem:s2] =	stream.indirect.scatter.add.f32 [tilespmem:s28], [sflag:$0xF], $0x40, s14, s15, $0xb8;
	[tilespmem:$0x1F000] =	vst v63  }
0x55: {  	_ =	swait.ge [sflag:s26], $0x2000  }
0x56: {  	[sflag:s26] =	ssyncset.done $0x0  }
0x57: {  	s12 =	simm.s32 $0x2B80;
	[sflag:s26] =	ssyncadd.s32 $0xFFFFE000  }
0x58: {  	[spmem:s2] =	stream.indirect.scatter.add.f32 [tilespmem:s30], [sflag:$0x10], $0x40, s12, s15, $0xb8;
	[tilespmem:$0x1F000] =	vst v63  }
0x59: {  	_ =	swait.ge [sflag:s29], $0x2000  }
0x5a: {  	[sflag:s29] =	ssyncset.done $0x0  }
0x5b: {  	s14 =	simm.s32 $0x400;
	[sflag:s29] =	ssyncadd.s32 $0xFFFFE000  }
0x5c: {  	[tilespmem:s16], [sflag:$0x1] =	stream.indirect.gather [hbm4b:s4+s15], $0x40, s14, s15, $0xb8;
	[tilespmem:$0x1F000] =	vst v63  }
0x5d: {  	_ =	swait.ge [sflag:s6], $0x2000  }
0x5e: {  	[sflag:s6] =	ssyncset.done $0x0  }
0x5f: {  	s12 =	simm.s32 $0x480;
	[sflag:s6] =	ssyncadd.s32 $0xFFFFE000  }
0x60: {  	[tilespmem:s17], [sflag:$0x2] =	stream.indirect.gather [hbm4b:s4+s15], $0x40, s12, s15, $0xb8;
	[tilespmem:$0x1F000] =	vst v63  }
0x61: {  	_ =	swait.ge [sflag:s7], $0x2000  }
0x62: {  	[sflag:s7] =	ssyncset.done $0x0  }
0x63: {  	s14 =	simm.s32 $0x500;
	[sflag:s7] =	ssyncadd.s32 $0xFFFFE000  }
0x64: {  	[tilespmem:s19], [sflag:$0x3] =	stream.indirect.gather [hbm4b:s4+s15], $0x40, s14, s15, $0xb8;
	[tilespmem:$0x1F000] =	vst v63  }
0x65: {  	_ =	swait.ge [sflag:s8], $0x2000  }
0x66: {  	[sflag:s8] =	ssyncset.done $0x0  }
0x67: {  	s12 =	simm.s32 $0x580;
	[sflag:s8] =	ssyncadd.s32 $0xFFFFE000  }
0x68: {  	[tilespmem:s21], [sflag:$0x4] =	stream.indirect.gather [hbm4b:s4+s15], $0x40, s12, s15, $0xb8;
	[tilespmem:$0x1F000] =	vst v63  }
0x69: {  	_ =	swait.ge [sflag:s9], $0x2000  }
0x6a: {  	[sflag:s9] =	ssyncset.done $0x0  }
0x6b: {  	s14 =	simm.s32 $0x600;
	[sflag:s9] =	ssyncadd.s32 $0xFFFFE000  }
0x6c: {  	[tilespmem:s23], [sflag:$0x5] =	stream.indirect.gather [hbm4b:s4+s15], $0x40, s14, s15, $0xb8;
	[tilespmem:$0x1F000] =	vst v63  }
0x6d: {  	_ =	swait.ge [sflag:s10], $0x2000  }
0x6e: {  	[sflag:s10] =	ssyncset.done $0x0  }
0x6f: {  	s12 =	simm.s32 $0x680;
	[sflag:s10] =	ssyncadd.s32 $0xFFFFE000  }
0x70: {  	[tilespmem:s25], [sflag:$0x6] =	stream.indirect.gather [hbm4b:s4+s15], $0x40, s12, s15, $0xb8;
	[tilespmem:$0x1F000] =	vst v63  }
0x71: {  	_ =	swait.ge [sflag:s11], $0x2000  }
0x72: {  	[sflag:s11] =	ssyncset.done $0x0  }
0x73: {  	s14 =	simm.s32 $0x700;
	[sflag:s11] =	ssyncadd.s32 $0xFFFFE000  }
0x74: {  	[tilespmem:s28], [sflag:$0x7] =	stream.indirect.gather [hbm4b:s4+s15], $0x40, s14, s15, $0xb8;
	[tilespmem:$0x1F000] =	vst v63  }
0x75: {  	_ =	swait.ge [sflag:s5], $0x2000  }
0x76: {  	[sflag:s5] =	ssyncset.done $0x0  }
0x77: {  	s3 =	simm.s32 $0x1000;
	s12 =	simm.s32 $0x780;
	[sflag:s5] =	ssyncadd.s32 $0xFFFFE000  }
.LBB2_2:
0x78: {  	[tilespmem:s30], [sflag:$0x8] =	stream.indirect.gather [hbm4b:s4+s15], $0x40, s12, s15, $0xb8;
	[tilespmem:$0x1F000] =	vst v63  }
0x79: {  	s12 =	smov.u32 s3  }
0x7a: {  	p0 =	sne.s32 s3, $0x8000;
	s3 =	sadd.s32 $0x1000, s3;
	_ =	swait.ge [sflag:s1], $0x2000  }
0x7b: {  	s12 =	sshra.s32 s12, $0x2;
	[sflag:s1] =	ssyncset.done $0x0  }
0x7c: {  	s14 =	sadd.s32 $0x2800, s12;
	[sflag:s1] =	ssyncadd.s32 $0xFFFFE000  }
0x7d: {  	[spmem:s2] =	stream.indirect.scatter.add.f32 [tilespmem:s16], [sflag:$0x9], $0x40, s14, s15, $0xb8;
	[tilespmem:$0x1F000] =	vst v63  }
0x7e: {  	_ =	swait.ge [sflag:s0], $0x2000  }
0x7f: {  	[sflag:s0] =	ssyncset.done $0x0  }
0x80: {  	s14 =	sadd.s32 $0x2880, s12;
	[sflag:s0] =	ssyncadd.s32 $0xFFFFE000  }
0x81: {  	[spmem:s2] =	stream.indirect.scatter.add.f32 [tilespmem:s17], [sflag:$0xA], $0x40, s14, s15, $0xb8;
	[tilespmem:$0x1F000] =	vst v63  }
0x82: {  	_ =	swait.ge [sflag:s13], $0x2000  }
0x83: {  	[sflag:s13] =	ssyncset.done $0x0  }
0x84: {  	s14 =	sadd.s32 $0x2900, s12;
	[sflag:s13] =	ssyncadd.s32 $0xFFFFE000  }
0x85: {  	[spmem:s2] =	stream.indirect.scatter.add.f32 [tilespmem:s19], [sflag:$0xB], $0x40, s14, s15, $0xb8;
	[tilespmem:$0x1F000] =	vst v63  }
0x86: {  	_ =	swait.ge [sflag:s18], $0x2000  }
0x87: {  	[sflag:s18] =	ssyncset.done $0x0  }
0x88: {  	s14 =	sadd.s32 $0x2980, s12;
	[sflag:s18] =	ssyncadd.s32 $0xFFFFE000  }
0x89: {  	[spmem:s2] =	stream.indirect.scatter.add.f32 [tilespmem:s21], [sflag:$0xC], $0x40, s14, s15, $0xb8;
	[tilespmem:$0x1F000] =	vst v63  }
0x8a: {  	_ =	swait.ge [sflag:s20], $0x2000  }
0x8b: {  	[sflag:s20] =	ssyncset.done $0x0  }
0x8c: {  	s14 =	sadd.s32 $0x2A00, s12;
	[sflag:s20] =	ssyncadd.s32 $0xFFFFE000  }
0x8d: {  	[spmem:s2] =	stream.indirect.scatter.add.f32 [tilespmem:s23], [sflag:$0xD], $0x40, s14, s15, $0xb8;
	[tilespmem:$0x1F000] =	vst v63  }
0x8e: {  	_ =	swait.ge [sflag:s22], $0x2000  }
0x8f: {  	[sflag:s22] =	ssyncset.done $0x0  }
0x90: {  	s14 =	sadd.s32 $0x2A80, s12;
	[sflag:s22] =	ssyncadd.s32 $0xFFFFE000  }
0x91: {  	[spmem:s2] =	stream.indirect.scatter.add.f32 [tilespmem:s25], [sflag:$0xE], $0x40, s14, s15, $0xb8;
	[tilespmem:$0x1F000] =	vst v63  }
0x92: {  	_ =	swait.ge [sflag:s24], $0x2000  }
0x93: {  	[sflag:s24] =	ssyncset.done $0x0  }
0x94: {  	s14 =	sadd.s32 $0x2B00, s12;
	[sflag:s24] =	ssyncadd.s32 $0xFFFFE000  }
0x95: {  	[spmem:s2] =	stream.indirect.scatter.add.f32 [tilespmem:s28], [sflag:$0xF], $0x40, s14, s15, $0xb8;
	[tilespmem:$0x1F000] =	vst v63  }
0x96: {  	_ =	swait.ge [sflag:s26], $0x2000  }
0x97: {  	[sflag:s26] =	ssyncset.done $0x0  }
0x98: {  	s14 =	sadd.s32 $0x2B80, s12;
	[sflag:s26] =	ssyncadd.s32 $0xFFFFE000  }
0x99: {  	[spmem:s2] =	stream.indirect.scatter.add.f32 [tilespmem:s30], [sflag:$0x10], $0x40, s14, s15, $0xb8;
	[tilespmem:$0x1F000] =	vst v63  }
0x9a: {  	_ =	swait.ge [sflag:s29], $0x2000  }
0x9b: {  	[sflag:s29] =	ssyncset.done $0x0  }
0x9c: {  	s14 =	sadd.s32 $0x400, s12;
	[sflag:s29] =	ssyncadd.s32 $0xFFFFE000  }
0x9d: {  	[tilespmem:s16], [sflag:$0x1] =	stream.indirect.gather [hbm4b:s4+s15], $0x40, s14, s15, $0xb8;
	[tilespmem:$0x1F000] =	vst v63  }
0x9e: {  	_ =	swait.ge [sflag:s6], $0x2000  }
0x9f: {  	[sflag:s6] =	ssyncset.done $0x0  }
0xa0: {  	s14 =	sadd.s32 $0x480, s12;
	[sflag:s6] =	ssyncadd.s32 $0xFFFFE000  }
0xa1: {  	[tilespmem:s17], [sflag:$0x2] =	stream.indirect.gather [hbm4b:s4+s15], $0x40, s14, s15, $0xb8;
	[tilespmem:$0x1F000] =	vst v63  }
0xa2: {  	_ =	swait.ge [sflag:s7], $0x2000  }
0xa3: {  	[sflag:s7] =	ssyncset.done $0x0  }
0xa4: {  	s14 =	sadd.s32 $0x500, s12;
	[sflag:s7] =	ssyncadd.s32 $0xFFFFE000  }
0xa5: {  	[tilespmem:s19], [sflag:$0x3] =	stream.indirect.gather [hbm4b:s4+s15], $0x40, s14, s15, $0xb8;
	[tilespmem:$0x1F000] =	vst v63  }
0xa6: {  	_ =	swait.ge [sflag:s8], $0x2000  }
0xa7: {  	[sflag:s8] =	ssyncset.done $0x0  }
0xa8: {  	s14 =	sadd.s32 $0x580, s12;
	[sflag:s8] =	ssyncadd.s32 $0xFFFFE000  }
0xa9: {  	[tilespmem:s21], [sflag:$0x4] =	stream.indirect.gather [hbm4b:s4+s15], $0x40, s14, s15, $0xb8;
	[tilespmem:$0x1F000] =	vst v63  }
0xaa: {  	_ =	swait.ge [sflag:s9], $0x2000  }
0xab: {  	[sflag:s9] =	ssyncset.done $0x0  }
0xac: {  	s14 =	sadd.s32 $0x600, s12;
	[sflag:s9] =	ssyncadd.s32 $0xFFFFE000  }
0xad: {  	[tilespmem:s23], [sflag:$0x5] =	stream.indirect.gather [hbm4b:s4+s15], $0x40, s14, s15, $0xb8;
	[tilespmem:$0x1F000] =	vst v63  }
0xae: {  	_ =	swait.ge [sflag:s10], $0x2000  }
0xaf: {  	[sflag:s10] =	ssyncset.done $0x0  }
0xb0: {  	s14 =	sadd.s32 $0x680, s12;
	[sflag:s10] =	ssyncadd.s32 $0xFFFFE000  }
0xb1: {  	[tilespmem:s25], [sflag:$0x6] =	stream.indirect.gather [hbm4b:s4+s15], $0x40, s14, s15, $0xb8;
	[tilespmem:$0x1F000] =	vst v63  }
0xb2: {  	_ =	swait.ge [sflag:s11], $0x2000  }
0xb3: {  	[sflag:s11] =	ssyncset.done $0x0  }
.Ltmp0:
0xb4: {  	s14 =	sadd.s32 $0x700, s12;
	[sflag:s11] =	ssyncadd.s32 $0xFFFFE000;
	(pc) =	sbr.rel @p0 .LBB2_2-.Ltmp0, $4  }
0xb5: {  	[tilespmem:s28], [sflag:$0x7] =	stream.indirect.gather [hbm4b:s4+s15], $0x40, s14, s15, $0xb8;
	[tilespmem:$0x1F000] =	vst v63  }
0xb6: {  	_ =	swait.ge [sflag:s5], $0x2000  }
0xb7: {  	[sflag:s5] =	ssyncset.done $0x0  }
0xb8: {  	s12 =	sadd.s32 $0x780, s12;
	[sflag:s5] =	ssyncadd.s32 $0xFFFFE000  }
0xb9: {  	[tilespmem:s30], [sflag:$0x8] =	stream.indirect.gather [hbm4b:s4+s15], $0x40, s12, s15, $0xb8;
	[tilespmem:$0x1F000] =	vst v63  }
0xba: {  	_ =	swait.ge [sflag:s1], $0x2000  }
0xbb: {  	[sflag:s1] =	ssyncset.done $0x0  }
0xbc: {  	s3 =	simm.s32 $0x4C00;
	[sflag:s1] =	ssyncadd.s32 $0xFFFFE000  }
0xbd: {  	[spmem:s2] =	stream.indirect.scatter.add.f32 [tilespmem:s16], [sflag:$0x9], $0x40, s3, s15, $0xb8;
	[tilespmem:$0x1F000] =	vst v63  }
0xbe: {  	_ =	swait.ge [sflag:s0], $0x2000  }
0xbf: {  	[sflag:s0] =	ssyncset.done $0x0  }
0xc0: {  	s12 =	simm.s32 $0x4C80;
	[sflag:s0] =	ssyncadd.s32 $0xFFFFE000  }
0xc1: {  	[spmem:s2] =	stream.indirect.scatter.add.f32 [tilespmem:s17], [sflag:$0xA], $0x40, s12, s15, $0xb8;
	[tilespmem:$0x1F000] =	vst v63  }
0xc2: {  	_ =	swait.ge [sflag:s13], $0x2000  }
0xc3: {  	[sflag:s13] =	ssyncset.done $0x0  }
0xc4: {  	s14 =	simm.s32 $0x4D00;
	[sflag:s13] =	ssyncadd.s32 $0xFFFFE000  }
0xc5: {  	[spmem:s2] =	stream.indirect.scatter.add.f32 [tilespmem:s19], [sflag:$0xB], $0x40, s14, s15, $0xb8;
	[tilespmem:$0x1F000] =	vst v63  }
0xc6: {  	_ =	swait.ge [sflag:s18], $0x2000  }
0xc7: {  	[sflag:s18] =	ssyncset.done $0x0  }
0xc8: {  	s12 =	simm.s32 $0x4D80;
	[sflag:s18] =	ssyncadd.s32 $0xFFFFE000  }
0xc9: {  	[spmem:s2] =	stream.indirect.scatter.add.f32 [tilespmem:s21], [sflag:$0xC], $0x40, s12, s15, $0xb8;
	[tilespmem:$0x1F000] =	vst v63  }
0xca: {  	_ =	swait.ge [sflag:s20], $0x2000  }
0xcb: {  	[sflag:s20] =	ssyncset.done $0x0  }
0xcc: {  	s14 =	simm.s32 $0x4E00;
	[sflag:s20] =	ssyncadd.s32 $0xFFFFE000  }
0xcd: {  	[spmem:s2] =	stream.indirect.scatter.add.f32 [tilespmem:s23], [sflag:$0xD], $0x40, s14, s15, $0xb8;
	[tilespmem:$0x1F000] =	vst v63  }
0xce: {  	_ =	swait.ge [sflag:s22], $0x2000  }
0xcf: {  	[sflag:s22] =	ssyncset.done $0x0  }
0xd0: {  	s12 =	simm.s32 $0x4E80;
	[sflag:s22] =	ssyncadd.s32 $0xFFFFE000  }
0xd1: {  	[spmem:s2] =	stream.indirect.scatter.add.f32 [tilespmem:s25], [sflag:$0xE], $0x40, s12, s15, $0xb8;
	[tilespmem:$0x1F000] =	vst v63  }
0xd2: {  	_ =	swait.ge [sflag:s24], $0x2000  }
0xd3: {  	[sflag:s24] =	ssyncset.done $0x0  }
0xd4: {  	s14 =	simm.s32 $0x4F00;
	[sflag:s24] =	ssyncadd.s32 $0xFFFFE000  }
0xd5: {  	[spmem:s2] =	stream.indirect.scatter.add.f32 [tilespmem:s28], [sflag:$0xF], $0x40, s14, s15, $0xb8;
	[tilespmem:$0x1F000] =	vst v63  }
0xd6: {  	_ =	swait.ge [sflag:s26], $0x2000  }
0xd7: {  	[sflag:s26] =	ssyncset.done $0x0  }
0xd8: {  	s12 =	simm.s32 $0x4F80;
	[sflag:s26] =	ssyncadd.s32 $0xFFFFE000  }
0xd9: {  	[spmem:s2] =	stream.indirect.scatter.add.f32 [tilespmem:s30], [sflag:$0x10], $0x40, s12, s15, $0xb8;
	[tilespmem:$0x1F000] =	vst v63  }
0xda: {  	_ =	swait.ge [sflag:s29], $0x2000  }
0xdb: {  	[sflag:s29] =	ssyncset.done $0x0  }
0xdc: {  	[sflag:s29] =	ssyncadd.s32 $0xFFFFE000  }
0xdd: {  	_ =	swait.ge [sflag:s6], $0x2000  }
0xde: {  	[sflag:s6] =	ssyncset.done $0x0  }
0xdf: {  	[sflag:s6] =	ssyncadd.s32 $0xFFFFE000  }
0xe0: {  	_ =	swait.ge [sflag:s7], $0x2000  }
0xe1: {  	[sflag:s7] =	ssyncset.done $0x0  }
0xe2: {  	[sflag:s7] =	ssyncadd.s32 $0xFFFFE000  }
0xe3: {  	_ =	swait.ge [sflag:s8], $0x2000  }
0xe4: {  	[sflag:s8] =	ssyncset.done $0x0  }
0xe5: {  	[sflag:s8] =	ssyncadd.s32 $0xFFFFE000  }
0xe6: {  	_ =	swait.ge [sflag:s9], $0x2000  }
0xe7: {  	[sflag:s9] =	ssyncset.done $0x0  }
0xe8: {  	[sflag:s9] =	ssyncadd.s32 $0xFFFFE000  }
0xe9: {  	_ =	swait.ge [sflag:s10], $0x2000  }
0xea: {  	[sflag:s10] =	ssyncset.done $0x0  }
0xeb: {  	[sflag:s10] =	ssyncadd.s32 $0xFFFFE000  }
0xec: {  	_ =	swait.ge [sflag:s11], $0x2000  }
0xed: {  	[sflag:s11] =	ssyncset.done $0x0  }
0xee: {  	[sflag:s11] =	ssyncadd.s32 $0xFFFFE000  }
0xef: {  	_ =	swait.ge [sflag:s5], $0x2000  }
0xf0: {  	[sflag:s5] =	ssyncset.done $0x0  }
0xf1: {  	[sflag:s5] =	ssyncadd.s32 $0xFFFFE000  }
0xf2: {  	[bflag:$0x0] =	sbarrier.arrive $0xFFFF  }
0xf3: {  	s14 =	rddreg [dreg:$0x3]  }
0xf4: {  	s12 =	rddreg [dreg:$0x8]  }
0xf5: {  	s3 =	sor.u32 $0x1C13, s14;
	s14 =	rddreg [dreg:$0xa]  }
0xf6: {  	[hbm:s12], [sflag:s3] =	dma.local [spmem:s14], $0x1400  }
0xf7: {  	s12 =	simm.s32 $0x13  }
0xf8: {  	_ =	swait.ge [sflag:s12], $0x1400  }
0xf9: {  	s31 =	sadd.s32 $0x1, s31;
	s3 =	rddreg [dreg:$0x9]  }
0xfa: {  	p0 =	sne.s32 s31, s3  }
.Ltmp1:
0xfb: {  	_ = 	snop;
	(pc) =	sbr.rel @p0 .LBB2_1-.Ltmp1, $3  }
0xfc: {  	_ =	sdelay $0x1  }
0xfd: {  	[sflag:s12] =	ssyncset.done $0x0  }
0xfe: {  	[sflag:s12] =	ssyncadd.s32 $0xFFFFEC00  }
0xff: {  	_ =	sfence.sel $0x180000  }
0x100: {  	[bflag:$0x0] =	sbarrier.arrive $0xFFFF  }
0x101: {  	_ =	strace $0x90000050  }
0x102: {  	s0 =	stileid.u32;
	[bflag:$0x2] =	sbarrier.arrive $0xFFFF  }
0x103: {  	p0 =	sne.s32 s0, $0x0;
	s0 =	rddreg [dreg:$0x2]  }
0x104: {  	s0 =	sadd.s32 @!p0 $0x100000, s0  }
0x105: {  	[sflag:s0] =	ssyncadd.tile.s32 @!p0 $0x1;
	_ =	shalt  }
.Lfunc_end2:
_tile_overlayer_lowered:
.L_overlay_start_2:
0x106: {  	(tag) =	ssettag $0x2  }
0x107: {  	s0 =	rddreg [dreg:$0x0];
	s2 =	stileid.u32  }
0x108: {  	s1 =	rddreg [dreg:$0x1];
	p0 =	sne.s32 s2, $0x0  }
0x109: {  	s3 =	rddreg [dreg:$0x2];
	[bflag:$0x3] =	sbarrier.arrive $0xFFFF;
	s2 =	simm.s32 @!p0 $0x1C13  }
0x10a: {  	[timem:s3], [sflag:s2] =	dma.local @!p0 [hbm:s0], s1  }
0x10b: {  	s0 =	simm.s32 @!p0 $0x13  }
0x10c: {  	_ =	swait.ge @!p0 [sflag:s0], s1  }
0x10d: {  	s1 =	ssub.s32 @!p0 $0x0, s1;
	[sflag:s0] =	ssyncset.done @!p0 $0x0  }
0x10e: {  	[sflag:s0] =	ssyncadd.s32 @!p0 s1  }
0x10f: {  	[bflag:$0x3] =	sbarrier.arrive $0xFFFF  }
0x110: {  	_ =	shalt  }

</sc_bundles>
